<compile_context>
chip_gen: v7x
topology: tpu7x:2x2x1
jax: 0.10.2.dev20260603
libtpu: 0.0.44.dev20260713+nightly
codegen_flags: <defaults>
</compile_context>

<pallas_src>
import functools

import jax
import jax.numpy as jnp
from jax import lax
from jax.experimental import pallas as pl
from jax.experimental.pallas import tpu as pltpu
from jax.experimental.pallas import tpu_sc as plsc

_GAMMA = 12.0
_EPS = 1e-12

_B = 1024
_NEG = 200
_D = 64
_NC = 2
_NS = 16
_NW = _NC * _NS
_NB = _B // _NW
_NEG_PAD = 208
_NCHUNK = _NEG_PAD // 16


def _sc_body(hidx_hbm, ridx_hbm, neg_hbm, ent_hbm, rel_hbm,
             score_hbm, head_hbm, tail_hbm,
             hidx_v, ridx_v, nidx_v, head_v, relv_v, hr_v, tail_v, score_v,
             sem_h, sem_r, sem_t):
    cid = lax.axis_index("c")
    sid = lax.axis_index("s")
    w = sid * _NC + cid
    b0 = w * _NB

    pltpu.sync_copy(hidx_hbm.at[pl.ds(b0, _NB)], hidx_v)
    pltpu.sync_copy(ridx_hbm.at[pl.ds(b0, _NB)], ridx_v)
    pltpu.sync_copy(neg_hbm.at[pl.ds(b0, _NB)], nidx_v)

    cph = pltpu.async_copy(ent_hbm.at[hidx_v], head_v, sem_h)
    cpr = pltpu.async_copy(rel_hbm.at[ridx_v], relv_v, sem_r)
    cph.wait()
    cpr.wait()

    pltpu.sync_copy(head_v, head_hbm.at[pl.ds(b0, _NB)])

    for i in range(_NB):
        for j4 in range(_D // 16):
            sl = pl.ds(j4 * 16, 16)
            hr_v[i, sl] = head_v[i, sl] + relv_v[i, sl]

    iota = lax.iota(jnp.int32, 16)

    def row_body(i, _):
        cpt = pltpu.async_copy(ent_hbm.at[nidx_v.at[i]],
                               tail_v.at[pl.ds(0, _NEG)], sem_t)
        cpt.wait()

        hr_vecs = [hr_v[i, pl.ds(j4 * 16, 16)] for j4 in range(_D // 16)]

        def chunk_body(ci, _):
            rows = ci * 16 + iota
            acc = jnp.zeros((16,), jnp.float32)
            for j in range(_D):
                tv = plsc.load_gather(
                    tail_v, [rows, jnp.full((16,), j, jnp.int32)])
                d = hr_vecs[j // 16][j % 16] - tv
                acc = acc + d * d
            x = acc + _EPS
            y = plsc.bitcast(
                jnp.int32(0x5F3759DF) - (plsc.bitcast(x, jnp.int32) >> 1),
                jnp.float32)
            for _unused in range(3):
                y = y * (1.5 - 0.5 * x * y * y)
            score_v[pl.ds(ci * 16, 16)] = _GAMMA - x * y
            return 0

        lax.fori_loop(0, _NCHUNK, chunk_body, 0)

        pltpu.sync_copy(score_v.at[pl.ds(0, _NEG)], score_hbm.at[b0 + i])
        pltpu.sync_copy(tail_v.at[pl.ds(0, _NEG)], tail_hbm.at[b0 + i])
        return 0

    lax.fori_loop(0, _NB, row_body, 0)


@jax.jit
def kernel(positive_sample, negative_sample, entity_embedding,
           relation_embedding):
    head_idx = positive_sample[:, 0]
    rel_idx = positive_sample[:, 1]

    mesh = plsc.VectorSubcoreMesh(core_axis_name="c", subcore_axis_name="s")
    score, head, tail = pl.kernel(
        _sc_body,
        out_type=(
            jax.ShapeDtypeStruct((_B, _NEG), jnp.float32),
            jax.ShapeDtypeStruct((_B, _D), jnp.float32),
            jax.ShapeDtypeStruct((_B, _NEG, _D), jnp.float32),
        ),
        mesh=mesh,
        compiler_params=pltpu.CompilerParams(needs_layout_passes=False,
                                             use_tc_tiling_on_sc=False),
        scratch_types=[
            pltpu.VMEM((_NB,), jnp.int32),
            pltpu.VMEM((_NB,), jnp.int32),
            pltpu.VMEM((_NB, _NEG), jnp.int32),
            pltpu.VMEM((_NB, _D), jnp.float32),
            pltpu.VMEM((_NB, _D), jnp.float32),
            pltpu.VMEM((_NB, _D), jnp.float32),
            pltpu.VMEM((_NEG_PAD, _D), jnp.float32),
            pltpu.VMEM((_NEG_PAD,), jnp.float32),
            pltpu.SemaphoreType.DMA,
            pltpu.SemaphoreType.DMA,
            pltpu.SemaphoreType.DMA,
        ],
    )(head_idx, rel_idx, negative_sample, entity_embedding,
      relation_embedding)
    return (score, head[:, None, :], tail)

# --- scband reference (transcript-rebuilt; emitter-appended) ---
"""Pipeline reference for scband-kgemodel-68453188764282 (READ-ONLY COPY).

The authoritative reference and input builder live on the scoring server;
editing this copy changes nothing except your own understanding.
"""

import jax, jax.numpy as jnp
import numpy as np

GAMMA = 12.0
NUM_ENTITIES = 1000000
NUM_RELATIONS = 1000
HIDDEN_DIM = 64
BATCH = 1024
NEG = 200


def setup_inputs(seed: int = 0) -> dict:
    key = jax.random.key(seed)
    k1, k2, k3, k4 = jax.random.split(key, 4)
    entity_embedding = jax.random.normal(k1, (NUM_ENTITIES, HIDDEN_DIM), dtype=jnp.float32) * 0.02
    relation_embedding = jax.random.normal(k2, (NUM_RELATIONS, HIDDEN_DIM), dtype=jnp.float32) * 0.02
    # positive_sample columns: [head_entity, relation, tail_entity]; capped at
    # NUM_RELATIONS so every column is in-range for both tables.
    positive_sample = jax.random.randint(k3, (BATCH, 3), 0, NUM_RELATIONS, dtype=jnp.int32)
    negative_sample = jax.random.randint(k4, (BATCH, NEG), 0, NUM_ENTITIES, dtype=jnp.int32)
    return {
        "positive_sample": positive_sample,
        "negative_sample": negative_sample,
        "entity_embedding": entity_embedding,
        "relation_embedding": relation_embedding,
    }


def reference(positive_sample, negative_sample, entity_embedding, relation_embedding):
    # TAIL_BATCH path of KGEModel.forward with a TransE-style func():
    #   score = gamma - || head + relation - tail ||_2
    batch_size, negative_sample_size = negative_sample.shape
    head = jnp.take(entity_embedding, positive_sample[:, 0], axis=0)[:, None, :]
    relation = jnp.take(relation_embedding, positive_sample[:, 1], axis=0)[:, None, :]
    tail = jnp.take(entity_embedding, negative_sample.reshape(-1), axis=0).reshape(
        batch_size, negative_sample_size, -1
    )
    diff = head + relation - tail
    score = GAMMA - jnp.sqrt(jnp.sum(diff * diff, axis=2) + 1e-12)
    return (score, head, tail)

if __name__ == "__main__":
    import jax
    _d = setup_inputs()
    print(jax.jit(kernel)(*tuple(_d.values())))

</pallas_src>

<mosaic_0001>
#map = affine_map<(d0, d1) -> (0)>
#map1 = affine_map<(d0, d1) -> (0, 0)>
#map2 = affine_map<(d0, d1) -> (0, 0, 0)>
module attributes {stable_mosaic.version = 14 : i64} {
  func.func @_sc_body(%arg0: i32, %arg1: i32, %arg2: memref<1024xi32, #tpu.memory_space<hbm>>, %arg3: memref<1024xi32, #tpu.memory_space<hbm>>, %arg4: memref<1024x200xi32, #tpu.memory_space<hbm>>, %arg5: memref<1000000x64xf32, #tpu.memory_space<hbm>>, %arg6: memref<1000x64xf32, #tpu.memory_space<hbm>>, %arg7: memref<1024x200xf32, #tpu.memory_space<hbm>>, %arg8: memref<1024x64xf32, #tpu.memory_space<hbm>>, %arg9: memref<1024x200x64xf32, #tpu.memory_space<hbm>>, %arg10: memref<32xi32, #tpu.memory_space<vmem>>, %arg11: memref<32xi32, #tpu.memory_space<vmem>>, %arg12: memref<32x200xi32, #tpu.memory_space<vmem>>, %arg13: memref<32x64xf32, #tpu.memory_space<vmem>>, %arg14: memref<32x64xf32, #tpu.memory_space<vmem>>, %arg15: memref<32x64xf32, #tpu.memory_space<vmem>>, %arg16: memref<208x64xf32, #tpu.memory_space<vmem>>, %arg17: memref<208xf32, #tpu.memory_space<vmem>>, %arg18: memref<!tpu.dma_semaphore, #tpu.memory_space<semaphore_mem>>, %arg19: memref<!tpu.dma_semaphore, #tpu.memory_space<semaphore_mem>>, %arg20: memref<!tpu.dma_semaphore, #tpu.memory_space<semaphore_mem>>) attributes {dimension_semantics = [#tpu.dimension_semantics<core_parallel>, #tpu.dimension_semantics<subcore_parallel>], iteration_bounds = array<i64: 2, 16>, scalar_prefetch = 0 : i64, scratch_operands = 11 : i64, tpu.core_type = #tpu.core_type<sc_vector_subcore>, window_params = [{transform_indices = #map}, {transform_indices = #map}, {transform_indices = #map1}, {transform_indices = #map1}, {transform_indices = #map1}, {transform_indices = #map1}, {transform_indices = #map1}, {transform_indices = #map2}]} {
    %mul3A = arith.constant 2 : i32
    %mul3A_0 = arith.muli %arg1, %mul3A : i32
    %add3A = arith.addi %mul3A_0, %arg0 : i32
    %mul3A_1 = arith.constant 32 : i32
    %mul3A_2 = arith.muli %add3A, %mul3A_1 : i32
    "tpu.region"() ({
      %run_scoped3A = tpu.sem_alloc : memref<!tpu.dma_semaphore, #tpu.memory_space<semaphore_mem>>
      %dma_start3A_1681 = tpu.memref_slice %arg2[%mul3A_2] : memref<1024xi32, #tpu.memory_space<hbm>> -> memref<32xi32, #tpu.memory_space<hbm>>
      %dma_start3A_1682 = tpu.memref_slice %arg2[%mul3A_2] : memref<1024xi32, #tpu.memory_space<hbm>> -> memref<32xi32, #tpu.memory_space<hbm>>
      tpu.enqueue_dma source(%dma_start3A_1682 : memref<32xi32, #tpu.memory_space<hbm>>) target(%arg10 : memref<32xi32, #tpu.memory_space<vmem>>) target_semaphore(%run_scoped3A : memref<!tpu.dma_semaphore, #tpu.memory_space<semaphore_mem>>)
      %dma_wait3A_1683 = tpu.memref_slice %arg2[%mul3A_2] : memref<1024xi32, #tpu.memory_space<hbm>> -> memref<32xi32, #tpu.memory_space<hbm>>
      %dma_wait3A_1684 = tpu.memref_slice %arg2[%mul3A_2] : memref<1024xi32, #tpu.memory_space<hbm>> -> memref<32xi32, #tpu.memory_space<hbm>>
      tpu.wait_dma2 semaphore(%run_scoped3A : memref<!tpu.dma_semaphore, #tpu.memory_space<semaphore_mem>>) src(%dma_wait3A_1684 : memref<32xi32, #tpu.memory_space<hbm>>) dst(%arg10 : memref<32xi32, #tpu.memory_space<vmem>>)
      tpu.yield
    }) : () -> ()
    "tpu.region"() ({
      %run_scoped3A = tpu.sem_alloc : memref<!tpu.dma_semaphore, #tpu.memory_space<semaphore_mem>>
      %dma_start3A_1681 = tpu.memref_slice %arg3[%mul3A_2] : memref<1024xi32, #tpu.memory_space<hbm>> -> memref<32xi32, #tpu.memory_space<hbm>>
      %dma_start3A_1682 = tpu.memref_slice %arg3[%mul3A_2] : memref<1024xi32, #tpu.memory_space<hbm>> -> memref<32xi32, #tpu.memory_space<hbm>>
      tpu.enqueue_dma source(%dma_start3A_1682 : memref<32xi32, #tpu.memory_space<hbm>>) target(%arg11 : memref<32xi32, #tpu.memory_space<vmem>>) target_semaphore(%run_scoped3A : memref<!tpu.dma_semaphore, #tpu.memory_space<semaphore_mem>>)
      %dma_wait3A_1683 = tpu.memref_slice %arg3[%mul3A_2] : memref<1024xi32, #tpu.memory_space<hbm>> -> memref<32xi32, #tpu.memory_space<hbm>>
      %dma_wait3A_1684 = tpu.memref_slice %arg3[%mul3A_2] : memref<1024xi32, #tpu.memory_space<hbm>> -> memref<32xi32, #tpu.memory_space<hbm>>
      tpu.wait_dma2 semaphore(%run_scoped3A : memref<!tpu.dma_semaphore, #tpu.memory_space<semaphore_mem>>) src(%dma_wait3A_1684 : memref<32xi32, #tpu.memory_space<hbm>>) dst(%arg11 : memref<32xi32, #tpu.memory_space<vmem>>)
      tpu.yield
    }) : () -> ()
    "tpu.region"() ({
      %run_scoped3A = tpu.sem_alloc : memref<!tpu.dma_semaphore, #tpu.memory_space<semaphore_mem>>
      %dma_start3A_1681 = arith.constant 0 : i32
      %dma_start3A_1682 = tpu.memref_slice %arg4[%mul3A_2, %dma_start3A_1681] : memref<1024x200xi32, #tpu.memory_space<hbm>> -> memref<32x200xi32, #tpu.memory_space<hbm>>
      %dma_start3A_1683 = arith.constant 0 : i32
      %dma_start3A_1684 = tpu.memref_slice %arg4[%mul3A_2, %dma_start3A_1683] : memref<1024x200xi32, #tpu.memory_space<hbm>> -> memref<32x200xi32, #tpu.memory_space<hbm>>
      tpu.enqueue_dma source(%dma_start3A_1684 : memref<32x200xi32, #tpu.memory_space<hbm>>) target(%arg12 : memref<32x200xi32, #tpu.memory_space<vmem>>) target_semaphore(%run_scoped3A : memref<!tpu.dma_semaphore, #tpu.memory_space<semaphore_mem>>)
      %dma_wait3A_1685 = arith.constant 0 : i32
      %dma_wait3A_1686 = tpu.memref_slice %arg4[%mul3A_2, %dma_wait3A_1685] : memref<1024x200xi32, #tpu.memory_space<hbm>> -> memref<32x200xi32, #tpu.memory_space<hbm>>
      %dma_wait3A_1687 = arith.constant 0 : i32
      %dma_wait3A_1688 = tpu.memref_slice %arg4[%mul3A_2, %dma_wait3A_1687] : memref<1024x200xi32, #tpu.memory_space<hbm>> -> memref<32x200xi32, #tpu.memory_space<hbm>>
      tpu.wait_dma2 semaphore(%run_scoped3A : memref<!tpu.dma_semaphore, #tpu.memory_space<semaphore_mem>>) src(%dma_wait3A_1688 : memref<32x200xi32, #tpu.memory_space<hbm>>) dst(%arg12 : memref<32x200xi32, #tpu.memory_space<vmem>>)
      tpu.yield
    }) : () -> ()
    %dma_start3A = arith.constant 0 : i32
    %dma_start3A_3 = arith.constant 0 : i32
    %dma_start3A_4 = tpu.memref_slice %arg5[%dma_start3A, %dma_start3A_3] : memref<1000000x64xf32, #tpu.memory_space<hbm>> -> memref<1000000x64xf32, #tpu.memory_space<hbm>>
    tpu.enqueue_indirect_dma source(%dma_start3A_4 : memref<1000000x64xf32, #tpu.memory_space<hbm>>) target(%arg13 : memref<32x64xf32, #tpu.memory_space<vmem>>) offsets(%arg10 : memref<32xi32, #tpu.memory_space<vmem>>) semaphore(%arg18 : memref<!tpu.dma_semaphore, #tpu.memory_space<semaphore_mem>>)
    %dma_start3A_5 = arith.constant 0 : i32
    %dma_start3A_6 = arith.constant 0 : i32
    %dma_start3A_7 = tpu.memref_slice %arg6[%dma_start3A_5, %dma_start3A_6] : memref<1000x64xf32, #tpu.memory_space<hbm>> -> memref<1000x64xf32, #tpu.memory_space<hbm>>
    tpu.enqueue_indirect_dma source(%dma_start3A_7 : memref<1000x64xf32, #tpu.memory_space<hbm>>) target(%arg14 : memref<32x64xf32, #tpu.memory_space<vmem>>) offsets(%arg11 : memref<32xi32, #tpu.memory_space<vmem>>) semaphore(%arg19 : memref<!tpu.dma_semaphore, #tpu.memory_space<semaphore_mem>>)
    %dma_wait3A = arith.constant 0 : i32
    %dma_wait3A_8 = arith.constant 0 : i32
    %dma_wait3A_9 = tpu.memref_slice %arg5[%dma_wait3A, %dma_wait3A_8] : memref<1000000x64xf32, #tpu.memory_space<hbm>> -> memref<1000000x64xf32, #tpu.memory_space<hbm>>
    tpu.wait_indirect_dma semaphore(%arg18 : memref<!tpu.dma_semaphore, #tpu.memory_space<semaphore_mem>>) src(%dma_wait3A_9 : memref<1000000x64xf32, #tpu.memory_space<hbm>>) dst(%arg13 : memref<32x64xf32, #tpu.memory_space<vmem>>)
    %dma_wait3A_10 = arith.constant 0 : i32
    %dma_wait3A_11 = arith.constant 0 : i32
    %dma_wait3A_12 = tpu.memref_slice %arg6[%dma_wait3A_10, %dma_wait3A_11] : memref<1000x64xf32, #tpu.memory_space<hbm>> -> memref<1000x64xf32, #tpu.memory_space<hbm>>
    tpu.wait_indirect_dma semaphore(%arg19 : memref<!tpu.dma_semaphore, #tpu.memory_space<semaphore_mem>>) src(%dma_wait3A_12 : memref<1000x64xf32, #tpu.memory_space<hbm>>) dst(%arg14 : memref<32x64xf32, #tpu.memory_space<vmem>>)
    "tpu.region"() ({
      %run_scoped3A = tpu.sem_alloc : memref<!tpu.dma_semaphore, #tpu.memory_space<semaphore_mem>>
      %dma_start3A_1681 = arith.constant 0 : i32
      %dma_start3A_1682 = tpu.memref_slice %arg8[%mul3A_2, %dma_start3A_1681] : memref<1024x64xf32, #tpu.memory_space<hbm>> -> memref<32x64xf32, #tpu.memory_space<hbm>>
      %dma_start3A_1683 = arith.constant 0 : i32
      %dma_start3A_1684 = tpu.memref_slice %arg8[%mul3A_2, %dma_start3A_1683] : memref<1024x64xf32, #tpu.memory_space<hbm>> -> memref<32x64xf32, #tpu.memory_space<hbm>>
      tpu.enqueue_dma source(%arg13 : memref<32x64xf32, #tpu.memory_space<vmem>>) target(%dma_start3A_1684 : memref<32x64xf32, #tpu.memory_space<hbm>>) target_semaphore(%run_scoped3A : memref<!tpu.dma_semaphore, #tpu.memory_space<semaphore_mem>>)
      %dma_wait3A_1685 = arith.constant 0 : i32
      %dma_wait3A_1686 = tpu.memref_slice %arg8[%mul3A_2, %dma_wait3A_1685] : memref<1024x64xf32, #tpu.memory_space<hbm>> -> memref<32x64xf32, #tpu.memory_space<hbm>>
      %dma_wait3A_1687 = arith.constant 0 : i32
      %dma_wait3A_1688 = tpu.memref_slice %arg8[%mul3A_2, %dma_wait3A_1687] : memref<1024x64xf32, #tpu.memory_space<hbm>> -> memref<32x64xf32, #tpu.memory_space<hbm>>
      tpu.wait_dma2 semaphore(%run_scoped3A : memref<!tpu.dma_semaphore, #tpu.memory_space<semaphore_mem>>) src(%arg13 : memref<32x64xf32, #tpu.memory_space<vmem>>) dst(%dma_wait3A_1688 : memref<32x64xf32, #tpu.memory_space<hbm>>)
      tpu.yield
    }) : () -> ()
    %get3A = arith.constant 0 : i32
    %get3A_13 = arith.index_cast %get3A : i32 to index
    %get3A_14 = arith.constant 0 : index
    %get3A_15 = tpu.vector_load %arg13[%get3A_13, %get3A_14] {strides = array<i32>} : memref<32x64xf32, #tpu.memory_space<vmem>>, vector<16xf32>,
    %get3A_16 = arith.constant 0 : i32
    %get3A_17 = arith.index_cast %get3A_16 : i32 to index
    %get3A_18 = arith.constant 0 : index
    %get3A_19 = tpu.vector_load %arg14[%get3A_17, %get3A_18] {strides = array<i32>} : memref<32x64xf32, #tpu.memory_space<vmem>>, vector<16xf32>,
    %add3A_20 = arith.addf %get3A_15, %get3A_19 : vector<16xf32>
    %swap3A = arith.constant 0 : i32
    %swap3A_21 = arith.index_cast %swap3A : i32 to index
    %swap3A_22 = arith.constant 0 : index
    %swap3A_23 = tpu.vector_load %arg15[%swap3A_21, %swap3A_22] {strides = array<i32>} : memref<32x64xf32, #tpu.memory_space<vmem>>, vector<16xf32>,
    tpu.vector_store %arg15[%swap3A_21, %swap3A_22], %add3A_20 {strides = array<i32>} : memref<32x64xf32, #tpu.memory_space<vmem>>, vector<16xf32>,
    %get3A_24 = arith.constant 0 : i32
    %get3A_25 = arith.index_cast %get3A_24 : i32 to index
    %get3A_26 = arith.constant 16 : index
    %get3A_27 = tpu.vector_load %arg13[%get3A_25, %get3A_26] {strides = array<i32>} : memref<32x64xf32, #tpu.memory_space<vmem>>, vector<16xf32>,
    %get3A_28 = arith.constant 0 : i32
    %get3A_29 = arith.index_cast %get3A_28 : i32 to index
    %get3A_30 = arith.constant 16 : index
    %get3A_31 = tpu.vector_load %arg14[%get3A_29, %get3A_30] {strides = array<i32>} : memref<32x64xf32, #tpu.memory_space<vmem>>, vector<16xf32>,
    %add3A_32 = arith.addf %get3A_27, %get3A_31 : vector<16xf32>
    %swap3A_33 = arith.constant 0 : i32
    %swap3A_34 = arith.index_cast %swap3A_33 : i32 to index
    %swap3A_35 = arith.constant 16 : index
    %swap3A_36 = tpu.vector_load %arg15[%swap3A_34, %swap3A_35] {strides = array<i32>} : memref<32x64xf32, #tpu.memory_space<vmem>>, vector<16xf32>,
    tpu.vector_store %arg15[%swap3A_34, %swap3A_35], %add3A_32 {strides = array<i32>} : memref<32x64xf32, #tpu.memory_space<vmem>>, vector<16xf32>,
    %get3A_37 = arith.constant 0 : i32
    %get3A_38 = arith.index_cast %get3A_37 : i32 to index
    %get3A_39 = arith.constant 32 : index
    %get3A_40 = tpu.vector_load %arg13[%get3A_38, %get3A_39] {strides = array<i32>} : memref<32x64xf32, #tpu.memory_space<vmem>>, vector<16xf32>,
    %get3A_41 = arith.constant 0 : i32
    %get3A_42 = arith.index_cast %get3A_41 : i32 to index
    %get3A_43 = arith.constant 32 : index
    %get3A_44 = tpu.vector_load %arg14[%get3A_42, %get3A_43] {strides = array<i32>} : memref<32x64xf32, #tpu.memory_space<vmem>>, vector<16xf32>,
    %add3A_45 = arith.addf %get3A_40, %get3A_44 : vector<16xf32>
    %swap3A_46 = arith.constant 0 : i32
    %swap3A_47 = arith.index_cast %swap3A_46 : i32 to index
    %swap3A_48 = arith.constant 32 : index
    %swap3A_49 = tpu.vector_load %arg15[%swap3A_47, %swap3A_48] {strides = array<i32>} : memref<32x64xf32, #tpu.memory_space<vmem>>, vector<16xf32>,
    tpu.vector_store %arg15[%swap3A_47, %swap3A_48], %add3A_45 {strides = array<i32>} : memref<32x64xf32, #tpu.memory_space<vmem>>, vector<16xf32>,
    %get3A_50 = arith.constant 0 : i32
    %get3A_51 = arith.index_cast %get3A_50 : i32 to index
    %get3A_52 = arith.constant 48 : index
    %get3A_53 = tpu.vector_load %arg13[%get3A_51, %get3A_52] {strides = array<i32>} : memref<32x64xf32, #tpu.memory_space<vmem>>, vector<16xf32>,
    %get3A_54 = arith.constant 0 : i32
    %get3A_55 = arith.index_cast %get3A_54 : i32 to index
    %get3A_56 = arith.constant 48 : index
    %get3A_57 = tpu.vector_load %arg14[%get3A_55, %get3A_56] {strides = array<i32>} : memref<32x64xf32, #tpu.memory_space<vmem>>, vector<16xf32>,
    %add3A_58 = arith.addf %get3A_53, %get3A_57 : vector<16xf32>
    %swap3A_59 = arith.constant 0 : i32
    %swap3A_60 = arith.index_cast %swap3A_59 : i32 to index
    %swap3A_61 = arith.constant 48 : index
    %swap3A_62 = tpu.vector_load %arg15[%swap3A_60, %swap3A_61] {strides = array<i32>} : memref<32x64xf32, #tpu.memory_space<vmem>>, vector<16xf32>,
    tpu.vector_store %arg15[%swap3A_60, %swap3A_61], %add3A_58 {strides = array<i32>} : memref<32x64xf32, #tpu.memory_space<vmem>>, vector<16xf32>,
    %get3A_63 = arith.constant 1 : i32
    %get3A_64 = arith.index_cast %get3A_63 : i32 to index
    %get3A_65 = arith.constant 0 : index
    %get3A_66 = tpu.vector_load %arg13[%get3A_64, %get3A_65] {strides = array<i32>} : memref<32x64xf32, #tpu.memory_space<vmem>>, vector<16xf32>,
    %get3A_67 = arith.constant 1 : i32
    %get3A_68 = arith.index_cast %get3A_67 : i32 to index
    %get3A_69 = arith.constant 0 : index
    %get3A_70 = tpu.vector_load %arg14[%get3A_68, %get3A_69] {strides = array<i32>} : memref<32x64xf32, #tpu.memory_space<vmem>>, vector<16xf32>,
    %add3A_71 = arith.addf %get3A_66, %get3A_70 : vector<16xf32>
    %swap3A_72 = arith.constant 1 : i32
    %swap3A_73 = arith.index_cast %swap3A_72 : i32 to index
    %swap3A_74 = arith.constant 0 : index
    %swap3A_75 = tpu.vector_load %arg15[%swap3A_73, %swap3A_74] {strides = array<i32>} : memref<32x64xf32, #tpu.memory_space<vmem>>, vector<16xf32>,
    tpu.vector_store %arg15[%swap3A_73, %swap3A_74], %add3A_71 {strides = array<i32>} : memref<32x64xf32, #tpu.memory_space<vmem>>, vector<16xf32>,
    %get3A_76 = arith.constant 1 : i32
    %get3A_77 = arith.index_cast %get3A_76 : i32 to index
    %get3A_78 = arith.constant 16 : index
    %get3A_79 = tpu.vector_load %arg13[%get3A_77, %get3A_78] {strides = array<i32>} : memref<32x64xf32, #tpu.memory_space<vmem>>, vector<16xf32>,
    %get3A_80 = arith.constant 1 : i32
    %get3A_81 = arith.index_cast %get3A_80 : i32 to index
    %get3A_82 = arith.constant 16 : index
    %get3A_83 = tpu.vector_load %arg14[%get3A_81, %get3A_82] {strides = array<i32>} : memref<32x64xf32, #tpu.memory_space<vmem>>, vector<16xf32>,
    %add3A_84 = arith.addf %get3A_79, %get3A_83 : vector<16xf32>
    %swap3A_85 = arith.constant 1 : i32
    %swap3A_86 = arith.index_cast %swap3A_85 : i32 to index
    %swap3A_87 = arith.constant 16 : index
    %swap3A_88 = tpu.vector_load %arg15[%swap3A_86, %swap3A_87] {strides = array<i32>} : memref<32x64xf32, #tpu.memory_space<vmem>>, vector<16xf32>,
    tpu.vector_store %arg15[%swap3A_86, %swap3A_87], %add3A_84 {strides = array<i32>} : memref<32x64xf32, #tpu.memory_space<vmem>>, vector<16xf32>,
    %get3A_89 = arith.constant 1 : i32
    %get3A_90 = arith.index_cast %get3A_89 : i32 to index
    %get3A_91 = arith.constant 32 : index
    %get3A_92 = tpu.vector_load %arg13[%get3A_90, %get3A_91] {strides = array<i32>} : memref<32x64xf32, #tpu.memory_space<vmem>>, vector<16xf32>,
    %get3A_93 = arith.constant 1 : i32
    %get3A_94 = arith.index_cast %get3A_93 : i32 to index
    %get3A_95 = arith.constant 32 : index
    %get3A_96 = tpu.vector_load %arg14[%get3A_94, %get3A_95] {strides = array<i32>} : memref<32x64xf32, #tpu.memory_space<vmem>>, vector<16xf32>,
    %add3A_97 = arith.addf %get3A_92, %get3A_96 : vector<16xf32>
    %swap3A_98 = arith.constant 1 : i32
    %swap3A_99 = arith.index_cast %swap3A_98 : i32 to index
    %swap3A_100 = arith.constant 32 : index
    %swap3A_101 = tpu.vector_load %arg15[%swap3A_99, %swap3A_100] {strides = array<i32>} : memref<32x64xf32, #tpu.memory_space<vmem>>, vector<16xf32>,
    tpu.vector_store %arg15[%swap3A_99, %swap3A_100], %add3A_97 {strides = array<i32>} : memref<32x64xf32, #tpu.memory_space<vmem>>, vector<16xf32>,
    %get3A_102 = arith.constant 1 : i32
    %get3A_103 = arith.index_cast %get3A_102 : i32 to index
    %get3A_104 = arith.constant 48 : index
    %get3A_105 = tpu.vector_load %arg13[%get3A_103, %get3A_104] {strides = array<i32>} : memref<32x64xf32, #tpu.memory_space<vmem>>, vector<16xf32>,
    %get3A_106 = arith.constant 1 : i32
    %get3A_107 = arith.index_cast %get3A_106 : i32 to index
    %get3A_108 = arith.constant 48 : index
    %get3A_109 = tpu.vector_load %arg14[%get3A_107, %get3A_108] {strides = array<i32>} : memref<32x64xf32, #tpu.memory_space<vmem>>, vector<16xf32>,
    %add3A_110 = arith.addf %get3A_105, %get3A_109 : vector<16xf32>
    %swap3A_111 = arith.constant 1 : i32
    %swap3A_112 = arith.index_cast %swap3A_111 : i32 to index
    %swap3A_113 = arith.constant 48 : index
    %swap3A_114 = tpu.vector_load %arg15[%swap3A_112, %swap3A_113] {strides = array<i32>} : memref<32x64xf32, #tpu.memory_space<vmem>>, vector<16xf32>,
    tpu.vector_store %arg15[%swap3A_112, %swap3A_113], %add3A_110 {strides = array<i32>} : memref<32x64xf32, #tpu.memory_space<vmem>>, vector<16xf32>,
    %get3A_115 = arith.constant 2 : i32
    %get3A_116 = arith.index_cast %get3A_115 : i32 to index
    %get3A_117 = arith.constant 0 : index
    %get3A_118 = tpu.vector_load %arg13[%get3A_116, %get3A_117] {strides = array<i32>} : memref<32x64xf32, #tpu.memory_space<vmem>>, vector<16xf32>,
    %get3A_119 = arith.constant 2 : i32
    %get3A_120 = arith.index_cast %get3A_119 : i32 to index
    %get3A_121 = arith.constant 0 : index
    %get3A_122 = tpu.vector_load %arg14[%get3A_120, %get3A_121] {strides = array<i32>} : memref<32x64xf32, #tpu.memory_space<vmem>>, vector<16xf32>,
    %add3A_123 = arith.addf %get3A_118, %get3A_122 : vector<16xf32>
    %swap3A_124 = arith.constant 2 : i32
    %swap3A_125 = arith.index_cast %swap3A_124 : i32 to index
    %swap3A_126 = arith.constant 0 : index
    %swap3A_127 = tpu.vector_load %arg15[%swap3A_125, %swap3A_126] {strides = array<i32>} : memref<32x64xf32, #tpu.memory_space<vmem>>, vector<16xf32>,
    tpu.vector_store %arg15[%swap3A_125, %swap3A_126], %add3A_123 {strides = array<i32>} : memref<32x64xf32, #tpu.memory_space<vmem>>, vector<16xf32>,
    %get3A_128 = arith.constant 2 : i32
    %get3A_129 = arith.index_cast %get3A_128 : i32 to index
    %get3A_130 = arith.constant 16 : index
    %get3A_131 = tpu.vector_load %arg13[%get3A_129, %get3A_130] {strides = array<i32>} : memref<32x64xf32, #tpu.memory_space<vmem>>, vector<16xf32>,
    %get3A_132 = arith.constant 2 : i32
    %get3A_133 = arith.index_cast %get3A_132 : i32 to index
    %get3A_134 = arith.constant 16 : index
    %get3A_135 = tpu.vector_load %arg14[%get3A_133, %get3A_134] {strides = array<i32>} : memref<32x64xf32, #tpu.memory_space<vmem>>, vector<16xf32>,
    %add3A_136 = arith.addf %get3A_131, %get3A_135 : vector<16xf32>
    %swap3A_137 = arith.constant 2 : i32
    %swap3A_138 = arith.index_cast %swap3A_137 : i32 to index
    %swap3A_139 = arith.constant 16 : index
    %swap3A_140 = tpu.vector_load %arg15[%swap3A_138, %swap3A_139] {strides = array<i32>} : memref<32x64xf32, #tpu.memory_space<vmem>>, vector<16xf32>,
    tpu.vector_store %arg15[%swap3A_138, %swap3A_139], %add3A_136 {strides = array<i32>} : memref<32x64xf32, #tpu.memory_space<vmem>>, vector<16xf32>,
    %get3A_141 = arith.constant 2 : i32
    %get3A_142 = arith.index_cast %get3A_141 : i32 to index
    %get3A_143 = arith.constant 32 : index
    %get3A_144 = tpu.vector_load %arg13[%get3A_142, %get3A_143] {strides = array<i32>} : memref<32x64xf32, #tpu.memory_space<vmem>>, vector<16xf32>,
    %get3A_145 = arith.constant 2 : i32
    %get3A_146 = arith.index_cast %get3A_145 : i32 to index
    %get3A_147 = arith.constant 32 : index
    %get3A_148 = tpu.vector_load %arg14[%get3A_146, %get3A_147] {strides = array<i32>} : memref<32x64xf32, #tpu.memory_space<vmem>>, vector<16xf32>,
    %add3A_149 = arith.addf %get3A_144, %get3A_148 : vector<16xf32>
    %swap3A_150 = arith.constant 2 : i32
    %swap3A_151 = arith.index_cast %swap3A_150 : i32 to index
    %swap3A_152 = arith.constant 32 : index
    %swap3A_153 = tpu.vector_load %arg15[%swap3A_151, %swap3A_152] {strides = array<i32>} : memref<32x64xf32, #tpu.memory_space<vmem>>, vector<16xf32>,
    tpu.vector_store %arg15[%swap3A_151, %swap3A_152], %add3A_149 {strides = array<i32>} : memref<32x64xf32, #tpu.memory_space<vmem>>, vector<16xf32>,
    %get3A_154 = arith.constant 2 : i32
    %get3A_155 = arith.index_cast %get3A_154 : i32 to index
    %get3A_156 = arith.constant 48 : index
    %get3A_157 = tpu.vector_load %arg13[%get3A_155, %get3A_156] {strides = array<i32>} : memref<32x64xf32, #tpu.memory_space<vmem>>, vector<16xf32>,
    %get3A_158 = arith.constant 2 : i32
    %get3A_159 = arith.index_cast %get3A_158 : i32 to index
    %get3A_160 = arith.constant 48 : index
    %get3A_161 = tpu.vector_load %arg14[%get3A_159, %get3A_160] {strides = array<i32>} : memref<32x64xf32, #tpu.memory_space<vmem>>, vector<16xf32>,
    %add3A_162 = arith.addf %get3A_157, %get3A_161 : vector<16xf32>
    %swap3A_163 = arith.constant 2 : i32
    %swap3A_164 = arith.index_cast %swap3A_163 : i32 to index
    %swap3A_165 = arith.constant 48 : index
    %swap3A_166 = tpu.vector_load %arg15[%swap3A_164, %swap3A_165] {strides = array<i32>} : memref<32x64xf32, #tpu.memory_space<vmem>>, vector<16xf32>,
    tpu.vector_store %arg15[%swap3A_164, %swap3A_165], %add3A_162 {strides = array<i32>} : memref<32x64xf32, #tpu.memory_space<vmem>>, vector<16xf32>,
    %get3A_167 = arith.constant 3 : i32
    %get3A_168 = arith.index_cast %get3A_167 : i32 to index
    %get3A_169 = arith.constant 0 : index
    %get3A_170 = tpu.vector_load %arg13[%get3A_168, %get3A_169] {strides = array<i32>} : memref<32x64xf32, #tpu.memory_space<vmem>>, vector<16xf32>,
    %get3A_171 = arith.constant 3 : i32
    %get3A_172 = arith.index_cast %get3A_171 : i32 to index
    %get3A_173 = arith.constant 0 : index
    %get3A_174 = tpu.vector_load %arg14[%get3A_172, %get3A_173] {strides = array<i32>} : memref<32x64xf32, #tpu.memory_space<vmem>>, vector<16xf32>,
    %add3A_175 = arith.addf %get3A_170, %get3A_174 : vector<16xf32>
    %swap3A_176 = arith.constant 3 : i32
    %swap3A_177 = arith.index_cast %swap3A_176 : i32 to index
    %swap3A_178 = arith.constant 0 : index
    %swap3A_179 = tpu.vector_load %arg15[%swap3A_177, %swap3A_178] {strides = array<i32>} : memref<32x64xf32, #tpu.memory_space<vmem>>, vector<16xf32>,
    tpu.vector_store %arg15[%swap3A_177, %swap3A_178], %add3A_175 {strides = array<i32>} : memref<32x64xf32, #tpu.memory_space<vmem>>, vector<16xf32>,
    %get3A_180 = arith.constant 3 : i32
    %get3A_181 = arith.index_cast %get3A_180 : i32 to index
    %get3A_182 = arith.constant 16 : index
    %get3A_183 = tpu.vector_load %arg13[%get3A_181, %get3A_182] {strides = array<i32>} : memref<32x64xf32, #tpu.memory_space<vmem>>, vector<16xf32>,
    %get3A_184 = arith.constant 3 : i32
    %get3A_185 = arith.index_cast %get3A_184 : i32 to index
    %get3A_186 = arith.constant 16 : index
    %get3A_187 = tpu.vector_load %arg14[%get3A_185, %get3A_186] {strides = array<i32>} : memref<32x64xf32, #tpu.memory_space<vmem>>, vector<16xf32>,
    %add3A_188 = arith.addf %get3A_183, %get3A_187 : vector<16xf32>
    %swap3A_189 = arith.constant 3 : i32
    %swap3A_190 = arith.index_cast %swap3A_189 : i32 to index
    %swap3A_191 = arith.constant 16 : index
    %swap3A_192 = tpu.vector_load %arg15[%swap3A_190, %swap3A_191] {strides = array<i32>} : memref<32x64xf32, #tpu.memory_space<vmem>>, vector<16xf32>,
    tpu.vector_store %arg15[%swap3A_190, %swap3A_191], %add3A_188 {strides = array<i32>} : memref<32x64xf32, #tpu.memory_space<vmem>>, vector<16xf32>,
    %get3A_193 = arith.constant 3 : i32
    %get3A_194 = arith.index_cast %get3A_193 : i32 to index
    %get3A_195 = arith.constant 32 : index
    %get3A_196 = tpu.vector_load %arg13[%get3A_194, %get3A_195] {strides = array<i32>} : memref<32x64xf32, #tpu.memory_space<vmem>>, vector<16xf32>,
    %get3A_197 = arith.constant 3 : i32
    %get3A_198 = arith.index_cast %get3A_197 : i32 to index
    %get3A_199 = arith.constant 32 : index
    %get3A_200 = tpu.vector_load %arg14[%get3A_198, %get3A_199] {strides = array<i32>} : memref<32x64xf32, #tpu.memory_space<vmem>>, vector<16xf32>,
    %add3A_201 = arith.addf %get3A_196, %get3A_200 : vector<16xf32>
    %swap3A_202 = arith.constant 3 : i32
    %swap3A_203 = arith.index_cast %swap3A_202 : i32 to index
    %swap3A_204 = arith.constant 32 : index
    %swap3A_205 = tpu.vector_load %arg15[%swap3A_203, %swap3A_204] {strides = array<i32>} : memref<32x64xf32, #tpu.memory_space<vmem>>, vector<16xf32>,
    tpu.vector_store %arg15[%swap3A_203, %swap3A_204], %add3A_201 {strides = array<i32>} : memref<32x64xf32, #tpu.memory_space<vmem>>, vector<16xf32>,
    %get3A_206 = arith.constant 3 : i32
    %get3A_207 = arith.index_cast %get3A_206 : i32 to index
    %get3A_208 = arith.constant 48 : index
    %get3A_209 = tpu.vector_load %arg13[%get3A_207, %get3A_208] {strides = array<i32>} : memref<32x64xf32, #tpu.memory_space<vmem>>, vector<16xf32>,
    %get3A_210 = arith.constant 3 : i32
    %get3A_211 = arith.index_cast %get3A_210 : i32 to index
    %get3A_212 = arith.constant 48 : index
    %get3A_213 = tpu.vector_load %arg14[%get3A_211, %get3A_212] {strides = array<i32>} : memref<32x64xf32, #tpu.memory_space<vmem>>, vector<16xf32>,
    %add3A_214 = arith.addf %get3A_209, %get3A_213 : vector<16xf32>
    %swap3A_215 = arith.constant 3 : i32
    %swap3A_216 = arith.index_cast %swap3A_215 : i32 to index
    %swap3A_217 = arith.constant 48 : index
    %swap3A_218 = tpu.vector_load %arg15[%swap3A_216, %swap3A_217] {strides = array<i32>} : memref<32x64xf32, #tpu.memory_space<vmem>>, vector<16xf32>,
    tpu.vector_store %arg15[%swap3A_216, %swap3A_217], %add3A_214 {strides = array<i32>} : memref<32x64xf32, #tpu.memory_space<vmem>>, vector<16xf32>,
    %get3A_219 = arith.constant 4 : i32
    %get3A_220 = arith.index_cast %get3A_219 : i32 to index
    %get3A_221 = arith.constant 0 : index
    %get3A_222 = tpu.vector_load %arg13[%get3A_220, %get3A_221] {strides = array<i32>} : memref<32x64xf32, #tpu.memory_space<vmem>>, vector<16xf32>,
    %get3A_223 = arith.constant 4 : i32
    %get3A_224 = arith.index_cast %get3A_223 : i32 to index
    %get3A_225 = arith.constant 0 : index
    %get3A_226 = tpu.vector_load %arg14[%get3A_224, %get3A_225] {strides = array<i32>} : memref<32x64xf32, #tpu.memory_space<vmem>>, vector<16xf32>,
    %add3A_227 = arith.addf %get3A_222, %get3A_226 : vector<16xf32>
    %swap3A_228 = arith.constant 4 : i32
    %swap3A_229 = arith.index_cast %swap3A_228 : i32 to index
    %swap3A_230 = arith.constant 0 : index
    %swap3A_231 = tpu.vector_load %arg15[%swap3A_229, %swap3A_230] {strides = array<i32>} : memref<32x64xf32, #tpu.memory_space<vmem>>, vector<16xf32>,
    tpu.vector_store %arg15[%swap3A_229, %swap3A_230], %add3A_227 {strides = array<i32>} : memref<32x64xf32, #tpu.memory_space<vmem>>, vector<16xf32>,
    %get3A_232 = arith.constant 4 : i32
    %get3A_233 = arith.index_cast %get3A_232 : i32 to index
    %get3A_234 = arith.constant 16 : index
    %get3A_235 = tpu.vector_load %arg13[%get3A_233, %get3A_234] {strides = array<i32>} : memref<32x64xf32, #tpu.memory_space<vmem>>, vector<16xf32>,
    %get3A_236 = arith.constant 4 : i32
    %get3A_237 = arith.index_cast %get3A_236 : i32 to index
    %get3A_238 = arith.constant 16 : index
    %get3A_239 = tpu.vector_load %arg14[%get3A_237, %get3A_238] {strides = array<i32>} : memref<32x64xf32, #tpu.memory_space<vmem>>, vector<16xf32>,
    %add3A_240 = arith.addf %get3A_235, %get3A_239 : vector<16xf32>
    %swap3A_241 = arith.constant 4 : i32
    %swap3A_242 = arith.index_cast %swap3A_241 : i32 to index
    %swap3A_243 = arith.constant 16 : index
    %swap3A_244 = tpu.vector_load %arg15[%swap3A_242, %swap3A_243] {strides = array<i32>} : memref<32x64xf32, #tpu.memory_space<vmem>>, vector<16xf32>,
    tpu.vector_store %arg15[%swap3A_242, %swap3A_243], %add3A_240 {strides = array<i32>} : memref<32x64xf32, #tpu.memory_space<vmem>>, vector<16xf32>,
    %get3A_245 = arith.constant 4 : i32
    %get3A_246 = arith.index_cast %get3A_245 : i32 to index
    %get3A_247 = arith.constant 32 : index
    %get3A_248 = tpu.vector_load %arg13[%get3A_246, %get3A_247] {strides = array<i32>} : memref<32x64xf32, #tpu.memory_space<vmem>>, vector<16xf32>,
    %get3A_249 = arith.constant 4 : i32
    %get3A_250 = arith.index_cast %get3A_249 : i32 to index
    %get3A_251 = arith.constant 32 : index
    %get3A_252 = tpu.vector_load %arg14[%get3A_250, %get3A_251] {strides = array<i32>} : memref<32x64xf32, #tpu.memory_space<vmem>>, vector<16xf32>,
    %add3A_253 = arith.addf %get3A_248, %get3A_252 : vector<16xf32>
    %swap3A_254 = arith.constant 4 : i32
    %swap3A_255 = arith.index_cast %swap3A_254 : i32 to index
    %swap3A_256 = arith.constant 32 : index
    %swap3A_257 = tpu.vector_load %arg15[%swap3A_255, %swap3A_256] {strides = array<i32>} : memref<32x64xf32, #tpu.memory_space<vmem>>, vector<16xf32>,
    tpu.vector_store %arg15[%swap3A_255, %swap3A_256], %add3A_253 {strides = array<i32>} : memref<32x64xf32, #tpu.memory_space<vmem>>, vector<16xf32>,
    %get3A_258 = arith.constant 4 : i32
    %get3A_259 = arith.index_cast %get3A_258 : i32 to index
    %get3A_260 = arith.constant 48 : index
    %get3A_261 = tpu.vector_load %arg13[%get3A_259, %get3A_260] {strides = array<i32>} : memref<32x64xf32, #tpu.memory_space<vmem>>, vector<16xf32>,
    %get3A_262 = arith.constant 4 : i32
    %get3A_263 = arith.index_cast %get3A_262 : i32 to index
    %get3A_264 = arith.constant 48 : index
    %get3A_265 = tpu.vector_load %arg14[%get3A_263, %get3A_264] {strides = array<i32>} : memref<32x64xf32, #tpu.memory_space<vmem>>, vector<16xf32>,
    %add3A_266 = arith.addf %get3A_261, %get3A_265 : vector<16xf32>
    %swap3A_267 = arith.constant 4 : i32
    %swap3A_268 = arith.index_cast %swap3A_267 : i32 to index
    %swap3A_269 = arith.constant 48 : index
    %swap3A_270 = tpu.vector_load %arg15[%swap3A_268, %swap3A_269] {strides = array<i32>} : memref<32x64xf32, #tpu.memory_space<vmem>>, vector<16xf32>,
    tpu.vector_store %arg15[%swap3A_268, %swap3A_269], %add3A_266 {strides = array<i32>} : memref<32x64xf32, #tpu.memory_space<vmem>>, vector<16xf32>,
    %get3A_271 = arith.constant 5 : i32
    %get3A_272 = arith.index_cast %get3A_271 : i32 to index
    %get3A_273 = arith.constant 0 : index
    %get3A_274 = tpu.vector_load %arg13[%get3A_272, %get3A_273] {strides = array<i32>} : memref<32x64xf32, #tpu.memory_space<vmem>>, vector<16xf32>,
    %get3A_275 = arith.constant 5 : i32
    %get3A_276 = arith.index_cast %get3A_275 : i32 to index
    %get3A_277 = arith.constant 0 : index
    %get3A_278 = tpu.vector_load %arg14[%get3A_276, %get3A_277] {strides = array<i32>} : memref<32x64xf32, #tpu.memory_space<vmem>>, vector<16xf32>,
    %add3A_279 = arith.addf %get3A_274, %get3A_278 : vector<16xf32>
    %swap3A_280 = arith.constant 5 : i32
    %swap3A_281 = arith.index_cast %swap3A_280 : i32 to index
    %swap3A_282 = arith.constant 0 : index
    %swap3A_283 = tpu.vector_load %arg15[%swap3A_281, %swap3A_282] {strides = array<i32>} : memref<32x64xf32, #tpu.memory_space<vmem>>, vector<16xf32>,
    tpu.vector_store %arg15[%swap3A_281, %swap3A_282], %add3A_279 {strides = array<i32>} : memref<32x64xf32, #tpu.memory_space<vmem>>, vector<16xf32>,
    %get3A_284 = arith.constant 5 : i32
    %get3A_285 = arith.index_cast %get3A_284 : i32 to index
    %get3A_286 = arith.constant 16 : index
    %get3A_287 = tpu.vector_load %arg13[%get3A_285, %get3A_286] {strides = array<i32>} : memref<32x64xf32, #tpu.memory_space<vmem>>, vector<16xf32>,
    %get3A_288 = arith.constant 5 : i32
    %get3A_289 = arith.index_cast %get3A_288 : i32 to index
    %get3A_290 = arith.constant 16 : index
    %get3A_291 = tpu.vector_load %arg14[%get3A_289, %get3A_290] {strides = array<i32>} : memref<32x64xf32, #tpu.memory_space<vmem>>, vector<16xf32>,
    %add3A_292 = arith.addf %get3A_287, %get3A_291 : vector<16xf32>
    %swap3A_293 = arith.constant 5 : i32
    %swap3A_294 = arith.index_cast %swap3A_293 : i32 to index
    %swap3A_295 = arith.constant 16 : index
    %swap3A_296 = tpu.vector_load %arg15[%swap3A_294, %swap3A_295] {strides = array<i32>} : memref<32x64xf32, #tpu.memory_space<vmem>>, vector<16xf32>,
    tpu.vector_store %arg15[%swap3A_294, %swap3A_295], %add3A_292 {strides = array<i32>} : memref<32x64xf32, #tpu.memory_space<vmem>>, vector<16xf32>,
    %get3A_297 = arith.constant 5 : i32
    %get3A_298 = arith.index_cast %get3A_297 : i32 to index
    %get3A_299 = arith.constant 32 : index
    %get3A_300 = tpu.vector_load %arg13[%get3A_298, %get3A_299] {strides = array<i32>} : memref<32x64xf32, #tpu.memory_space<vmem>>, vector<16xf32>,
    %get3A_301 = arith.constant 5 : i32
    %get3A_302 = arith.index_cast %get3A_301 : i32 to index
    %get3A_303 = arith.constant 32 : index
    %get3A_304 = tpu.vector_load %arg14[%get3A_302, %get3A_303] {strides = array<i32>} : memref<32x64xf32, #tpu.memory_space<vmem>>, vector<16xf32>,
    %add3A_305 = arith.addf %get3A_300, %get3A_304 : vector<16xf32>
    %swap3A_306 = arith.constant 5 : i32
    %swap3A_307 = arith.index_cast %swap3A_306 : i32 to index
    %swap3A_308 = arith.constant 32 : index
    %swap3A_309 = tpu.vector_load %arg15[%swap3A_307, %swap3A_308] {strides = array<i32>} : memref<32x64xf32, #tpu.memory_space<vmem>>, vector<16xf32>,
    tpu.vector_store %arg15[%swap3A_307, %swap3A_308], %add3A_305 {strides = array<i32>} : memref<32x64xf32, #tpu.memory_space<vmem>>, vector<16xf32>,
    %get3A_310 = arith.constant 5 : i32
    %get3A_311 = arith.index_cast %get3A_310 : i32 to index
    %get3A_312 = arith.constant 48 : index
    %get3A_313 = tpu.vector_load %arg13[%get3A_311, %get3A_312] {strides = array<i32>} : memref<32x64xf32, #tpu.memory_space<vmem>>, vector<16xf32>,
    %get3A_314 = arith.constant 5 : i32
    %get3A_315 = arith.index_cast %get3A_314 : i32 to index
    %get3A_316 = arith.constant 48 : index
    %get3A_317 = tpu.vector_load %arg14[%get3A_315, %get3A_316] {strides = array<i32>} : memref<32x64xf32, #tpu.memory_space<vmem>>, vector<16xf32>,
    %add3A_318 = arith.addf %get3A_313, %get3A_317 : vector<16xf32>
    %swap3A_319 = arith.constant 5 : i32
    %swap3A_320 = arith.index_cast %swap3A_319 : i32 to index
    %swap3A_321 = arith.constant 48 : index
    %swap3A_322 = tpu.vector_load %arg15[%swap3A_320, %swap3A_321] {strides = array<i32>} : memref<32x64xf32, #tpu.memory_space<vmem>>, vector<16xf32>,
    tpu.vector_store %arg15[%swap3A_320, %swap3A_321], %add3A_318 {strides = array<i32>} : memref<32x64xf32, #tpu.memory_space<vmem>>, vector<16xf32>,
    %get3A_323 = arith.constant 6 : i32
    %get3A_324 = arith.index_cast %get3A_323 : i32 to index
    %get3A_325 = arith.constant 0 : index
    %get3A_326 = tpu.vector_load %arg13[%get3A_324, %get3A_325] {strides = array<i32>} : memref<32x64xf32, #tpu.memory_space<vmem>>, vector<16xf32>,
    %get3A_327 = arith.constant 6 : i32
    %get3A_328 = arith.index_cast %get3A_327 : i32 to index
    %get3A_329 = arith.constant 0 : index
    %get3A_330 = tpu.vector_load %arg14[%get3A_328, %get3A_329] {strides = array<i32>} : memref<32x64xf32, #tpu.memory_space<vmem>>, vector<16xf32>,
    %add3A_331 = arith.addf %get3A_326, %get3A_330 : vector<16xf32>
    %swap3A_332 = arith.constant 6 : i32
    %swap3A_333 = arith.index_cast %swap3A_332 : i32 to index
    %swap3A_334 = arith.constant 0 : index
    %swap3A_335 = tpu.vector_load %arg15[%swap3A_333, %swap3A_334] {strides = array<i32>} : memref<32x64xf32, #tpu.memory_space<vmem>>, vector<16xf32>,
    tpu.vector_store %arg15[%swap3A_333, %swap3A_334], %add3A_331 {strides = array<i32>} : memref<32x64xf32, #tpu.memory_space<vmem>>, vector<16xf32>,
    %get3A_336 = arith.constant 6 : i32
    %get3A_337 = arith.index_cast %get3A_336 : i32 to index
    %get3A_338 = arith.constant 16 : index
    %get3A_339 = tpu.vector_load %arg13[%get3A_337, %get3A_338] {strides = array<i32>} : memref<32x64xf32, #tpu.memory_space<vmem>>, vector<16xf32>,
    %get3A_340 = arith.constant 6 : i32
    %get3A_341 = arith.index_cast %get3A_340 : i32 to index
    %get3A_342 = arith.constant 16 : index
    %get3A_343 = tpu.vector_load %arg14[%get3A_341, %get3A_342] {strides = array<i32>} : memref<32x64xf32, #tpu.memory_space<vmem>>, vector<16xf32>,
    %add3A_344 = arith.addf %get3A_339, %get3A_343 : vector<16xf32>
    %swap3A_345 = arith.constant 6 : i32
    %swap3A_346 = arith.index_cast %swap3A_345 : i32 to index
    %swap3A_347 = arith.constant 16 : index
    %swap3A_348 = tpu.vector_load %arg15[%swap3A_346, %swap3A_347] {strides = array<i32>} : memref<32x64xf32, #tpu.memory_space<vmem>>, vector<16xf32>,
    tpu.vector_store %arg15[%swap3A_346, %swap3A_347], %add3A_344 {strides = array<i32>} : memref<32x64xf32, #tpu.memory_space<vmem>>, vector<16xf32>,
    %get3A_349 = arith.constant 6 : i32
    %get3A_350 = arith.index_cast %get3A_349 : i32 to index
    %get3A_351 = arith.constant 32 : index
    %get3A_352 = tpu.vector_load %arg13[%get3A_350, %get3A_351] {strides = array<i32>} : memref<32x64xf32, #tpu.memory_space<vmem>>, vector<16xf32>,
    %get3A_353 = arith.constant 6 : i32
    %get3A_354 = arith.index_cast %get3A_353 : i32 to index
    %get3A_355 = arith.constant 32 : index
    %get3A_356 = tpu.vector_load %arg14[%get3A_354, %get3A_355] {strides = array<i32>} : memref<32x64xf32, #tpu.memory_space<vmem>>, vector<16xf32>,
    %add3A_357 = arith.addf %get3A_352, %get3A_356 : vector<16xf32>
    %swap3A_358 = arith.constant 6 : i32
    %swap3A_359 = arith.index_cast %swap3A_358 : i32 to index
    %swap3A_360 = arith.constant 32 : index
    %swap3A_361 = tpu.vector_load %arg15[%swap3A_359, %swap3A_360] {strides = array<i32>} : memref<32x64xf32, #tpu.memory_space<vmem>>, vector<16xf32>,
    tpu.vector_store %arg15[%swap3A_359, %swap3A_360], %add3A_357 {strides = array<i32>} : memref<32x64xf32, #tpu.memory_space<vmem>>, vector<16xf32>,
    %get3A_362 = arith.constant 6 : i32
    %get3A_363 = arith.index_cast %get3A_362 : i32 to index
    %get3A_364 = arith.constant 48 : index
    %get3A_365 = tpu.vector_load %arg13[%get3A_363, %get3A_364] {strides = array<i32>} : memref<32x64xf32, #tpu.memory_space<vmem>>, vector<16xf32>,
    %get3A_366 = arith.constant 6 : i32
    %get3A_367 = arith.index_cast %get3A_366 : i32 to index
    %get3A_368 = arith.constant 48 : index
    %get3A_369 = tpu.vector_load %arg14[%get3A_367, %get3A_368] {strides = array<i32>} : memref<32x64xf32, #tpu.memory_space<vmem>>, vector<16xf32>,
    %add3A_370 = arith.addf %get3A_365, %get3A_369 : vector<16xf32>
    %swap3A_371 = arith.constant 6 : i32
    %swap3A_372 = arith.index_cast %swap3A_371 : i32 to index
    %swap3A_373 = arith.constant 48 : index
    %swap3A_374 = tpu.vector_load %arg15[%swap3A_372, %swap3A_373] {strides = array<i32>} : memref<32x64xf32, #tpu.memory_space<vmem>>, vector<16xf32>,
    tpu.vector_store %arg15[%swap3A_372, %swap3A_373], %add3A_370 {strides = array<i32>} : memref<32x64xf32, #tpu.memory_space<vmem>>, vector<16xf32>,
    %get3A_375 = arith.constant 7 : i32
    %get3A_376 = arith.index_cast %get3A_375 : i32 to index
    %get3A_377 = arith.constant 0 : index
    %get3A_378 = tpu.vector_load %arg13[%get3A_376, %get3A_377] {strides = array<i32>} : memref<32x64xf32, #tpu.memory_space<vmem>>, vector<16xf32>,
    %get3A_379 = arith.constant 7 : i32
    %get3A_380 = arith.index_cast %get3A_379 : i32 to index
    %get3A_381 = arith.constant 0 : index
    %get3A_382 = tpu.vector_load %arg14[%get3A_380, %get3A_381] {strides = array<i32>} : memref<32x64xf32, #tpu.memory_space<vmem>>, vector<16xf32>,
    %add3A_383 = arith.addf %get3A_378, %get3A_382 : vector<16xf32>
    %swap3A_384 = arith.constant 7 : i32
    %swap3A_385 = arith.index_cast %swap3A_384 : i32 to index
    %swap3A_386 = arith.constant 0 : index
    %swap3A_387 = tpu.vector_load %arg15[%swap3A_385, %swap3A_386] {strides = array<i32>} : memref<32x64xf32, #tpu.memory_space<vmem>>, vector<16xf32>,
    tpu.vector_store %arg15[%swap3A_385, %swap3A_386], %add3A_383 {strides = array<i32>} : memref<32x64xf32, #tpu.memory_space<vmem>>, vector<16xf32>,
    %get3A_388 = arith.constant 7 : i32
    %get3A_389 = arith.index_cast %get3A_388 : i32 to index
    %get3A_390 = arith.constant 16 : index
    %get3A_391 = tpu.vector_load %arg13[%get3A_389, %get3A_390] {strides = array<i32>} : memref<32x64xf32, #tpu.memory_space<vmem>>, vector<16xf32>,
    %get3A_392 = arith.constant 7 : i32
    %get3A_393 = arith.index_cast %get3A_392 : i32 to index
    %get3A_394 = arith.constant 16 : index
    %get3A_395 = tpu.vector_load %arg14[%get3A_393, %get3A_394] {strides = array<i32>} : memref<32x64xf32, #tpu.memory_space<vmem>>, vector<16xf32>,
    %add3A_396 = arith.addf %get3A_391, %get3A_395 : vector<16xf32>
    %swap3A_397 = arith.constant 7 : i32
    %swap3A_398 = arith.index_cast %swap3A_397 : i32 to index
    %swap3A_399 = arith.constant 16 : index
    %swap3A_400 = tpu.vector_load %arg15[%swap3A_398, %swap3A_399] {strides = array<i32>} : memref<32x64xf32, #tpu.memory_space<vmem>>, vector<16xf32>,
    tpu.vector_store %arg15[%swap3A_398, %swap3A_399], %add3A_396 {strides = array<i32>} : memref<32x64xf32, #tpu.memory_space<vmem>>, vector<16xf32>,
    %get3A_401 = arith.constant 7 : i32
    %get3A_402 = arith.index_cast %get3A_401 : i32 to index
    %get3A_403 = arith.constant 32 : index
    %get3A_404 = tpu.vector_load %arg13[%get3A_402, %get3A_403] {strides = array<i32>} : memref<32x64xf32, #tpu.memory_space<vmem>>, vector<16xf32>,
    %get3A_405 = arith.constant 7 : i32
    %get3A_406 = arith.index_cast %get3A_405 : i32 to index
    %get3A_407 = arith.constant 32 : index
    %get3A_408 = tpu.vector_load %arg14[%get3A_406, %get3A_407] {strides = array<i32>} : memref<32x64xf32, #tpu.memory_space<vmem>>, vector<16xf32>,
    %add3A_409 = arith.addf %get3A_404, %get3A_408 : vector<16xf32>
    %swap3A_410 = arith.constant 7 : i32
    %swap3A_411 = arith.index_cast %swap3A_410 : i32 to index
    %swap3A_412 = arith.constant 32 : index
    %swap3A_413 = tpu.vector_load %arg15[%swap3A_411, %swap3A_412] {strides = array<i32>} : memref<32x64xf32, #tpu.memory_space<vmem>>, vector<16xf32>,
    tpu.vector_store %arg15[%swap3A_411, %swap3A_412], %add3A_409 {strides = array<i32>} : memref<32x64xf32, #tpu.memory_space<vmem>>, vector<16xf32>,
    %get3A_414 = arith.constant 7 : i32
    %get3A_415 = arith.index_cast %get3A_414 : i32 to index
    %get3A_416 = arith.constant 48 : index
    %get3A_417 = tpu.vector_load %arg13[%get3A_415, %get3A_416] {strides = array<i32>} : memref<32x64xf32, #tpu.memory_space<vmem>>, vector<16xf32>,
    %get3A_418 = arith.constant 7 : i32
    %get3A_419 = arith.index_cast %get3A_418 : i32 to index
    %get3A_420 = arith.constant 48 : index
    %get3A_421 = tpu.vector_load %arg14[%get3A_419, %get3A_420] {strides = array<i32>} : memref<32x64xf32, #tpu.memory_space<vmem>>, vector<16xf32>,
    %add3A_422 = arith.addf %get3A_417, %get3A_421 : vector<16xf32>
    %swap3A_423 = arith.constant 7 : i32
    %swap3A_424 = arith.index_cast %swap3A_423 : i32 to index
    %swap3A_425 = arith.constant 48 : index
    %swap3A_426 = tpu.vector_load %arg15[%swap3A_424, %swap3A_425] {strides = array<i32>} : memref<32x64xf32, #tpu.memory_space<vmem>>, vector<16xf32>,
    tpu.vector_store %arg15[%swap3A_424, %swap3A_425], %add3A_422 {strides = array<i32>} : memref<32x64xf32, #tpu.memory_space<vmem>>, vector<16xf32>,
    %get3A_427 = arith.constant 8 : i32
    %get3A_428 = arith.index_cast %get3A_427 : i32 to index
    %get3A_429 = arith.constant 0 : index
    %get3A_430 = tpu.vector_load %arg13[%get3A_428, %get3A_429] {strides = array<i32>} : memref<32x64xf32, #tpu.memory_space<vmem>>, vector<16xf32>,
    %get3A_431 = arith.constant 8 : i32
    %get3A_432 = arith.index_cast %get3A_431 : i32 to index
    %get3A_433 = arith.constant 0 : index
    %get3A_434 = tpu.vector_load %arg14[%get3A_432, %get3A_433] {strides = array<i32>} : memref<32x64xf32, #tpu.memory_space<vmem>>, vector<16xf32>,
    %add3A_435 = arith.addf %get3A_430, %get3A_434 : vector<16xf32>
    %swap3A_436 = arith.constant 8 : i32
    %swap3A_437 = arith.index_cast %swap3A_436 : i32 to index
    %swap3A_438 = arith.constant 0 : index
    %swap3A_439 = tpu.vector_load %arg15[%swap3A_437, %swap3A_438] {strides = array<i32>} : memref<32x64xf32, #tpu.memory_space<vmem>>, vector<16xf32>,
    tpu.vector_store %arg15[%swap3A_437, %swap3A_438], %add3A_435 {strides = array<i32>} : memref<32x64xf32, #tpu.memory_space<vmem>>, vector<16xf32>,
    %get3A_440 = arith.constant 8 : i32
    %get3A_441 = arith.index_cast %get3A_440 : i32 to index
    %get3A_442 = arith.constant 16 : index
    %get3A_443 = tpu.vector_load %arg13[%get3A_441, %get3A_442] {strides = array<i32>} : memref<32x64xf32, #tpu.memory_space<vmem>>, vector<16xf32>,
    %get3A_444 = arith.constant 8 : i32
    %get3A_445 = arith.index_cast %get3A_444 : i32 to index
    %get3A_446 = arith.constant 16 : index
    %get3A_447 = tpu.vector_load %arg14[%get3A_445, %get3A_446] {strides = array<i32>} : memref<32x64xf32, #tpu.memory_space<vmem>>, vector<16xf32>,
    %add3A_448 = arith.addf %get3A_443, %get3A_447 : vector<16xf32>
    %swap3A_449 = arith.constant 8 : i32
    %swap3A_450 = arith.index_cast %swap3A_449 : i32 to index
    %swap3A_451 = arith.constant 16 : index
    %swap3A_452 = tpu.vector_load %arg15[%swap3A_450, %swap3A_451] {strides = array<i32>} : memref<32x64xf32, #tpu.memory_space<vmem>>, vector<16xf32>,
    tpu.vector_store %arg15[%swap3A_450, %swap3A_451], %add3A_448 {strides = array<i32>} : memref<32x64xf32, #tpu.memory_space<vmem>>, vector<16xf32>,
    %get3A_453 = arith.constant 8 : i32
    %get3A_454 = arith.index_cast %get3A_453 : i32 to index
    %get3A_455 = arith.constant 32 : index
    %get3A_456 = tpu.vector_load %arg13[%get3A_454, %get3A_455] {strides = array<i32>} : memref<32x64xf32, #tpu.memory_space<vmem>>, vector<16xf32>,
    %get3A_457 = arith.constant 8 : i32
    %get3A_458 = arith.index_cast %get3A_457 : i32 to index
    %get3A_459 = arith.constant 32 : index
    %get3A_460 = tpu.vector_load %arg14[%get3A_458, %get3A_459] {strides = array<i32>} : memref<32x64xf32, #tpu.memory_space<vmem>>, vector<16xf32>,
    %add3A_461 = arith.addf %get3A_456, %get3A_460 : vector<16xf32>
    %swap3A_462 = arith.constant 8 : i32
    %swap3A_463 = arith.index_cast %swap3A_462 : i32 to index
    %swap3A_464 = arith.constant 32 : index
    %swap3A_465 = tpu.vector_load %arg15[%swap3A_463, %swap3A_464] {strides = array<i32>} : memref<32x64xf32, #tpu.memory_space<vmem>>, vector<16xf32>,
    tpu.vector_store %arg15[%swap3A_463, %swap3A_464], %add3A_461 {strides = array<i32>} : memref<32x64xf32, #tpu.memory_space<vmem>>, vector<16xf32>,
    %get3A_466 = arith.constant 8 : i32
    %get3A_467 = arith.index_cast %get3A_466 : i32 to index
    %get3A_468 = arith.constant 48 : index
    %get3A_469 = tpu.vector_load %arg13[%get3A_467, %get3A_468] {strides = array<i32>} : memref<32x64xf32, #tpu.memory_space<vmem>>, vector<16xf32>,
    %get3A_470 = arith.constant 8 : i32
    %get3A_471 = arith.index_cast %get3A_470 : i32 to index
    %get3A_472 = arith.constant 48 : index
    %get3A_473 = tpu.vector_load %arg14[%get3A_471, %get3A_472] {strides = array<i32>} : memref<32x64xf32, #tpu.memory_space<vmem>>, vector<16xf32>,
    %add3A_474 = arith.addf %get3A_469, %get3A_473 : vector<16xf32>
    %swap3A_475 = arith.constant 8 : i32
    %swap3A_476 = arith.index_cast %swap3A_475 : i32 to index
    %swap3A_477 = arith.constant 48 : index
    %swap3A_478 = tpu.vector_load %arg15[%swap3A_476, %swap3A_477] {strides = array<i32>} : memref<32x64xf32, #tpu.memory_space<vmem>>, vector<16xf32>,
    tpu.vector_store %arg15[%swap3A_476, %swap3A_477], %add3A_474 {strides = array<i32>} : memref<32x64xf32, #tpu.memory_space<vmem>>, vector<16xf32>,
    %get3A_479 = arith.constant 9 : i32
    %get3A_480 = arith.index_cast %get3A_479 : i32 to index
    %get3A_481 = arith.constant 0 : index
    %get3A_482 = tpu.vector_load %arg13[%get3A_480, %get3A_481] {strides = array<i32>} : memref<32x64xf32, #tpu.memory_space<vmem>>, vector<16xf32>,
    %get3A_483 = arith.constant 9 : i32
    %get3A_484 = arith.index_cast %get3A_483 : i32 to index
    %get3A_485 = arith.constant 0 : index
    %get3A_486 = tpu.vector_load %arg14[%get3A_484, %get3A_485] {strides = array<i32>} : memref<32x64xf32, #tpu.memory_space<vmem>>, vector<16xf32>,
    %add3A_487 = arith.addf %get3A_482, %get3A_486 : vector<16xf32>
    %swap3A_488 = arith.constant 9 : i32
    %swap3A_489 = arith.index_cast %swap3A_488 : i32 to index
    %swap3A_490 = arith.constant 0 : index
    %swap3A_491 = tpu.vector_load %arg15[%swap3A_489, %swap3A_490] {strides = array<i32>} : memref<32x64xf32, #tpu.memory_space<vmem>>, vector<16xf32>,
    tpu.vector_store %arg15[%swap3A_489, %swap3A_490], %add3A_487 {strides = array<i32>} : memref<32x64xf32, #tpu.memory_space<vmem>>, vector<16xf32>,
    %get3A_492 = arith.constant 9 : i32
    %get3A_493 = arith.index_cast %get3A_492 : i32 to index
    %get3A_494 = arith.constant 16 : index
    %get3A_495 = tpu.vector_load %arg13[%get3A_493, %get3A_494] {strides = array<i32>} : memref<32x64xf32, #tpu.memory_space<vmem>>, vector<16xf32>,
    %get3A_496 = arith.constant 9 : i32
    %get3A_497 = arith.index_cast %get3A_496 : i32 to index
    %get3A_498 = arith.constant 16 : index
    %get3A_499 = tpu.vector_load %arg14[%get3A_497, %get3A_498] {strides = array<i32>} : memref<32x64xf32, #tpu.memory_space<vmem>>, vector<16xf32>,
    %add3A_500 = arith.addf %get3A_495, %get3A_499 : vector<16xf32>
    %swap3A_501 = arith.constant 9 : i32
    %swap3A_502 = arith.index_cast %swap3A_501 : i32 to index
    %swap3A_503 = arith.constant 16 : index
    %swap3A_504 = tpu.vector_load %arg15[%swap3A_502, %swap3A_503] {strides = array<i32>} : memref<32x64xf32, #tpu.memory_space<vmem>>, vector<16xf32>,
    tpu.vector_store %arg15[%swap3A_502, %swap3A_503], %add3A_500 {strides = array<i32>} : memref<32x64xf32, #tpu.memory_space<vmem>>, vector<16xf32>,
    %get3A_505 = arith.constant 9 : i32
    %get3A_506 = arith.index_cast %get3A_505 : i32 to index
    %get3A_507 = arith.constant 32 : index
    %get3A_508 = tpu.vector_load %arg13[%get3A_506, %get3A_507] {strides = array<i32>} : memref<32x64xf32, #tpu.memory_space<vmem>>, vector<16xf32>,
    %get3A_509 = arith.constant 9 : i32
    %get3A_510 = arith.index_cast %get3A_509 : i32 to index
    %get3A_511 = arith.constant 32 : index
    %get3A_512 = tpu.vector_load %arg14[%get3A_510, %get3A_511] {strides = array<i32>} : memref<32x64xf32, #tpu.memory_space<vmem>>, vector<16xf32>,
    %add3A_513 = arith.addf %get3A_508, %get3A_512 : vector<16xf32>
    %swap3A_514 = arith.constant 9 : i32
    %swap3A_515 = arith.index_cast %swap3A_514 : i32 to index
    %swap3A_516 = arith.constant 32 : index
    %swap3A_517 = tpu.vector_load %arg15[%swap3A_515, %swap3A_516] {strides = array<i32>} : memref<32x64xf32, #tpu.memory_space<vmem>>, vector<16xf32>,
    tpu.vector_store %arg15[%swap3A_515, %swap3A_516], %add3A_513 {strides = array<i32>} : memref<32x64xf32, #tpu.memory_space<vmem>>, vector<16xf32>,
    %get3A_518 = arith.constant 9 : i32
    %get3A_519 = arith.index_cast %get3A_518 : i32 to index
    %get3A_520 = arith.constant 48 : index
    %get3A_521 = tpu.vector_load %arg13[%get3A_519, %get3A_520] {strides = array<i32>} : memref<32x64xf32, #tpu.memory_space<vmem>>, vector<16xf32>,
    %get3A_522 = arith.constant 9 : i32
    %get3A_523 = arith.index_cast %get3A_522 : i32 to index
    %get3A_524 = arith.constant 48 : index
    %get3A_525 = tpu.vector_load %arg14[%get3A_523, %get3A_524] {strides = array<i32>} : memref<32x64xf32, #tpu.memory_space<vmem>>, vector<16xf32>,
    %add3A_526 = arith.addf %get3A_521, %get3A_525 : vector<16xf32>
    %swap3A_527 = arith.constant 9 : i32
    %swap3A_528 = arith.index_cast %swap3A_527 : i32 to index
    %swap3A_529 = arith.constant 48 : index
    %swap3A_530 = tpu.vector_load %arg15[%swap3A_528, %swap3A_529] {strides = array<i32>} : memref<32x64xf32, #tpu.memory_space<vmem>>, vector<16xf32>,
    tpu.vector_store %arg15[%swap3A_528, %swap3A_529], %add3A_526 {strides = array<i32>} : memref<32x64xf32, #tpu.memory_space<vmem>>, vector<16xf32>,
    %get3A_531 = arith.constant 10 : i32
    %get3A_532 = arith.index_cast %get3A_531 : i32 to index
    %get3A_533 = arith.constant 0 : index
    %get3A_534 = tpu.vector_load %arg13[%get3A_532, %get3A_533] {strides = array<i32>} : memref<32x64xf32, #tpu.memory_space<vmem>>, vector<16xf32>,
    %get3A_535 = arith.constant 10 : i32
    %get3A_536 = arith.index_cast %get3A_535 : i32 to index
    %get3A_537 = arith.constant 0 : index
    %get3A_538 = tpu.vector_load %arg14[%get3A_536, %get3A_537] {strides = array<i32>} : memref<32x64xf32, #tpu.memory_space<vmem>>, vector<16xf32>,
    %add3A_539 = arith.addf %get3A_534, %get3A_538 : vector<16xf32>
    %swap3A_540 = arith.constant 10 : i32
    %swap3A_541 = arith.index_cast %swap3A_540 : i32 to index
    %swap3A_542 = arith.constant 0 : index
    %swap3A_543 = tpu.vector_load %arg15[%swap3A_541, %swap3A_542] {strides = array<i32>} : memref<32x64xf32, #tpu.memory_space<vmem>>, vector<16xf32>,
    tpu.vector_store %arg15[%swap3A_541, %swap3A_542], %add3A_539 {strides = array<i32>} : memref<32x64xf32, #tpu.memory_space<vmem>>, vector<16xf32>,
    %get3A_544 = arith.constant 10 : i32
    %get3A_545 = arith.index_cast %get3A_544 : i32 to index
    %get3A_546 = arith.constant 16 : index
    %get3A_547 = tpu.vector_load %arg13[%get3A_545, %get3A_546] {strides = array<i32>} : memref<32x64xf32, #tpu.memory_space<vmem>>, vector<16xf32>,
    %get3A_548 = arith.constant 10 : i32
    %get3A_549 = arith.index_cast %get3A_548 : i32 to index
    %get3A_550 = arith.constant 16 : index
    %get3A_551 = tpu.vector_load %arg14[%get3A_549, %get3A_550] {strides = array<i32>} : memref<32x64xf32, #tpu.memory_space<vmem>>, vector<16xf32>,
    %add3A_552 = arith.addf %get3A_547, %get3A_551 : vector<16xf32>
    %swap3A_553 = arith.constant 10 : i32
    %swap3A_554 = arith.index_cast %swap3A_553 : i32 to index
    %swap3A_555 = arith.constant 16 : index
    %swap3A_556 = tpu.vector_load %arg15[%swap3A_554, %swap3A_555] {strides = array<i32>} : memref<32x64xf32, #tpu.memory_space<vmem>>, vector<16xf32>,
    tpu.vector_store %arg15[%swap3A_554, %swap3A_555], %add3A_552 {strides = array<i32>} : memref<32x64xf32, #tpu.memory_space<vmem>>, vector<16xf32>,
    %get3A_557 = arith.constant 10 : i32
    %get3A_558 = arith.index_cast %get3A_557 : i32 to index
    %get3A_559 = arith.constant 32 : index
    %get3A_560 = tpu.vector_load %arg13[%get3A_558, %get3A_559] {strides = array<i32>} : memref<32x64xf32, #tpu.memory_space<vmem>>, vector<16xf32>,
    %get3A_561 = arith.constant 10 : i32
    %get3A_562 = arith.index_cast %get3A_561 : i32 to index
    %get3A_563 = arith.constant 32 : index
    %get3A_564 = tpu.vector_load %arg14[%get3A_562, %get3A_563] {strides = array<i32>} : memref<32x64xf32, #tpu.memory_space<vmem>>, vector<16xf32>,
    %add3A_565 = arith.addf %get3A_560, %get3A_564 : vector<16xf32>
    %swap3A_566 = arith.constant 10 : i32
    %swap3A_567 = arith.index_cast %swap3A_566 : i32 to index
    %swap3A_568 = arith.constant 32 : index
    %swap3A_569 = tpu.vector_load %arg15[%swap3A_567, %swap3A_568] {strides = array<i32>} : memref<32x64xf32, #tpu.memory_space<vmem>>, vector<16xf32>,
    tpu.vector_store %arg15[%swap3A_567, %swap3A_568], %add3A_565 {strides = array<i32>} : memref<32x64xf32, #tpu.memory_space<vmem>>, vector<16xf32>,
    %get3A_570 = arith.constant 10 : i32
    %get3A_571 = arith.index_cast %get3A_570 : i32 to index
    %get3A_572 = arith.constant 48 : index
    %get3A_573 = tpu.vector_load %arg13[%get3A_571, %get3A_572] {strides = array<i32>} : memref<32x64xf32, #tpu.memory_space<vmem>>, vector<16xf32>,
    %get3A_574 = arith.constant 10 : i32
    %get3A_575 = arith.index_cast %get3A_574 : i32 to index
    %get3A_576 = arith.constant 48 : index
    %get3A_577 = tpu.vector_load %arg14[%get3A_575, %get3A_576] {strides = array<i32>} : memref<32x64xf32, #tpu.memory_space<vmem>>, vector<16xf32>,
    %add3A_578 = arith.addf %get3A_573, %get3A_577 : vector<16xf32>
    %swap3A_579 = arith.constant 10 : i32
    %swap3A_580 = arith.index_cast %swap3A_579 : i32 to index
    %swap3A_581 = arith.constant 48 : index
    %swap3A_582 = tpu.vector_load %arg15[%swap3A_580, %swap3A_581] {strides = array<i32>} : memref<32x64xf32, #tpu.memory_space<vmem>>, vector<16xf32>,
    tpu.vector_store %arg15[%swap3A_580, %swap3A_581], %add3A_578 {strides = array<i32>} : memref<32x64xf32, #tpu.memory_space<vmem>>, vector<16xf32>,
    %get3A_583 = arith.constant 11 : i32
    %get3A_584 = arith.index_cast %get3A_583 : i32 to index
    %get3A_585 = arith.constant 0 : index
    %get3A_586 = tpu.vector_load %arg13[%get3A_584, %get3A_585] {strides = array<i32>} : memref<32x64xf32, #tpu.memory_space<vmem>>, vector<16xf32>,
    %get3A_587 = arith.constant 11 : i32
    %get3A_588 = arith.index_cast %get3A_587 : i32 to index
    %get3A_589 = arith.constant 0 : index
    %get3A_590 = tpu.vector_load %arg14[%get3A_588, %get3A_589] {strides = array<i32>} : memref<32x64xf32, #tpu.memory_space<vmem>>, vector<16xf32>,
    %add3A_591 = arith.addf %get3A_586, %get3A_590 : vector<16xf32>
    %swap3A_592 = arith.constant 11 : i32
    %swap3A_593 = arith.index_cast %swap3A_592 : i32 to index
    %swap3A_594 = arith.constant 0 : index
    %swap3A_595 = tpu.vector_load %arg15[%swap3A_593, %swap3A_594] {strides = array<i32>} : memref<32x64xf32, #tpu.memory_space<vmem>>, vector<16xf32>,
    tpu.vector_store %arg15[%swap3A_593, %swap3A_594], %add3A_591 {strides = array<i32>} : memref<32x64xf32, #tpu.memory_space<vmem>>, vector<16xf32>,
    %get3A_596 = arith.constant 11 : i32
    %get3A_597 = arith.index_cast %get3A_596 : i32 to index
    %get3A_598 = arith.constant 16 : index
    %get3A_599 = tpu.vector_load %arg13[%get3A_597, %get3A_598] {strides = array<i32>} : memref<32x64xf32, #tpu.memory_space<vmem>>, vector<16xf32>,
    %get3A_600 = arith.constant 11 : i32
    %get3A_601 = arith.index_cast %get3A_600 : i32 to index
    %get3A_602 = arith.constant 16 : index
    %get3A_603 = tpu.vector_load %arg14[%get3A_601, %get3A_602] {strides = array<i32>} : memref<32x64xf32, #tpu.memory_space<vmem>>, vector<16xf32>,
    %add3A_604 = arith.addf %get3A_599, %get3A_603 : vector<16xf32>
    %swap3A_605 = arith.constant 11 : i32
    %swap3A_606 = arith.index_cast %swap3A_605 : i32 to index
    %swap3A_607 = arith.constant 16 : index
    %swap3A_608 = tpu.vector_load %arg15[%swap3A_606, %swap3A_607] {strides = array<i32>} : memref<32x64xf32, #tpu.memory_space<vmem>>, vector<16xf32>,
    tpu.vector_store %arg15[%swap3A_606, %swap3A_607], %add3A_604 {strides = array<i32>} : memref<32x64xf32, #tpu.memory_space<vmem>>, vector<16xf32>,
    %get3A_609 = arith.constant 11 : i32
    %get3A_610 = arith.index_cast %get3A_609 : i32 to index
    %get3A_611 = arith.constant 32 : index
    %get3A_612 = tpu.vector_load %arg13[%get3A_610, %get3A_611] {strides = array<i32>} : memref<32x64xf32, #tpu.memory_space<vmem>>, vector<16xf32>,
    %get3A_613 = arith.constant 11 : i32
    %get3A_614 = arith.index_cast %get3A_613 : i32 to index
    %get3A_615 = arith.constant 32 : index
    %get3A_616 = tpu.vector_load %arg14[%get3A_614, %get3A_615] {strides = array<i32>} : memref<32x64xf32, #tpu.memory_space<vmem>>, vector<16xf32>,
    %add3A_617 = arith.addf %get3A_612, %get3A_616 : vector<16xf32>
    %swap3A_618 = arith.constant 11 : i32
    %swap3A_619 = arith.index_cast %swap3A_618 : i32 to index
    %swap3A_620 = arith.constant 32 : index
    %swap3A_621 = tpu.vector_load %arg15[%swap3A_619, %swap3A_620] {strides = array<i32>} : memref<32x64xf32, #tpu.memory_space<vmem>>, vector<16xf32>,
    tpu.vector_store %arg15[%swap3A_619, %swap3A_620], %add3A_617 {strides = array<i32>} : memref<32x64xf32, #tpu.memory_space<vmem>>, vector<16xf32>,
    %get3A_622 = arith.constant 11 : i32
    %get3A_623 = arith.index_cast %get3A_622 : i32 to index
    %get3A_624 = arith.constant 48 : index
    %get3A_625 = tpu.vector_load %arg13[%get3A_623, %get3A_624] {strides = array<i32>} : memref<32x64xf32, #tpu.memory_space<vmem>>, vector<16xf32>,
    %get3A_626 = arith.constant 11 : i32
    %get3A_627 = arith.index_cast %get3A_626 : i32 to index
    %get3A_628 = arith.constant 48 : index
    %get3A_629 = tpu.vector_load %arg14[%get3A_627, %get3A_628] {strides = array<i32>} : memref<32x64xf32, #tpu.memory_space<vmem>>, vector<16xf32>,
    %add3A_630 = arith.addf %get3A_625, %get3A_629 : vector<16xf32>
    %swap3A_631 = arith.constant 11 : i32
    %swap3A_632 = arith.index_cast %swap3A_631 : i32 to index
    %swap3A_633 = arith.constant 48 : index
    %swap3A_634 = tpu.vector_load %arg15[%swap3A_632, %swap3A_633] {strides = array<i32>} : memref<32x64xf32, #tpu.memory_space<vmem>>, vector<16xf32>,
    tpu.vector_store %arg15[%swap3A_632, %swap3A_633], %add3A_630 {strides = array<i32>} : memref<32x64xf32, #tpu.memory_space<vmem>>, vector<16xf32>,
    %get3A_635 = arith.constant 12 : i32
    %get3A_636 = arith.index_cast %get3A_635 : i32 to index
    %get3A_637 = arith.constant 0 : index
    %get3A_638 = tpu.vector_load %arg13[%get3A_636, %get3A_637] {strides = array<i32>} : memref<32x64xf32, #tpu.memory_space<vmem>>, vector<16xf32>,
    %get3A_639 = arith.constant 12 : i32
    %get3A_640 = arith.index_cast %get3A_639 : i32 to index
    %get3A_641 = arith.constant 0 : index
    %get3A_642 = tpu.vector_load %arg14[%get3A_640, %get3A_641] {strides = array<i32>} : memref<32x64xf32, #tpu.memory_space<vmem>>, vector<16xf32>,
    %add3A_643 = arith.addf %get3A_638, %get3A_642 : vector<16xf32>
    %swap3A_644 = arith.constant 12 : i32
    %swap3A_645 = arith.index_cast %swap3A_644 : i32 to index
    %swap3A_646 = arith.constant 0 : index
    %swap3A_647 = tpu.vector_load %arg15[%swap3A_645, %swap3A_646] {strides = array<i32>} : memref<32x64xf32, #tpu.memory_space<vmem>>, vector<16xf32>,
    tpu.vector_store %arg15[%swap3A_645, %swap3A_646], %add3A_643 {strides = array<i32>} : memref<32x64xf32, #tpu.memory_space<vmem>>, vector<16xf32>,
    %get3A_648 = arith.constant 12 : i32
    %get3A_649 = arith.index_cast %get3A_648 : i32 to index
    %get3A_650 = arith.constant 16 : index
    %get3A_651 = tpu.vector_load %arg13[%get3A_649, %get3A_650] {strides = array<i32>} : memref<32x64xf32, #tpu.memory_space<vmem>>, vector<16xf32>,
    %get3A_652 = arith.constant 12 : i32
    %get3A_653 = arith.index_cast %get3A_652 : i32 to index
    %get3A_654 = arith.constant 16 : index
    %get3A_655 = tpu.vector_load %arg14[%get3A_653, %get3A_654] {strides = array<i32>} : memref<32x64xf32, #tpu.memory_space<vmem>>, vector<16xf32>,
    %add3A_656 = arith.addf %get3A_651, %get3A_655 : vector<16xf32>
    %swap3A_657 = arith.constant 12 : i32
    %swap3A_658 = arith.index_cast %swap3A_657 : i32 to index
    %swap3A_659 = arith.constant 16 : index
    %swap3A_660 = tpu.vector_load %arg15[%swap3A_658, %swap3A_659] {strides = array<i32>} : memref<32x64xf32, #tpu.memory_space<vmem>>, vector<16xf32>,
    tpu.vector_store %arg15[%swap3A_658, %swap3A_659], %add3A_656 {strides = array<i32>} : memref<32x64xf32, #tpu.memory_space<vmem>>, vector<16xf32>,
    %get3A_661 = arith.constant 12 : i32
    %get3A_662 = arith.index_cast %get3A_661 : i32 to index
    %get3A_663 = arith.constant 32 : index
    %get3A_664 = tpu.vector_load %arg13[%get3A_662, %get3A_663] {strides = array<i32>} : memref<32x64xf32, #tpu.memory_space<vmem>>, vector<16xf32>,
    %get3A_665 = arith.constant 12 : i32
    %get3A_666 = arith.index_cast %get3A_665 : i32 to index
    %get3A_667 = arith.constant 32 : index
    %get3A_668 = tpu.vector_load %arg14[%get3A_666, %get3A_667] {strides = array<i32>} : memref<32x64xf32, #tpu.memory_space<vmem>>, vector<16xf32>,
    %add3A_669 = arith.addf %get3A_664, %get3A_668 : vector<16xf32>
    %swap3A_670 = arith.constant 12 : i32
    %swap3A_671 = arith.index_cast %swap3A_670 : i32 to index
    %swap3A_672 = arith.constant 32 : index
    %swap3A_673 = tpu.vector_load %arg15[%swap3A_671, %swap3A_672] {strides = array<i32>} : memref<32x64xf32, #tpu.memory_space<vmem>>, vector<16xf32>,
    tpu.vector_store %arg15[%swap3A_671, %swap3A_672], %add3A_669 {strides = array<i32>} : memref<32x64xf32, #tpu.memory_space<vmem>>, vector<16xf32>,
    %get3A_674 = arith.constant 12 : i32
    %get3A_675 = arith.index_cast %get3A_674 : i32 to index
    %get3A_676 = arith.constant 48 : index
    %get3A_677 = tpu.vector_load %arg13[%get3A_675, %get3A_676] {strides = array<i32>} : memref<32x64xf32, #tpu.memory_space<vmem>>, vector<16xf32>,
    %get3A_678 = arith.constant 12 : i32
    %get3A_679 = arith.index_cast %get3A_678 : i32 to index
    %get3A_680 = arith.constant 48 : index
    %get3A_681 = tpu.vector_load %arg14[%get3A_679, %get3A_680] {strides = array<i32>} : memref<32x64xf32, #tpu.memory_space<vmem>>, vector<16xf32>,
    %add3A_682 = arith.addf %get3A_677, %get3A_681 : vector<16xf32>
    %swap3A_683 = arith.constant 12 : i32
    %swap3A_684 = arith.index_cast %swap3A_683 : i32 to index
    %swap3A_685 = arith.constant 48 : index
    %swap3A_686 = tpu.vector_load %arg15[%swap3A_684, %swap3A_685] {strides = array<i32>} : memref<32x64xf32, #tpu.memory_space<vmem>>, vector<16xf32>,
    tpu.vector_store %arg15[%swap3A_684, %swap3A_685], %add3A_682 {strides = array<i32>} : memref<32x64xf32, #tpu.memory_space<vmem>>, vector<16xf32>,
    %get3A_687 = arith.constant 13 : i32
    %get3A_688 = arith.index_cast %get3A_687 : i32 to index
    %get3A_689 = arith.constant 0 : index
    %get3A_690 = tpu.vector_load %arg13[%get3A_688, %get3A_689] {strides = array<i32>} : memref<32x64xf32, #tpu.memory_space<vmem>>, vector<16xf32>,
    %get3A_691 = arith.constant 13 : i32
    %get3A_692 = arith.index_cast %get3A_691 : i32 to index
    %get3A_693 = arith.constant 0 : index
    %get3A_694 = tpu.vector_load %arg14[%get3A_692, %get3A_693] {strides = array<i32>} : memref<32x64xf32, #tpu.memory_space<vmem>>, vector<16xf32>,
    %add3A_695 = arith.addf %get3A_690, %get3A_694 : vector<16xf32>
    %swap3A_696 = arith.constant 13 : i32
    %swap3A_697 = arith.index_cast %swap3A_696 : i32 to index
    %swap3A_698 = arith.constant 0 : index
    %swap3A_699 = tpu.vector_load %arg15[%swap3A_697, %swap3A_698] {strides = array<i32>} : memref<32x64xf32, #tpu.memory_space<vmem>>, vector<16xf32>,
    tpu.vector_store %arg15[%swap3A_697, %swap3A_698], %add3A_695 {strides = array<i32>} : memref<32x64xf32, #tpu.memory_space<vmem>>, vector<16xf32>,
    %get3A_700 = arith.constant 13 : i32
    %get3A_701 = arith.index_cast %get3A_700 : i32 to index
    %get3A_702 = arith.constant 16 : index
    %get3A_703 = tpu.vector_load %arg13[%get3A_701, %get3A_702] {strides = array<i32>} : memref<32x64xf32, #tpu.memory_space<vmem>>, vector<16xf32>,
    %get3A_704 = arith.constant 13 : i32
    %get3A_705 = arith.index_cast %get3A_704 : i32 to index
    %get3A_706 = arith.constant 16 : index
    %get3A_707 = tpu.vector_load %arg14[%get3A_705, %get3A_706] {strides = array<i32>} : memref<32x64xf32, #tpu.memory_space<vmem>>, vector<16xf32>,
    %add3A_708 = arith.addf %get3A_703, %get3A_707 : vector<16xf32>
    %swap3A_709 = arith.constant 13 : i32
    %swap3A_710 = arith.index_cast %swap3A_709 : i32 to index
    %swap3A_711 = arith.constant 16 : index
    %swap3A_712 = tpu.vector_load %arg15[%swap3A_710, %swap3A_711] {strides = array<i32>} : memref<32x64xf32, #tpu.memory_space<vmem>>, vector<16xf32>,
    tpu.vector_store %arg15[%swap3A_710, %swap3A_711], %add3A_708 {strides = array<i32>} : memref<32x64xf32, #tpu.memory_space<vmem>>, vector<16xf32>,
    %get3A_713 = arith.constant 13 : i32
    %get3A_714 = arith.index_cast %get3A_713 : i32 to index
    %get3A_715 = arith.constant 32 : index
    %get3A_716 = tpu.vector_load %arg13[%get3A_714, %get3A_715] {strides = array<i32>} : memref<32x64xf32, #tpu.memory_space<vmem>>, vector<16xf32>,
    %get3A_717 = arith.constant 13 : i32
    %get3A_718 = arith.index_cast %get3A_717 : i32 to index
    %get3A_719 = arith.constant 32 : index
    %get3A_720 = tpu.vector_load %arg14[%get3A_718, %get3A_719] {strides = array<i32>} : memref<32x64xf32, #tpu.memory_space<vmem>>, vector<16xf32>,
    %add3A_721 = arith.addf %get3A_716, %get3A_720 : vector<16xf32>
    %swap3A_722 = arith.constant 13 : i32
    %swap3A_723 = arith.index_cast %swap3A_722 : i32 to index
    %swap3A_724 = arith.constant 32 : index
    %swap3A_725 = tpu.vector_load %arg15[%swap3A_723, %swap3A_724] {strides = array<i32>} : memref<32x64xf32, #tpu.memory_space<vmem>>, vector<16xf32>,
    tpu.vector_store %arg15[%swap3A_723, %swap3A_724], %add3A_721 {strides = array<i32>} : memref<32x64xf32, #tpu.memory_space<vmem>>, vector<16xf32>,
    %get3A_726 = arith.constant 13 : i32
    %get3A_727 = arith.index_cast %get3A_726 : i32 to index
    %get3A_728 = arith.constant 48 : index
    %get3A_729 = tpu.vector_load %arg13[%get3A_727, %get3A_728] {strides = array<i32>} : memref<32x64xf32, #tpu.memory_space<vmem>>, vector<16xf32>,
    %get3A_730 = arith.constant 13 : i32
    %get3A_731 = arith.index_cast %get3A_730 : i32 to index
    %get3A_732 = arith.constant 48 : index
    %get3A_733 = tpu.vector_load %arg14[%get3A_731, %get3A_732] {strides = array<i32>} : memref<32x64xf32, #tpu.memory_space<vmem>>, vector<16xf32>,
    %add3A_734 = arith.addf %get3A_729, %get3A_733 : vector<16xf32>
    %swap3A_735 = arith.constant 13 : i32
    %swap3A_736 = arith.index_cast %swap3A_735 : i32 to index
    %swap3A_737 = arith.constant 48 : index
    %swap3A_738 = tpu.vector_load %arg15[%swap3A_736, %swap3A_737] {strides = array<i32>} : memref<32x64xf32, #tpu.memory_space<vmem>>, vector<16xf32>,
    tpu.vector_store %arg15[%swap3A_736, %swap3A_737], %add3A_734 {strides = array<i32>} : memref<32x64xf32, #tpu.memory_space<vmem>>, vector<16xf32>,
    %get3A_739 = arith.constant 14 : i32
    %get3A_740 = arith.index_cast %get3A_739 : i32 to index
    %get3A_741 = arith.constant 0 : index
    %get3A_742 = tpu.vector_load %arg13[%get3A_740, %get3A_741] {strides = array<i32>} : memref<32x64xf32, #tpu.memory_space<vmem>>, vector<16xf32>,
    %get3A_743 = arith.constant 14 : i32
    %get3A_744 = arith.index_cast %get3A_743 : i32 to index
    %get3A_745 = arith.constant 0 : index
    %get3A_746 = tpu.vector_load %arg14[%get3A_744, %get3A_745] {strides = array<i32>} : memref<32x64xf32, #tpu.memory_space<vmem>>, vector<16xf32>,
    %add3A_747 = arith.addf %get3A_742, %get3A_746 : vector<16xf32>
    %swap3A_748 = arith.constant 14 : i32
    %swap3A_749 = arith.index_cast %swap3A_748 : i32 to index
    %swap3A_750 = arith.constant 0 : index
    %swap3A_751 = tpu.vector_load %arg15[%swap3A_749, %swap3A_750] {strides = array<i32>} : memref<32x64xf32, #tpu.memory_space<vmem>>, vector<16xf32>,
    tpu.vector_store %arg15[%swap3A_749, %swap3A_750], %add3A_747 {strides = array<i32>} : memref<32x64xf32, #tpu.memory_space<vmem>>, vector<16xf32>,
    %get3A_752 = arith.constant 14 : i32
    %get3A_753 = arith.index_cast %get3A_752 : i32 to index
    %get3A_754 = arith.constant 16 : index
    %get3A_755 = tpu.vector_load %arg13[%get3A_753, %get3A_754] {strides = array<i32>} : memref<32x64xf32, #tpu.memory_space<vmem>>, vector<16xf32>,
    %get3A_756 = arith.constant 14 : i32
    %get3A_757 = arith.index_cast %get3A_756 : i32 to index
    %get3A_758 = arith.constant 16 : index
    %get3A_759 = tpu.vector_load %arg14[%get3A_757, %get3A_758] {strides = array<i32>} : memref<32x64xf32, #tpu.memory_space<vmem>>, vector<16xf32>,
    %add3A_760 = arith.addf %get3A_755, %get3A_759 : vector<16xf32>
    %swap3A_761 = arith.constant 14 : i32
    %swap3A_762 = arith.index_cast %swap3A_761 : i32 to index
    %swap3A_763 = arith.constant 16 : index
    %swap3A_764 = tpu.vector_load %arg15[%swap3A_762, %swap3A_763] {strides = array<i32>} : memref<32x64xf32, #tpu.memory_space<vmem>>, vector<16xf32>,
    tpu.vector_store %arg15[%swap3A_762, %swap3A_763], %add3A_760 {strides = array<i32>} : memref<32x64xf32, #tpu.memory_space<vmem>>, vector<16xf32>,
    %get3A_765 = arith.constant 14 : i32
    %get3A_766 = arith.index_cast %get3A_765 : i32 to index
    %get3A_767 = arith.constant 32 : index
    %get3A_768 = tpu.vector_load %arg13[%get3A_766, %get3A_767] {strides = array<i32>} : memref<32x64xf32, #tpu.memory_space<vmem>>, vector<16xf32>,
    %get3A_769 = arith.constant 14 : i32
    %get3A_770 = arith.index_cast %get3A_769 : i32 to index
    %get3A_771 = arith.constant 32 : index
    %get3A_772 = tpu.vector_load %arg14[%get3A_770, %get3A_771] {strides = array<i32>} : memref<32x64xf32, #tpu.memory_space<vmem>>, vector<16xf32>,
    %add3A_773 = arith.addf %get3A_768, %get3A_772 : vector<16xf32>
    %swap3A_774 = arith.constant 14 : i32
    %swap3A_775 = arith.index_cast %swap3A_774 : i32 to index
    %swap3A_776 = arith.constant 32 : index
    %swap3A_777 = tpu.vector_load %arg15[%swap3A_775, %swap3A_776] {strides = array<i32>} : memref<32x64xf32, #tpu.memory_space<vmem>>, vector<16xf32>,
    tpu.vector_store %arg15[%swap3A_775, %swap3A_776], %add3A_773 {strides = array<i32>} : memref<32x64xf32, #tpu.memory_space<vmem>>, vector<16xf32>,
    %get3A_778 = arith.constant 14 : i32
    %get3A_779 = arith.index_cast %get3A_778 : i32 to index
    %get3A_780 = arith.constant 48 : index
    %get3A_781 = tpu.vector_load %arg13[%get3A_779, %get3A_780] {strides = array<i32>} : memref<32x64xf32, #tpu.memory_space<vmem>>, vector<16xf32>,
    %get3A_782 = arith.constant 14 : i32
    %get3A_783 = arith.index_cast %get3A_782 : i32 to index
    %get3A_784 = arith.constant 48 : index
    %get3A_785 = tpu.vector_load %arg14[%get3A_783, %get3A_784] {strides = array<i32>} : memref<32x64xf32, #tpu.memory_space<vmem>>, vector<16xf32>,
    %add3A_786 = arith.addf %get3A_781, %get3A_785 : vector<16xf32>
    %swap3A_787 = arith.constant 14 : i32
    %swap3A_788 = arith.index_cast %swap3A_787 : i32 to index
    %swap3A_789 = arith.constant 48 : index
    %swap3A_790 = tpu.vector_load %arg15[%swap3A_788, %swap3A_789] {strides = array<i32>} : memref<32x64xf32, #tpu.memory_space<vmem>>, vector<16xf32>,
    tpu.vector_store %arg15[%swap3A_788, %swap3A_789], %add3A_786 {strides = array<i32>} : memref<32x64xf32, #tpu.memory_space<vmem>>, vector<16xf32>,
    %get3A_791 = arith.constant 15 : i32
    %get3A_792 = arith.index_cast %get3A_791 : i32 to index
    %get3A_793 = arith.constant 0 : index
    %get3A_794 = tpu.vector_load %arg13[%get3A_792, %get3A_793] {strides = array<i32>} : memref<32x64xf32, #tpu.memory_space<vmem>>, vector<16xf32>,
    %get3A_795 = arith.constant 15 : i32
    %get3A_796 = arith.index_cast %get3A_795 : i32 to index
    %get3A_797 = arith.constant 0 : index
    %get3A_798 = tpu.vector_load %arg14[%get3A_796, %get3A_797] {strides = array<i32>} : memref<32x64xf32, #tpu.memory_space<vmem>>, vector<16xf32>,
    %add3A_799 = arith.addf %get3A_794, %get3A_798 : vector<16xf32>
    %swap3A_800 = arith.constant 15 : i32
    %swap3A_801 = arith.index_cast %swap3A_800 : i32 to index
    %swap3A_802 = arith.constant 0 : index
    %swap3A_803 = tpu.vector_load %arg15[%swap3A_801, %swap3A_802] {strides = array<i32>} : memref<32x64xf32, #tpu.memory_space<vmem>>, vector<16xf32>,
    tpu.vector_store %arg15[%swap3A_801, %swap3A_802], %add3A_799 {strides = array<i32>} : memref<32x64xf32, #tpu.memory_space<vmem>>, vector<16xf32>,
    %get3A_804 = arith.constant 15 : i32
    %get3A_805 = arith.index_cast %get3A_804 : i32 to index
    %get3A_806 = arith.constant 16 : index
    %get3A_807 = tpu.vector_load %arg13[%get3A_805, %get3A_806] {strides = array<i32>} : memref<32x64xf32, #tpu.memory_space<vmem>>, vector<16xf32>,
    %get3A_808 = arith.constant 15 : i32
    %get3A_809 = arith.index_cast %get3A_808 : i32 to index
    %get3A_810 = arith.constant 16 : index
    %get3A_811 = tpu.vector_load %arg14[%get3A_809, %get3A_810] {strides = array<i32>} : memref<32x64xf32, #tpu.memory_space<vmem>>, vector<16xf32>,
    %add3A_812 = arith.addf %get3A_807, %get3A_811 : vector<16xf32>
    %swap3A_813 = arith.constant 15 : i32
    %swap3A_814 = arith.index_cast %swap3A_813 : i32 to index
    %swap3A_815 = arith.constant 16 : index
    %swap3A_816 = tpu.vector_load %arg15[%swap3A_814, %swap3A_815] {strides = array<i32>} : memref<32x64xf32, #tpu.memory_space<vmem>>, vector<16xf32>,
    tpu.vector_store %arg15[%swap3A_814, %swap3A_815], %add3A_812 {strides = array<i32>} : memref<32x64xf32, #tpu.memory_space<vmem>>, vector<16xf32>,
    %get3A_817 = arith.constant 15 : i32
    %get3A_818 = arith.index_cast %get3A_817 : i32 to index
    %get3A_819 = arith.constant 32 : index
    %get3A_820 = tpu.vector_load %arg13[%get3A_818, %get3A_819] {strides = array<i32>} : memref<32x64xf32, #tpu.memory_space<vmem>>, vector<16xf32>,
    %get3A_821 = arith.constant 15 : i32
    %get3A_822 = arith.index_cast %get3A_821 : i32 to index
    %get3A_823 = arith.constant 32 : index
    %get3A_824 = tpu.vector_load %arg14[%get3A_822, %get3A_823] {strides = array<i32>} : memref<32x64xf32, #tpu.memory_space<vmem>>, vector<16xf32>,
    %add3A_825 = arith.addf %get3A_820, %get3A_824 : vector<16xf32>
    %swap3A_826 = arith.constant 15 : i32
    %swap3A_827 = arith.index_cast %swap3A_826 : i32 to index
    %swap3A_828 = arith.constant 32 : index
    %swap3A_829 = tpu.vector_load %arg15[%swap3A_827, %swap3A_828] {strides = array<i32>} : memref<32x64xf32, #tpu.memory_space<vmem>>, vector<16xf32>,
    tpu.vector_store %arg15[%swap3A_827, %swap3A_828], %add3A_825 {strides = array<i32>} : memref<32x64xf32, #tpu.memory_space<vmem>>, vector<16xf32>,
    %get3A_830 = arith.constant 15 : i32
    %get3A_831 = arith.index_cast %get3A_830 : i32 to index
    %get3A_832 = arith.constant 48 : index
    %get3A_833 = tpu.vector_load %arg13[%get3A_831, %get3A_832] {strides = array<i32>} : memref<32x64xf32, #tpu.memory_space<vmem>>, vector<16xf32>,
    %get3A_834 = arith.constant 15 : i32
    %get3A_835 = arith.index_cast %get3A_834 : i32 to index
    %get3A_836 = arith.constant 48 : index
    %get3A_837 = tpu.vector_load %arg14[%get3A_835, %get3A_836] {strides = array<i32>} : memref<32x64xf32, #tpu.memory_space<vmem>>, vector<16xf32>,
    %add3A_838 = arith.addf %get3A_833, %get3A_837 : vector<16xf32>
    %swap3A_839 = arith.constant 15 : i32
    %swap3A_840 = arith.index_cast %swap3A_839 : i32 to index
    %swap3A_841 = arith.constant 48 : index
    %swap3A_842 = tpu.vector_load %arg15[%swap3A_840, %swap3A_841] {strides = array<i32>} : memref<32x64xf32, #tpu.memory_space<vmem>>, vector<16xf32>,
    tpu.vector_store %arg15[%swap3A_840, %swap3A_841], %add3A_838 {strides = array<i32>} : memref<32x64xf32, #tpu.memory_space<vmem>>, vector<16xf32>,
    %get3A_843 = arith.constant 16 : i32
    %get3A_844 = arith.index_cast %get3A_843 : i32 to index
    %get3A_845 = arith.constant 0 : index
    %get3A_846 = tpu.vector_load %arg13[%get3A_844, %get3A_845] {strides = array<i32>} : memref<32x64xf32, #tpu.memory_space<vmem>>, vector<16xf32>,
    %get3A_847 = arith.constant 16 : i32
    %get3A_848 = arith.index_cast %get3A_847 : i32 to index
    %get3A_849 = arith.constant 0 : index
    %get3A_850 = tpu.vector_load %arg14[%get3A_848, %get3A_849] {strides = array<i32>} : memref<32x64xf32, #tpu.memory_space<vmem>>, vector<16xf32>,
    %add3A_851 = arith.addf %get3A_846, %get3A_850 : vector<16xf32>
    %swap3A_852 = arith.constant 16 : i32
    %swap3A_853 = arith.index_cast %swap3A_852 : i32 to index
    %swap3A_854 = arith.constant 0 : index
    %swap3A_855 = tpu.vector_load %arg15[%swap3A_853, %swap3A_854] {strides = array<i32>} : memref<32x64xf32, #tpu.memory_space<vmem>>, vector<16xf32>,
    tpu.vector_store %arg15[%swap3A_853, %swap3A_854], %add3A_851 {strides = array<i32>} : memref<32x64xf32, #tpu.memory_space<vmem>>, vector<16xf32>,
    %get3A_856 = arith.constant 16 : i32
    %get3A_857 = arith.index_cast %get3A_856 : i32 to index
    %get3A_858 = arith.constant 16 : index
    %get3A_859 = tpu.vector_load %arg13[%get3A_857, %get3A_858] {strides = array<i32>} : memref<32x64xf32, #tpu.memory_space<vmem>>, vector<16xf32>,
    %get3A_860 = arith.constant 16 : i32
    %get3A_861 = arith.index_cast %get3A_860 : i32 to index
    %get3A_862 = arith.constant 16 : index
    %get3A_863 = tpu.vector_load %arg14[%get3A_861, %get3A_862] {strides = array<i32>} : memref<32x64xf32, #tpu.memory_space<vmem>>, vector<16xf32>,
    %add3A_864 = arith.addf %get3A_859, %get3A_863 : vector<16xf32>
    %swap3A_865 = arith.constant 16 : i32
    %swap3A_866 = arith.index_cast %swap3A_865 : i32 to index
    %swap3A_867 = arith.constant 16 : index
    %swap3A_868 = tpu.vector_load %arg15[%swap3A_866, %swap3A_867] {strides = array<i32>} : memref<32x64xf32, #tpu.memory_space<vmem>>, vector<16xf32>,
    tpu.vector_store %arg15[%swap3A_866, %swap3A_867], %add3A_864 {strides = array<i32>} : memref<32x64xf32, #tpu.memory_space<vmem>>, vector<16xf32>,
    %get3A_869 = arith.constant 16 : i32
    %get3A_870 = arith.index_cast %get3A_869 : i32 to index
    %get3A_871 = arith.constant 32 : index
    %get3A_872 = tpu.vector_load %arg13[%get3A_870, %get3A_871] {strides = array<i32>} : memref<32x64xf32, #tpu.memory_space<vmem>>, vector<16xf32>,
    %get3A_873 = arith.constant 16 : i32
    %get3A_874 = arith.index_cast %get3A_873 : i32 to index
    %get3A_875 = arith.constant 32 : index
    %get3A_876 = tpu.vector_load %arg14[%get3A_874, %get3A_875] {strides = array<i32>} : memref<32x64xf32, #tpu.memory_space<vmem>>, vector<16xf32>,
    %add3A_877 = arith.addf %get3A_872, %get3A_876 : vector<16xf32>
    %swap3A_878 = arith.constant 16 : i32
    %swap3A_879 = arith.index_cast %swap3A_878 : i32 to index
    %swap3A_880 = arith.constant 32 : index
    %swap3A_881 = tpu.vector_load %arg15[%swap3A_879, %swap3A_880] {strides = array<i32>} : memref<32x64xf32, #tpu.memory_space<vmem>>, vector<16xf32>,
    tpu.vector_store %arg15[%swap3A_879, %swap3A_880], %add3A_877 {strides = array<i32>} : memref<32x64xf32, #tpu.memory_space<vmem>>, vector<16xf32>,
    %get3A_882 = arith.constant 16 : i32
    %get3A_883 = arith.index_cast %get3A_882 : i32 to index
    %get3A_884 = arith.constant 48 : index
    %get3A_885 = tpu.vector_load %arg13[%get3A_883, %get3A_884] {strides = array<i32>} : memref<32x64xf32, #tpu.memory_space<vmem>>, vector<16xf32>,
    %get3A_886 = arith.constant 16 : i32
    %get3A_887 = arith.index_cast %get3A_886 : i32 to index
    %get3A_888 = arith.constant 48 : index
    %get3A_889 = tpu.vector_load %arg14[%get3A_887, %get3A_888] {strides = array<i32>} : memref<32x64xf32, #tpu.memory_space<vmem>>, vector<16xf32>,
    %add3A_890 = arith.addf %get3A_885, %get3A_889 : vector<16xf32>
    %swap3A_891 = arith.constant 16 : i32
    %swap3A_892 = arith.index_cast %swap3A_891 : i32 to index
    %swap3A_893 = arith.constant 48 : index
    %swap3A_894 = tpu.vector_load %arg15[%swap3A_892, %swap3A_893] {strides = array<i32>} : memref<32x64xf32, #tpu.memory_space<vmem>>, vector<16xf32>,
    tpu.vector_store %arg15[%swap3A_892, %swap3A_893], %add3A_890 {strides = array<i32>} : memref<32x64xf32, #tpu.memory_space<vmem>>, vector<16xf32>,
    %get3A_895 = arith.constant 17 : i32
    %get3A_896 = arith.index_cast %get3A_895 : i32 to index
    %get3A_897 = arith.constant 0 : index
    %get3A_898 = tpu.vector_load %arg13[%get3A_896, %get3A_897] {strides = array<i32>} : memref<32x64xf32, #tpu.memory_space<vmem>>, vector<16xf32>,
    %get3A_899 = arith.constant 17 : i32
    %get3A_900 = arith.index_cast %get3A_899 : i32 to index
    %get3A_901 = arith.constant 0 : index
    %get3A_902 = tpu.vector_load %arg14[%get3A_900, %get3A_901] {strides = array<i32>} : memref<32x64xf32, #tpu.memory_space<vmem>>, vector<16xf32>,
    %add3A_903 = arith.addf %get3A_898, %get3A_902 : vector<16xf32>
    %swap3A_904 = arith.constant 17 : i32
    %swap3A_905 = arith.index_cast %swap3A_904 : i32 to index
    %swap3A_906 = arith.constant 0 : index
    %swap3A_907 = tpu.vector_load %arg15[%swap3A_905, %swap3A_906] {strides = array<i32>} : memref<32x64xf32, #tpu.memory_space<vmem>>, vector<16xf32>,
    tpu.vector_store %arg15[%swap3A_905, %swap3A_906], %add3A_903 {strides = array<i32>} : memref<32x64xf32, #tpu.memory_space<vmem>>, vector<16xf32>,
    %get3A_908 = arith.constant 17 : i32
    %get3A_909 = arith.index_cast %get3A_908 : i32 to index
    %get3A_910 = arith.constant 16 : index
    %get3A_911 = tpu.vector_load %arg13[%get3A_909, %get3A_910] {strides = array<i32>} : memref<32x64xf32, #tpu.memory_space<vmem>>, vector<16xf32>,
    %get3A_912 = arith.constant 17 : i32
    %get3A_913 = arith.index_cast %get3A_912 : i32 to index
    %get3A_914 = arith.constant 16 : index
    %get3A_915 = tpu.vector_load %arg14[%get3A_913, %get3A_914] {strides = array<i32>} : memref<32x64xf32, #tpu.memory_space<vmem>>, vector<16xf32>,
    %add3A_916 = arith.addf %get3A_911, %get3A_915 : vector<16xf32>
    %swap3A_917 = arith.constant 17 : i32
    %swap3A_918 = arith.index_cast %swap3A_917 : i32 to index
    %swap3A_919 = arith.constant 16 : index
    %swap3A_920 = tpu.vector_load %arg15[%swap3A_918, %swap3A_919] {strides = array<i32>} : memref<32x64xf32, #tpu.memory_space<vmem>>, vector<16xf32>,
    tpu.vector_store %arg15[%swap3A_918, %swap3A_919], %add3A_916 {strides = array<i32>} : memref<32x64xf32, #tpu.memory_space<vmem>>, vector<16xf32>,
    %get3A_921 = arith.constant 17 : i32
    %get3A_922 = arith.index_cast %get3A_921 : i32 to index
    %get3A_923 = arith.constant 32 : index
    %get3A_924 = tpu.vector_load %arg13[%get3A_922, %get3A_923] {strides = array<i32>} : memref<32x64xf32, #tpu.memory_space<vmem>>, vector<16xf32>,
    %get3A_925 = arith.constant 17 : i32
    %get3A_926 = arith.index_cast %get3A_925 : i32 to index
    %get3A_927 = arith.constant 32 : index
    %get3A_928 = tpu.vector_load %arg14[%get3A_926, %get3A_927] {strides = array<i32>} : memref<32x64xf32, #tpu.memory_space<vmem>>, vector<16xf32>,
    %add3A_929 = arith.addf %get3A_924, %get3A_928 : vector<16xf32>
    %swap3A_930 = arith.constant 17 : i32
    %swap3A_931 = arith.index_cast %swap3A_930 : i32 to index
    %swap3A_932 = arith.constant 32 : index
    %swap3A_933 = tpu.vector_load %arg15[%swap3A_931, %swap3A_932] {strides = array<i32>} : memref<32x64xf32, #tpu.memory_space<vmem>>, vector<16xf32>,
    tpu.vector_store %arg15[%swap3A_931, %swap3A_932], %add3A_929 {strides = array<i32>} : memref<32x64xf32, #tpu.memory_space<vmem>>, vector<16xf32>,
    %get3A_934 = arith.constant 17 : i32
    %get3A_935 = arith.index_cast %get3A_934 : i32 to index
    %get3A_936 = arith.constant 48 : index
    %get3A_937 = tpu.vector_load %arg13[%get3A_935, %get3A_936] {strides = array<i32>} : memref<32x64xf32, #tpu.memory_space<vmem>>, vector<16xf32>,
    %get3A_938 = arith.constant 17 : i32
    %get3A_939 = arith.index_cast %get3A_938 : i32 to index
    %get3A_940 = arith.constant 48 : index
    %get3A_941 = tpu.vector_load %arg14[%get3A_939, %get3A_940] {strides = array<i32>} : memref<32x64xf32, #tpu.memory_space<vmem>>, vector<16xf32>,
    %add3A_942 = arith.addf %get3A_937, %get3A_941 : vector<16xf32>
    %swap3A_943 = arith.constant 17 : i32
    %swap3A_944 = arith.index_cast %swap3A_943 : i32 to index
    %swap3A_945 = arith.constant 48 : index
    %swap3A_946 = tpu.vector_load %arg15[%swap3A_944, %swap3A_945] {strides = array<i32>} : memref<32x64xf32, #tpu.memory_space<vmem>>, vector<16xf32>,
    tpu.vector_store %arg15[%swap3A_944, %swap3A_945], %add3A_942 {strides = array<i32>} : memref<32x64xf32, #tpu.memory_space<vmem>>, vector<16xf32>,
    %get3A_947 = arith.constant 18 : i32
    %get3A_948 = arith.index_cast %get3A_947 : i32 to index
    %get3A_949 = arith.constant 0 : index
    %get3A_950 = tpu.vector_load %arg13[%get3A_948, %get3A_949] {strides = array<i32>} : memref<32x64xf32, #tpu.memory_space<vmem>>, vector<16xf32>,
    %get3A_951 = arith.constant 18 : i32
    %get3A_952 = arith.index_cast %get3A_951 : i32 to index
    %get3A_953 = arith.constant 0 : index
    %get3A_954 = tpu.vector_load %arg14[%get3A_952, %get3A_953] {strides = array<i32>} : memref<32x64xf32, #tpu.memory_space<vmem>>, vector<16xf32>,
    %add3A_955 = arith.addf %get3A_950, %get3A_954 : vector<16xf32>
    %swap3A_956 = arith.constant 18 : i32
    %swap3A_957 = arith.index_cast %swap3A_956 : i32 to index
    %swap3A_958 = arith.constant 0 : index
    %swap3A_959 = tpu.vector_load %arg15[%swap3A_957, %swap3A_958] {strides = array<i32>} : memref<32x64xf32, #tpu.memory_space<vmem>>, vector<16xf32>,
    tpu.vector_store %arg15[%swap3A_957, %swap3A_958], %add3A_955 {strides = array<i32>} : memref<32x64xf32, #tpu.memory_space<vmem>>, vector<16xf32>,
    %get3A_960 = arith.constant 18 : i32
    %get3A_961 = arith.index_cast %get3A_960 : i32 to index
    %get3A_962 = arith.constant 16 : index
    %get3A_963 = tpu.vector_load %arg13[%get3A_961, %get3A_962] {strides = array<i32>} : memref<32x64xf32, #tpu.memory_space<vmem>>, vector<16xf32>,
    %get3A_964 = arith.constant 18 : i32
    %get3A_965 = arith.index_cast %get3A_964 : i32 to index
    %get3A_966 = arith.constant 16 : index
    %get3A_967 = tpu.vector_load %arg14[%get3A_965, %get3A_966] {strides = array<i32>} : memref<32x64xf32, #tpu.memory_space<vmem>>, vector<16xf32>,
    %add3A_968 = arith.addf %get3A_963, %get3A_967 : vector<16xf32>
    %swap3A_969 = arith.constant 18 : i32
    %swap3A_970 = arith.index_cast %swap3A_969 : i32 to index
    %swap3A_971 = arith.constant 16 : index
    %swap3A_972 = tpu.vector_load %arg15[%swap3A_970, %swap3A_971] {strides = array<i32>} : memref<32x64xf32, #tpu.memory_space<vmem>>, vector<16xf32>,
    tpu.vector_store %arg15[%swap3A_970, %swap3A_971], %add3A_968 {strides = array<i32>} : memref<32x64xf32, #tpu.memory_space<vmem>>, vector<16xf32>,
    %get3A_973 = arith.constant 18 : i32
    %get3A_974 = arith.index_cast %get3A_973 : i32 to index
    %get3A_975 = arith.constant 32 : index
    %get3A_976 = tpu.vector_load %arg13[%get3A_974, %get3A_975] {strides = array<i32>} : memref<32x64xf32, #tpu.memory_space<vmem>>, vector<16xf32>,
    %get3A_977 = arith.constant 18 : i32
    %get3A_978 = arith.index_cast %get3A_977 : i32 to index
    %get3A_979 = arith.constant 32 : index
    %get3A_980 = tpu.vector_load %arg14[%get3A_978, %get3A_979] {strides = array<i32>} : memref<32x64xf32, #tpu.memory_space<vmem>>, vector<16xf32>,
    %add3A_981 = arith.addf %get3A_976, %get3A_980 : vector<16xf32>
    %swap3A_982 = arith.constant 18 : i32
    %swap3A_983 = arith.index_cast %swap3A_982 : i32 to index
    %swap3A_984 = arith.constant 32 : index
    %swap3A_985 = tpu.vector_load %arg15[%swap3A_983, %swap3A_984] {strides = array<i32>} : memref<32x64xf32, #tpu.memory_space<vmem>>, vector<16xf32>,
    tpu.vector_store %arg15[%swap3A_983, %swap3A_984], %add3A_981 {strides = array<i32>} : memref<32x64xf32, #tpu.memory_space<vmem>>, vector<16xf32>,
    %get3A_986 = arith.constant 18 : i32
    %get3A_987 = arith.index_cast %get3A_986 : i32 to index
    %get3A_988 = arith.constant 48 : index
    %get3A_989 = tpu.vector_load %arg13[%get3A_987, %get3A_988] {strides = array<i32>} : memref<32x64xf32, #tpu.memory_space<vmem>>, vector<16xf32>,
    %get3A_990 = arith.constant 18 : i32
    %get3A_991 = arith.index_cast %get3A_990 : i32 to index
    %get3A_992 = arith.constant 48 : index
    %get3A_993 = tpu.vector_load %arg14[%get3A_991, %get3A_992] {strides = array<i32>} : memref<32x64xf32, #tpu.memory_space<vmem>>, vector<16xf32>,
    %add3A_994 = arith.addf %get3A_989, %get3A_993 : vector<16xf32>
    %swap3A_995 = arith.constant 18 : i32
    %swap3A_996 = arith.index_cast %swap3A_995 : i32 to index
    %swap3A_997 = arith.constant 48 : index
    %swap3A_998 = tpu.vector_load %arg15[%swap3A_996, %swap3A_997] {strides = array<i32>} : memref<32x64xf32, #tpu.memory_space<vmem>>, vector<16xf32>,
    tpu.vector_store %arg15[%swap3A_996, %swap3A_997], %add3A_994 {strides = array<i32>} : memref<32x64xf32, #tpu.memory_space<vmem>>, vector<16xf32>,
    %get3A_999 = arith.constant 19 : i32
    %get3A_1000 = arith.index_cast %get3A_999 : i32 to index
    %get3A_1001 = arith.constant 0 : index
    %get3A_1002 = tpu.vector_load %arg13[%get3A_1000, %get3A_1001] {strides = array<i32>} : memref<32x64xf32, #tpu.memory_space<vmem>>, vector<16xf32>,
    %get3A_1003 = arith.constant 19 : i32
    %get3A_1004 = arith.index_cast %get3A_1003 : i32 to index
    %get3A_1005 = arith.constant 0 : index
    %get3A_1006 = tpu.vector_load %arg14[%get3A_1004, %get3A_1005] {strides = array<i32>} : memref<32x64xf32, #tpu.memory_space<vmem>>, vector<16xf32>,
    %add3A_1007 = arith.addf %get3A_1002, %get3A_1006 : vector<16xf32>
    %swap3A_1008 = arith.constant 19 : i32
    %swap3A_1009 = arith.index_cast %swap3A_1008 : i32 to index
    %swap3A_1010 = arith.constant 0 : index
    %swap3A_1011 = tpu.vector_load %arg15[%swap3A_1009, %swap3A_1010] {strides = array<i32>} : memref<32x64xf32, #tpu.memory_space<vmem>>, vector<16xf32>,
    tpu.vector_store %arg15[%swap3A_1009, %swap3A_1010], %add3A_1007 {strides = array<i32>} : memref<32x64xf32, #tpu.memory_space<vmem>>, vector<16xf32>,
    %get3A_1012 = arith.constant 19 : i32
    %get3A_1013 = arith.index_cast %get3A_1012 : i32 to index
    %get3A_1014 = arith.constant 16 : index
    %get3A_1015 = tpu.vector_load %arg13[%get3A_1013, %get3A_1014] {strides = array<i32>} : memref<32x64xf32, #tpu.memory_space<vmem>>, vector<16xf32>,
    %get3A_1016 = arith.constant 19 : i32
    %get3A_1017 = arith.index_cast %get3A_1016 : i32 to index
    %get3A_1018 = arith.constant 16 : index
    %get3A_1019 = tpu.vector_load %arg14[%get3A_1017, %get3A_1018] {strides = array<i32>} : memref<32x64xf32, #tpu.memory_space<vmem>>, vector<16xf32>,
    %add3A_1020 = arith.addf %get3A_1015, %get3A_1019 : vector<16xf32>
    %swap3A_1021 = arith.constant 19 : i32
    %swap3A_1022 = arith.index_cast %swap3A_1021 : i32 to index
    %swap3A_1023 = arith.constant 16 : index
    %swap3A_1024 = tpu.vector_load %arg15[%swap3A_1022, %swap3A_1023] {strides = array<i32>} : memref<32x64xf32, #tpu.memory_space<vmem>>, vector<16xf32>,
    tpu.vector_store %arg15[%swap3A_1022, %swap3A_1023], %add3A_1020 {strides = array<i32>} : memref<32x64xf32, #tpu.memory_space<vmem>>, vector<16xf32>,
    %get3A_1025 = arith.constant 19 : i32
    %get3A_1026 = arith.index_cast %get3A_1025 : i32 to index
    %get3A_1027 = arith.constant 32 : index
    %get3A_1028 = tpu.vector_load %arg13[%get3A_1026, %get3A_1027] {strides = array<i32>} : memref<32x64xf32, #tpu.memory_space<vmem>>, vector<16xf32>,
    %get3A_1029 = arith.constant 19 : i32
    %get3A_1030 = arith.index_cast %get3A_1029 : i32 to index
    %get3A_1031 = arith.constant 32 : index
    %get3A_1032 = tpu.vector_load %arg14[%get3A_1030, %get3A_1031] {strides = array<i32>} : memref<32x64xf32, #tpu.memory_space<vmem>>, vector<16xf32>,
    %add3A_1033 = arith.addf %get3A_1028, %get3A_1032 : vector<16xf32>
    %swap3A_1034 = arith.constant 19 : i32
    %swap3A_1035 = arith.index_cast %swap3A_1034 : i32 to index
    %swap3A_1036 = arith.constant 32 : index
    %swap3A_1037 = tpu.vector_load %arg15[%swap3A_1035, %swap3A_1036] {strides = array<i32>} : memref<32x64xf32, #tpu.memory_space<vmem>>, vector<16xf32>,
    tpu.vector_store %arg15[%swap3A_1035, %swap3A_1036], %add3A_1033 {strides = array<i32>} : memref<32x64xf32, #tpu.memory_space<vmem>>, vector<16xf32>,
    %get3A_1038 = arith.constant 19 : i32
    %get3A_1039 = arith.index_cast %get3A_1038 : i32 to index
    %get3A_1040 = arith.constant 48 : index
    %get3A_1041 = tpu.vector_load %arg13[%get3A_1039, %get3A_1040] {strides = array<i32>} : memref<32x64xf32, #tpu.memory_space<vmem>>, vector<16xf32>,
    %get3A_1042 = arith.constant 19 : i32
    %get3A_1043 = arith.index_cast %get3A_1042 : i32 to index
    %get3A_1044 = arith.constant 48 : index
    %get3A_1045 = tpu.vector_load %arg14[%get3A_1043, %get3A_1044] {strides = array<i32>} : memref<32x64xf32, #tpu.memory_space<vmem>>, vector<16xf32>,
    %add3A_1046 = arith.addf %get3A_1041, %get3A_1045 : vector<16xf32>
    %swap3A_1047 = arith.constant 19 : i32
    %swap3A_1048 = arith.index_cast %swap3A_1047 : i32 to index
    %swap3A_1049 = arith.constant 48 : index
    %swap3A_1050 = tpu.vector_load %arg15[%swap3A_1048, %swap3A_1049] {strides = array<i32>} : memref<32x64xf32, #tpu.memory_space<vmem>>, vector<16xf32>,
    tpu.vector_store %arg15[%swap3A_1048, %swap3A_1049], %add3A_1046 {strides = array<i32>} : memref<32x64xf32, #tpu.memory_space<vmem>>, vector<16xf32>,
    %get3A_1051 = arith.constant 20 : i32
    %get3A_1052 = arith.index_cast %get3A_1051 : i32 to index
    %get3A_1053 = arith.constant 0 : index
    %get3A_1054 = tpu.vector_load %arg13[%get3A_1052, %get3A_1053] {strides = array<i32>} : memref<32x64xf32, #tpu.memory_space<vmem>>, vector<16xf32>,
    %get3A_1055 = arith.constant 20 : i32
    %get3A_1056 = arith.index_cast %get3A_1055 : i32 to index
    %get3A_1057 = arith.constant 0 : index
    %get3A_1058 = tpu.vector_load %arg14[%get3A_1056, %get3A_1057] {strides = array<i32>} : memref<32x64xf32, #tpu.memory_space<vmem>>, vector<16xf32>,
    %add3A_1059 = arith.addf %get3A_1054, %get3A_1058 : vector<16xf32>
    %swap3A_1060 = arith.constant 20 : i32
    %swap3A_1061 = arith.index_cast %swap3A_1060 : i32 to index
    %swap3A_1062 = arith.constant 0 : index
    %swap3A_1063 = tpu.vector_load %arg15[%swap3A_1061, %swap3A_1062] {strides = array<i32>} : memref<32x64xf32, #tpu.memory_space<vmem>>, vector<16xf32>,
    tpu.vector_store %arg15[%swap3A_1061, %swap3A_1062], %add3A_1059 {strides = array<i32>} : memref<32x64xf32, #tpu.memory_space<vmem>>, vector<16xf32>,
    %get3A_1064 = arith.constant 20 : i32
    %get3A_1065 = arith.index_cast %get3A_1064 : i32 to index
    %get3A_1066 = arith.constant 16 : index
    %get3A_1067 = tpu.vector_load %arg13[%get3A_1065, %get3A_1066] {strides = array<i32>} : memref<32x64xf32, #tpu.memory_space<vmem>>, vector<16xf32>,
    %get3A_1068 = arith.constant 20 : i32
    %get3A_1069 = arith.index_cast %get3A_1068 : i32 to index
    %get3A_1070 = arith.constant 16 : index
    %get3A_1071 = tpu.vector_load %arg14[%get3A_1069, %get3A_1070] {strides = array<i32>} : memref<32x64xf32, #tpu.memory_space<vmem>>, vector<16xf32>,
    %add3A_1072 = arith.addf %get3A_1067, %get3A_1071 : vector<16xf32>
    %swap3A_1073 = arith.constant 20 : i32
    %swap3A_1074 = arith.index_cast %swap3A_1073 : i32 to index
    %swap3A_1075 = arith.constant 16 : index
    %swap3A_1076 = tpu.vector_load %arg15[%swap3A_1074, %swap3A_1075] {strides = array<i32>} : memref<32x64xf32, #tpu.memory_space<vmem>>, vector<16xf32>,
    tpu.vector_store %arg15[%swap3A_1074, %swap3A_1075], %add3A_1072 {strides = array<i32>} : memref<32x64xf32, #tpu.memory_space<vmem>>, vector<16xf32>,
    %get3A_1077 = arith.constant 20 : i32
    %get3A_1078 = arith.index_cast %get3A_1077 : i32 to index
    %get3A_1079 = arith.constant 32 : index
    %get3A_1080 = tpu.vector_load %arg13[%get3A_1078, %get3A_1079] {strides = array<i32>} : memref<32x64xf32, #tpu.memory_space<vmem>>, vector<16xf32>,
    %get3A_1081 = arith.constant 20 : i32
    %get3A_1082 = arith.index_cast %get3A_1081 : i32 to index
    %get3A_1083 = arith.constant 32 : index
    %get3A_1084 = tpu.vector_load %arg14[%get3A_1082, %get3A_1083] {strides = array<i32>} : memref<32x64xf32, #tpu.memory_space<vmem>>, vector<16xf32>,
    %add3A_1085 = arith.addf %get3A_1080, %get3A_1084 : vector<16xf32>
    %swap3A_1086 = arith.constant 20 : i32
    %swap3A_1087 = arith.index_cast %swap3A_1086 : i32 to index
    %swap3A_1088 = arith.constant 32 : index
    %swap3A_1089 = tpu.vector_load %arg15[%swap3A_1087, %swap3A_1088] {strides = array<i32>} : memref<32x64xf32, #tpu.memory_space<vmem>>, vector<16xf32>,
    tpu.vector_store %arg15[%swap3A_1087, %swap3A_1088], %add3A_1085 {strides = array<i32>} : memref<32x64xf32, #tpu.memory_space<vmem>>, vector<16xf32>,
    %get3A_1090 = arith.constant 20 : i32
    %get3A_1091 = arith.index_cast %get3A_1090 : i32 to index
    %get3A_1092 = arith.constant 48 : index
    %get3A_1093 = tpu.vector_load %arg13[%get3A_1091, %get3A_1092] {strides = array<i32>} : memref<32x64xf32, #tpu.memory_space<vmem>>, vector<16xf32>,
    %get3A_1094 = arith.constant 20 : i32
    %get3A_1095 = arith.index_cast %get3A_1094 : i32 to index
    %get3A_1096 = arith.constant 48 : index
    %get3A_1097 = tpu.vector_load %arg14[%get3A_1095, %get3A_1096] {strides = array<i32>} : memref<32x64xf32, #tpu.memory_space<vmem>>, vector<16xf32>,
    %add3A_1098 = arith.addf %get3A_1093, %get3A_1097 : vector<16xf32>
    %swap3A_1099 = arith.constant 20 : i32
    %swap3A_1100 = arith.index_cast %swap3A_1099 : i32 to index
    %swap3A_1101 = arith.constant 48 : index
    %swap3A_1102 = tpu.vector_load %arg15[%swap3A_1100, %swap3A_1101] {strides = array<i32>} : memref<32x64xf32, #tpu.memory_space<vmem>>, vector<16xf32>,
    tpu.vector_store %arg15[%swap3A_1100, %swap3A_1101], %add3A_1098 {strides = array<i32>} : memref<32x64xf32, #tpu.memory_space<vmem>>, vector<16xf32>,
    %get3A_1103 = arith.constant 21 : i32
    %get3A_1104 = arith.index_cast %get3A_1103 : i32 to index
    %get3A_1105 = arith.constant 0 : index
    %get3A_1106 = tpu.vector_load %arg13[%get3A_1104, %get3A_1105] {strides = array<i32>} : memref<32x64xf32, #tpu.memory_space<vmem>>, vector<16xf32>,
    %get3A_1107 = arith.constant 21 : i32
    %get3A_1108 = arith.index_cast %get3A_1107 : i32 to index
    %get3A_1109 = arith.constant 0 : index
    %get3A_1110 = tpu.vector_load %arg14[%get3A_1108, %get3A_1109] {strides = array<i32>} : memref<32x64xf32, #tpu.memory_space<vmem>>, vector<16xf32>,
    %add3A_1111 = arith.addf %get3A_1106, %get3A_1110 : vector<16xf32>
    %swap3A_1112 = arith.constant 21 : i32
    %swap3A_1113 = arith.index_cast %swap3A_1112 : i32 to index
    %swap3A_1114 = arith.constant 0 : index
    %swap3A_1115 = tpu.vector_load %arg15[%swap3A_1113, %swap3A_1114] {strides = array<i32>} : memref<32x64xf32, #tpu.memory_space<vmem>>, vector<16xf32>,
    tpu.vector_store %arg15[%swap3A_1113, %swap3A_1114], %add3A_1111 {strides = array<i32>} : memref<32x64xf32, #tpu.memory_space<vmem>>, vector<16xf32>,
    %get3A_1116 = arith.constant 21 : i32
    %get3A_1117 = arith.index_cast %get3A_1116 : i32 to index
    %get3A_1118 = arith.constant 16 : index
    %get3A_1119 = tpu.vector_load %arg13[%get3A_1117, %get3A_1118] {strides = array<i32>} : memref<32x64xf32, #tpu.memory_space<vmem>>, vector<16xf32>,
    %get3A_1120 = arith.constant 21 : i32
    %get3A_1121 = arith.index_cast %get3A_1120 : i32 to index
    %get3A_1122 = arith.constant 16 : index
    %get3A_1123 = tpu.vector_load %arg14[%get3A_1121, %get3A_1122] {strides = array<i32>} : memref<32x64xf32, #tpu.memory_space<vmem>>, vector<16xf32>,
    %add3A_1124 = arith.addf %get3A_1119, %get3A_1123 : vector<16xf32>
    %swap3A_1125 = arith.constant 21 : i32
    %swap3A_1126 = arith.index_cast %swap3A_1125 : i32 to index
    %swap3A_1127 = arith.constant 16 : index
    %swap3A_1128 = tpu.vector_load %arg15[%swap3A_1126, %swap3A_1127] {strides = array<i32>} : memref<32x64xf32, #tpu.memory_space<vmem>>, vector<16xf32>,
    tpu.vector_store %arg15[%swap3A_1126, %swap3A_1127], %add3A_1124 {strides = array<i32>} : memref<32x64xf32, #tpu.memory_space<vmem>>, vector<16xf32>,
    %get3A_1129 = arith.constant 21 : i32
    %get3A_1130 = arith.index_cast %get3A_1129 : i32 to index
    %get3A_1131 = arith.constant 32 : index
    %get3A_1132 = tpu.vector_load %arg13[%get3A_1130, %get3A_1131] {strides = array<i32>} : memref<32x64xf32, #tpu.memory_space<vmem>>, vector<16xf32>,
    %get3A_1133 = arith.constant 21 : i32
    %get3A_1134 = arith.index_cast %get3A_1133 : i32 to index
    %get3A_1135 = arith.constant 32 : index
    %get3A_1136 = tpu.vector_load %arg14[%get3A_1134, %get3A_1135] {strides = array<i32>} : memref<32x64xf32, #tpu.memory_space<vmem>>, vector<16xf32>,
    %add3A_1137 = arith.addf %get3A_1132, %get3A_1136 : vector<16xf32>
    %swap3A_1138 = arith.constant 21 : i32
    %swap3A_1139 = arith.index_cast %swap3A_1138 : i32 to index
    %swap3A_1140 = arith.constant 32 : index
    %swap3A_1141 = tpu.vector_load %arg15[%swap3A_1139, %swap3A_1140] {strides = array<i32>} : memref<32x64xf32, #tpu.memory_space<vmem>>, vector<16xf32>,
    tpu.vector_store %arg15[%swap3A_1139, %swap3A_1140], %add3A_1137 {strides = array<i32>} : memref<32x64xf32, #tpu.memory_space<vmem>>, vector<16xf32>,
    %get3A_1142 = arith.constant 21 : i32
    %get3A_1143 = arith.index_cast %get3A_1142 : i32 to index
    %get3A_1144 = arith.constant 48 : index
    %get3A_1145 = tpu.vector_load %arg13[%get3A_1143, %get3A_1144] {strides = array<i32>} : memref<32x64xf32, #tpu.memory_space<vmem>>, vector<16xf32>,
    %get3A_1146 = arith.constant 21 : i32
    %get3A_1147 = arith.index_cast %get3A_1146 : i32 to index
    %get3A_1148 = arith.constant 48 : index
    %get3A_1149 = tpu.vector_load %arg14[%get3A_1147, %get3A_1148] {strides = array<i32>} : memref<32x64xf32, #tpu.memory_space<vmem>>, vector<16xf32>,
    %add3A_1150 = arith.addf %get3A_1145, %get3A_1149 : vector<16xf32>
    %swap3A_1151 = arith.constant 21 : i32
    %swap3A_1152 = arith.index_cast %swap3A_1151 : i32 to index
    %swap3A_1153 = arith.constant 48 : index
    %swap3A_1154 = tpu.vector_load %arg15[%swap3A_1152, %swap3A_1153] {strides = array<i32>} : memref<32x64xf32, #tpu.memory_space<vmem>>, vector<16xf32>,
    tpu.vector_store %arg15[%swap3A_1152, %swap3A_1153], %add3A_1150 {strides = array<i32>} : memref<32x64xf32, #tpu.memory_space<vmem>>, vector<16xf32>,
    %get3A_1155 = arith.constant 22 : i32
    %get3A_1156 = arith.index_cast %get3A_1155 : i32 to index
    %get3A_1157 = arith.constant 0 : index
    %get3A_1158 = tpu.vector_load %arg13[%get3A_1156, %get3A_1157] {strides = array<i32>} : memref<32x64xf32, #tpu.memory_space<vmem>>, vector<16xf32>,
    %get3A_1159 = arith.constant 22 : i32
    %get3A_1160 = arith.index_cast %get3A_1159 : i32 to index
    %get3A_1161 = arith.constant 0 : index
    %get3A_1162 = tpu.vector_load %arg14[%get3A_1160, %get3A_1161] {strides = array<i32>} : memref<32x64xf32, #tpu.memory_space<vmem>>, vector<16xf32>,
    %add3A_1163 = arith.addf %get3A_1158, %get3A_1162 : vector<16xf32>
    %swap3A_1164 = arith.constant 22 : i32
    %swap3A_1165 = arith.index_cast %swap3A_1164 : i32 to index
    %swap3A_1166 = arith.constant 0 : index
    %swap3A_1167 = tpu.vector_load %arg15[%swap3A_1165, %swap3A_1166] {strides = array<i32>} : memref<32x64xf32, #tpu.memory_space<vmem>>, vector<16xf32>,
    tpu.vector_store %arg15[%swap3A_1165, %swap3A_1166], %add3A_1163 {strides = array<i32>} : memref<32x64xf32, #tpu.memory_space<vmem>>, vector<16xf32>,
    %get3A_1168 = arith.constant 22 : i32
    %get3A_1169 = arith.index_cast %get3A_1168 : i32 to index
    %get3A_1170 = arith.constant 16 : index
    %get3A_1171 = tpu.vector_load %arg13[%get3A_1169, %get3A_1170] {strides = array<i32>} : memref<32x64xf32, #tpu.memory_space<vmem>>, vector<16xf32>,
    %get3A_1172 = arith.constant 22 : i32
    %get3A_1173 = arith.index_cast %get3A_1172 : i32 to index
    %get3A_1174 = arith.constant 16 : index
    %get3A_1175 = tpu.vector_load %arg14[%get3A_1173, %get3A_1174] {strides = array<i32>} : memref<32x64xf32, #tpu.memory_space<vmem>>, vector<16xf32>,
    %add3A_1176 = arith.addf %get3A_1171, %get3A_1175 : vector<16xf32>
    %swap3A_1177 = arith.constant 22 : i32
    %swap3A_1178 = arith.index_cast %swap3A_1177 : i32 to index
    %swap3A_1179 = arith.constant 16 : index
    %swap3A_1180 = tpu.vector_load %arg15[%swap3A_1178, %swap3A_1179] {strides = array<i32>} : memref<32x64xf32, #tpu.memory_space<vmem>>, vector<16xf32>,
    tpu.vector_store %arg15[%swap3A_1178, %swap3A_1179], %add3A_1176 {strides = array<i32>} : memref<32x64xf32, #tpu.memory_space<vmem>>, vector<16xf32>,
    %get3A_1181 = arith.constant 22 : i32
    %get3A_1182 = arith.index_cast %get3A_1181 : i32 to index
    %get3A_1183 = arith.constant 32 : index
    %get3A_1184 = tpu.vector_load %arg13[%get3A_1182, %get3A_1183] {strides = array<i32>} : memref<32x64xf32, #tpu.memory_space<vmem>>, vector<16xf32>,
    %get3A_1185 = arith.constant 22 : i32
    %get3A_1186 = arith.index_cast %get3A_1185 : i32 to index
    %get3A_1187 = arith.constant 32 : index
    %get3A_1188 = tpu.vector_load %arg14[%get3A_1186, %get3A_1187] {strides = array<i32>} : memref<32x64xf32, #tpu.memory_space<vmem>>, vector<16xf32>,
    %add3A_1189 = arith.addf %get3A_1184, %get3A_1188 : vector<16xf32>
    %swap3A_1190 = arith.constant 22 : i32
    %swap3A_1191 = arith.index_cast %swap3A_1190 : i32 to index
    %swap3A_1192 = arith.constant 32 : index
    %swap3A_1193 = tpu.vector_load %arg15[%swap3A_1191, %swap3A_1192] {strides = array<i32>} : memref<32x64xf32, #tpu.memory_space<vmem>>, vector<16xf32>,
    tpu.vector_store %arg15[%swap3A_1191, %swap3A_1192], %add3A_1189 {strides = array<i32>} : memref<32x64xf32, #tpu.memory_space<vmem>>, vector<16xf32>,
    %get3A_1194 = arith.constant 22 : i32
    %get3A_1195 = arith.index_cast %get3A_1194 : i32 to index
    %get3A_1196 = arith.constant 48 : index
    %get3A_1197 = tpu.vector_load %arg13[%get3A_1195, %get3A_1196] {strides = array<i32>} : memref<32x64xf32, #tpu.memory_space<vmem>>, vector<16xf32>,
    %get3A_1198 = arith.constant 22 : i32
    %get3A_1199 = arith.index_cast %get3A_1198 : i32 to index
    %get3A_1200 = arith.constant 48 : index
    %get3A_1201 = tpu.vector_load %arg14[%get3A_1199, %get3A_1200] {strides = array<i32>} : memref<32x64xf32, #tpu.memory_space<vmem>>, vector<16xf32>,
    %add3A_1202 = arith.addf %get3A_1197, %get3A_1201 : vector<16xf32>
    %swap3A_1203 = arith.constant 22 : i32
    %swap3A_1204 = arith.index_cast %swap3A_1203 : i32 to index
    %swap3A_1205 = arith.constant 48 : index
    %swap3A_1206 = tpu.vector_load %arg15[%swap3A_1204, %swap3A_1205] {strides = array<i32>} : memref<32x64xf32, #tpu.memory_space<vmem>>, vector<16xf32>,
    tpu.vector_store %arg15[%swap3A_1204, %swap3A_1205], %add3A_1202 {strides = array<i32>} : memref<32x64xf32, #tpu.memory_space<vmem>>, vector<16xf32>,
    %get3A_1207 = arith.constant 23 : i32
    %get3A_1208 = arith.index_cast %get3A_1207 : i32 to index
    %get3A_1209 = arith.constant 0 : index
    %get3A_1210 = tpu.vector_load %arg13[%get3A_1208, %get3A_1209] {strides = array<i32>} : memref<32x64xf32, #tpu.memory_space<vmem>>, vector<16xf32>,
    %get3A_1211 = arith.constant 23 : i32
    %get3A_1212 = arith.index_cast %get3A_1211 : i32 to index
    %get3A_1213 = arith.constant 0 : index
    %get3A_1214 = tpu.vector_load %arg14[%get3A_1212, %get3A_1213] {strides = array<i32>} : memref<32x64xf32, #tpu.memory_space<vmem>>, vector<16xf32>,
    %add3A_1215 = arith.addf %get3A_1210, %get3A_1214 : vector<16xf32>
    %swap3A_1216 = arith.constant 23 : i32
    %swap3A_1217 = arith.index_cast %swap3A_1216 : i32 to index
    %swap3A_1218 = arith.constant 0 : index
    %swap3A_1219 = tpu.vector_load %arg15[%swap3A_1217, %swap3A_1218] {strides = array<i32>} : memref<32x64xf32, #tpu.memory_space<vmem>>, vector<16xf32>,
    tpu.vector_store %arg15[%swap3A_1217, %swap3A_1218], %add3A_1215 {strides = array<i32>} : memref<32x64xf32, #tpu.memory_space<vmem>>, vector<16xf32>,
    %get3A_1220 = arith.constant 23 : i32
    %get3A_1221 = arith.index_cast %get3A_1220 : i32 to index
    %get3A_1222 = arith.constant 16 : index
    %get3A_1223 = tpu.vector_load %arg13[%get3A_1221, %get3A_1222] {strides = array<i32>} : memref<32x64xf32, #tpu.memory_space<vmem>>, vector<16xf32>,
    %get3A_1224 = arith.constant 23 : i32
    %get3A_1225 = arith.index_cast %get3A_1224 : i32 to index
    %get3A_1226 = arith.constant 16 : index
    %get3A_1227 = tpu.vector_load %arg14[%get3A_1225, %get3A_1226] {strides = array<i32>} : memref<32x64xf32, #tpu.memory_space<vmem>>, vector<16xf32>,
    %add3A_1228 = arith.addf %get3A_1223, %get3A_1227 : vector<16xf32>
    %swap3A_1229 = arith.constant 23 : i32
    %swap3A_1230 = arith.index_cast %swap3A_1229 : i32 to index
    %swap3A_1231 = arith.constant 16 : index
    %swap3A_1232 = tpu.vector_load %arg15[%swap3A_1230, %swap3A_1231] {strides = array<i32>} : memref<32x64xf32, #tpu.memory_space<vmem>>, vector<16xf32>,
    tpu.vector_store %arg15[%swap3A_1230, %swap3A_1231], %add3A_1228 {strides = array<i32>} : memref<32x64xf32, #tpu.memory_space<vmem>>, vector<16xf32>,
    %get3A_1233 = arith.constant 23 : i32
    %get3A_1234 = arith.index_cast %get3A_1233 : i32 to index
    %get3A_1235 = arith.constant 32 : index
    %get3A_1236 = tpu.vector_load %arg13[%get3A_1234, %get3A_1235] {strides = array<i32>} : memref<32x64xf32, #tpu.memory_space<vmem>>, vector<16xf32>,
    %get3A_1237 = arith.constant 23 : i32
    %get3A_1238 = arith.index_cast %get3A_1237 : i32 to index
    %get3A_1239 = arith.constant 32 : index
    %get3A_1240 = tpu.vector_load %arg14[%get3A_1238, %get3A_1239] {strides = array<i32>} : memref<32x64xf32, #tpu.memory_space<vmem>>, vector<16xf32>,
    %add3A_1241 = arith.addf %get3A_1236, %get3A_1240 : vector<16xf32>
    %swap3A_1242 = arith.constant 23 : i32
    %swap3A_1243 = arith.index_cast %swap3A_1242 : i32 to index
    %swap3A_1244 = arith.constant 32 : index
    %swap3A_1245 = tpu.vector_load %arg15[%swap3A_1243, %swap3A_1244] {strides = array<i32>} : memref<32x64xf32, #tpu.memory_space<vmem>>, vector<16xf32>,
    tpu.vector_store %arg15[%swap3A_1243, %swap3A_1244], %add3A_1241 {strides = array<i32>} : memref<32x64xf32, #tpu.memory_space<vmem>>, vector<16xf32>,
    %get3A_1246 = arith.constant 23 : i32
    %get3A_1247 = arith.index_cast %get3A_1246 : i32 to index
    %get3A_1248 = arith.constant 48 : index
    %get3A_1249 = tpu.vector_load %arg13[%get3A_1247, %get3A_1248] {strides = array<i32>} : memref<32x64xf32, #tpu.memory_space<vmem>>, vector<16xf32>,
    %get3A_1250 = arith.constant 23 : i32
    %get3A_1251 = arith.index_cast %get3A_1250 : i32 to index
    %get3A_1252 = arith.constant 48 : index
    %get3A_1253 = tpu.vector_load %arg14[%get3A_1251, %get3A_1252] {strides = array<i32>} : memref<32x64xf32, #tpu.memory_space<vmem>>, vector<16xf32>,
    %add3A_1254 = arith.addf %get3A_1249, %get3A_1253 : vector<16xf32>
    %swap3A_1255 = arith.constant 23 : i32
    %swap3A_1256 = arith.index_cast %swap3A_1255 : i32 to index
    %swap3A_1257 = arith.constant 48 : index
    %swap3A_1258 = tpu.vector_load %arg15[%swap3A_1256, %swap3A_1257] {strides = array<i32>} : memref<32x64xf32, #tpu.memory_space<vmem>>, vector<16xf32>,
    tpu.vector_store %arg15[%swap3A_1256, %swap3A_1257], %add3A_1254 {strides = array<i32>} : memref<32x64xf32, #tpu.memory_space<vmem>>, vector<16xf32>,
    %get3A_1259 = arith.constant 24 : i32
    %get3A_1260 = arith.index_cast %get3A_1259 : i32 to index
    %get3A_1261 = arith.constant 0 : index
    %get3A_1262 = tpu.vector_load %arg13[%get3A_1260, %get3A_1261] {strides = array<i32>} : memref<32x64xf32, #tpu.memory_space<vmem>>, vector<16xf32>,
    %get3A_1263 = arith.constant 24 : i32
    %get3A_1264 = arith.index_cast %get3A_1263 : i32 to index
    %get3A_1265 = arith.constant 0 : index
    %get3A_1266 = tpu.vector_load %arg14[%get3A_1264, %get3A_1265] {strides = array<i32>} : memref<32x64xf32, #tpu.memory_space<vmem>>, vector<16xf32>,
    %add3A_1267 = arith.addf %get3A_1262, %get3A_1266 : vector<16xf32>
    %swap3A_1268 = arith.constant 24 : i32
    %swap3A_1269 = arith.index_cast %swap3A_1268 : i32 to index
    %swap3A_1270 = arith.constant 0 : index
    %swap3A_1271 = tpu.vector_load %arg15[%swap3A_1269, %swap3A_1270] {strides = array<i32>} : memref<32x64xf32, #tpu.memory_space<vmem>>, vector<16xf32>,
    tpu.vector_store %arg15[%swap3A_1269, %swap3A_1270], %add3A_1267 {strides = array<i32>} : memref<32x64xf32, #tpu.memory_space<vmem>>, vector<16xf32>,
    %get3A_1272 = arith.constant 24 : i32
    %get3A_1273 = arith.index_cast %get3A_1272 : i32 to index
    %get3A_1274 = arith.constant 16 : index
    %get3A_1275 = tpu.vector_load %arg13[%get3A_1273, %get3A_1274] {strides = array<i32>} : memref<32x64xf32, #tpu.memory_space<vmem>>, vector<16xf32>,
    %get3A_1276 = arith.constant 24 : i32
    %get3A_1277 = arith.index_cast %get3A_1276 : i32 to index
    %get3A_1278 = arith.constant 16 : index
    %get3A_1279 = tpu.vector_load %arg14[%get3A_1277, %get3A_1278] {strides = array<i32>} : memref<32x64xf32, #tpu.memory_space<vmem>>, vector<16xf32>,
    %add3A_1280 = arith.addf %get3A_1275, %get3A_1279 : vector<16xf32>
    %swap3A_1281 = arith.constant 24 : i32
    %swap3A_1282 = arith.index_cast %swap3A_1281 : i32 to index
    %swap3A_1283 = arith.constant 16 : index
    %swap3A_1284 = tpu.vector_load %arg15[%swap3A_1282, %swap3A_1283] {strides = array<i32>} : memref<32x64xf32, #tpu.memory_space<vmem>>, vector<16xf32>,
    tpu.vector_store %arg15[%swap3A_1282, %swap3A_1283], %add3A_1280 {strides = array<i32>} : memref<32x64xf32, #tpu.memory_space<vmem>>, vector<16xf32>,
    %get3A_1285 = arith.constant 24 : i32
    %get3A_1286 = arith.index_cast %get3A_1285 : i32 to index
    %get3A_1287 = arith.constant 32 : index
    %get3A_1288 = tpu.vector_load %arg13[%get3A_1286, %get3A_1287] {strides = array<i32>} : memref<32x64xf32, #tpu.memory_space<vmem>>, vector<16xf32>,
    %get3A_1289 = arith.constant 24 : i32
    %get3A_1290 = arith.index_cast %get3A_1289 : i32 to index
    %get3A_1291 = arith.constant 32 : index
    %get3A_1292 = tpu.vector_load %arg14[%get3A_1290, %get3A_1291] {strides = array<i32>} : memref<32x64xf32, #tpu.memory_space<vmem>>, vector<16xf32>,
    %add3A_1293 = arith.addf %get3A_1288, %get3A_1292 : vector<16xf32>
    %swap3A_1294 = arith.constant 24 : i32
    %swap3A_1295 = arith.index_cast %swap3A_1294 : i32 to index
    %swap3A_1296 = arith.constant 32 : index
    %swap3A_1297 = tpu.vector_load %arg15[%swap3A_1295, %swap3A_1296] {strides = array<i32>} : memref<32x64xf32, #tpu.memory_space<vmem>>, vector<16xf32>,
    tpu.vector_store %arg15[%swap3A_1295, %swap3A_1296], %add3A_1293 {strides = array<i32>} : memref<32x64xf32, #tpu.memory_space<vmem>>, vector<16xf32>,
    %get3A_1298 = arith.constant 24 : i32
    %get3A_1299 = arith.index_cast %get3A_1298 : i32 to index
    %get3A_1300 = arith.constant 48 : index
    %get3A_1301 = tpu.vector_load %arg13[%get3A_1299, %get3A_1300] {strides = array<i32>} : memref<32x64xf32, #tpu.memory_space<vmem>>, vector<16xf32>,
    %get3A_1302 = arith.constant 24 : i32
    %get3A_1303 = arith.index_cast %get3A_1302 : i32 to index
    %get3A_1304 = arith.constant 48 : index
    %get3A_1305 = tpu.vector_load %arg14[%get3A_1303, %get3A_1304] {strides = array<i32>} : memref<32x64xf32, #tpu.memory_space<vmem>>, vector<16xf32>,
    %add3A_1306 = arith.addf %get3A_1301, %get3A_1305 : vector<16xf32>
    %swap3A_1307 = arith.constant 24 : i32
    %swap3A_1308 = arith.index_cast %swap3A_1307 : i32 to index
    %swap3A_1309 = arith.constant 48 : index
    %swap3A_1310 = tpu.vector_load %arg15[%swap3A_1308, %swap3A_1309] {strides = array<i32>} : memref<32x64xf32, #tpu.memory_space<vmem>>, vector<16xf32>,
    tpu.vector_store %arg15[%swap3A_1308, %swap3A_1309], %add3A_1306 {strides = array<i32>} : memref<32x64xf32, #tpu.memory_space<vmem>>, vector<16xf32>,
    %get3A_1311 = arith.constant 25 : i32
    %get3A_1312 = arith.index_cast %get3A_1311 : i32 to index
    %get3A_1313 = arith.constant 0 : index
    %get3A_1314 = tpu.vector_load %arg13[%get3A_1312, %get3A_1313] {strides = array<i32>} : memref<32x64xf32, #tpu.memory_space<vmem>>, vector<16xf32>,
    %get3A_1315 = arith.constant 25 : i32
    %get3A_1316 = arith.index_cast %get3A_1315 : i32 to index
    %get3A_1317 = arith.constant 0 : index
    %get3A_1318 = tpu.vector_load %arg14[%get3A_1316, %get3A_1317] {strides = array<i32>} : memref<32x64xf32, #tpu.memory_space<vmem>>, vector<16xf32>,
    %add3A_1319 = arith.addf %get3A_1314, %get3A_1318 : vector<16xf32>
    %swap3A_1320 = arith.constant 25 : i32
    %swap3A_1321 = arith.index_cast %swap3A_1320 : i32 to index
    %swap3A_1322 = arith.constant 0 : index
    %swap3A_1323 = tpu.vector_load %arg15[%swap3A_1321, %swap3A_1322] {strides = array<i32>} : memref<32x64xf32, #tpu.memory_space<vmem>>, vector<16xf32>,
    tpu.vector_store %arg15[%swap3A_1321, %swap3A_1322], %add3A_1319 {strides = array<i32>} : memref<32x64xf32, #tpu.memory_space<vmem>>, vector<16xf32>,
    %get3A_1324 = arith.constant 25 : i32
    %get3A_1325 = arith.index_cast %get3A_1324 : i32 to index
    %get3A_1326 = arith.constant 16 : index
    %get3A_1327 = tpu.vector_load %arg13[%get3A_1325, %get3A_1326] {strides = array<i32>} : memref<32x64xf32, #tpu.memory_space<vmem>>, vector<16xf32>,
    %get3A_1328 = arith.constant 25 : i32
    %get3A_1329 = arith.index_cast %get3A_1328 : i32 to index
    %get3A_1330 = arith.constant 16 : index
    %get3A_1331 = tpu.vector_load %arg14[%get3A_1329, %get3A_1330] {strides = array<i32>} : memref<32x64xf32, #tpu.memory_space<vmem>>, vector<16xf32>,
    %add3A_1332 = arith.addf %get3A_1327, %get3A_1331 : vector<16xf32>
    %swap3A_1333 = arith.constant 25 : i32
    %swap3A_1334 = arith.index_cast %swap3A_1333 : i32 to index
    %swap3A_1335 = arith.constant 16 : index
    %swap3A_1336 = tpu.vector_load %arg15[%swap3A_1334, %swap3A_1335] {strides = array<i32>} : memref<32x64xf32, #tpu.memory_space<vmem>>, vector<16xf32>,
    tpu.vector_store %arg15[%swap3A_1334, %swap3A_1335], %add3A_1332 {strides = array<i32>} : memref<32x64xf32, #tpu.memory_space<vmem>>, vector<16xf32>,
    %get3A_1337 = arith.constant 25 : i32
    %get3A_1338 = arith.index_cast %get3A_1337 : i32 to index
    %get3A_1339 = arith.constant 32 : index
    %get3A_1340 = tpu.vector_load %arg13[%get3A_1338, %get3A_1339] {strides = array<i32>} : memref<32x64xf32, #tpu.memory_space<vmem>>, vector<16xf32>,
    %get3A_1341 = arith.constant 25 : i32
    %get3A_1342 = arith.index_cast %get3A_1341 : i32 to index
    %get3A_1343 = arith.constant 32 : index
    %get3A_1344 = tpu.vector_load %arg14[%get3A_1342, %get3A_1343] {strides = array<i32>} : memref<32x64xf32, #tpu.memory_space<vmem>>, vector<16xf32>,
    %add3A_1345 = arith.addf %get3A_1340, %get3A_1344 : vector<16xf32>
    %swap3A_1346 = arith.constant 25 : i32
    %swap3A_1347 = arith.index_cast %swap3A_1346 : i32 to index
    %swap3A_1348 = arith.constant 32 : index
    %swap3A_1349 = tpu.vector_load %arg15[%swap3A_1347, %swap3A_1348] {strides = array<i32>} : memref<32x64xf32, #tpu.memory_space<vmem>>, vector<16xf32>,
    tpu.vector_store %arg15[%swap3A_1347, %swap3A_1348], %add3A_1345 {strides = array<i32>} : memref<32x64xf32, #tpu.memory_space<vmem>>, vector<16xf32>,
    %get3A_1350 = arith.constant 25 : i32
    %get3A_1351 = arith.index_cast %get3A_1350 : i32 to index
    %get3A_1352 = arith.constant 48 : index
    %get3A_1353 = tpu.vector_load %arg13[%get3A_1351, %get3A_1352] {strides = array<i32>} : memref<32x64xf32, #tpu.memory_space<vmem>>, vector<16xf32>,
    %get3A_1354 = arith.constant 25 : i32
    %get3A_1355 = arith.index_cast %get3A_1354 : i32 to index
    %get3A_1356 = arith.constant 48 : index
    %get3A_1357 = tpu.vector_load %arg14[%get3A_1355, %get3A_1356] {strides = array<i32>} : memref<32x64xf32, #tpu.memory_space<vmem>>, vector<16xf32>,
    %add3A_1358 = arith.addf %get3A_1353, %get3A_1357 : vector<16xf32>
    %swap3A_1359 = arith.constant 25 : i32
    %swap3A_1360 = arith.index_cast %swap3A_1359 : i32 to index
    %swap3A_1361 = arith.constant 48 : index
    %swap3A_1362 = tpu.vector_load %arg15[%swap3A_1360, %swap3A_1361] {strides = array<i32>} : memref<32x64xf32, #tpu.memory_space<vmem>>, vector<16xf32>,
    tpu.vector_store %arg15[%swap3A_1360, %swap3A_1361], %add3A_1358 {strides = array<i32>} : memref<32x64xf32, #tpu.memory_space<vmem>>, vector<16xf32>,
    %get3A_1363 = arith.constant 26 : i32
    %get3A_1364 = arith.index_cast %get3A_1363 : i32 to index
    %get3A_1365 = arith.constant 0 : index
    %get3A_1366 = tpu.vector_load %arg13[%get3A_1364, %get3A_1365] {strides = array<i32>} : memref<32x64xf32, #tpu.memory_space<vmem>>, vector<16xf32>,
    %get3A_1367 = arith.constant 26 : i32
    %get3A_1368 = arith.index_cast %get3A_1367 : i32 to index
    %get3A_1369 = arith.constant 0 : index
    %get3A_1370 = tpu.vector_load %arg14[%get3A_1368, %get3A_1369] {strides = array<i32>} : memref<32x64xf32, #tpu.memory_space<vmem>>, vector<16xf32>,
    %add3A_1371 = arith.addf %get3A_1366, %get3A_1370 : vector<16xf32>
    %swap3A_1372 = arith.constant 26 : i32
    %swap3A_1373 = arith.index_cast %swap3A_1372 : i32 to index
    %swap3A_1374 = arith.constant 0 : index
    %swap3A_1375 = tpu.vector_load %arg15[%swap3A_1373, %swap3A_1374] {strides = array<i32>} : memref<32x64xf32, #tpu.memory_space<vmem>>, vector<16xf32>,
    tpu.vector_store %arg15[%swap3A_1373, %swap3A_1374], %add3A_1371 {strides = array<i32>} : memref<32x64xf32, #tpu.memory_space<vmem>>, vector<16xf32>,
    %get3A_1376 = arith.constant 26 : i32
    %get3A_1377 = arith.index_cast %get3A_1376 : i32 to index
    %get3A_1378 = arith.constant 16 : index
    %get3A_1379 = tpu.vector_load %arg13[%get3A_1377, %get3A_1378] {strides = array<i32>} : memref<32x64xf32, #tpu.memory_space<vmem>>, vector<16xf32>,
    %get3A_1380 = arith.constant 26 : i32
    %get3A_1381 = arith.index_cast %get3A_1380 : i32 to index
    %get3A_1382 = arith.constant 16 : index
    %get3A_1383 = tpu.vector_load %arg14[%get3A_1381, %get3A_1382] {strides = array<i32>} : memref<32x64xf32, #tpu.memory_space<vmem>>, vector<16xf32>,
    %add3A_1384 = arith.addf %get3A_1379, %get3A_1383 : vector<16xf32>
    %swap3A_1385 = arith.constant 26 : i32
    %swap3A_1386 = arith.index_cast %swap3A_1385 : i32 to index
    %swap3A_1387 = arith.constant 16 : index
    %swap3A_1388 = tpu.vector_load %arg15[%swap3A_1386, %swap3A_1387] {strides = array<i32>} : memref<32x64xf32, #tpu.memory_space<vmem>>, vector<16xf32>,
    tpu.vector_store %arg15[%swap3A_1386, %swap3A_1387], %add3A_1384 {strides = array<i32>} : memref<32x64xf32, #tpu.memory_space<vmem>>, vector<16xf32>,
    %get3A_1389 = arith.constant 26 : i32
    %get3A_1390 = arith.index_cast %get3A_1389 : i32 to index
    %get3A_1391 = arith.constant 32 : index
    %get3A_1392 = tpu.vector_load %arg13[%get3A_1390, %get3A_1391] {strides = array<i32>} : memref<32x64xf32, #tpu.memory_space<vmem>>, vector<16xf32>,
    %get3A_1393 = arith.constant 26 : i32
    %get3A_1394 = arith.index_cast %get3A_1393 : i32 to index
    %get3A_1395 = arith.constant 32 : index
    %get3A_1396 = tpu.vector_load %arg14[%get3A_1394, %get3A_1395] {strides = array<i32>} : memref<32x64xf32, #tpu.memory_space<vmem>>, vector<16xf32>,
    %add3A_1397 = arith.addf %get3A_1392, %get3A_1396 : vector<16xf32>
    %swap3A_1398 = arith.constant 26 : i32
    %swap3A_1399 = arith.index_cast %swap3A_1398 : i32 to index
    %swap3A_1400 = arith.constant 32 : index
    %swap3A_1401 = tpu.vector_load %arg15[%swap3A_1399, %swap3A_1400] {strides = array<i32>} : memref<32x64xf32, #tpu.memory_space<vmem>>, vector<16xf32>,
    tpu.vector_store %arg15[%swap3A_1399, %swap3A_1400], %add3A_1397 {strides = array<i32>} : memref<32x64xf32, #tpu.memory_space<vmem>>, vector<16xf32>,
    %get3A_1402 = arith.constant 26 : i32
    %get3A_1403 = arith.index_cast %get3A_1402 : i32 to index
    %get3A_1404 = arith.constant 48 : index
    %get3A_1405 = tpu.vector_load %arg13[%get3A_1403, %get3A_1404] {strides = array<i32>} : memref<32x64xf32, #tpu.memory_space<vmem>>, vector<16xf32>,
    %get3A_1406 = arith.constant 26 : i32
    %get3A_1407 = arith.index_cast %get3A_1406 : i32 to index
    %get3A_1408 = arith.constant 48 : index
    %get3A_1409 = tpu.vector_load %arg14[%get3A_1407, %get3A_1408] {strides = array<i32>} : memref<32x64xf32, #tpu.memory_space<vmem>>, vector<16xf32>,
    %add3A_1410 = arith.addf %get3A_1405, %get3A_1409 : vector<16xf32>
    %swap3A_1411 = arith.constant 26 : i32
    %swap3A_1412 = arith.index_cast %swap3A_1411 : i32 to index
    %swap3A_1413 = arith.constant 48 : index
    %swap3A_1414 = tpu.vector_load %arg15[%swap3A_1412, %swap3A_1413] {strides = array<i32>} : memref<32x64xf32, #tpu.memory_space<vmem>>, vector<16xf32>,
    tpu.vector_store %arg15[%swap3A_1412, %swap3A_1413], %add3A_1410 {strides = array<i32>} : memref<32x64xf32, #tpu.memory_space<vmem>>, vector<16xf32>,
    %get3A_1415 = arith.constant 27 : i32
    %get3A_1416 = arith.index_cast %get3A_1415 : i32 to index
    %get3A_1417 = arith.constant 0 : index
    %get3A_1418 = tpu.vector_load %arg13[%get3A_1416, %get3A_1417] {strides = array<i32>} : memref<32x64xf32, #tpu.memory_space<vmem>>, vector<16xf32>,
    %get3A_1419 = arith.constant 27 : i32
    %get3A_1420 = arith.index_cast %get3A_1419 : i32 to index
    %get3A_1421 = arith.constant 0 : index
    %get3A_1422 = tpu.vector_load %arg14[%get3A_1420, %get3A_1421] {strides = array<i32>} : memref<32x64xf32, #tpu.memory_space<vmem>>, vector<16xf32>,
    %add3A_1423 = arith.addf %get3A_1418, %get3A_1422 : vector<16xf32>
    %swap3A_1424 = arith.constant 27 : i32
    %swap3A_1425 = arith.index_cast %swap3A_1424 : i32 to index
    %swap3A_1426 = arith.constant 0 : index
    %swap3A_1427 = tpu.vector_load %arg15[%swap3A_1425, %swap3A_1426] {strides = array<i32>} : memref<32x64xf32, #tpu.memory_space<vmem>>, vector<16xf32>,
    tpu.vector_store %arg15[%swap3A_1425, %swap3A_1426], %add3A_1423 {strides = array<i32>} : memref<32x64xf32, #tpu.memory_space<vmem>>, vector<16xf32>,
    %get3A_1428 = arith.constant 27 : i32
    %get3A_1429 = arith.index_cast %get3A_1428 : i32 to index
    %get3A_1430 = arith.constant 16 : index
    %get3A_1431 = tpu.vector_load %arg13[%get3A_1429, %get3A_1430] {strides = array<i32>} : memref<32x64xf32, #tpu.memory_space<vmem>>, vector<16xf32>,
    %get3A_1432 = arith.constant 27 : i32
    %get3A_1433 = arith.index_cast %get3A_1432 : i32 to index
    %get3A_1434 = arith.constant 16 : index
    %get3A_1435 = tpu.vector_load %arg14[%get3A_1433, %get3A_1434] {strides = array<i32>} : memref<32x64xf32, #tpu.memory_space<vmem>>, vector<16xf32>,
    %add3A_1436 = arith.addf %get3A_1431, %get3A_1435 : vector<16xf32>
    %swap3A_1437 = arith.constant 27 : i32
    %swap3A_1438 = arith.index_cast %swap3A_1437 : i32 to index
    %swap3A_1439 = arith.constant 16 : index
    %swap3A_1440 = tpu.vector_load %arg15[%swap3A_1438, %swap3A_1439] {strides = array<i32>} : memref<32x64xf32, #tpu.memory_space<vmem>>, vector<16xf32>,
    tpu.vector_store %arg15[%swap3A_1438, %swap3A_1439], %add3A_1436 {strides = array<i32>} : memref<32x64xf32, #tpu.memory_space<vmem>>, vector<16xf32>,
    %get3A_1441 = arith.constant 27 : i32
    %get3A_1442 = arith.index_cast %get3A_1441 : i32 to index
    %get3A_1443 = arith.constant 32 : index
    %get3A_1444 = tpu.vector_load %arg13[%get3A_1442, %get3A_1443] {strides = array<i32>} : memref<32x64xf32, #tpu.memory_space<vmem>>, vector<16xf32>,
    %get3A_1445 = arith.constant 27 : i32
    %get3A_1446 = arith.index_cast %get3A_1445 : i32 to index
    %get3A_1447 = arith.constant 32 : index
    %get3A_1448 = tpu.vector_load %arg14[%get3A_1446, %get3A_1447] {strides = array<i32>} : memref<32x64xf32, #tpu.memory_space<vmem>>, vector<16xf32>,
    %add3A_1449 = arith.addf %get3A_1444, %get3A_1448 : vector<16xf32>
    %swap3A_1450 = arith.constant 27 : i32
    %swap3A_1451 = arith.index_cast %swap3A_1450 : i32 to index
    %swap3A_1452 = arith.constant 32 : index
    %swap3A_1453 = tpu.vector_load %arg15[%swap3A_1451, %swap3A_1452] {strides = array<i32>} : memref<32x64xf32, #tpu.memory_space<vmem>>, vector<16xf32>,
    tpu.vector_store %arg15[%swap3A_1451, %swap3A_1452], %add3A_1449 {strides = array<i32>} : memref<32x64xf32, #tpu.memory_space<vmem>>, vector<16xf32>,
    %get3A_1454 = arith.constant 27 : i32
    %get3A_1455 = arith.index_cast %get3A_1454 : i32 to index
    %get3A_1456 = arith.constant 48 : index
    %get3A_1457 = tpu.vector_load %arg13[%get3A_1455, %get3A_1456] {strides = array<i32>} : memref<32x64xf32, #tpu.memory_space<vmem>>, vector<16xf32>,
    %get3A_1458 = arith.constant 27 : i32
    %get3A_1459 = arith.index_cast %get3A_1458 : i32 to index
    %get3A_1460 = arith.constant 48 : index
    %get3A_1461 = tpu.vector_load %arg14[%get3A_1459, %get3A_1460] {strides = array<i32>} : memref<32x64xf32, #tpu.memory_space<vmem>>, vector<16xf32>,
    %add3A_1462 = arith.addf %get3A_1457, %get3A_1461 : vector<16xf32>
    %swap3A_1463 = arith.constant 27 : i32
    %swap3A_1464 = arith.index_cast %swap3A_1463 : i32 to index
    %swap3A_1465 = arith.constant 48 : index
    %swap3A_1466 = tpu.vector_load %arg15[%swap3A_1464, %swap3A_1465] {strides = array<i32>} : memref<32x64xf32, #tpu.memory_space<vmem>>, vector<16xf32>,
    tpu.vector_store %arg15[%swap3A_1464, %swap3A_1465], %add3A_1462 {strides = array<i32>} : memref<32x64xf32, #tpu.memory_space<vmem>>, vector<16xf32>,
    %get3A_1467 = arith.constant 28 : i32
    %get3A_1468 = arith.index_cast %get3A_1467 : i32 to index
    %get3A_1469 = arith.constant 0 : index
    %get3A_1470 = tpu.vector_load %arg13[%get3A_1468, %get3A_1469] {strides = array<i32>} : memref<32x64xf32, #tpu.memory_space<vmem>>, vector<16xf32>,
    %get3A_1471 = arith.constant 28 : i32
    %get3A_1472 = arith.index_cast %get3A_1471 : i32 to index
    %get3A_1473 = arith.constant 0 : index
    %get3A_1474 = tpu.vector_load %arg14[%get3A_1472, %get3A_1473] {strides = array<i32>} : memref<32x64xf32, #tpu.memory_space<vmem>>, vector<16xf32>,
    %add3A_1475 = arith.addf %get3A_1470, %get3A_1474 : vector<16xf32>
    %swap3A_1476 = arith.constant 28 : i32
    %swap3A_1477 = arith.index_cast %swap3A_1476 : i32 to index
    %swap3A_1478 = arith.constant 0 : index
    %swap3A_1479 = tpu.vector_load %arg15[%swap3A_1477, %swap3A_1478] {strides = array<i32>} : memref<32x64xf32, #tpu.memory_space<vmem>>, vector<16xf32>,
    tpu.vector_store %arg15[%swap3A_1477, %swap3A_1478], %add3A_1475 {strides = array<i32>} : memref<32x64xf32, #tpu.memory_space<vmem>>, vector<16xf32>,
    %get3A_1480 = arith.constant 28 : i32
    %get3A_1481 = arith.index_cast %get3A_1480 : i32 to index
    %get3A_1482 = arith.constant 16 : index
    %get3A_1483 = tpu.vector_load %arg13[%get3A_1481, %get3A_1482] {strides = array<i32>} : memref<32x64xf32, #tpu.memory_space<vmem>>, vector<16xf32>,
    %get3A_1484 = arith.constant 28 : i32
    %get3A_1485 = arith.index_cast %get3A_1484 : i32 to index
    %get3A_1486 = arith.constant 16 : index
    %get3A_1487 = tpu.vector_load %arg14[%get3A_1485, %get3A_1486] {strides = array<i32>} : memref<32x64xf32, #tpu.memory_space<vmem>>, vector<16xf32>,
    %add3A_1488 = arith.addf %get3A_1483, %get3A_1487 : vector<16xf32>
    %swap3A_1489 = arith.constant 28 : i32
    %swap3A_1490 = arith.index_cast %swap3A_1489 : i32 to index
    %swap3A_1491 = arith.constant 16 : index
    %swap3A_1492 = tpu.vector_load %arg15[%swap3A_1490, %swap3A_1491] {strides = array<i32>} : memref<32x64xf32, #tpu.memory_space<vmem>>, vector<16xf32>,
    tpu.vector_store %arg15[%swap3A_1490, %swap3A_1491], %add3A_1488 {strides = array<i32>} : memref<32x64xf32, #tpu.memory_space<vmem>>, vector<16xf32>,
    %get3A_1493 = arith.constant 28 : i32
    %get3A_1494 = arith.index_cast %get3A_1493 : i32 to index
    %get3A_1495 = arith.constant 32 : index
    %get3A_1496 = tpu.vector_load %arg13[%get3A_1494, %get3A_1495] {strides = array<i32>} : memref<32x64xf32, #tpu.memory_space<vmem>>, vector<16xf32>,
    %get3A_1497 = arith.constant 28 : i32
    %get3A_1498 = arith.index_cast %get3A_1497 : i32 to index
    %get3A_1499 = arith.constant 32 : index
    %get3A_1500 = tpu.vector_load %arg14[%get3A_1498, %get3A_1499] {strides = array<i32>} : memref<32x64xf32, #tpu.memory_space<vmem>>, vector<16xf32>,
    %add3A_1501 = arith.addf %get3A_1496, %get3A_1500 : vector<16xf32>
    %swap3A_1502 = arith.constant 28 : i32
    %swap3A_1503 = arith.index_cast %swap3A_1502 : i32 to index
    %swap3A_1504 = arith.constant 32 : index
    %swap3A_1505 = tpu.vector_load %arg15[%swap3A_1503, %swap3A_1504] {strides = array<i32>} : memref<32x64xf32, #tpu.memory_space<vmem>>, vector<16xf32>,
    tpu.vector_store %arg15[%swap3A_1503, %swap3A_1504], %add3A_1501 {strides = array<i32>} : memref<32x64xf32, #tpu.memory_space<vmem>>, vector<16xf32>,
    %get3A_1506 = arith.constant 28 : i32
    %get3A_1507 = arith.index_cast %get3A_1506 : i32 to index
    %get3A_1508 = arith.constant 48 : index
    %get3A_1509 = tpu.vector_load %arg13[%get3A_1507, %get3A_1508] {strides = array<i32>} : memref<32x64xf32, #tpu.memory_space<vmem>>, vector<16xf32>,
    %get3A_1510 = arith.constant 28 : i32
    %get3A_1511 = arith.index_cast %get3A_1510 : i32 to index
    %get3A_1512 = arith.constant 48 : index
    %get3A_1513 = tpu.vector_load %arg14[%get3A_1511, %get3A_1512] {strides = array<i32>} : memref<32x64xf32, #tpu.memory_space<vmem>>, vector<16xf32>,
    %add3A_1514 = arith.addf %get3A_1509, %get3A_1513 : vector<16xf32>
    %swap3A_1515 = arith.constant 28 : i32
    %swap3A_1516 = arith.index_cast %swap3A_1515 : i32 to index
    %swap3A_1517 = arith.constant 48 : index
    %swap3A_1518 = tpu.vector_load %arg15[%swap3A_1516, %swap3A_1517] {strides = array<i32>} : memref<32x64xf32, #tpu.memory_space<vmem>>, vector<16xf32>,
    tpu.vector_store %arg15[%swap3A_1516, %swap3A_1517], %add3A_1514 {strides = array<i32>} : memref<32x64xf32, #tpu.memory_space<vmem>>, vector<16xf32>,
    %get3A_1519 = arith.constant 29 : i32
    %get3A_1520 = arith.index_cast %get3A_1519 : i32 to index
    %get3A_1521 = arith.constant 0 : index
    %get3A_1522 = tpu.vector_load %arg13[%get3A_1520, %get3A_1521] {strides = array<i32>} : memref<32x64xf32, #tpu.memory_space<vmem>>, vector<16xf32>,
    %get3A_1523 = arith.constant 29 : i32
    %get3A_1524 = arith.index_cast %get3A_1523 : i32 to index
    %get3A_1525 = arith.constant 0 : index
    %get3A_1526 = tpu.vector_load %arg14[%get3A_1524, %get3A_1525] {strides = array<i32>} : memref<32x64xf32, #tpu.memory_space<vmem>>, vector<16xf32>,
    %add3A_1527 = arith.addf %get3A_1522, %get3A_1526 : vector<16xf32>
    %swap3A_1528 = arith.constant 29 : i32
    %swap3A_1529 = arith.index_cast %swap3A_1528 : i32 to index
    %swap3A_1530 = arith.constant 0 : index
    %swap3A_1531 = tpu.vector_load %arg15[%swap3A_1529, %swap3A_1530] {strides = array<i32>} : memref<32x64xf32, #tpu.memory_space<vmem>>, vector<16xf32>,
    tpu.vector_store %arg15[%swap3A_1529, %swap3A_1530], %add3A_1527 {strides = array<i32>} : memref<32x64xf32, #tpu.memory_space<vmem>>, vector<16xf32>,
    %get3A_1532 = arith.constant 29 : i32
    %get3A_1533 = arith.index_cast %get3A_1532 : i32 to index
    %get3A_1534 = arith.constant 16 : index
    %get3A_1535 = tpu.vector_load %arg13[%get3A_1533, %get3A_1534] {strides = array<i32>} : memref<32x64xf32, #tpu.memory_space<vmem>>, vector<16xf32>,
    %get3A_1536 = arith.constant 29 : i32
    %get3A_1537 = arith.index_cast %get3A_1536 : i32 to index
    %get3A_1538 = arith.constant 16 : index
    %get3A_1539 = tpu.vector_load %arg14[%get3A_1537, %get3A_1538] {strides = array<i32>} : memref<32x64xf32, #tpu.memory_space<vmem>>, vector<16xf32>,
    %add3A_1540 = arith.addf %get3A_1535, %get3A_1539 : vector<16xf32>
    %swap3A_1541 = arith.constant 29 : i32
    %swap3A_1542 = arith.index_cast %swap3A_1541 : i32 to index
    %swap3A_1543 = arith.constant 16 : index
    %swap3A_1544 = tpu.vector_load %arg15[%swap3A_1542, %swap3A_1543] {strides = array<i32>} : memref<32x64xf32, #tpu.memory_space<vmem>>, vector<16xf32>,
    tpu.vector_store %arg15[%swap3A_1542, %swap3A_1543], %add3A_1540 {strides = array<i32>} : memref<32x64xf32, #tpu.memory_space<vmem>>, vector<16xf32>,
    %get3A_1545 = arith.constant 29 : i32
    %get3A_1546 = arith.index_cast %get3A_1545 : i32 to index
    %get3A_1547 = arith.constant 32 : index
    %get3A_1548 = tpu.vector_load %arg13[%get3A_1546, %get3A_1547] {strides = array<i32>} : memref<32x64xf32, #tpu.memory_space<vmem>>, vector<16xf32>,
    %get3A_1549 = arith.constant 29 : i32
    %get3A_1550 = arith.index_cast %get3A_1549 : i32 to index
    %get3A_1551 = arith.constant 32 : index
    %get3A_1552 = tpu.vector_load %arg14[%get3A_1550, %get3A_1551] {strides = array<i32>} : memref<32x64xf32, #tpu.memory_space<vmem>>, vector<16xf32>,
    %add3A_1553 = arith.addf %get3A_1548, %get3A_1552 : vector<16xf32>
    %swap3A_1554 = arith.constant 29 : i32
    %swap3A_1555 = arith.index_cast %swap3A_1554 : i32 to index
    %swap3A_1556 = arith.constant 32 : index
    %swap3A_1557 = tpu.vector_load %arg15[%swap3A_1555, %swap3A_1556] {strides = array<i32>} : memref<32x64xf32, #tpu.memory_space<vmem>>, vector<16xf32>,
    tpu.vector_store %arg15[%swap3A_1555, %swap3A_1556], %add3A_1553 {strides = array<i32>} : memref<32x64xf32, #tpu.memory_space<vmem>>, vector<16xf32>,
    %get3A_1558 = arith.constant 29 : i32
    %get3A_1559 = arith.index_cast %get3A_1558 : i32 to index
    %get3A_1560 = arith.constant 48 : index
    %get3A_1561 = tpu.vector_load %arg13[%get3A_1559, %get3A_1560] {strides = array<i32>} : memref<32x64xf32, #tpu.memory_space<vmem>>, vector<16xf32>,
    %get3A_1562 = arith.constant 29 : i32
    %get3A_1563 = arith.index_cast %get3A_1562 : i32 to index
    %get3A_1564 = arith.constant 48 : index
    %get3A_1565 = tpu.vector_load %arg14[%get3A_1563, %get3A_1564] {strides = array<i32>} : memref<32x64xf32, #tpu.memory_space<vmem>>, vector<16xf32>,
    %add3A_1566 = arith.addf %get3A_1561, %get3A_1565 : vector<16xf32>
    %swap3A_1567 = arith.constant 29 : i32
    %swap3A_1568 = arith.index_cast %swap3A_1567 : i32 to index
    %swap3A_1569 = arith.constant 48 : index
    %swap3A_1570 = tpu.vector_load %arg15[%swap3A_1568, %swap3A_1569] {strides = array<i32>} : memref<32x64xf32, #tpu.memory_space<vmem>>, vector<16xf32>,
    tpu.vector_store %arg15[%swap3A_1568, %swap3A_1569], %add3A_1566 {strides = array<i32>} : memref<32x64xf32, #tpu.memory_space<vmem>>, vector<16xf32>,
    %get3A_1571 = arith.constant 30 : i32
    %get3A_1572 = arith.index_cast %get3A_1571 : i32 to index
    %get3A_1573 = arith.constant 0 : index
    %get3A_1574 = tpu.vector_load %arg13[%get3A_1572, %get3A_1573] {strides = array<i32>} : memref<32x64xf32, #tpu.memory_space<vmem>>, vector<16xf32>,
    %get3A_1575 = arith.constant 30 : i32
    %get3A_1576 = arith.index_cast %get3A_1575 : i32 to index
    %get3A_1577 = arith.constant 0 : index
    %get3A_1578 = tpu.vector_load %arg14[%get3A_1576, %get3A_1577] {strides = array<i32>} : memref<32x64xf32, #tpu.memory_space<vmem>>, vector<16xf32>,
    %add3A_1579 = arith.addf %get3A_1574, %get3A_1578 : vector<16xf32>
    %swap3A_1580 = arith.constant 30 : i32
    %swap3A_1581 = arith.index_cast %swap3A_1580 : i32 to index
    %swap3A_1582 = arith.constant 0 : index
    %swap3A_1583 = tpu.vector_load %arg15[%swap3A_1581, %swap3A_1582] {strides = array<i32>} : memref<32x64xf32, #tpu.memory_space<vmem>>, vector<16xf32>,
    tpu.vector_store %arg15[%swap3A_1581, %swap3A_1582], %add3A_1579 {strides = array<i32>} : memref<32x64xf32, #tpu.memory_space<vmem>>, vector<16xf32>,
    %get3A_1584 = arith.constant 30 : i32
    %get3A_1585 = arith.index_cast %get3A_1584 : i32 to index
    %get3A_1586 = arith.constant 16 : index
    %get3A_1587 = tpu.vector_load %arg13[%get3A_1585, %get3A_1586] {strides = array<i32>} : memref<32x64xf32, #tpu.memory_space<vmem>>, vector<16xf32>,
    %get3A_1588 = arith.constant 30 : i32
    %get3A_1589 = arith.index_cast %get3A_1588 : i32 to index
    %get3A_1590 = arith.constant 16 : index
    %get3A_1591 = tpu.vector_load %arg14[%get3A_1589, %get3A_1590] {strides = array<i32>} : memref<32x64xf32, #tpu.memory_space<vmem>>, vector<16xf32>,
    %add3A_1592 = arith.addf %get3A_1587, %get3A_1591 : vector<16xf32>
    %swap3A_1593 = arith.constant 30 : i32
    %swap3A_1594 = arith.index_cast %swap3A_1593 : i32 to index
    %swap3A_1595 = arith.constant 16 : index
    %swap3A_1596 = tpu.vector_load %arg15[%swap3A_1594, %swap3A_1595] {strides = array<i32>} : memref<32x64xf32, #tpu.memory_space<vmem>>, vector<16xf32>,
    tpu.vector_store %arg15[%swap3A_1594, %swap3A_1595], %add3A_1592 {strides = array<i32>} : memref<32x64xf32, #tpu.memory_space<vmem>>, vector<16xf32>,
    %get3A_1597 = arith.constant 30 : i32
    %get3A_1598 = arith.index_cast %get3A_1597 : i32 to index
    %get3A_1599 = arith.constant 32 : index
    %get3A_1600 = tpu.vector_load %arg13[%get3A_1598, %get3A_1599] {strides = array<i32>} : memref<32x64xf32, #tpu.memory_space<vmem>>, vector<16xf32>,
    %get3A_1601 = arith.constant 30 : i32
    %get3A_1602 = arith.index_cast %get3A_1601 : i32 to index
    %get3A_1603 = arith.constant 32 : index
    %get3A_1604 = tpu.vector_load %arg14[%get3A_1602, %get3A_1603] {strides = array<i32>} : memref<32x64xf32, #tpu.memory_space<vmem>>, vector<16xf32>,
    %add3A_1605 = arith.addf %get3A_1600, %get3A_1604 : vector<16xf32>
    %swap3A_1606 = arith.constant 30 : i32
    %swap3A_1607 = arith.index_cast %swap3A_1606 : i32 to index
    %swap3A_1608 = arith.constant 32 : index
    %swap3A_1609 = tpu.vector_load %arg15[%swap3A_1607, %swap3A_1608] {strides = array<i32>} : memref<32x64xf32, #tpu.memory_space<vmem>>, vector<16xf32>,
    tpu.vector_store %arg15[%swap3A_1607, %swap3A_1608], %add3A_1605 {strides = array<i32>} : memref<32x64xf32, #tpu.memory_space<vmem>>, vector<16xf32>,
    %get3A_1610 = arith.constant 30 : i32
    %get3A_1611 = arith.index_cast %get3A_1610 : i32 to index
    %get3A_1612 = arith.constant 48 : index
    %get3A_1613 = tpu.vector_load %arg13[%get3A_1611, %get3A_1612] {strides = array<i32>} : memref<32x64xf32, #tpu.memory_space<vmem>>, vector<16xf32>,
    %get3A_1614 = arith.constant 30 : i32
    %get3A_1615 = arith.index_cast %get3A_1614 : i32 to index
    %get3A_1616 = arith.constant 48 : index
    %get3A_1617 = tpu.vector_load %arg14[%get3A_1615, %get3A_1616] {strides = array<i32>} : memref<32x64xf32, #tpu.memory_space<vmem>>, vector<16xf32>,
    %add3A_1618 = arith.addf %get3A_1613, %get3A_1617 : vector<16xf32>
    %swap3A_1619 = arith.constant 30 : i32
    %swap3A_1620 = arith.index_cast %swap3A_1619 : i32 to index
    %swap3A_1621 = arith.constant 48 : index
    %swap3A_1622 = tpu.vector_load %arg15[%swap3A_1620, %swap3A_1621] {strides = array<i32>} : memref<32x64xf32, #tpu.memory_space<vmem>>, vector<16xf32>,
    tpu.vector_store %arg15[%swap3A_1620, %swap3A_1621], %add3A_1618 {strides = array<i32>} : memref<32x64xf32, #tpu.memory_space<vmem>>, vector<16xf32>,
    %get3A_1623 = arith.constant 31 : i32
    %get3A_1624 = arith.index_cast %get3A_1623 : i32 to index
    %get3A_1625 = arith.constant 0 : index
    %get3A_1626 = tpu.vector_load %arg13[%get3A_1624, %get3A_1625] {strides = array<i32>} : memref<32x64xf32, #tpu.memory_space<vmem>>, vector<16xf32>,
    %get3A_1627 = arith.constant 31 : i32
    %get3A_1628 = arith.index_cast %get3A_1627 : i32 to index
    %get3A_1629 = arith.constant 0 : index
    %get3A_1630 = tpu.vector_load %arg14[%get3A_1628, %get3A_1629] {strides = array<i32>} : memref<32x64xf32, #tpu.memory_space<vmem>>, vector<16xf32>,
    %add3A_1631 = arith.addf %get3A_1626, %get3A_1630 : vector<16xf32>
    %swap3A_1632 = arith.constant 31 : i32
    %swap3A_1633 = arith.index_cast %swap3A_1632 : i32 to index
    %swap3A_1634 = arith.constant 0 : index
    %swap3A_1635 = tpu.vector_load %arg15[%swap3A_1633, %swap3A_1634] {strides = array<i32>} : memref<32x64xf32, #tpu.memory_space<vmem>>, vector<16xf32>,
    tpu.vector_store %arg15[%swap3A_1633, %swap3A_1634], %add3A_1631 {strides = array<i32>} : memref<32x64xf32, #tpu.memory_space<vmem>>, vector<16xf32>,
    %get3A_1636 = arith.constant 31 : i32
    %get3A_1637 = arith.index_cast %get3A_1636 : i32 to index
    %get3A_1638 = arith.constant 16 : index
    %get3A_1639 = tpu.vector_load %arg13[%get3A_1637, %get3A_1638] {strides = array<i32>} : memref<32x64xf32, #tpu.memory_space<vmem>>, vector<16xf32>,
    %get3A_1640 = arith.constant 31 : i32
    %get3A_1641 = arith.index_cast %get3A_1640 : i32 to index
    %get3A_1642 = arith.constant 16 : index
    %get3A_1643 = tpu.vector_load %arg14[%get3A_1641, %get3A_1642] {strides = array<i32>} : memref<32x64xf32, #tpu.memory_space<vmem>>, vector<16xf32>,
    %add3A_1644 = arith.addf %get3A_1639, %get3A_1643 : vector<16xf32>
    %swap3A_1645 = arith.constant 31 : i32
    %swap3A_1646 = arith.index_cast %swap3A_1645 : i32 to index
    %swap3A_1647 = arith.constant 16 : index
    %swap3A_1648 = tpu.vector_load %arg15[%swap3A_1646, %swap3A_1647] {strides = array<i32>} : memref<32x64xf32, #tpu.memory_space<vmem>>, vector<16xf32>,
    tpu.vector_store %arg15[%swap3A_1646, %swap3A_1647], %add3A_1644 {strides = array<i32>} : memref<32x64xf32, #tpu.memory_space<vmem>>, vector<16xf32>,
    %get3A_1649 = arith.constant 31 : i32
    %get3A_1650 = arith.index_cast %get3A_1649 : i32 to index
    %get3A_1651 = arith.constant 32 : index
    %get3A_1652 = tpu.vector_load %arg13[%get3A_1650, %get3A_1651] {strides = array<i32>} : memref<32x64xf32, #tpu.memory_space<vmem>>, vector<16xf32>,
    %get3A_1653 = arith.constant 31 : i32
    %get3A_1654 = arith.index_cast %get3A_1653 : i32 to index
    %get3A_1655 = arith.constant 32 : index
    %get3A_1656 = tpu.vector_load %arg14[%get3A_1654, %get3A_1655] {strides = array<i32>} : memref<32x64xf32, #tpu.memory_space<vmem>>, vector<16xf32>,
    %add3A_1657 = arith.addf %get3A_1652, %get3A_1656 : vector<16xf32>
    %swap3A_1658 = arith.constant 31 : i32
    %swap3A_1659 = arith.index_cast %swap3A_1658 : i32 to index
    %swap3A_1660 = arith.constant 32 : index
    %swap3A_1661 = tpu.vector_load %arg15[%swap3A_1659, %swap3A_1660] {strides = array<i32>} : memref<32x64xf32, #tpu.memory_space<vmem>>, vector<16xf32>,
    tpu.vector_store %arg15[%swap3A_1659, %swap3A_1660], %add3A_1657 {strides = array<i32>} : memref<32x64xf32, #tpu.memory_space<vmem>>, vector<16xf32>,
    %get3A_1662 = arith.constant 31 : i32
    %get3A_1663 = arith.index_cast %get3A_1662 : i32 to index
    %get3A_1664 = arith.constant 48 : index
    %get3A_1665 = tpu.vector_load %arg13[%get3A_1663, %get3A_1664] {strides = array<i32>} : memref<32x64xf32, #tpu.memory_space<vmem>>, vector<16xf32>,
    %get3A_1666 = arith.constant 31 : i32
    %get3A_1667 = arith.index_cast %get3A_1666 : i32 to index
    %get3A_1668 = arith.constant 48 : index
    %get3A_1669 = tpu.vector_load %arg14[%get3A_1667, %get3A_1668] {strides = array<i32>} : memref<32x64xf32, #tpu.memory_space<vmem>>, vector<16xf32>,
    %add3A_1670 = arith.addf %get3A_1665, %get3A_1669 : vector<16xf32>
    %swap3A_1671 = arith.constant 31 : i32
    %swap3A_1672 = arith.index_cast %swap3A_1671 : i32 to index
    %swap3A_1673 = arith.constant 48 : index
    %swap3A_1674 = tpu.vector_load %arg15[%swap3A_1672, %swap3A_1673] {strides = array<i32>} : memref<32x64xf32, #tpu.memory_space<vmem>>, vector<16xf32>,
    tpu.vector_store %arg15[%swap3A_1672, %swap3A_1673], %add3A_1670 {strides = array<i32>} : memref<32x64xf32, #tpu.memory_space<vmem>>, vector<16xf32>,
    %iota3A = tpu.iota {dimensions = array<i32: 0>} : vector<16xi32>
    %scan3A = arith.constant 0 : i32
    %scan3A_1675 = arith.constant 0 : i32
    %scan3A_1676 = arith.constant 32 : i32
    %scan3A_1677 = arith.addi %scan3A_1675, %scan3A_1676 : i32
    %scan3A_1678 = arith.constant 1 : i32
    %scan3A_1679 = scf.for %scan3A_1681 = %scan3A_1675 to %scan3A_1677 step %scan3A_1678 iter_args(%scan3A_1682 = %scan3A) -> (i32)  : i32 {
      %dma_start3A_1683 = arith.constant 0 : i32
      %dma_start3A_1684 = arith.constant 0 : i32
      %dma_start3A_1685 = tpu.memref_slice %arg16[%dma_start3A_1683, %dma_start3A_1684] : memref<208x64xf32, #tpu.memory_space<vmem>> -> memref<200x64xf32, #tpu.memory_space<vmem>>
      %dma_start3A_1686 = arith.constant 0 : i32
      %dma_start3A_1687 = tpu.memref_slice %arg12[%scan3A_1681, %dma_start3A_1686] : memref<32x200xi32, #tpu.memory_space<vmem>> -> memref<1x200xi32, #tpu.memory_space<vmem>>
      %dma_start3A_1688 = tpu.memref_squeeze %dma_start3A_1687 : memref<1x200xi32, #tpu.memory_space<vmem>> -> memref<200xi32, #tpu.memory_space<vmem>>
      %dma_start3A_1689 = arith.constant 0 : i32
      %dma_start3A_1690 = arith.constant 0 : i32
      %dma_start3A_1691 = tpu.memref_slice %arg5[%dma_start3A_1689, %dma_start3A_1690] : memref<1000000x64xf32, #tpu.memory_space<hbm>> -> memref<1000000x64xf32, #tpu.memory_space<hbm>>
      tpu.enqueue_indirect_dma source(%dma_start3A_1691 : memref<1000000x64xf32, #tpu.memory_space<hbm>>) target(%dma_start3A_1685 : memref<200x64xf32, #tpu.memory_space<vmem>>) offsets(%dma_start3A_1688 : memref<200xi32, #tpu.memory_space<vmem>>) semaphore(%arg20 : memref<!tpu.dma_semaphore, #tpu.memory_space<semaphore_mem>>)
      %dma_wait3A_1692 = arith.constant 0 : i32
      %dma_wait3A_1693 = arith.constant 0 : i32
      %dma_wait3A_1694 = tpu.memref_slice %arg16[%dma_wait3A_1692, %dma_wait3A_1693] : memref<208x64xf32, #tpu.memory_space<vmem>> -> memref<200x64xf32, #tpu.memory_space<vmem>>
      %dma_wait3A_1695 = arith.constant 0 : i32
      %dma_wait3A_1696 = tpu.memref_slice %arg12[%scan3A_1681, %dma_wait3A_1695] : memref<32x200xi32, #tpu.memory_space<vmem>> -> memref<1x200xi32, #tpu.memory_space<vmem>>
      %dma_wait3A_1697 = tpu.memref_squeeze %dma_wait3A_1696 : memref<1x200xi32, #tpu.memory_space<vmem>> -> memref<200xi32, #tpu.memory_space<vmem>>
      %dma_wait3A_1698 = arith.constant 0 : i32
      %dma_wait3A_1699 = arith.constant 0 : i32
      %dma_wait3A_1700 = tpu.memref_slice %arg5[%dma_wait3A_1698, %dma_wait3A_1699] : memref<1000000x64xf32, #tpu.memory_space<hbm>> -> memref<1000000x64xf32, #tpu.memory_space<hbm>>
      tpu.wait_indirect_dma semaphore(%arg20 : memref<!tpu.dma_semaphore, #tpu.memory_space<semaphore_mem>>) src(%dma_wait3A_1700 : memref<1000000x64xf32, #tpu.memory_space<hbm>>) dst(%dma_wait3A_1694 : memref<200x64xf32, #tpu.memory_space<vmem>>)
      %get3A_1701 = arith.index_cast %scan3A_1681 : i32 to index
      %get3A_1702 = arith.constant 0 : index
      %get3A_1703 = tpu.vector_load %arg15[%get3A_1701, %get3A_1702] {strides = array<i32>} : memref<32x64xf32, #tpu.memory_space<vmem>>, vector<16xf32>,
      %get3A_1704 = arith.index_cast %scan3A_1681 : i32 to index
      %get3A_1705 = arith.constant 16 : index
      %get3A_1706 = tpu.vector_load %arg15[%get3A_1704, %get3A_1705] {strides = array<i32>} : memref<32x64xf32, #tpu.memory_space<vmem>>, vector<16xf32>,
      %get3A_1707 = arith.index_cast %scan3A_1681 : i32 to index
      %get3A_1708 = arith.constant 32 : index
      %get3A_1709 = tpu.vector_load %arg15[%get3A_1707, %get3A_1708] {strides = array<i32>} : memref<32x64xf32, #tpu.memory_space<vmem>>, vector<16xf32>,
      %get3A_1710 = arith.index_cast %scan3A_1681 : i32 to index
      %get3A_1711 = arith.constant 48 : index
      %get3A_1712 = tpu.vector_load %arg15[%get3A_1710, %get3A_1711] {strides = array<i32>} : memref<32x64xf32, #tpu.memory_space<vmem>>, vector<16xf32>,
      %scan3A_1713 = arith.constant 0 : i32
      %scan3A_1714 = arith.constant 0 : i32
      %scan3A_1715 = arith.constant 13 : i32
      %scan3A_1716 = arith.addi %scan3A_1714, %scan3A_1715 : i32
      %scan3A_1717 = arith.constant 1 : i32
      %scan3A_1718 = scf.for %scan3A_1723 = %scan3A_1714 to %scan3A_1716 step %scan3A_1717 iter_args(%scan3A_1724 = %scan3A_1713) -> (i32)  : i32 {
        %mul3A_1725 = arith.constant 16 : i32
        %mul3A_1726 = arith.muli %scan3A_1723, %mul3A_1725 : i32
        %add3A_1727 = vector.broadcast %mul3A_1726 : i32 to vector<16xi32>
        %add3A_1728 = arith.addi %add3A_1727, %iota3A : vector<16xi32>
        %broadcast_in_dim3A = arith.constant 0.000000e+00 : f32
        %broadcast_in_dim3A_1729 = vector.broadcast %broadcast_in_dim3A : f32 to vector<16xf32>
        %broadcast_in_dim3A_1730 = arith.constant 0 : i32
        %broadcast_in_dim3A_1731 = vector.broadcast %broadcast_in_dim3A_1730 : i32 to vector<16xi32>
        %gather3A = tpu.vector_load_idx %arg16[%add3A_1728, %broadcast_in_dim3A_1731] : memref<208x64xf32, #tpu.memory_space<vmem>>[vector<16xi32>, vector<16xi32>], vector<16xf32>,
        %slice3A = vector.extract_strided_slice %get3A_1703 {offsets = [0], sizes = [1], strides = [1]} : vector<16xf32> to vector<1xf32>
        %squeeze3A = vector.extract %slice3A[0] : f32 from vector<1xf32>
        %sub3A = vector.broadcast %squeeze3A : f32 to vector<16xf32>
        %sub3A_1732 = arith.subf %sub3A, %gather3A : vector<16xf32>
        %mul3A_1733 = arith.mulf %sub3A_1732, %sub3A_1732 : vector<16xf32>
        %add3A_1734 = arith.addf %broadcast_in_dim3A_1729, %mul3A_1733 : vector<16xf32>
        %broadcast_in_dim3A_1735 = arith.constant 1 : i32
        %broadcast_in_dim3A_1736 = vector.broadcast %broadcast_in_dim3A_1735 : i32 to vector<16xi32>
        %gather3A_1737 = tpu.vector_load_idx %arg16[%add3A_1728, %broadcast_in_dim3A_1736] : memref<208x64xf32, #tpu.memory_space<vmem>>[vector<16xi32>, vector<16xi32>], vector<16xf32>,
        %slice3A_1738 = vector.extract_strided_slice %get3A_1703 {offsets = [1], sizes = [1], strides = [1]} : vector<16xf32> to vector<1xf32>
        %squeeze3A_1739 = vector.extract %slice3A_1738[0] : f32 from vector<1xf32>
        %sub3A_1740 = vector.broadcast %squeeze3A_1739 : f32 to vector<16xf32>
        %sub3A_1741 = arith.subf %sub3A_1740, %gather3A_1737 : vector<16xf32>
        %mul3A_1742 = arith.mulf %sub3A_1741, %sub3A_1741 : vector<16xf32>
        %add3A_1743 = arith.addf %add3A_1734, %mul3A_1742 : vector<16xf32>
        %broadcast_in_dim3A_1744 = arith.constant 2 : i32
        %broadcast_in_dim3A_1745 = vector.broadcast %broadcast_in_dim3A_1744 : i32 to vector<16xi32>
        %gather3A_1746 = tpu.vector_load_idx %arg16[%add3A_1728, %broadcast_in_dim3A_1745] : memref<208x64xf32, #tpu.memory_space<vmem>>[vector<16xi32>, vector<16xi32>], vector<16xf32>,
        %slice3A_1747 = vector.extract_strided_slice %get3A_1703 {offsets = [2], sizes = [1], strides = [1]} : vector<16xf32> to vector<1xf32>
        %squeeze3A_1748 = vector.extract %slice3A_1747[0] : f32 from vector<1xf32>
        %sub3A_1749 = vector.broadcast %squeeze3A_1748 : f32 to vector<16xf32>
        %sub3A_1750 = arith.subf %sub3A_1749, %gather3A_1746 : vector<16xf32>
        %mul3A_1751 = arith.mulf %sub3A_1750, %sub3A_1750 : vector<16xf32>
        %add3A_1752 = arith.addf %add3A_1743, %mul3A_1751 : vector<16xf32>
        %broadcast_in_dim3A_1753 = arith.constant 3 : i32
        %broadcast_in_dim3A_1754 = vector.broadcast %broadcast_in_dim3A_1753 : i32 to vector<16xi32>
        %gather3A_1755 = tpu.vector_load_idx %arg16[%add3A_1728, %broadcast_in_dim3A_1754] : memref<208x64xf32, #tpu.memory_space<vmem>>[vector<16xi32>, vector<16xi32>], vector<16xf32>,
        %slice3A_1756 = vector.extract_strided_slice %get3A_1703 {offsets = [3], sizes = [1], strides = [1]} : vector<16xf32> to vector<1xf32>
        %squeeze3A_1757 = vector.extract %slice3A_1756[0] : f32 from vector<1xf32>
        %sub3A_1758 = vector.broadcast %squeeze3A_1757 : f32 to vector<16xf32>
        %sub3A_1759 = arith.subf %sub3A_1758, %gather3A_1755 : vector<16xf32>
        %mul3A_1760 = arith.mulf %sub3A_1759, %sub3A_1759 : vector<16xf32>
        %add3A_1761 = arith.addf %add3A_1752, %mul3A_1760 : vector<16xf32>
        %broadcast_in_dim3A_1762 = arith.constant 4 : i32
        %broadcast_in_dim3A_1763 = vector.broadcast %broadcast_in_dim3A_1762 : i32 to vector<16xi32>
        %gather3A_1764 = tpu.vector_load_idx %arg16[%add3A_1728, %broadcast_in_dim3A_1763] : memref<208x64xf32, #tpu.memory_space<vmem>>[vector<16xi32>, vector<16xi32>], vector<16xf32>,
        %slice3A_1765 = vector.extract_strided_slice %get3A_1703 {offsets = [4], sizes = [1], strides = [1]} : vector<16xf32> to vector<1xf32>
        %squeeze3A_1766 = vector.extract %slice3A_1765[0] : f32 from vector<1xf32>
        %sub3A_1767 = vector.broadcast %squeeze3A_1766 : f32 to vector<16xf32>
        %sub3A_1768 = arith.subf %sub3A_1767, %gather3A_1764 : vector<16xf32>
        %mul3A_1769 = arith.mulf %sub3A_1768, %sub3A_1768 : vector<16xf32>
        %add3A_1770 = arith.addf %add3A_1761, %mul3A_1769 : vector<16xf32>
        %broadcast_in_dim3A_1771 = arith.constant 5 : i32
        %broadcast_in_dim3A_1772 = vector.broadcast %broadcast_in_dim3A_1771 : i32 to vector<16xi32>
        %gather3A_1773 = tpu.vector_load_idx %arg16[%add3A_1728, %broadcast_in_dim3A_1772] : memref<208x64xf32, #tpu.memory_space<vmem>>[vector<16xi32>, vector<16xi32>], vector<16xf32>,
        %slice3A_1774 = vector.extract_strided_slice %get3A_1703 {offsets = [5], sizes = [1], strides = [1]} : vector<16xf32> to vector<1xf32>
        %squeeze3A_1775 = vector.extract %slice3A_1774[0] : f32 from vector<1xf32>
        %sub3A_1776 = vector.broadcast %squeeze3A_1775 : f32 to vector<16xf32>
        %sub3A_1777 = arith.subf %sub3A_1776, %gather3A_1773 : vector<16xf32>
        %mul3A_1778 = arith.mulf %sub3A_1777, %sub3A_1777 : vector<16xf32>
        %add3A_1779 = arith.addf %add3A_1770, %mul3A_1778 : vector<16xf32>
        %broadcast_in_dim3A_1780 = arith.constant 6 : i32
        %broadcast_in_dim3A_1781 = vector.broadcast %broadcast_in_dim3A_1780 : i32 to vector<16xi32>
        %gather3A_1782 = tpu.vector_load_idx %arg16[%add3A_1728, %broadcast_in_dim3A_1781] : memref<208x64xf32, #tpu.memory_space<vmem>>[vector<16xi32>, vector<16xi32>], vector<16xf32>,
        %slice3A_1783 = vector.extract_strided_slice %get3A_1703 {offsets = [6], sizes = [1], strides = [1]} : vector<16xf32> to vector<1xf32>
        %squeeze3A_1784 = vector.extract %slice3A_1783[0] : f32 from vector<1xf32>
        %sub3A_1785 = vector.broadcast %squeeze3A_1784 : f32 to vector<16xf32>
        %sub3A_1786 = arith.subf %sub3A_1785, %gather3A_1782 : vector<16xf32>
        %mul3A_1787 = arith.mulf %sub3A_1786, %sub3A_1786 : vector<16xf32>
        %add3A_1788 = arith.addf %add3A_1779, %mul3A_1787 : vector<16xf32>
        %broadcast_in_dim3A_1789 = arith.constant 7 : i32
        %broadcast_in_dim3A_1790 = vector.broadcast %broadcast_in_dim3A_1789 : i32 to vector<16xi32>
        %gather3A_1791 = tpu.vector_load_idx %arg16[%add3A_1728, %broadcast_in_dim3A_1790] : memref<208x64xf32, #tpu.memory_space<vmem>>[vector<16xi32>, vector<16xi32>], vector<16xf32>,
        %slice3A_1792 = vector.extract_strided_slice %get3A_1703 {offsets = [7], sizes = [1], strides = [1]} : vector<16xf32> to vector<1xf32>
        %squeeze3A_1793 = vector.extract %slice3A_1792[0] : f32 from vector<1xf32>
        %sub3A_1794 = vector.broadcast %squeeze3A_1793 : f32 to vector<16xf32>
        %sub3A_1795 = arith.subf %sub3A_1794, %gather3A_1791 : vector<16xf32>
        %mul3A_1796 = arith.mulf %sub3A_1795, %sub3A_1795 : vector<16xf32>
        %add3A_1797 = arith.addf %add3A_1788, %mul3A_1796 : vector<16xf32>
        %broadcast_in_dim3A_1798 = arith.constant 8 : i32
        %broadcast_in_dim3A_1799 = vector.broadcast %broadcast_in_dim3A_1798 : i32 to vector<16xi32>
        %gather3A_1800 = tpu.vector_load_idx %arg16[%add3A_1728, %broadcast_in_dim3A_1799] : memref<208x64xf32, #tpu.memory_space<vmem>>[vector<16xi32>, vector<16xi32>], vector<16xf32>,
        %slice3A_1801 = vector.extract_strided_slice %get3A_1703 {offsets = [8], sizes = [1], strides = [1]} : vector<16xf32> to vector<1xf32>
        %squeeze3A_1802 = vector.extract %slice3A_1801[0] : f32 from vector<1xf32>
        %sub3A_1803 = vector.broadcast %squeeze3A_1802 : f32 to vector<16xf32>
        %sub3A_1804 = arith.subf %sub3A_1803, %gather3A_1800 : vector<16xf32>
        %mul3A_1805 = arith.mulf %sub3A_1804, %sub3A_1804 : vector<16xf32>
        %add3A_1806 = arith.addf %add3A_1797, %mul3A_1805 : vector<16xf32>
        %broadcast_in_dim3A_1807 = arith.constant 9 : i32
        %broadcast_in_dim3A_1808 = vector.broadcast %broadcast_in_dim3A_1807 : i32 to vector<16xi32>
        %gather3A_1809 = tpu.vector_load_idx %arg16[%add3A_1728, %broadcast_in_dim3A_1808] : memref<208x64xf32, #tpu.memory_space<vmem>>[vector<16xi32>, vector<16xi32>], vector<16xf32>,
        %slice3A_1810 = vector.extract_strided_slice %get3A_1703 {offsets = [9], sizes = [1], strides = [1]} : vector<16xf32> to vector<1xf32>
        %squeeze3A_1811 = vector.extract %slice3A_1810[0] : f32 from vector<1xf32>
        %sub3A_1812 = vector.broadcast %squeeze3A_1811 : f32 to vector<16xf32>
        %sub3A_1813 = arith.subf %sub3A_1812, %gather3A_1809 : vector<16xf32>
        %mul3A_1814 = arith.mulf %sub3A_1813, %sub3A_1813 : vector<16xf32>
        %add3A_1815 = arith.addf %add3A_1806, %mul3A_1814 : vector<16xf32>
        %broadcast_in_dim3A_1816 = arith.constant 10 : i32
        %broadcast_in_dim3A_1817 = vector.broadcast %broadcast_in_dim3A_1816 : i32 to vector<16xi32>
        %gather3A_1818 = tpu.vector_load_idx %arg16[%add3A_1728, %broadcast_in_dim3A_1817] : memref<208x64xf32, #tpu.memory_space<vmem>>[vector<16xi32>, vector<16xi32>], vector<16xf32>,
        %slice3A_1819 = vector.extract_strided_slice %get3A_1703 {offsets = [10], sizes = [1], strides = [1]} : vector<16xf32> to vector<1xf32>
        %squeeze3A_1820 = vector.extract %slice3A_1819[0] : f32 from vector<1xf32>
        %sub3A_1821 = vector.broadcast %squeeze3A_1820 : f32 to vector<16xf32>
        %sub3A_1822 = arith.subf %sub3A_1821, %gather3A_1818 : vector<16xf32>
        %mul3A_1823 = arith.mulf %sub3A_1822, %sub3A_1822 : vector<16xf32>
        %add3A_1824 = arith.addf %add3A_1815, %mul3A_1823 : vector<16xf32>
        %broadcast_in_dim3A_1825 = arith.constant 11 : i32
        %broadcast_in_dim3A_1826 = vector.broadcast %broadcast_in_dim3A_1825 : i32 to vector<16xi32>
        %gather3A_1827 = tpu.vector_load_idx %arg16[%add3A_1728, %broadcast_in_dim3A_1826] : memref<208x64xf32, #tpu.memory_space<vmem>>[vector<16xi32>, vector<16xi32>], vector<16xf32>,
        %slice3A_1828 = vector.extract_strided_slice %get3A_1703 {offsets = [11], sizes = [1], strides = [1]} : vector<16xf32> to vector<1xf32>
        %squeeze3A_1829 = vector.extract %slice3A_1828[0] : f32 from vector<1xf32>
        %sub3A_1830 = vector.broadcast %squeeze3A_1829 : f32 to vector<16xf32>
        %sub3A_1831 = arith.subf %sub3A_1830, %gather3A_1827 : vector<16xf32>
        %mul3A_1832 = arith.mulf %sub3A_1831, %sub3A_1831 : vector<16xf32>
        %add3A_1833 = arith.addf %add3A_1824, %mul3A_1832 : vector<16xf32>
        %broadcast_in_dim3A_1834 = arith.constant 12 : i32
        %broadcast_in_dim3A_1835 = vector.broadcast %broadcast_in_dim3A_1834 : i32 to vector<16xi32>
        %gather3A_1836 = tpu.vector_load_idx %arg16[%add3A_1728, %broadcast_in_dim3A_1835] : memref<208x64xf32, #tpu.memory_space<vmem>>[vector<16xi32>, vector<16xi32>], vector<16xf32>,
        %slice3A_1837 = vector.extract_strided_slice %get3A_1703 {offsets = [12], sizes = [1], strides = [1]} : vector<16xf32> to vector<1xf32>
        %squeeze3A_1838 = vector.extract %slice3A_1837[0] : f32 from vector<1xf32>
        %sub3A_1839 = vector.broadcast %squeeze3A_1838 : f32 to vector<16xf32>
        %sub3A_1840 = arith.subf %sub3A_1839, %gather3A_1836 : vector<16xf32>
        %mul3A_1841 = arith.mulf %sub3A_1840, %sub3A_1840 : vector<16xf32>
        %add3A_1842 = arith.addf %add3A_1833, %mul3A_1841 : vector<16xf32>
        %broadcast_in_dim3A_1843 = arith.constant 13 : i32
        %broadcast_in_dim3A_1844 = vector.broadcast %broadcast_in_dim3A_1843 : i32 to vector<16xi32>
        %gather3A_1845 = tpu.vector_load_idx %arg16[%add3A_1728, %broadcast_in_dim3A_1844] : memref<208x64xf32, #tpu.memory_space<vmem>>[vector<16xi32>, vector<16xi32>], vector<16xf32>,
        %slice3A_1846 = vector.extract_strided_slice %get3A_1703 {offsets = [13], sizes = [1], strides = [1]} : vector<16xf32> to vector<1xf32>
        %squeeze3A_1847 = vector.extract %slice3A_1846[0] : f32 from vector<1xf32>
        %sub3A_1848 = vector.broadcast %squeeze3A_1847 : f32 to vector<16xf32>
        %sub3A_1849 = arith.subf %sub3A_1848, %gather3A_1845 : vector<16xf32>
        %mul3A_1850 = arith.mulf %sub3A_1849, %sub3A_1849 : vector<16xf32>
        %add3A_1851 = arith.addf %add3A_1842, %mul3A_1850 : vector<16xf32>
        %broadcast_in_dim3A_1852 = arith.constant 14 : i32
        %broadcast_in_dim3A_1853 = vector.broadcast %broadcast_in_dim3A_1852 : i32 to vector<16xi32>
        %gather3A_1854 = tpu.vector_load_idx %arg16[%add3A_1728, %broadcast_in_dim3A_1853] : memref<208x64xf32, #tpu.memory_space<vmem>>[vector<16xi32>, vector<16xi32>], vector<16xf32>,
        %slice3A_1855 = vector.extract_strided_slice %get3A_1703 {offsets = [14], sizes = [1], strides = [1]} : vector<16xf32> to vector<1xf32>
        %squeeze3A_1856 = vector.extract %slice3A_1855[0] : f32 from vector<1xf32>
        %sub3A_1857 = vector.broadcast %squeeze3A_1856 : f32 to vector<16xf32>
        %sub3A_1858 = arith.subf %sub3A_1857, %gather3A_1854 : vector<16xf32>
        %mul3A_1859 = arith.mulf %sub3A_1858, %sub3A_1858 : vector<16xf32>
        %add3A_1860 = arith.addf %add3A_1851, %mul3A_1859 : vector<16xf32>
        %broadcast_in_dim3A_1861 = arith.constant 15 : i32
        %broadcast_in_dim3A_1862 = vector.broadcast %broadcast_in_dim3A_1861 : i32 to vector<16xi32>
        %gather3A_1863 = tpu.vector_load_idx %arg16[%add3A_1728, %broadcast_in_dim3A_1862] : memref<208x64xf32, #tpu.memory_space<vmem>>[vector<16xi32>, vector<16xi32>], vector<16xf32>,
        %slice3A_1864 = vector.extract_strided_slice %get3A_1703 {offsets = [15], sizes = [1], strides = [1]} : vector<16xf32> to vector<1xf32>
        %squeeze3A_1865 = vector.extract %slice3A_1864[0] : f32 from vector<1xf32>
        %sub3A_1866 = vector.broadcast %squeeze3A_1865 : f32 to vector<16xf32>
        %sub3A_1867 = arith.subf %sub3A_1866, %gather3A_1863 : vector<16xf32>
        %mul3A_1868 = arith.mulf %sub3A_1867, %sub3A_1867 : vector<16xf32>
        %add3A_1869 = arith.addf %add3A_1860, %mul3A_1868 : vector<16xf32>
        %broadcast_in_dim3A_1870 = arith.constant 16 : i32
        %broadcast_in_dim3A_1871 = vector.broadcast %broadcast_in_dim3A_1870 : i32 to vector<16xi32>
        %gather3A_1872 = tpu.vector_load_idx %arg16[%add3A_1728, %broadcast_in_dim3A_1871] : memref<208x64xf32, #tpu.memory_space<vmem>>[vector<16xi32>, vector<16xi32>], vector<16xf32>,
        %slice3A_1873 = vector.extract_strided_slice %get3A_1706 {offsets = [0], sizes = [1], strides = [1]} : vector<16xf32> to vector<1xf32>
        %squeeze3A_1874 = vector.extract %slice3A_1873[0] : f32 from vector<1xf32>
        %sub3A_1875 = vector.broadcast %squeeze3A_1874 : f32 to vector<16xf32>
        %sub3A_1876 = arith.subf %sub3A_1875, %gather3A_1872 : vector<16xf32>
        %mul3A_1877 = arith.mulf %sub3A_1876, %sub3A_1876 : vector<16xf32>
        %add3A_1878 = arith.addf %add3A_1869, %mul3A_1877 : vector<16xf32>
        %broadcast_in_dim3A_1879 = arith.constant 17 : i32
        %broadcast_in_dim3A_1880 = vector.broadcast %broadcast_in_dim3A_1879 : i32 to vector<16xi32>
        %gather3A_1881 = tpu.vector_load_idx %arg16[%add3A_1728, %broadcast_in_dim3A_1880] : memref<208x64xf32, #tpu.memory_space<vmem>>[vector<16xi32>, vector<16xi32>], vector<16xf32>,
        %slice3A_1882 = vector.extract_strided_slice %get3A_1706 {offsets = [1], sizes = [1], strides = [1]} : vector<16xf32> to vector<1xf32>
        %squeeze3A_1883 = vector.extract %slice3A_1882[0] : f32 from vector<1xf32>
        %sub3A_1884 = vector.broadcast %squeeze3A_1883 : f32 to vector<16xf32>
        %sub3A_1885 = arith.subf %sub3A_1884, %gather3A_1881 : vector<16xf32>
        %mul3A_1886 = arith.mulf %sub3A_1885, %sub3A_1885 : vector<16xf32>
        %add3A_1887 = arith.addf %add3A_1878, %mul3A_1886 : vector<16xf32>
        %broadcast_in_dim3A_1888 = arith.constant 18 : i32
        %broadcast_in_dim3A_1889 = vector.broadcast %broadcast_in_dim3A_1888 : i32 to vector<16xi32>
        %gather3A_1890 = tpu.vector_load_idx %arg16[%add3A_1728, %broadcast_in_dim3A_1889] : memref<208x64xf32, #tpu.memory_space<vmem>>[vector<16xi32>, vector<16xi32>], vector<16xf32>,
        %slice3A_1891 = vector.extract_strided_slice %get3A_1706 {offsets = [2], sizes = [1], strides = [1]} : vector<16xf32> to vector<1xf32>
        %squeeze3A_1892 = vector.extract %slice3A_1891[0] : f32 from vector<1xf32>
        %sub3A_1893 = vector.broadcast %squeeze3A_1892 : f32 to vector<16xf32>
        %sub3A_1894 = arith.subf %sub3A_1893, %gather3A_1890 : vector<16xf32>
        %mul3A_1895 = arith.mulf %sub3A_1894, %sub3A_1894 : vector<16xf32>
        %add3A_1896 = arith.addf %add3A_1887, %mul3A_1895 : vector<16xf32>
        %broadcast_in_dim3A_1897 = arith.constant 19 : i32
        %broadcast_in_dim3A_1898 = vector.broadcast %broadcast_in_dim3A_1897 : i32 to vector<16xi32>
        %gather3A_1899 = tpu.vector_load_idx %arg16[%add3A_1728, %broadcast_in_dim3A_1898] : memref<208x64xf32, #tpu.memory_space<vmem>>[vector<16xi32>, vector<16xi32>], vector<16xf32>,
        %slice3A_1900 = vector.extract_strided_slice %get3A_1706 {offsets = [3], sizes = [1], strides = [1]} : vector<16xf32> to vector<1xf32>
        %squeeze3A_1901 = vector.extract %slice3A_1900[0] : f32 from vector<1xf32>
        %sub3A_1902 = vector.broadcast %squeeze3A_1901 : f32 to vector<16xf32>
        %sub3A_1903 = arith.subf %sub3A_1902, %gather3A_1899 : vector<16xf32>
        %mul3A_1904 = arith.mulf %sub3A_1903, %sub3A_1903 : vector<16xf32>
        %add3A_1905 = arith.addf %add3A_1896, %mul3A_1904 : vector<16xf32>
        %broadcast_in_dim3A_1906 = arith.constant 20 : i32
        %broadcast_in_dim3A_1907 = vector.broadcast %broadcast_in_dim3A_1906 : i32 to vector<16xi32>
        %gather3A_1908 = tpu.vector_load_idx %arg16[%add3A_1728, %broadcast_in_dim3A_1907] : memref<208x64xf32, #tpu.memory_space<vmem>>[vector<16xi32>, vector<16xi32>], vector<16xf32>,
        %slice3A_1909 = vector.extract_strided_slice %get3A_1706 {offsets = [4], sizes = [1], strides = [1]} : vector<16xf32> to vector<1xf32>
        %squeeze3A_1910 = vector.extract %slice3A_1909[0] : f32 from vector<1xf32>
        %sub3A_1911 = vector.broadcast %squeeze3A_1910 : f32 to vector<16xf32>
        %sub3A_1912 = arith.subf %sub3A_1911, %gather3A_1908 : vector<16xf32>
        %mul3A_1913 = arith.mulf %sub3A_1912, %sub3A_1912 : vector<16xf32>
        %add3A_1914 = arith.addf %add3A_1905, %mul3A_1913 : vector<16xf32>
        %broadcast_in_dim3A_1915 = arith.constant 21 : i32
        %broadcast_in_dim3A_1916 = vector.broadcast %broadcast_in_dim3A_1915 : i32 to vector<16xi32>
        %gather3A_1917 = tpu.vector_load_idx %arg16[%add3A_1728, %broadcast_in_dim3A_1916] : memref<208x64xf32, #tpu.memory_space<vmem>>[vector<16xi32>, vector<16xi32>], vector<16xf32>,
        %slice3A_1918 = vector.extract_strided_slice %get3A_1706 {offsets = [5], sizes = [1], strides = [1]} : vector<16xf32> to vector<1xf32>
        %squeeze3A_1919 = vector.extract %slice3A_1918[0] : f32 from vector<1xf32>
        %sub3A_1920 = vector.broadcast %squeeze3A_1919 : f32 to vector<16xf32>
        %sub3A_1921 = arith.subf %sub3A_1920, %gather3A_1917 : vector<16xf32>
        %mul3A_1922 = arith.mulf %sub3A_1921, %sub3A_1921 : vector<16xf32>
        %add3A_1923 = arith.addf %add3A_1914, %mul3A_1922 : vector<16xf32>
        %broadcast_in_dim3A_1924 = arith.constant 22 : i32
        %broadcast_in_dim3A_1925 = vector.broadcast %broadcast_in_dim3A_1924 : i32 to vector<16xi32>
        %gather3A_1926 = tpu.vector_load_idx %arg16[%add3A_1728, %broadcast_in_dim3A_1925] : memref<208x64xf32, #tpu.memory_space<vmem>>[vector<16xi32>, vector<16xi32>], vector<16xf32>,
        %slice3A_1927 = vector.extract_strided_slice %get3A_1706 {offsets = [6], sizes = [1], strides = [1]} : vector<16xf32> to vector<1xf32>
        %squeeze3A_1928 = vector.extract %slice3A_1927[0] : f32 from vector<1xf32>
        %sub3A_1929 = vector.broadcast %squeeze3A_1928 : f32 to vector<16xf32>
        %sub3A_1930 = arith.subf %sub3A_1929, %gather3A_1926 : vector<16xf32>
        %mul3A_1931 = arith.mulf %sub3A_1930, %sub3A_1930 : vector<16xf32>
        %add3A_1932 = arith.addf %add3A_1923, %mul3A_1931 : vector<16xf32>
        %broadcast_in_dim3A_1933 = arith.constant 23 : i32
        %broadcast_in_dim3A_1934 = vector.broadcast %broadcast_in_dim3A_1933 : i32 to vector<16xi32>
        %gather3A_1935 = tpu.vector_load_idx %arg16[%add3A_1728, %broadcast_in_dim3A_1934] : memref<208x64xf32, #tpu.memory_space<vmem>>[vector<16xi32>, vector<16xi32>], vector<16xf32>,
        %slice3A_1936 = vector.extract_strided_slice %get3A_1706 {offsets = [7], sizes = [1], strides = [1]} : vector<16xf32> to vector<1xf32>
        %squeeze3A_1937 = vector.extract %slice3A_1936[0] : f32 from vector<1xf32>
        %sub3A_1938 = vector.broadcast %squeeze3A_1937 : f32 to vector<16xf32>
        %sub3A_1939 = arith.subf %sub3A_1938, %gather3A_1935 : vector<16xf32>
        %mul3A_1940 = arith.mulf %sub3A_1939, %sub3A_1939 : vector<16xf32>
        %add3A_1941 = arith.addf %add3A_1932, %mul3A_1940 : vector<16xf32>
        %broadcast_in_dim3A_1942 = arith.constant 24 : i32
        %broadcast_in_dim3A_1943 = vector.broadcast %broadcast_in_dim3A_1942 : i32 to vector<16xi32>
        %gather3A_1944 = tpu.vector_load_idx %arg16[%add3A_1728, %broadcast_in_dim3A_1943] : memref<208x64xf32, #tpu.memory_space<vmem>>[vector<16xi32>, vector<16xi32>], vector<16xf32>,
        %slice3A_1945 = vector.extract_strided_slice %get3A_1706 {offsets = [8], sizes = [1], strides = [1]} : vector<16xf32> to vector<1xf32>
        %squeeze3A_1946 = vector.extract %slice3A_1945[0] : f32 from vector<1xf32>
        %sub3A_1947 = vector.broadcast %squeeze3A_1946 : f32 to vector<16xf32>
        %sub3A_1948 = arith.subf %sub3A_1947, %gather3A_1944 : vector<16xf32>
        %mul3A_1949 = arith.mulf %sub3A_1948, %sub3A_1948 : vector<16xf32>
        %add3A_1950 = arith.addf %add3A_1941, %mul3A_1949 : vector<16xf32>
        %broadcast_in_dim3A_1951 = arith.constant 25 : i32
        %broadcast_in_dim3A_1952 = vector.broadcast %broadcast_in_dim3A_1951 : i32 to vector<16xi32>
        %gather3A_1953 = tpu.vector_load_idx %arg16[%add3A_1728, %broadcast_in_dim3A_1952] : memref<208x64xf32, #tpu.memory_space<vmem>>[vector<16xi32>, vector<16xi32>], vector<16xf32>,
        %slice3A_1954 = vector.extract_strided_slice %get3A_1706 {offsets = [9], sizes = [1], strides = [1]} : vector<16xf32> to vector<1xf32>
        %squeeze3A_1955 = vector.extract %slice3A_1954[0] : f32 from vector<1xf32>
        %sub3A_1956 = vector.broadcast %squeeze3A_1955 : f32 to vector<16xf32>
        %sub3A_1957 = arith.subf %sub3A_1956, %gather3A_1953 : vector<16xf32>
        %mul3A_1958 = arith.mulf %sub3A_1957, %sub3A_1957 : vector<16xf32>
        %add3A_1959 = arith.addf %add3A_1950, %mul3A_1958 : vector<16xf32>
        %broadcast_in_dim3A_1960 = arith.constant 26 : i32
        %broadcast_in_dim3A_1961 = vector.broadcast %broadcast_in_dim3A_1960 : i32 to vector<16xi32>
        %gather3A_1962 = tpu.vector_load_idx %arg16[%add3A_1728, %broadcast_in_dim3A_1961] : memref<208x64xf32, #tpu.memory_space<vmem>>[vector<16xi32>, vector<16xi32>], vector<16xf32>,
        %slice3A_1963 = vector.extract_strided_slice %get3A_1706 {offsets = [10], sizes = [1], strides = [1]} : vector<16xf32> to vector<1xf32>
        %squeeze3A_1964 = vector.extract %slice3A_1963[0] : f32 from vector<1xf32>
        %sub3A_1965 = vector.broadcast %squeeze3A_1964 : f32 to vector<16xf32>
        %sub3A_1966 = arith.subf %sub3A_1965, %gather3A_1962 : vector<16xf32>
        %mul3A_1967 = arith.mulf %sub3A_1966, %sub3A_1966 : vector<16xf32>
        %add3A_1968 = arith.addf %add3A_1959, %mul3A_1967 : vector<16xf32>
        %broadcast_in_dim3A_1969 = arith.constant 27 : i32
        %broadcast_in_dim3A_1970 = vector.broadcast %broadcast_in_dim3A_1969 : i32 to vector<16xi32>
        %gather3A_1971 = tpu.vector_load_idx %arg16[%add3A_1728, %broadcast_in_dim3A_1970] : memref<208x64xf32, #tpu.memory_space<vmem>>[vector<16xi32>, vector<16xi32>], vector<16xf32>,
        %slice3A_1972 = vector.extract_strided_slice %get3A_1706 {offsets = [11], sizes = [1], strides = [1]} : vector<16xf32> to vector<1xf32>
        %squeeze3A_1973 = vector.extract %slice3A_1972[0] : f32 from vector<1xf32>
        %sub3A_1974 = vector.broadcast %squeeze3A_1973 : f32 to vector<16xf32>
        %sub3A_1975 = arith.subf %sub3A_1974, %gather3A_1971 : vector<16xf32>
        %mul3A_1976 = arith.mulf %sub3A_1975, %sub3A_1975 : vector<16xf32>
        %add3A_1977 = arith.addf %add3A_1968, %mul3A_1976 : vector<16xf32>
        %broadcast_in_dim3A_1978 = arith.constant 28 : i32
        %broadcast_in_dim3A_1979 = vector.broadcast %broadcast_in_dim3A_1978 : i32 to vector<16xi32>
        %gather3A_1980 = tpu.vector_load_idx %arg16[%add3A_1728, %broadcast_in_dim3A_1979] : memref<208x64xf32, #tpu.memory_space<vmem>>[vector<16xi32>, vector<16xi32>], vector<16xf32>,
        %slice3A_1981 = vector.extract_strided_slice %get3A_1706 {offsets = [12], sizes = [1], strides = [1]} : vector<16xf32> to vector<1xf32>
        %squeeze3A_1982 = vector.extract %slice3A_1981[0] : f32 from vector<1xf32>
        %sub3A_1983 = vector.broadcast %squeeze3A_1982 : f32 to vector<16xf32>
        %sub3A_1984 = arith.subf %sub3A_1983, %gather3A_1980 : vector<16xf32>
        %mul3A_1985 = arith.mulf %sub3A_1984, %sub3A_1984 : vector<16xf32>
        %add3A_1986 = arith.addf %add3A_1977, %mul3A_1985 : vector<16xf32>
        %broadcast_in_dim3A_1987 = arith.constant 29 : i32
        %broadcast_in_dim3A_1988 = vector.broadcast %broadcast_in_dim3A_1987 : i32 to vector<16xi32>
        %gather3A_1989 = tpu.vector_load_idx %arg16[%add3A_1728, %broadcast_in_dim3A_1988] : memref<208x64xf32, #tpu.memory_space<vmem>>[vector<16xi32>, vector<16xi32>], vector<16xf32>,
        %slice3A_1990 = vector.extract_strided_slice %get3A_1706 {offsets = [13], sizes = [1], strides = [1]} : vector<16xf32> to vector<1xf32>
        %squeeze3A_1991 = vector.extract %slice3A_1990[0] : f32 from vector<1xf32>
        %sub3A_1992 = vector.broadcast %squeeze3A_1991 : f32 to vector<16xf32>
        %sub3A_1993 = arith.subf %sub3A_1992, %gather3A_1989 : vector<16xf32>
        %mul3A_1994 = arith.mulf %sub3A_1993, %sub3A_1993 : vector<16xf32>
        %add3A_1995 = arith.addf %add3A_1986, %mul3A_1994 : vector<16xf32>
        %broadcast_in_dim3A_1996 = arith.constant 30 : i32
        %broadcast_in_dim3A_1997 = vector.broadcast %broadcast_in_dim3A_1996 : i32 to vector<16xi32>
        %gather3A_1998 = tpu.vector_load_idx %arg16[%add3A_1728, %broadcast_in_dim3A_1997] : memref<208x64xf32, #tpu.memory_space<vmem>>[vector<16xi32>, vector<16xi32>], vector<16xf32>,
        %slice3A_1999 = vector.extract_strided_slice %get3A_1706 {offsets = [14], sizes = [1], strides = [1]} : vector<16xf32> to vector<1xf32>
        %squeeze3A_2000 = vector.extract %slice3A_1999[0] : f32 from vector<1xf32>
        %sub3A_2001 = vector.broadcast %squeeze3A_2000 : f32 to vector<16xf32>
        %sub3A_2002 = arith.subf %sub3A_2001, %gather3A_1998 : vector<16xf32>
        %mul3A_2003 = arith.mulf %sub3A_2002, %sub3A_2002 : vector<16xf32>
        %add3A_2004 = arith.addf %add3A_1995, %mul3A_2003 : vector<16xf32>
        %broadcast_in_dim3A_2005 = arith.constant 31 : i32
        %broadcast_in_dim3A_2006 = vector.broadcast %broadcast_in_dim3A_2005 : i32 to vector<16xi32>
        %gather3A_2007 = tpu.vector_load_idx %arg16[%add3A_1728, %broadcast_in_dim3A_2006] : memref<208x64xf32, #tpu.memory_space<vmem>>[vector<16xi32>, vector<16xi32>], vector<16xf32>,
        %slice3A_2008 = vector.extract_strided_slice %get3A_1706 {offsets = [15], sizes = [1], strides = [1]} : vector<16xf32> to vector<1xf32>
        %squeeze3A_2009 = vector.extract %slice3A_2008[0] : f32 from vector<1xf32>
        %sub3A_2010 = vector.broadcast %squeeze3A_2009 : f32 to vector<16xf32>
        %sub3A_2011 = arith.subf %sub3A_2010, %gather3A_2007 : vector<16xf32>
        %mul3A_2012 = arith.mulf %sub3A_2011, %sub3A_2011 : vector<16xf32>
        %add3A_2013 = arith.addf %add3A_2004, %mul3A_2012 : vector<16xf32>
        %broadcast_in_dim3A_2014 = arith.constant 32 : i32
        %broadcast_in_dim3A_2015 = vector.broadcast %broadcast_in_dim3A_2014 : i32 to vector<16xi32>
        %gather3A_2016 = tpu.vector_load_idx %arg16[%add3A_1728, %broadcast_in_dim3A_2015] : memref<208x64xf32, #tpu.memory_space<vmem>>[vector<16xi32>, vector<16xi32>], vector<16xf32>,
        %slice3A_2017 = vector.extract_strided_slice %get3A_1709 {offsets = [0], sizes = [1], strides = [1]} : vector<16xf32> to vector<1xf32>
        %squeeze3A_2018 = vector.extract %slice3A_2017[0] : f32 from vector<1xf32>
        %sub3A_2019 = vector.broadcast %squeeze3A_2018 : f32 to vector<16xf32>
        %sub3A_2020 = arith.subf %sub3A_2019, %gather3A_2016 : vector<16xf32>
        %mul3A_2021 = arith.mulf %sub3A_2020, %sub3A_2020 : vector<16xf32>
        %add3A_2022 = arith.addf %add3A_2013, %mul3A_2021 : vector<16xf32>
        %broadcast_in_dim3A_2023 = arith.constant 33 : i32
        %broadcast_in_dim3A_2024 = vector.broadcast %broadcast_in_dim3A_2023 : i32 to vector<16xi32>
        %gather3A_2025 = tpu.vector_load_idx %arg16[%add3A_1728, %broadcast_in_dim3A_2024] : memref<208x64xf32, #tpu.memory_space<vmem>>[vector<16xi32>, vector<16xi32>], vector<16xf32>,
        %slice3A_2026 = vector.extract_strided_slice %get3A_1709 {offsets = [1], sizes = [1], strides = [1]} : vector<16xf32> to vector<1xf32>
        %squeeze3A_2027 = vector.extract %slice3A_2026[0] : f32 from vector<1xf32>
        %sub3A_2028 = vector.broadcast %squeeze3A_2027 : f32 to vector<16xf32>
        %sub3A_2029 = arith.subf %sub3A_2028, %gather3A_2025 : vector<16xf32>
        %mul3A_2030 = arith.mulf %sub3A_2029, %sub3A_2029 : vector<16xf32>
        %add3A_2031 = arith.addf %add3A_2022, %mul3A_2030 : vector<16xf32>
        %broadcast_in_dim3A_2032 = arith.constant 34 : i32
        %broadcast_in_dim3A_2033 = vector.broadcast %broadcast_in_dim3A_2032 : i32 to vector<16xi32>
        %gather3A_2034 = tpu.vector_load_idx %arg16[%add3A_1728, %broadcast_in_dim3A_2033] : memref<208x64xf32, #tpu.memory_space<vmem>>[vector<16xi32>, vector<16xi32>], vector<16xf32>,
        %slice3A_2035 = vector.extract_strided_slice %get3A_1709 {offsets = [2], sizes = [1], strides = [1]} : vector<16xf32> to vector<1xf32>
        %squeeze3A_2036 = vector.extract %slice3A_2035[0] : f32 from vector<1xf32>
        %sub3A_2037 = vector.broadcast %squeeze3A_2036 : f32 to vector<16xf32>
        %sub3A_2038 = arith.subf %sub3A_2037, %gather3A_2034 : vector<16xf32>
        %mul3A_2039 = arith.mulf %sub3A_2038, %sub3A_2038 : vector<16xf32>
        %add3A_2040 = arith.addf %add3A_2031, %mul3A_2039 : vector<16xf32>
        %broadcast_in_dim3A_2041 = arith.constant 35 : i32
        %broadcast_in_dim3A_2042 = vector.broadcast %broadcast_in_dim3A_2041 : i32 to vector<16xi32>
        %gather3A_2043 = tpu.vector_load_idx %arg16[%add3A_1728, %broadcast_in_dim3A_2042] : memref<208x64xf32, #tpu.memory_space<vmem>>[vector<16xi32>, vector<16xi32>], vector<16xf32>,
        %slice3A_2044 = vector.extract_strided_slice %get3A_1709 {offsets = [3], sizes = [1], strides = [1]} : vector<16xf32> to vector<1xf32>
        %squeeze3A_2045 = vector.extract %slice3A_2044[0] : f32 from vector<1xf32>
        %sub3A_2046 = vector.broadcast %squeeze3A_2045 : f32 to vector<16xf32>
        %sub3A_2047 = arith.subf %sub3A_2046, %gather3A_2043 : vector<16xf32>
        %mul3A_2048 = arith.mulf %sub3A_2047, %sub3A_2047 : vector<16xf32>
        %add3A_2049 = arith.addf %add3A_2040, %mul3A_2048 : vector<16xf32>
        %broadcast_in_dim3A_2050 = arith.constant 36 : i32
        %broadcast_in_dim3A_2051 = vector.broadcast %broadcast_in_dim3A_2050 : i32 to vector<16xi32>
        %gather3A_2052 = tpu.vector_load_idx %arg16[%add3A_1728, %broadcast_in_dim3A_2051] : memref<208x64xf32, #tpu.memory_space<vmem>>[vector<16xi32>, vector<16xi32>], vector<16xf32>,
        %slice3A_2053 = vector.extract_strided_slice %get3A_1709 {offsets = [4], sizes = [1], strides = [1]} : vector<16xf32> to vector<1xf32>
        %squeeze3A_2054 = vector.extract %slice3A_2053[0] : f32 from vector<1xf32>
        %sub3A_2055 = vector.broadcast %squeeze3A_2054 : f32 to vector<16xf32>
        %sub3A_2056 = arith.subf %sub3A_2055, %gather3A_2052 : vector<16xf32>
        %mul3A_2057 = arith.mulf %sub3A_2056, %sub3A_2056 : vector<16xf32>
        %add3A_2058 = arith.addf %add3A_2049, %mul3A_2057 : vector<16xf32>
        %broadcast_in_dim3A_2059 = arith.constant 37 : i32
        %broadcast_in_dim3A_2060 = vector.broadcast %broadcast_in_dim3A_2059 : i32 to vector<16xi32>
        %gather3A_2061 = tpu.vector_load_idx %arg16[%add3A_1728, %broadcast_in_dim3A_2060] : memref<208x64xf32, #tpu.memory_space<vmem>>[vector<16xi32>, vector<16xi32>], vector<16xf32>,
        %slice3A_2062 = vector.extract_strided_slice %get3A_1709 {offsets = [5], sizes = [1], strides = [1]} : vector<16xf32> to vector<1xf32>
        %squeeze3A_2063 = vector.extract %slice3A_2062[0] : f32 from vector<1xf32>
        %sub3A_2064 = vector.broadcast %squeeze3A_2063 : f32 to vector<16xf32>
        %sub3A_2065 = arith.subf %sub3A_2064, %gather3A_2061 : vector<16xf32>
        %mul3A_2066 = arith.mulf %sub3A_2065, %sub3A_2065 : vector<16xf32>
        %add3A_2067 = arith.addf %add3A_2058, %mul3A_2066 : vector<16xf32>
        %broadcast_in_dim3A_2068 = arith.constant 38 : i32
        %broadcast_in_dim3A_2069 = vector.broadcast %broadcast_in_dim3A_2068 : i32 to vector<16xi32>
        %gather3A_2070 = tpu.vector_load_idx %arg16[%add3A_1728, %broadcast_in_dim3A_2069] : memref<208x64xf32, #tpu.memory_space<vmem>>[vector<16xi32>, vector<16xi32>], vector<16xf32>,
        %slice3A_2071 = vector.extract_strided_slice %get3A_1709 {offsets = [6], sizes = [1], strides = [1]} : vector<16xf32> to vector<1xf32>
        %squeeze3A_2072 = vector.extract %slice3A_2071[0] : f32 from vector<1xf32>
        %sub3A_2073 = vector.broadcast %squeeze3A_2072 : f32 to vector<16xf32>
        %sub3A_2074 = arith.subf %sub3A_2073, %gather3A_2070 : vector<16xf32>
        %mul3A_2075 = arith.mulf %sub3A_2074, %sub3A_2074 : vector<16xf32>
        %add3A_2076 = arith.addf %add3A_2067, %mul3A_2075 : vector<16xf32>
        %broadcast_in_dim3A_2077 = arith.constant 39 : i32
        %broadcast_in_dim3A_2078 = vector.broadcast %broadcast_in_dim3A_2077 : i32 to vector<16xi32>
        %gather3A_2079 = tpu.vector_load_idx %arg16[%add3A_1728, %broadcast_in_dim3A_2078] : memref<208x64xf32, #tpu.memory_space<vmem>>[vector<16xi32>, vector<16xi32>], vector<16xf32>,
        %slice3A_2080 = vector.extract_strided_slice %get3A_1709 {offsets = [7], sizes = [1], strides = [1]} : vector<16xf32> to vector<1xf32>
        %squeeze3A_2081 = vector.extract %slice3A_2080[0] : f32 from vector<1xf32>
        %sub3A_2082 = vector.broadcast %squeeze3A_2081 : f32 to vector<16xf32>
        %sub3A_2083 = arith.subf %sub3A_2082, %gather3A_2079 : vector<16xf32>
        %mul3A_2084 = arith.mulf %sub3A_2083, %sub3A_2083 : vector<16xf32>
        %add3A_2085 = arith.addf %add3A_2076, %mul3A_2084 : vector<16xf32>
        %broadcast_in_dim3A_2086 = arith.constant 40 : i32
        %broadcast_in_dim3A_2087 = vector.broadcast %broadcast_in_dim3A_2086 : i32 to vector<16xi32>
        %gather3A_2088 = tpu.vector_load_idx %arg16[%add3A_1728, %broadcast_in_dim3A_2087] : memref<208x64xf32, #tpu.memory_space<vmem>>[vector<16xi32>, vector<16xi32>], vector<16xf32>,
        %slice3A_2089 = vector.extract_strided_slice %get3A_1709 {offsets = [8], sizes = [1], strides = [1]} : vector<16xf32> to vector<1xf32>
        %squeeze3A_2090 = vector.extract %slice3A_2089[0] : f32 from vector<1xf32>
        %sub3A_2091 = vector.broadcast %squeeze3A_2090 : f32 to vector<16xf32>
        %sub3A_2092 = arith.subf %sub3A_2091, %gather3A_2088 : vector<16xf32>
        %mul3A_2093 = arith.mulf %sub3A_2092, %sub3A_2092 : vector<16xf32>
        %add3A_2094 = arith.addf %add3A_2085, %mul3A_2093 : vector<16xf32>
        %broadcast_in_dim3A_2095 = arith.constant 41 : i32
        %broadcast_in_dim3A_2096 = vector.broadcast %broadcast_in_dim3A_2095 : i32 to vector<16xi32>
        %gather3A_2097 = tpu.vector_load_idx %arg16[%add3A_1728, %broadcast_in_dim3A_2096] : memref<208x64xf32, #tpu.memory_space<vmem>>[vector<16xi32>, vector<16xi32>], vector<16xf32>,
        %slice3A_2098 = vector.extract_strided_slice %get3A_1709 {offsets = [9], sizes = [1], strides = [1]} : vector<16xf32> to vector<1xf32>
        %squeeze3A_2099 = vector.extract %slice3A_2098[0] : f32 from vector<1xf32>
        %sub3A_2100 = vector.broadcast %squeeze3A_2099 : f32 to vector<16xf32>
        %sub3A_2101 = arith.subf %sub3A_2100, %gather3A_2097 : vector<16xf32>
        %mul3A_2102 = arith.mulf %sub3A_2101, %sub3A_2101 : vector<16xf32>
        %add3A_2103 = arith.addf %add3A_2094, %mul3A_2102 : vector<16xf32>
        %broadcast_in_dim3A_2104 = arith.constant 42 : i32
        %broadcast_in_dim3A_2105 = vector.broadcast %broadcast_in_dim3A_2104 : i32 to vector<16xi32>
        %gather3A_2106 = tpu.vector_load_idx %arg16[%add3A_1728, %broadcast_in_dim3A_2105] : memref<208x64xf32, #tpu.memory_space<vmem>>[vector<16xi32>, vector<16xi32>], vector<16xf32>,
        %slice3A_2107 = vector.extract_strided_slice %get3A_1709 {offsets = [10], sizes = [1], strides = [1]} : vector<16xf32> to vector<1xf32>
        %squeeze3A_2108 = vector.extract %slice3A_2107[0] : f32 from vector<1xf32>
        %sub3A_2109 = vector.broadcast %squeeze3A_2108 : f32 to vector<16xf32>
        %sub3A_2110 = arith.subf %sub3A_2109, %gather3A_2106 : vector<16xf32>
        %mul3A_2111 = arith.mulf %sub3A_2110, %sub3A_2110 : vector<16xf32>
        %add3A_2112 = arith.addf %add3A_2103, %mul3A_2111 : vector<16xf32>
        %broadcast_in_dim3A_2113 = arith.constant 43 : i32
        %broadcast_in_dim3A_2114 = vector.broadcast %broadcast_in_dim3A_2113 : i32 to vector<16xi32>
        %gather3A_2115 = tpu.vector_load_idx %arg16[%add3A_1728, %broadcast_in_dim3A_2114] : memref<208x64xf32, #tpu.memory_space<vmem>>[vector<16xi32>, vector<16xi32>], vector<16xf32>,
        %slice3A_2116 = vector.extract_strided_slice %get3A_1709 {offsets = [11], sizes = [1], strides = [1]} : vector<16xf32> to vector<1xf32>
        %squeeze3A_2117 = vector.extract %slice3A_2116[0] : f32 from vector<1xf32>
        %sub3A_2118 = vector.broadcast %squeeze3A_2117 : f32 to vector<16xf32>
        %sub3A_2119 = arith.subf %sub3A_2118, %gather3A_2115 : vector<16xf32>
        %mul3A_2120 = arith.mulf %sub3A_2119, %sub3A_2119 : vector<16xf32>
        %add3A_2121 = arith.addf %add3A_2112, %mul3A_2120 : vector<16xf32>
        %broadcast_in_dim3A_2122 = arith.constant 44 : i32
        %broadcast_in_dim3A_2123 = vector.broadcast %broadcast_in_dim3A_2122 : i32 to vector<16xi32>
        %gather3A_2124 = tpu.vector_load_idx %arg16[%add3A_1728, %broadcast_in_dim3A_2123] : memref<208x64xf32, #tpu.memory_space<vmem>>[vector<16xi32>, vector<16xi32>], vector<16xf32>,
        %slice3A_2125 = vector.extract_strided_slice %get3A_1709 {offsets = [12], sizes = [1], strides = [1]} : vector<16xf32> to vector<1xf32>
        %squeeze3A_2126 = vector.extract %slice3A_2125[0] : f32 from vector<1xf32>
        %sub3A_2127 = vector.broadcast %squeeze3A_2126 : f32 to vector<16xf32>
        %sub3A_2128 = arith.subf %sub3A_2127, %gather3A_2124 : vector<16xf32>
        %mul3A_2129 = arith.mulf %sub3A_2128, %sub3A_2128 : vector<16xf32>
        %add3A_2130 = arith.addf %add3A_2121, %mul3A_2129 : vector<16xf32>
        %broadcast_in_dim3A_2131 = arith.constant 45 : i32
        %broadcast_in_dim3A_2132 = vector.broadcast %broadcast_in_dim3A_2131 : i32 to vector<16xi32>
        %gather3A_2133 = tpu.vector_load_idx %arg16[%add3A_1728, %broadcast_in_dim3A_2132] : memref<208x64xf32, #tpu.memory_space<vmem>>[vector<16xi32>, vector<16xi32>], vector<16xf32>,
        %slice3A_2134 = vector.extract_strided_slice %get3A_1709 {offsets = [13], sizes = [1], strides = [1]} : vector<16xf32> to vector<1xf32>
        %squeeze3A_2135 = vector.extract %slice3A_2134[0] : f32 from vector<1xf32>
        %sub3A_2136 = vector.broadcast %squeeze3A_2135 : f32 to vector<16xf32>
        %sub3A_2137 = arith.subf %sub3A_2136, %gather3A_2133 : vector<16xf32>
        %mul3A_2138 = arith.mulf %sub3A_2137, %sub3A_2137 : vector<16xf32>
        %add3A_2139 = arith.addf %add3A_2130, %mul3A_2138 : vector<16xf32>
        %broadcast_in_dim3A_2140 = arith.constant 46 : i32
        %broadcast_in_dim3A_2141 = vector.broadcast %broadcast_in_dim3A_2140 : i32 to vector<16xi32>
        %gather3A_2142 = tpu.vector_load_idx %arg16[%add3A_1728, %broadcast_in_dim3A_2141] : memref<208x64xf32, #tpu.memory_space<vmem>>[vector<16xi32>, vector<16xi32>], vector<16xf32>,
        %slice3A_2143 = vector.extract_strided_slice %get3A_1709 {offsets = [14], sizes = [1], strides = [1]} : vector<16xf32> to vector<1xf32>
        %squeeze3A_2144 = vector.extract %slice3A_2143[0] : f32 from vector<1xf32>
        %sub3A_2145 = vector.broadcast %squeeze3A_2144 : f32 to vector<16xf32>
        %sub3A_2146 = arith.subf %sub3A_2145, %gather3A_2142 : vector<16xf32>
        %mul3A_2147 = arith.mulf %sub3A_2146, %sub3A_2146 : vector<16xf32>
        %add3A_2148 = arith.addf %add3A_2139, %mul3A_2147 : vector<16xf32>
        %broadcast_in_dim3A_2149 = arith.constant 47 : i32
        %broadcast_in_dim3A_2150 = vector.broadcast %broadcast_in_dim3A_2149 : i32 to vector<16xi32>
        %gather3A_2151 = tpu.vector_load_idx %arg16[%add3A_1728, %broadcast_in_dim3A_2150] : memref<208x64xf32, #tpu.memory_space<vmem>>[vector<16xi32>, vector<16xi32>], vector<16xf32>,
        %slice3A_2152 = vector.extract_strided_slice %get3A_1709 {offsets = [15], sizes = [1], strides = [1]} : vector<16xf32> to vector<1xf32>
        %squeeze3A_2153 = vector.extract %slice3A_2152[0] : f32 from vector<1xf32>
        %sub3A_2154 = vector.broadcast %squeeze3A_2153 : f32 to vector<16xf32>
        %sub3A_2155 = arith.subf %sub3A_2154, %gather3A_2151 : vector<16xf32>
        %mul3A_2156 = arith.mulf %sub3A_2155, %sub3A_2155 : vector<16xf32>
        %add3A_2157 = arith.addf %add3A_2148, %mul3A_2156 : vector<16xf32>
        %broadcast_in_dim3A_2158 = arith.constant 48 : i32
        %broadcast_in_dim3A_2159 = vector.broadcast %broadcast_in_dim3A_2158 : i32 to vector<16xi32>
        %gather3A_2160 = tpu.vector_load_idx %arg16[%add3A_1728, %broadcast_in_dim3A_2159] : memref<208x64xf32, #tpu.memory_space<vmem>>[vector<16xi32>, vector<16xi32>], vector<16xf32>,
        %slice3A_2161 = vector.extract_strided_slice %get3A_1712 {offsets = [0], sizes = [1], strides = [1]} : vector<16xf32> to vector<1xf32>
        %squeeze3A_2162 = vector.extract %slice3A_2161[0] : f32 from vector<1xf32>
        %sub3A_2163 = vector.broadcast %squeeze3A_2162 : f32 to vector<16xf32>
        %sub3A_2164 = arith.subf %sub3A_2163, %gather3A_2160 : vector<16xf32>
        %mul3A_2165 = arith.mulf %sub3A_2164, %sub3A_2164 : vector<16xf32>
        %add3A_2166 = arith.addf %add3A_2157, %mul3A_2165 : vector<16xf32>
        %broadcast_in_dim3A_2167 = arith.constant 49 : i32
        %broadcast_in_dim3A_2168 = vector.broadcast %broadcast_in_dim3A_2167 : i32 to vector<16xi32>
        %gather3A_2169 = tpu.vector_load_idx %arg16[%add3A_1728, %broadcast_in_dim3A_2168] : memref<208x64xf32, #tpu.memory_space<vmem>>[vector<16xi32>, vector<16xi32>], vector<16xf32>,
        %slice3A_2170 = vector.extract_strided_slice %get3A_1712 {offsets = [1], sizes = [1], strides = [1]} : vector<16xf32> to vector<1xf32>
        %squeeze3A_2171 = vector.extract %slice3A_2170[0] : f32 from vector<1xf32>
        %sub3A_2172 = vector.broadcast %squeeze3A_2171 : f32 to vector<16xf32>
        %sub3A_2173 = arith.subf %sub3A_2172, %gather3A_2169 : vector<16xf32>
        %mul3A_2174 = arith.mulf %sub3A_2173, %sub3A_2173 : vector<16xf32>
        %add3A_2175 = arith.addf %add3A_2166, %mul3A_2174 : vector<16xf32>
        %broadcast_in_dim3A_2176 = arith.constant 50 : i32
        %broadcast_in_dim3A_2177 = vector.broadcast %broadcast_in_dim3A_2176 : i32 to vector<16xi32>
        %gather3A_2178 = tpu.vector_load_idx %arg16[%add3A_1728, %broadcast_in_dim3A_2177] : memref<208x64xf32, #tpu.memory_space<vmem>>[vector<16xi32>, vector<16xi32>], vector<16xf32>,
        %slice3A_2179 = vector.extract_strided_slice %get3A_1712 {offsets = [2], sizes = [1], strides = [1]} : vector<16xf32> to vector<1xf32>
        %squeeze3A_2180 = vector.extract %slice3A_2179[0] : f32 from vector<1xf32>
        %sub3A_2181 = vector.broadcast %squeeze3A_2180 : f32 to vector<16xf32>
        %sub3A_2182 = arith.subf %sub3A_2181, %gather3A_2178 : vector<16xf32>
        %mul3A_2183 = arith.mulf %sub3A_2182, %sub3A_2182 : vector<16xf32>
        %add3A_2184 = arith.addf %add3A_2175, %mul3A_2183 : vector<16xf32>
        %broadcast_in_dim3A_2185 = arith.constant 51 : i32
        %broadcast_in_dim3A_2186 = vector.broadcast %broadcast_in_dim3A_2185 : i32 to vector<16xi32>
        %gather3A_2187 = tpu.vector_load_idx %arg16[%add3A_1728, %broadcast_in_dim3A_2186] : memref<208x64xf32, #tpu.memory_space<vmem>>[vector<16xi32>, vector<16xi32>], vector<16xf32>,
        %slice3A_2188 = vector.extract_strided_slice %get3A_1712 {offsets = [3], sizes = [1], strides = [1]} : vector<16xf32> to vector<1xf32>
        %squeeze3A_2189 = vector.extract %slice3A_2188[0] : f32 from vector<1xf32>
        %sub3A_2190 = vector.broadcast %squeeze3A_2189 : f32 to vector<16xf32>
        %sub3A_2191 = arith.subf %sub3A_2190, %gather3A_2187 : vector<16xf32>
        %mul3A_2192 = arith.mulf %sub3A_2191, %sub3A_2191 : vector<16xf32>
        %add3A_2193 = arith.addf %add3A_2184, %mul3A_2192 : vector<16xf32>
        %broadcast_in_dim3A_2194 = arith.constant 52 : i32
        %broadcast_in_dim3A_2195 = vector.broadcast %broadcast_in_dim3A_2194 : i32 to vector<16xi32>
        %gather3A_2196 = tpu.vector_load_idx %arg16[%add3A_1728, %broadcast_in_dim3A_2195] : memref<208x64xf32, #tpu.memory_space<vmem>>[vector<16xi32>, vector<16xi32>], vector<16xf32>,
        %slice3A_2197 = vector.extract_strided_slice %get3A_1712 {offsets = [4], sizes = [1], strides = [1]} : vector<16xf32> to vector<1xf32>
        %squeeze3A_2198 = vector.extract %slice3A_2197[0] : f32 from vector<1xf32>
        %sub3A_2199 = vector.broadcast %squeeze3A_2198 : f32 to vector<16xf32>
        %sub3A_2200 = arith.subf %sub3A_2199, %gather3A_2196 : vector<16xf32>
        %mul3A_2201 = arith.mulf %sub3A_2200, %sub3A_2200 : vector<16xf32>
        %add3A_2202 = arith.addf %add3A_2193, %mul3A_2201 : vector<16xf32>
        %broadcast_in_dim3A_2203 = arith.constant 53 : i32
        %broadcast_in_dim3A_2204 = vector.broadcast %broadcast_in_dim3A_2203 : i32 to vector<16xi32>
        %gather3A_2205 = tpu.vector_load_idx %arg16[%add3A_1728, %broadcast_in_dim3A_2204] : memref<208x64xf32, #tpu.memory_space<vmem>>[vector<16xi32>, vector<16xi32>], vector<16xf32>,
        %slice3A_2206 = vector.extract_strided_slice %get3A_1712 {offsets = [5], sizes = [1], strides = [1]} : vector<16xf32> to vector<1xf32>
        %squeeze3A_2207 = vector.extract %slice3A_2206[0] : f32 from vector<1xf32>
        %sub3A_2208 = vector.broadcast %squeeze3A_2207 : f32 to vector<16xf32>
        %sub3A_2209 = arith.subf %sub3A_2208, %gather3A_2205 : vector<16xf32>
        %mul3A_2210 = arith.mulf %sub3A_2209, %sub3A_2209 : vector<16xf32>
        %add3A_2211 = arith.addf %add3A_2202, %mul3A_2210 : vector<16xf32>
        %broadcast_in_dim3A_2212 = arith.constant 54 : i32
        %broadcast_in_dim3A_2213 = vector.broadcast %broadcast_in_dim3A_2212 : i32 to vector<16xi32>
        %gather3A_2214 = tpu.vector_load_idx %arg16[%add3A_1728, %broadcast_in_dim3A_2213] : memref<208x64xf32, #tpu.memory_space<vmem>>[vector<16xi32>, vector<16xi32>], vector<16xf32>,
        %slice3A_2215 = vector.extract_strided_slice %get3A_1712 {offsets = [6], sizes = [1], strides = [1]} : vector<16xf32> to vector<1xf32>
        %squeeze3A_2216 = vector.extract %slice3A_2215[0] : f32 from vector<1xf32>
        %sub3A_2217 = vector.broadcast %squeeze3A_2216 : f32 to vector<16xf32>
        %sub3A_2218 = arith.subf %sub3A_2217, %gather3A_2214 : vector<16xf32>
        %mul3A_2219 = arith.mulf %sub3A_2218, %sub3A_2218 : vector<16xf32>
        %add3A_2220 = arith.addf %add3A_2211, %mul3A_2219 : vector<16xf32>
        %broadcast_in_dim3A_2221 = arith.constant 55 : i32
        %broadcast_in_dim3A_2222 = vector.broadcast %broadcast_in_dim3A_2221 : i32 to vector<16xi32>
        %gather3A_2223 = tpu.vector_load_idx %arg16[%add3A_1728, %broadcast_in_dim3A_2222] : memref<208x64xf32, #tpu.memory_space<vmem>>[vector<16xi32>, vector<16xi32>], vector<16xf32>,
        %slice3A_2224 = vector.extract_strided_slice %get3A_1712 {offsets = [7], sizes = [1], strides = [1]} : vector<16xf32> to vector<1xf32>
        %squeeze3A_2225 = vector.extract %slice3A_2224[0] : f32 from vector<1xf32>
        %sub3A_2226 = vector.broadcast %squeeze3A_2225 : f32 to vector<16xf32>
        %sub3A_2227 = arith.subf %sub3A_2226, %gather3A_2223 : vector<16xf32>
        %mul3A_2228 = arith.mulf %sub3A_2227, %sub3A_2227 : vector<16xf32>
        %add3A_2229 = arith.addf %add3A_2220, %mul3A_2228 : vector<16xf32>
        %broadcast_in_dim3A_2230 = arith.constant 56 : i32
        %broadcast_in_dim3A_2231 = vector.broadcast %broadcast_in_dim3A_2230 : i32 to vector<16xi32>
        %gather3A_2232 = tpu.vector_load_idx %arg16[%add3A_1728, %broadcast_in_dim3A_2231] : memref<208x64xf32, #tpu.memory_space<vmem>>[vector<16xi32>, vector<16xi32>], vector<16xf32>,
        %slice3A_2233 = vector.extract_strided_slice %get3A_1712 {offsets = [8], sizes = [1], strides = [1]} : vector<16xf32> to vector<1xf32>
        %squeeze3A_2234 = vector.extract %slice3A_2233[0] : f32 from vector<1xf32>
        %sub3A_2235 = vector.broadcast %squeeze3A_2234 : f32 to vector<16xf32>
        %sub3A_2236 = arith.subf %sub3A_2235, %gather3A_2232 : vector<16xf32>
        %mul3A_2237 = arith.mulf %sub3A_2236, %sub3A_2236 : vector<16xf32>
        %add3A_2238 = arith.addf %add3A_2229, %mul3A_2237 : vector<16xf32>
        %broadcast_in_dim3A_2239 = arith.constant 57 : i32
        %broadcast_in_dim3A_2240 = vector.broadcast %broadcast_in_dim3A_2239 : i32 to vector<16xi32>
        %gather3A_2241 = tpu.vector_load_idx %arg16[%add3A_1728, %broadcast_in_dim3A_2240] : memref<208x64xf32, #tpu.memory_space<vmem>>[vector<16xi32>, vector<16xi32>], vector<16xf32>,
        %slice3A_2242 = vector.extract_strided_slice %get3A_1712 {offsets = [9], sizes = [1], strides = [1]} : vector<16xf32> to vector<1xf32>
        %squeeze3A_2243 = vector.extract %slice3A_2242[0] : f32 from vector<1xf32>
        %sub3A_2244 = vector.broadcast %squeeze3A_2243 : f32 to vector<16xf32>
        %sub3A_2245 = arith.subf %sub3A_2244, %gather3A_2241 : vector<16xf32>
        %mul3A_2246 = arith.mulf %sub3A_2245, %sub3A_2245 : vector<16xf32>
        %add3A_2247 = arith.addf %add3A_2238, %mul3A_2246 : vector<16xf32>
        %broadcast_in_dim3A_2248 = arith.constant 58 : i32
        %broadcast_in_dim3A_2249 = vector.broadcast %broadcast_in_dim3A_2248 : i32 to vector<16xi32>
        %gather3A_2250 = tpu.vector_load_idx %arg16[%add3A_1728, %broadcast_in_dim3A_2249] : memref<208x64xf32, #tpu.memory_space<vmem>>[vector<16xi32>, vector<16xi32>], vector<16xf32>,
        %slice3A_2251 = vector.extract_strided_slice %get3A_1712 {offsets = [10], sizes = [1], strides = [1]} : vector<16xf32> to vector<1xf32>
        %squeeze3A_2252 = vector.extract %slice3A_2251[0] : f32 from vector<1xf32>
        %sub3A_2253 = vector.broadcast %squeeze3A_2252 : f32 to vector<16xf32>
        %sub3A_2254 = arith.subf %sub3A_2253, %gather3A_2250 : vector<16xf32>
        %mul3A_2255 = arith.mulf %sub3A_2254, %sub3A_2254 : vector<16xf32>
        %add3A_2256 = arith.addf %add3A_2247, %mul3A_2255 : vector<16xf32>
        %broadcast_in_dim3A_2257 = arith.constant 59 : i32
        %broadcast_in_dim3A_2258 = vector.broadcast %broadcast_in_dim3A_2257 : i32 to vector<16xi32>
        %gather3A_2259 = tpu.vector_load_idx %arg16[%add3A_1728, %broadcast_in_dim3A_2258] : memref<208x64xf32, #tpu.memory_space<vmem>>[vector<16xi32>, vector<16xi32>], vector<16xf32>,
        %slice3A_2260 = vector.extract_strided_slice %get3A_1712 {offsets = [11], sizes = [1], strides = [1]} : vector<16xf32> to vector<1xf32>
        %squeeze3A_2261 = vector.extract %slice3A_2260[0] : f32 from vector<1xf32>
        %sub3A_2262 = vector.broadcast %squeeze3A_2261 : f32 to vector<16xf32>
        %sub3A_2263 = arith.subf %sub3A_2262, %gather3A_2259 : vector<16xf32>
        %mul3A_2264 = arith.mulf %sub3A_2263, %sub3A_2263 : vector<16xf32>
        %add3A_2265 = arith.addf %add3A_2256, %mul3A_2264 : vector<16xf32>
        %broadcast_in_dim3A_2266 = arith.constant 60 : i32
        %broadcast_in_dim3A_2267 = vector.broadcast %broadcast_in_dim3A_2266 : i32 to vector<16xi32>
        %gather3A_2268 = tpu.vector_load_idx %arg16[%add3A_1728, %broadcast_in_dim3A_2267] : memref<208x64xf32, #tpu.memory_space<vmem>>[vector<16xi32>, vector<16xi32>], vector<16xf32>,
        %slice3A_2269 = vector.extract_strided_slice %get3A_1712 {offsets = [12], sizes = [1], strides = [1]} : vector<16xf32> to vector<1xf32>
        %squeeze3A_2270 = vector.extract %slice3A_2269[0] : f32 from vector<1xf32>
        %sub3A_2271 = vector.broadcast %squeeze3A_2270 : f32 to vector<16xf32>
        %sub3A_2272 = arith.subf %sub3A_2271, %gather3A_2268 : vector<16xf32>
        %mul3A_2273 = arith.mulf %sub3A_2272, %sub3A_2272 : vector<16xf32>
        %add3A_2274 = arith.addf %add3A_2265, %mul3A_2273 : vector<16xf32>
        %broadcast_in_dim3A_2275 = arith.constant 61 : i32
        %broadcast_in_dim3A_2276 = vector.broadcast %broadcast_in_dim3A_2275 : i32 to vector<16xi32>
        %gather3A_2277 = tpu.vector_load_idx %arg16[%add3A_1728, %broadcast_in_dim3A_2276] : memref<208x64xf32, #tpu.memory_space<vmem>>[vector<16xi32>, vector<16xi32>], vector<16xf32>,
        %slice3A_2278 = vector.extract_strided_slice %get3A_1712 {offsets = [13], sizes = [1], strides = [1]} : vector<16xf32> to vector<1xf32>
        %squeeze3A_2279 = vector.extract %slice3A_2278[0] : f32 from vector<1xf32>
        %sub3A_2280 = vector.broadcast %squeeze3A_2279 : f32 to vector<16xf32>
        %sub3A_2281 = arith.subf %sub3A_2280, %gather3A_2277 : vector<16xf32>
        %mul3A_2282 = arith.mulf %sub3A_2281, %sub3A_2281 : vector<16xf32>
        %add3A_2283 = arith.addf %add3A_2274, %mul3A_2282 : vector<16xf32>
        %broadcast_in_dim3A_2284 = arith.constant 62 : i32
        %broadcast_in_dim3A_2285 = vector.broadcast %broadcast_in_dim3A_2284 : i32 to vector<16xi32>
        %gather3A_2286 = tpu.vector_load_idx %arg16[%add3A_1728, %broadcast_in_dim3A_2285] : memref<208x64xf32, #tpu.memory_space<vmem>>[vector<16xi32>, vector<16xi32>], vector<16xf32>,
        %slice3A_2287 = vector.extract_strided_slice %get3A_1712 {offsets = [14], sizes = [1], strides = [1]} : vector<16xf32> to vector<1xf32>
        %squeeze3A_2288 = vector.extract %slice3A_2287[0] : f32 from vector<1xf32>
        %sub3A_2289 = vector.broadcast %squeeze3A_2288 : f32 to vector<16xf32>
        %sub3A_2290 = arith.subf %sub3A_2289, %gather3A_2286 : vector<16xf32>
        %mul3A_2291 = arith.mulf %sub3A_2290, %sub3A_2290 : vector<16xf32>
        %add3A_2292 = arith.addf %add3A_2283, %mul3A_2291 : vector<16xf32>
        %broadcast_in_dim3A_2293 = arith.constant 63 : i32
        %broadcast_in_dim3A_2294 = vector.broadcast %broadcast_in_dim3A_2293 : i32 to vector<16xi32>
        %gather3A_2295 = tpu.vector_load_idx %arg16[%add3A_1728, %broadcast_in_dim3A_2294] : memref<208x64xf32, #tpu.memory_space<vmem>>[vector<16xi32>, vector<16xi32>], vector<16xf32>,
        %slice3A_2296 = vector.extract_strided_slice %get3A_1712 {offsets = [15], sizes = [1], strides = [1]} : vector<16xf32> to vector<1xf32>
        %squeeze3A_2297 = vector.extract %slice3A_2296[0] : f32 from vector<1xf32>
        %sub3A_2298 = vector.broadcast %squeeze3A_2297 : f32 to vector<16xf32>
        %sub3A_2299 = arith.subf %sub3A_2298, %gather3A_2295 : vector<16xf32>
        %mul3A_2300 = arith.mulf %sub3A_2299, %sub3A_2299 : vector<16xf32>
        %add3A_2301 = arith.addf %add3A_2292, %mul3A_2300 : vector<16xf32>
        %add3A_2302 = arith.constant 9.99999996E-13 : f32
        %add3A_2303 = vector.broadcast %add3A_2302 : f32 to vector<16xf32>
        %add3A_2304 = arith.addf %add3A_2301, %add3A_2303 : vector<16xf32>
        %bitcast3A = vector.bitcast %add3A_2304 : vector<16xf32> to vector<16xi32>
        %shift_right_arithmetic3A = arith.constant 1 : i32
        %shift_right_arithmetic3A_2305 = vector.broadcast %shift_right_arithmetic3A : i32 to vector<16xi32>
        %shift_right_arithmetic3A_2306 = arith.shrsi %bitcast3A, %shift_right_arithmetic3A_2305 : vector<16xi32>
        %sub3A_2307 = arith.constant 1597463007 : i32
        %sub3A_2308 = vector.broadcast %sub3A_2307 : i32 to vector<16xi32>
        %sub3A_2309 = arith.subi %sub3A_2308, %shift_right_arithmetic3A_2306 : vector<16xi32>
        %bitcast3A_2310 = vector.bitcast %sub3A_2309 : vector<16xi32> to vector<16xf32>
        %mul3A_2311 = arith.constant 5.000000e-01 : f32
        %mul3A_2312 = vector.broadcast %mul3A_2311 : f32 to vector<16xf32>
        %mul3A_2313 = arith.mulf %mul3A_2312, %add3A_2304 : vector<16xf32>
        %mul3A_2314 = arith.mulf %mul3A_2313, %bitcast3A_2310 : vector<16xf32>
        %mul3A_2315 = arith.mulf %mul3A_2314, %bitcast3A_2310 : vector<16xf32>
        %sub3A_2316 = arith.constant 1.500000e+00 : f32
        %sub3A_2317 = vector.broadcast %sub3A_2316 : f32 to vector<16xf32>
        %sub3A_2318 = arith.subf %sub3A_2317, %mul3A_2315 : vector<16xf32>
        %mul3A_2319 = arith.mulf %bitcast3A_2310, %sub3A_2318 : vector<16xf32>
        %mul3A_2320 = arith.constant 5.000000e-01 : f32
        %mul3A_2321 = vector.broadcast %mul3A_2320 : f32 to vector<16xf32>
        %mul3A_2322 = arith.mulf %mul3A_2321, %add3A_2304 : vector<16xf32>
        %mul3A_2323 = arith.mulf %mul3A_2322, %mul3A_2319 : vector<16xf32>
        %mul3A_2324 = arith.mulf %mul3A_2323, %mul3A_2319 : vector<16xf32>
        %sub3A_2325 = arith.constant 1.500000e+00 : f32
        %sub3A_2326 = vector.broadcast %sub3A_2325 : f32 to vector<16xf32>
        %sub3A_2327 = arith.subf %sub3A_2326, %mul3A_2324 : vector<16xf32>
        %mul3A_2328 = arith.mulf %mul3A_2319, %sub3A_2327 : vector<16xf32>
        %mul3A_2329 = arith.constant 5.000000e-01 : f32
        %mul3A_2330 = vector.broadcast %mul3A_2329 : f32 to vector<16xf32>
        %mul3A_2331 = arith.mulf %mul3A_2330, %add3A_2304 : vector<16xf32>
        %mul3A_2332 = arith.mulf %mul3A_2331, %mul3A_2328 : vector<16xf32>
        %mul3A_2333 = arith.mulf %mul3A_2332, %mul3A_2328 : vector<16xf32>
        %sub3A_2334 = arith.constant 1.500000e+00 : f32
        %sub3A_2335 = vector.broadcast %sub3A_2334 : f32 to vector<16xf32>
        %sub3A_2336 = arith.subf %sub3A_2335, %mul3A_2333 : vector<16xf32>
        %mul3A_2337 = arith.mulf %mul3A_2328, %sub3A_2336 : vector<16xf32>
        %mul3A_2338 = arith.mulf %add3A_2304, %mul3A_2337 : vector<16xf32>
        %sub3A_2339 = arith.constant 1.200000e+01 : f32
        %sub3A_2340 = vector.broadcast %sub3A_2339 : f32 to vector<16xf32>
        %sub3A_2341 = arith.subf %sub3A_2340, %mul3A_2338 : vector<16xf32>
        %mul3A_2342 = arith.constant 16 : i32
        %mul3A_2343 = arith.muli %scan3A_1723, %mul3A_2342 : i32
        %swap3A_2344 = arith.index_cast %mul3A_2343 : i32 to index
        %swap3A_2345 = tpu.vector_load %arg17[%swap3A_2344] {strides = array<i32>} : memref<208xf32, #tpu.memory_space<vmem>>, vector<16xf32>,
        tpu.vector_store %arg17[%swap3A_2344], %sub3A_2341 {strides = array<i32>} : memref<208xf32, #tpu.memory_space<vmem>>, vector<16xf32>,
        %scan3A_2346 = arith.constant 0 : i32
        scf.yield %scan3A_2346 : i32
      }
      %scan3A_1719 = arith.constant 13 : i32
      %add3A_1720 = arith.addi %mul3A_2, %scan3A_1681 : i32
      "tpu.region"() ({
        %run_scoped3A = tpu.sem_alloc : memref<!tpu.dma_semaphore, #tpu.memory_space<semaphore_mem>>
        %dma_start3A_1723 = arith.constant 0 : i32
        %dma_start3A_1724 = tpu.memref_slice %arg17[%dma_start3A_1723] : memref<208xf32, #tpu.memory_space<vmem>> -> memref<200xf32, #tpu.memory_space<vmem>>
        %dma_start3A_1725 = arith.constant 0 : i32
        %dma_start3A_1726 = tpu.memref_slice %arg7[%add3A_1720, %dma_start3A_1725] : memref<1024x200xf32, #tpu.memory_space<hbm>> -> memref<1x200xf32, #tpu.memory_space<hbm>>
        %dma_start3A_1727 = tpu.memref_squeeze %dma_start3A_1726 : memref<1x200xf32, #tpu.memory_space<hbm>> -> memref<200xf32, #tpu.memory_space<hbm>>
        %dma_start3A_1728 = arith.constant 0 : i32
        %dma_start3A_1729 = tpu.memref_slice %arg7[%add3A_1720, %dma_start3A_1728] : memref<1024x200xf32, #tpu.memory_space<hbm>> -> memref<1x200xf32, #tpu.memory_space<hbm>>
        %dma_start3A_1730 = tpu.memref_squeeze %dma_start3A_1729 : memref<1x200xf32, #tpu.memory_space<hbm>> -> memref<200xf32, #tpu.memory_space<hbm>>
        %dma_start3A_1731 = arith.constant 0 : i32
        %dma_start3A_1732 = tpu.memref_slice %arg17[%dma_start3A_1731] : memref<208xf32, #tpu.memory_space<vmem>> -> memref<200xf32, #tpu.memory_space<vmem>>
        tpu.enqueue_dma source(%dma_start3A_1732 : memref<200xf32, #tpu.memory_space<vmem>>) target(%dma_start3A_1730 : memref<200xf32, #tpu.memory_space<hbm>>) target_semaphore(%run_scoped3A : memref<!tpu.dma_semaphore, #tpu.memory_space<semaphore_mem>>)
        %dma_wait3A_1733 = arith.constant 0 : i32
        %dma_wait3A_1734 = tpu.memref_slice %arg17[%dma_wait3A_1733] : memref<208xf32, #tpu.memory_space<vmem>> -> memref<200xf32, #tpu.memory_space<vmem>>
        %dma_wait3A_1735 = arith.constant 0 : i32
        %dma_wait3A_1736 = tpu.memref_slice %arg7[%add3A_1720, %dma_wait3A_1735] : memref<1024x200xf32, #tpu.memory_space<hbm>> -> memref<1x200xf32, #tpu.memory_space<hbm>>
        %dma_wait3A_1737 = tpu.memref_squeeze %dma_wait3A_1736 : memref<1x200xf32, #tpu.memory_space<hbm>> -> memref<200xf32, #tpu.memory_space<hbm>>
        %dma_wait3A_1738 = arith.constant 0 : i32
        %dma_wait3A_1739 = tpu.memref_slice %arg7[%add3A_1720, %dma_wait3A_1738] : memref<1024x200xf32, #tpu.memory_space<hbm>> -> memref<1x200xf32, #tpu.memory_space<hbm>>
        %dma_wait3A_1740 = tpu.memref_squeeze %dma_wait3A_1739 : memref<1x200xf32, #tpu.memory_space<hbm>> -> memref<200xf32, #tpu.memory_space<hbm>>
        %dma_wait3A_1741 = arith.constant 0 : i32
        %dma_wait3A_1742 = tpu.memref_slice %arg17[%dma_wait3A_1741] : memref<208xf32, #tpu.memory_space<vmem>> -> memref<200xf32, #tpu.memory_space<vmem>>
        tpu.wait_dma2 semaphore(%run_scoped3A : memref<!tpu.dma_semaphore, #tpu.memory_space<semaphore_mem>>) src(%dma_wait3A_1742 : memref<200xf32, #tpu.memory_space<vmem>>) dst(%dma_wait3A_1740 : memref<200xf32, #tpu.memory_space<hbm>>)
        tpu.yield
      }) : () -> ()
      %add3A_1721 = arith.addi %mul3A_2, %scan3A_1681 : i32
      "tpu.region"() ({
        %run_scoped3A = tpu.sem_alloc : memref<!tpu.dma_semaphore, #tpu.memory_space<semaphore_mem>>
        %dma_start3A_1723 = arith.constant 0 : i32
        %dma_start3A_1724 = arith.constant 0 : i32
        %dma_start3A_1725 = tpu.memref_slice %arg16[%dma_start3A_1723, %dma_start3A_1724] : memref<208x64xf32, #tpu.memory_space<vmem>> -> memref<200x64xf32, #tpu.memory_space<vmem>>
        %dma_start3A_1726 = arith.constant 0 : i32
        %dma_start3A_1727 = arith.constant 0 : i32
        %dma_start3A_1728 = tpu.memref_slice %arg9[%add3A_1721, %dma_start3A_1726, %dma_start3A_1727] : memref<1024x200x64xf32, #tpu.memory_space<hbm>> -> memref<1x200x64xf32, #tpu.memory_space<hbm>>
        %dma_start3A_1729 = tpu.memref_squeeze %dma_start3A_1728 : memref<1x200x64xf32, #tpu.memory_space<hbm>> -> memref<200x64xf32, #tpu.memory_space<hbm>>
        %dma_start3A_1730 = arith.constant 0 : i32
        %dma_start3A_1731 = arith.constant 0 : i32
        %dma_start3A_1732 = tpu.memref_slice %arg9[%add3A_1721, %dma_start3A_1730, %dma_start3A_1731] : memref<1024x200x64xf32, #tpu.memory_space<hbm>> -> memref<1x200x64xf32, #tpu.memory_space<hbm>>
        %dma_start3A_1733 = tpu.memref_squeeze %dma_start3A_1732 : memref<1x200x64xf32, #tpu.memory_space<hbm>> -> memref<200x64xf32, #tpu.memory_space<hbm>>
        %dma_start3A_1734 = arith.constant 0 : i32
        %dma_start3A_1735 = arith.constant 0 : i32
        %dma_start3A_1736 = tpu.memref_slice %arg16[%dma_start3A_1734, %dma_start3A_1735] : memref<208x64xf32, #tpu.memory_space<vmem>> -> memref<200x64xf32, #tpu.memory_space<vmem>>
        tpu.enqueue_dma source(%dma_start3A_1736 : memref<200x64xf32, #tpu.memory_space<vmem>>) target(%dma_start3A_1733 : memref<200x64xf32, #tpu.memory_space<hbm>>) target_semaphore(%run_scoped3A : memref<!tpu.dma_semaphore, #tpu.memory_space<semaphore_mem>>)
        %dma_wait3A_1737 = arith.constant 0 : i32
        %dma_wait3A_1738 = arith.constant 0 : i32
        %dma_wait3A_1739 = tpu.memref_slice %arg16[%dma_wait3A_1737, %dma_wait3A_1738] : memref<208x64xf32, #tpu.memory_space<vmem>> -> memref<200x64xf32, #tpu.memory_space<vmem>>
        %dma_wait3A_1740 = arith.constant 0 : i32
        %dma_wait3A_1741 = arith.constant 0 : i32
        %dma_wait3A_1742 = tpu.memref_slice %arg9[%add3A_1721, %dma_wait3A_1740, %dma_wait3A_1741] : memref<1024x200x64xf32, #tpu.memory_space<hbm>> -> memref<1x200x64xf32, #tpu.memory_space<hbm>>
        %dma_wait3A_1743 = tpu.memref_squeeze %dma_wait3A_1742 : memref<1x200x64xf32, #tpu.memory_space<hbm>> -> memref<200x64xf32, #tpu.memory_space<hbm>>
        %dma_wait3A_1744 = arith.constant 0 : i32
        %dma_wait3A_1745 = arith.constant 0 : i32
        %dma_wait3A_1746 = tpu.memref_slice %arg9[%add3A_1721, %dma_wait3A_1744, %dma_wait3A_1745] : memref<1024x200x64xf32, #tpu.memory_space<hbm>> -> memref<1x200x64xf32, #tpu.memory_space<hbm>>
        %dma_wait3A_1747 = tpu.memref_squeeze %dma_wait3A_1746 : memref<1x200x64xf32, #tpu.memory_space<hbm>> -> memref<200x64xf32, #tpu.memory_space<hbm>>
        %dma_wait3A_1748 = arith.constant 0 : i32
        %dma_wait3A_1749 = arith.constant 0 : i32
        %dma_wait3A_1750 = tpu.memref_slice %arg16[%dma_wait3A_1748, %dma_wait3A_1749] : memref<208x64xf32, #tpu.memory_space<vmem>> -> memref<200x64xf32, #tpu.memory_space<vmem>>
        tpu.wait_dma2 semaphore(%run_scoped3A : memref<!tpu.dma_semaphore, #tpu.memory_space<semaphore_mem>>) src(%dma_wait3A_1750 : memref<200x64xf32, #tpu.memory_space<vmem>>) dst(%dma_wait3A_1747 : memref<200x64xf32, #tpu.memory_space<hbm>>)
        tpu.yield
      }) : () -> ()
      %scan3A_1722 = arith.constant 0 : i32
      scf.yield %scan3A_1722 : i32
    }
    %scan3A_1680 = arith.constant 32 : i32
    return
  }
}

</mosaic_0001>

<sc_bundles>
// kernel: kernel.3.cloned.1.call-start
scs
__scs_entry_jumppad:
0x0: {  	(pc) =	sbr.rel $0x88, $3  }
0x1: {  	(tag) =	ssettag $0x0;
	lr =	simm.s32 $0x1  }
0x2: {  	[smem:$0x3F9D] =	sst lr;
	_ =	strace $0xD0000000  }
0x3: {  	_ = 	snop  }
0x4: {  	_ = 	snop  }
0x5: {  	_ = 	snop  }
0x6: {  	_ = 	snop  }
0x7: {  	_ = 	snop  }
__scs_overlays_trampoline_lowered:
0x8: {  	[smem:$0x3FAC] =	sst s0  }
0x9: {  	[smem:$0x3FAD] =	sst s1  }
0xa: {  	[smem:$0x3FAE] =	sst s2  }
0xb: {  	[smem:$0x3FAF] =	sst s3  }
0xc: {  	[smem:$0x3FB0] =	sst s4  }
0xd: {  	[smem:$0x3FB1] =	sst s5  }
0xe: {  	[smem:$0x3FB2] =	sst s6  }
0xf: {  	[smem:$0x3FB3] =	sst s7  }
0x10: {  	[smem:$0x3FB4] =	sst s8  }
0x11: {  	[smem:$0x3FB5] =	sst s9;
	s0 =	simm.s32 @!p0 $0x0  }
0x12: {  	s1 =	sld [smem:$0x3F9B];
	s0 =	simm.s32 @p0 $0x1  }
0x13: {  	[smem:$0x3FB6] =	sst s0;
	s0 =	simm.s32 @!p1 $0x0  }
0x14: {  	s2 =	sld [smem:$0x3F9A];
	s0 =	simm.s32 @p1 $0x1  }
0x15: {  	[smem:$0x3FB7] =	sst s0;
	s0 =	simm.s32 @!p2 $0x0  }
0x16: {  	s3 =	sld [smem:$0x3FDB];
	s0 =	simm.s32 @p2 $0x1  }
0x17: {  	s4 =	simm.s32 $0x1BF5;
	[smem:$0x3FB9] =	sst s0  }
0x18: {  	s0 =	sld [smem:$0x3F9C];
	_ =	swait.ge [sflag:s4], $0x0  }
0x19: {  	s7 =	sld [smem:$0x3F9D]  }
0x1a: {  	s8 =	sadd.s32 $0xFFFFE003, lr  }
0x1b: {  	s9 =	sadd.s32 $0xFFFFFEF7, lr;
	s5 =	simm.s32 $0xFFFFFFFF;
	p2 =	slt.u32 s8, $0xFFFFF086  }
0x1c: {  	p1 =	slt.u32 s9, $0xF7A;
	s5 =	simm.s32 @!p2 $0x0  }
0x1d: {  	s5 =	simm.s32 @p1 $0x1;
	p0 =	seq.s32 s7, s2  }
0x1e: {  	s7 =	smul.u32 @!p0 $0xF7A, s2;
	p2 =	seq.s32 @!p0 s5, $0x0  }
0x1f: {  	s9 =	smul.u32 $0xF7A, s1;
	s8 =	simm.s32 @!p0 $0x1BF5;
	p2 =	por !p2, p0  }
0x20: {  	[sflag:s8] =	ssyncset.s32 @!p0 $0xFFFFF086;
	s6 =	sadd.s32 @!p0 s3, s7;
	s7 =	simm.s32 @!p0 $0x108  }
0x21: {  	s3 =	sadd.s32 s3, s9;
	s6 =	sadd.s32 @!p0 $0x88, s6;
	s7 =	simm.s32 @p2 $0x1082  }
0x22: {  	[simem:s7], [sflag:s8] =	dma.local @!p0 [hbm:s6], $0xF7A  }
0x23: {  	s9 =	sor.u32 $0xD0000000, s2;
	s6 =	simm.s32 $0x108;
	_ =	swait.ge @!p0 [sflag:s8], $0x0  }
0x24: {  	s3 =	sadd.s32 $0x88, s3;
	s6 =	simm.s32 @!p1 $0x1082;
	[sflag:s4] =	ssyncset.s32 $0xFFFFF086  }
0x25: {  	[simem:s6], [sflag:s4] =	dma.local [hbm:s3], $0xF7A  }
0x26: {  	[smem:$0x3F9D] =	sst s1;
	(tag) =	ssettag s2;
	_ =	strace s9  }
0x27: {  	s1 =	sld [smem:$0x3FAD]  }
0x28: {  	s2 =	sld [smem:$0x3FAE]  }
0x29: {  	s4 =	sld [smem:$0x3FB0]  }
0x2a: {  	p0 =	seq.s32 s5, $0x0;
	s5 =	sld [smem:$0x3FB1]  }
0x2b: {  	s6 =	sld [smem:$0x3FB2]  }
0x2c: {  	s7 =	sld [smem:$0x3FB3]  }
0x2d: {  	s3 =	simm.s32 $0x108;
	s8 =	sld [smem:$0x3FB4]  }
0x2e: {  	s3 =	simm.s32 @!p0 $0x1082;
	s9 =	sld [smem:$0x3FB5]  }
0x2f: {  	lr =	sadd.s32 s0, s3;
	s0 =	sld [smem:$0x3FAC]  }
0x30: {  	s3 =	sld [smem:$0x3FAF]  }
0x31: {  	[smem:$0x3FB8] =	sst s10  }
0x32: {  	s10 =	sld [smem:$0x3FB6];
	_ =	sdelay $0x3  }
0x33: {  	p0 =	seq.s32 s10, $0x1;
	s10 =	sld [smem:$0x3FB8];
	_ =	sdelay $0x3  }
0x34: {  	[smem:$0x3FB8] =	sst s10  }
0x35: {  	s10 =	sld [smem:$0x3FB7];
	_ =	sdelay $0x3  }
0x36: {  	p1 =	seq.s32 s10, $0x1;
	s10 =	sld [smem:$0x3FB8];
	_ =	sdelay $0x3  }
0x37: {  	[smem:$0x3FB8] =	sst s10  }
0x38: {  	s10 =	sld [smem:$0x3FB9]  }
0x39: {  	_ = 	snop;
	(pc) =	sbr.ind lr, $3  }
0x3a: {  	_ = 	snop  }
0x3b: {  	_ = 	snop  }
0x3c: {  	p2 =	seq.s32 s10, $0x1;
	s10 =	sld [smem:$0x3FB8]  }
0x3d: {  	_ =	shalt  }
0x3e: {  	_ =	shalt  }
0x3f: {  	_ =	shalt  }
0x40: {  	_ =	shalt  }
0x41: {  	_ =	shalt  }
0x42: {  	_ =	shalt  }
0x43: {  	_ =	shalt  }
0x44: {  	_ =	shalt  }
0x45: {  	_ =	shalt  }
0x46: {  	_ =	shalt  }
0x47: {  	_ =	shalt  }
0x48: {  	_ =	shalt  }
0x49: {  	_ =	shalt  }
0x4a: {  	_ =	shalt  }
0x4b: {  	_ =	shalt  }
0x4c: {  	_ =	shalt  }
0x4d: {  	_ =	shalt  }
0x4e: {  	_ =	shalt  }
0x4f: {  	_ =	shalt  }
0x50: {  	_ =	shalt  }
0x51: {  	_ =	shalt  }
0x52: {  	_ =	shalt  }
0x53: {  	_ =	shalt  }
0x54: {  	_ =	shalt  }
0x55: {  	_ =	shalt  }
0x56: {  	_ =	shalt  }
0x57: {  	_ =	shalt  }
0x58: {  	_ =	shalt  }
0x59: {  	_ =	shalt  }
0x5a: {  	_ =	shalt  }
0x5b: {  	_ =	shalt  }
0x5c: {  	_ =	shalt  }
0x5d: {  	_ =	shalt  }
0x5e: {  	_ =	shalt  }
0x5f: {  	_ =	shalt  }
0x60: {  	_ =	shalt  }
0x61: {  	_ =	shalt  }
0x62: {  	_ =	shalt  }
0x63: {  	_ =	shalt  }
0x64: {  	_ =	shalt  }
0x65: {  	_ =	shalt  }
0x66: {  	_ =	shalt  }
0x67: {  	_ =	shalt  }
0x68: {  	_ =	shalt  }
0x69: {  	_ =	shalt  }
0x6a: {  	_ =	shalt  }
0x6b: {  	_ =	shalt  }
0x6c: {  	_ =	shalt  }
0x6d: {  	_ =	shalt  }
0x6e: {  	_ =	shalt  }
0x6f: {  	_ =	shalt  }
0x70: {  	_ =	shalt  }
0x71: {  	_ =	shalt  }
0x72: {  	_ =	shalt  }
0x73: {  	_ =	shalt  }
0x74: {  	_ =	shalt  }
0x75: {  	_ =	shalt  }
0x76: {  	_ =	shalt  }
0x77: {  	_ =	shalt  }
0x78: {  	_ =	shalt  }
0x79: {  	_ =	shalt  }
0x7a: {  	_ =	shalt  }
0x7b: {  	_ =	shalt  }
0x7c: {  	_ =	shalt  }
0x7d: {  	_ =	shalt  }
0x7e: {  	_ =	shalt  }
0x7f: {  	_ =	shalt  }
0x80: {  	_ =	shalt  }
0x81: {  	_ =	shalt  }
0x82: {  	_ =	shalt  }
0x83: {  	_ =	shalt  }
0x84: {  	_ =	shalt  }
0x85: {  	_ =	shalt  }
0x86: {  	_ =	shalt  }
0x87: {  	_ =	shalt  }
.Lfunc_end0:
.L_simem_size_0:
called_computation.1_lowered:
.L_overlay_start_0:
0x88: {  	s2 =	sld [smem:$0x3FD9]  }
0x89: {  	s3 =	sld [smem:$0x3FFE];
	_ =	sdelay $0x1  }
0x8a: {  	s1 =	srdreg.scid  }
0x8b: {  	s0 =	sand.u32 $0x1, s1  }
0x8c: {  	s14 =	sshll.u32 s0, $0xA;
	s2 =	sadd.s32 s3, s2  }
0x8d: {  	s2 =	sadd.s32 s2, s14  }
0x8e: {  	[smem:$0x3FC4] =	sst s2  }
0x8f: {  	_ = 	snop  }
0x90: {  	s2 =	sld [smem:$0x3FD0];
	_ =	sdelay $0x2  }
0x91: {  	s15 =	simm.s32 $0xA;
	s4 =	simm.s32 $0x10  }
0x92: {  	[smem:s4], [sflag:s15] =	dma.local [hbm:s2], $0x1  }
0x93: {  	_ =	swait.eq [sflag:s15], $0x1  }
0x94: {  	s16 =	sld [smem:$0x10];
	[sflag:s15] =	ssyncset.done $0x0  }
0x95: {  	s17 =	sld [smem:$0x11];
	[sflag:s15] =	ssyncadd.s32 $0xFFFFFFFF  }
0x96: {  	s18 =	sld [smem:$0x12];
	(tm) =	ssettm $0x1  }
0x97: {  	s5 =	sld [smem:$0x3FFB];
	_ =	sdelay $0x3  }
0x98: {  	_ =	strace s5  }
0x99: {  	s5 =	sld [smem:$0x3FFC];
	_ =	sdelay $0x3  }
0x9a: {  	_ =	strace s5  }
0x9b: {  	s5 =	sld [smem:$0x3FFD];
	_ =	sdelay $0x3  }
0x9c: {  	_ =	strace s5  }
0x9d: {  	_ =	strace $0x8FFFFFFF  }
0x9e: {  	s19 =	sld [smem:$0x3FDB];
	_ =	sdelay $0x1  }
0x9f: {  	s6 =	simm.s32 $_scs_section_size  }
0xa0: {  	s7 =	simm.s32 $_size__tile_overlayer_lowered;
	s8 =	simm.s32 $_tile_overlayer_lowered  }
0xa1: {  	s22 =	simm.s32 $0x1BFF;
	s21 =	sshll.u32 s8, $0x1;
	s5 =	sadd.s32 s6, s19  }
0xa2: {  	s9 =	simm.s32 $0x0;
	s20 =	sshll.u32 s7, $0x1;
	s7 =	sadd.s32 s21, s5  }
0xa3: {  	[timem:s9], [sflag:s22] =	dma.local [hbm:s7], s20  }
0xa4: {  	_ =	swait.ge [sflag:s22], s20  }
0xa5: {  	s6 =	ssub.s32 $0x0, s20;
	[sflag:s22] =	ssyncset.done $0x0  }
0xa6: {  	[sflag:s22] =	ssyncadd.s32 s6;
	_ =	sdelay $0x1  }
0xa7: {  	s23 =	simm.s32 $0x1B8B  }
0xa8: {  	_ =	swait.ge [sflag:s23], $0x1  }
0xa9: {  	[sflag:s23] =	ssyncset.done $0x0  }
0xaa: {  	s25 =	simm.s32 $0x1B8E;
	s24 =	sld [smem:$0x3FFE];
	[sflag:s23] =	ssyncadd.s32 $0xFFFFFFFF  }
0xab: {  	s26 =	simm.s32 $execute0_lowered;
	[smem:$0x3FD2] =	sst s25  }
0xac: {  	s7 =	sshll.u32 s26, $0x1;
	_ =	strace $0x80000046;
	[dreg:$0x1] =	wrdreg $0xFFFFFFFF  }
0xad: {  	s28 =	simm.s32 $_size_execute0_lowered;
	s5 =	sadd.s32 s5, s7;
	[dreg:$0x0] =	wrdreg $0x0  }
0xae: {  	s7 =	sshll.u32 s28, $0x1;
	[dreg:$0x2] =	wrdreg s5  }
0xaf: {  	[dreg:$0x3] =	wrdreg s7  }
0xb0: {  	[dreg:$0x4] =	wrdreg $0xC0  }
0xb1: {  	_ =	task [dreg:s9], $0x5FFFF  }
0xb2: {  	[dreg:$0x1] =	wrdreg $0xFFFFFFFF  }
0xb3: {  	[dreg:$0x0] =	wrdreg $0x60  }
0xb4: {  	[dreg:$0x2] =	wrdreg s24  }
0xb5: {  	[dreg:$0x3] =	wrdreg s16  }
0xb6: {  	[dreg:$0x4] =	wrdreg s17  }
0xb7: {  	[dreg:$0x5] =	wrdreg s18  }
0xb8: {  	[dreg:$0x6] =	wrdreg $0x9  }
0xb9: {  	_ =	task.clear_ibuf [dreg:s9], $0x7FFFF;
	_ =	strace $0x90000046  }
0xba: {  	s29 =	simm.s32 $0x9;
	_ =	strace $0x80000048  }
0xbb: {  	_ =	swait.ge [sflag:s29], $0x1  }
0xbc: {  	[sflag:s29] =	ssyncadd.s32 $0xFFFFFFFF  }
0xbd: {  	_ =	strace $0x90000048  }
0xbe: {  	_ =	sfence  }
0xbf: {  	s30 =	sld [smem:$0x0];
	_ =	sdelay $0x2  }
0xc0: {  	s31 =	sshll.u32 s1, $0xD;
	s1 =	sshrl.u32 s1, $0x2  }
0xc1: {  	s3 =	sand.u32 $0x4000, s31;
	s1 =	sadd.s32 s1, s30  }
0xc2: {  	s0 =	sor.u32 s3, s0;
	s1 =	sshll.u32 s1, $0x11  }
0xc3: {  	s0 =	sor.u32 s1, s0  }
0xc4: {  	s0 =	sadd.s32 $0x8F2B, s0  }
0xc5: {  	[sflag:s0] =	ssyncadd.remote.s32 $0x1  }
0xc6: {  	_ =	sfence.sel $0xFFFF  }
0xc7: {  	[dreg:$0x0] =	wrdreg $0xFFFFFFFF;
	(pc) =	sbr.abs _section_cstart, $3  }
0xc8: {  	[dreg:$0x1] =	wrdreg $0xFFFFFFFF  }
0xc9: {  	_ =	task.clear_ibuf [dreg:s9], $0x2FFFF;
	_ =	strace $0x9FFFFFFF  }
0xca: {  	(tm) =	ssettm $0x7FFFFFFF  }
0xcb: {  	_ =	shalt  }
tec
execute0_lowered:
.L_overlay_start_1:
0x0: {  	(tag) =	ssettag $0x1  }
0x1: {  	s7 =	rddreg [dreg:$0x0]  }
0x2: {  	s10 =	rddreg [dreg:$0x1];
	s1 =	srdreg.scid  }
0x3: {  	s11 =	rddreg [dreg:$0x2];
	s0 =	stileid.u32  }
0x4: {  	s2 =	rddreg [dreg:$0x3];
	s3 =	simm.s32 $0x0;
	s15 =	simm.s32 $0x40  }
0x5: {  	s16 =	simm.s32 $0x1940;
	s17 =	simm.s32 $0x2140;
	s18 =	simm.s32 $0x1  }
0x6: {  	s19 =	simm.s32 $0x2;
	s20 =	simm.s32 $0xC8;
	s21 =	simm.s32 $0x3140  }
0x7: {  	s22 =	simm.s32 $0x3;
	s23 =	simm.s32 $0x6540;
	s24 =	simm.s32 $0x0  }
0x8: {  	s5 =	sand.u32 $0x1, s1;
	s4 =	sshll.u32 s0, $0x6;
	s1 =	rddreg [dreg:$0x4]  }
0x9: {  	[smem:$0x7FF] =	sst s3;
	s6 =	sshll.u32 s5, $0x5;
	s8 =	ssub.s32 $0x2, s5  }
0xa: {  	_ =	strace $0x80000047;
	s4 =	sor.u32 s6, s4;
	s12 =	sshrl.u32 s8, $0x1  }
0xb: {  	s5 =	sadd.s32 $0xF43E00, s7;
	s6 =	sshrl.u32 s4, $0x3;
	s12 =	ssub.s32 s8, s12  }
0xc: {  	v0 =	vlaneseq.u32;
	s13 =	smul.u32 $0x19, s4;
	s14 =	sshll.u32 s4, $0x3;
	s9 =	sadd.s32 s6, s7  }
0xd: {  	v0 =	vmul.u32 $0x40, v0;
	s6 =	sadd.s32 $0x1A00, s7;
	s7 =	sadd.s32 $0x3A00, s7;
	s11 =	sadd.s32 s11, s14  }
0xe: {  	s12 =	smax.u32 s12, $0x1;
	s14 =	simm.s32 $0x20;
	s8 =	sadd.s32 $0x1800, s9  }
0xf: {  	[tilespmem:$0x1FFF0] =	vst v0;
	s9 =	sadd.s32 $0x1600, s9;
	s10 =	sadd.s32 s10, s13;
	s13 =	simm.s32 $0x4  }
.LBB2_1:
0x10: {  	[tilespmem:s3], [sflag:$0x4] =	stream.linear.gather [hbm4b:s8+s3], $0x20, $0x38;
	[tilespmem:$0x6610] =	vst v63  }
0x11: {  	_ =	swait.ge [sflag:s13], $0x20  }
0x12: {  	[sflag:s13] =	ssyncset.done $0x0  }
0x13: {  	[sflag:s13] =	ssyncadd.s32 $0xFFFFFFE0  }
0x14: {  	[tilespmem:s14], [sflag:$0x4] =	stream.linear.gather [hbm4b:s9+s3], $0x20, $0x38;
	[tilespmem:$0x6610] =	vst v63  }
0x15: {  	_ =	swait.ge [sflag:s13], $0x20  }
0x16: {  	[sflag:s13] =	ssyncset.done $0x0  }
0x17: {  	[sflag:s13] =	ssyncadd.s32 $0xFFFFFFE0  }
0x18: {  	[tilespmem:s15], [sflag:$0x4] =	stream.linear.gather [hbm4b:s10+s3], $0x1900, $0x38;
	[tilespmem:$0x6610] =	vst v63  }
0x19: {  	_ =	swait.ge [sflag:s13], $0x1900  }
0x1a: {  	[sflag:s13] =	ssyncset.done $0x0  }
0x1b: {  	[sflag:s13] =	ssyncadd.s32 $0xFFFFE700  }
0x1c: {  	[tilespmem:s16], [sflag:$0x1] =	stream.indirect.gather [hbm4b:s5+s14], $0x40, s3, s14, $0xb8;
	[tilespmem:$0x6610] =	vst v63  }
0x1d: {  	_ = 	snop  }
0x1e: {  	[tilespmem:s17], [sflag:$0x2] =	stream.indirect.gather [hbm4b:s6+s14], $0x40, s14, s14, $0xb8;
	[tilespmem:$0x6610] =	vst v63  }
0x1f: {  	_ =	swait.ge [sflag:s18], $0x800  }
0x20: {  	[sflag:s18] =	ssyncset.done $0x0  }
0x21: {  	[sflag:s18] =	ssyncadd.s32 $0xFFFFF800  }
0x22: {  	_ =	swait.ge [sflag:s19], $0x800  }
0x23: {  	[sflag:s19] =	ssyncset.done $0x0  }
0x24: {  	[sflag:s19] =	ssyncadd.s32 $0xFFFFF800  }
0x25: {  	[hbm4b:s11+s3] =	stream.linear.scatter [tilespmem:s16], [sflag:$0x4], $0x800, $0x38;
	[tilespmem:$0x6610] =	vst v63  }
0x26: {  	_ =	swait.ge [sflag:s13], $0x800  }
0x27: {  	[sflag:s13] =	ssyncset.done $0x0  }
0x28: {  	[sflag:s13] =	ssyncadd.s32 $0xFFFFF800  }
0x29: {  	v3 =	vld [tilespmem:$0x1940]  }
0x2a: {  	v0 =	vld [tilespmem:$0x2140]  }
0x2b: {  	v4 =	vld [tilespmem:$0x1950]  }
0x2c: {  	v1 =	vld [tilespmem:$0x2150]  }
0x2d: {  	v6 =	vld [tilespmem:$0x1960]  }
0x2e: {  	v2 =	vld [tilespmem:$0x2160]  }
0x2f: {  	v8 =	vld [tilespmem:$0x1970]  }
0x30: {  	v5 =	vld [tilespmem:$0x2170]  }
0x31: {  	v10 =	vld [tilespmem:$0x1980]  }
0x32: {  	v7 =	vld [tilespmem:$0x2180]  }
0x33: {  	v12 =	vld [tilespmem:$0x1990]  }
0x34: {  	v9 =	vld [tilespmem:$0x2190]  }
0x35: {  	v14 =	vld [tilespmem:$0x19A0]  }
0x36: {  	v11 =	vld [tilespmem:$0x21A0]  }
0x37: {  	v16 =	vld [tilespmem:$0x19B0]  }
0x38: {  	v13 =	vld [tilespmem:$0x21B0]  }
0x39: {  	v18 =	vld [tilespmem:$0x19C0]  }
0x3a: {  	v15 =	vld [tilespmem:$0x21C0]  }
0x3b: {  	v20 =	vld [tilespmem:$0x19D0]  }
0x3c: {  	v17 =	vld [tilespmem:$0x21D0]  }
0x3d: {  	v22 =	vld [tilespmem:$0x19E0]  }
0x3e: {  	v19 =	vld [tilespmem:$0x21E0]  }
0x3f: {  	v24 =	vld [tilespmem:$0x19F0]  }
0x40: {  	v21 =	vld [tilespmem:$0x21F0]  }
0x41: {  	v26 =	vld [tilespmem:$0x1A00]  }
0x42: {  	v23 =	vld [tilespmem:$0x2200]  }
0x43: {  	v28 =	vld [tilespmem:$0x1A10]  }
0x44: {  	v25 =	vld [tilespmem:$0x2210]  }
0x45: {  	v58 =	vld [tilespmem:$0x1A20]  }
0x46: {  	v27 =	vld [tilespmem:$0x2220]  }
0x47: {  	v59 =	vld [tilespmem:$0x1A30]  }
0x48: {  	v29 =	vld [tilespmem:$0x2230]  }
0x49: {  	v50 =	vld [tilespmem:$0x1A40]  }
0x4a: {  	v30 =	vld [tilespmem:$0x2240]  }
0x4b: {  	v47 =	vld [tilespmem:$0x1A50]  }
0x4c: {  	v31 =	vld [tilespmem:$0x2250]  }
0x4d: {  	v38 =	vld [tilespmem:$0x1A60]  }
0x4e: {  	v32 =	vld [tilespmem:$0x2260]  }
0x4f: {  	v39 =	vld [tilespmem:$0x1A70]  }
0x50: {  	v33 =	vld [tilespmem:$0x2270]  }
0x51: {  	v36 =	vld [tilespmem:$0x1A80]  }
0x52: {  	v34 =	vld [tilespmem:$0x2280]  }
0x53: {  	v40 =	vld [tilespmem:$0x1A90]  }
0x54: {  	v35 =	vld [tilespmem:$0x2290]  }
0x55: {  	v42 =	vld [tilespmem:$0x1AA0]  }
0x56: {  	v37 =	vld [tilespmem:$0x22A0]  }
0x57: {  	v43 =	vld [tilespmem:$0x1AB0]  }
0x58: {  	v41 =	vld [tilespmem:$0x22B0]  }
0x59: {  	v46 =	vld [tilespmem:$0x1AC0]  }
0x5a: {  	v44 =	vld [tilespmem:$0x22C0]  }
0x5b: {  	v49 =	vld [tilespmem:$0x1AD0]  }
0x5c: {  	v45 =	vld [tilespmem:$0x22D0]  }
0x5d: {  	v63 =	vld [tilespmem:$0x1B40];
	_ =	sdelay $0x4  }
0x5e: {  	[tilespmem:$0x1FAD0] =	vst v63;
	v63 =	vld [tilespmem:$0x2340];
	_ =	sdelay $0x4  }
0x5f: {  	[tilespmem:$0x1FAE0] =	vst v63;
	v63 =	vld [tilespmem:$0x1B50];
	_ =	sdelay $0x4  }
0x60: {  	[tilespmem:$0x1FAF0] =	vst v63;
	v63 =	vld [tilespmem:$0x2350];
	_ =	sdelay $0x4  }
0x61: {  	[tilespmem:$0x1FB00] =	vst v63;
	v63 =	vld [tilespmem:$0x1B60];
	_ =	sdelay $0x4  }
0x62: {  	[tilespmem:$0x1FB10] =	vst v63;
	v63 =	vld [tilespmem:$0x2360];
	_ =	sdelay $0x4  }
0x63: {  	[tilespmem:$0x1FB20] =	vst v63;
	v63 =	vld [tilespmem:$0x1B70];
	_ =	sdelay $0x4  }
0x64: {  	[tilespmem:$0x1FB30] =	vst v63;
	v63 =	vld [tilespmem:$0x2370];
	_ =	sdelay $0x4  }
0x65: {  	[tilespmem:$0x1FB40] =	vst v63;
	v63 =	vld [tilespmem:$0x1B80];
	_ =	sdelay $0x4  }
0x66: {  	[tilespmem:$0x1FB50] =	vst v63;
	v63 =	vld [tilespmem:$0x2380];
	_ =	sdelay $0x4  }
0x67: {  	[tilespmem:$0x1FB60] =	vst v63;
	v63 =	vld [tilespmem:$0x1B90];
	_ =	sdelay $0x4  }
0x68: {  	[tilespmem:$0x1FB70] =	vst v63;
	v63 =	vld [tilespmem:$0x2390];
	_ =	sdelay $0x4  }
0x69: {  	[tilespmem:$0x1FB80] =	vst v63;
	v63 =	vld [tilespmem:$0x1BA0];
	_ =	sdelay $0x4  }
0x6a: {  	[tilespmem:$0x1FB90] =	vst v63;
	v63 =	vld [tilespmem:$0x23A0];
	_ =	sdelay $0x4  }
0x6b: {  	[tilespmem:$0x1FBA0] =	vst v63;
	v63 =	vld [tilespmem:$0x1BB0];
	_ =	sdelay $0x4  }
0x6c: {  	[tilespmem:$0x1FBB0] =	vst v63;
	v63 =	vld [tilespmem:$0x23B0];
	_ =	sdelay $0x4  }
0x6d: {  	[tilespmem:$0x1FBC0] =	vst v63;
	v63 =	vld [tilespmem:$0x1BC0];
	_ =	sdelay $0x4  }
0x6e: {  	[tilespmem:$0x1FBD0] =	vst v63;
	v63 =	vld [tilespmem:$0x23C0];
	_ =	sdelay $0x4  }
0x6f: {  	[tilespmem:$0x1FBE0] =	vst v63;
	v63 =	vld [tilespmem:$0x1BD0];
	_ =	sdelay $0x4  }
0x70: {  	[tilespmem:$0x1FBF0] =	vst v63;
	v63 =	vld [tilespmem:$0x23D0];
	_ =	sdelay $0x4  }
0x71: {  	[tilespmem:$0x1FC00] =	vst v63;
	v63 =	vld [tilespmem:$0x1BE0];
	_ =	sdelay $0x4  }
0x72: {  	[tilespmem:$0x1FC10] =	vst v63;
	v63 =	vld [tilespmem:$0x23E0];
	_ =	sdelay $0x4  }
0x73: {  	[tilespmem:$0x1FC20] =	vst v63;
	v63 =	vld [tilespmem:$0x1BF0];
	_ =	sdelay $0x4  }
0x74: {  	[tilespmem:$0x1FC30] =	vst v63;
	v63 =	vld [tilespmem:$0x23F0];
	_ =	sdelay $0x4  }
0x75: {  	[tilespmem:$0x1FC40] =	vst v63;
	v63 =	vld [tilespmem:$0x1C00];
	_ =	sdelay $0x4  }
0x76: {  	[tilespmem:$0x1FC50] =	vst v63;
	v63 =	vld [tilespmem:$0x2400];
	_ =	sdelay $0x4  }
0x77: {  	[tilespmem:$0x1FC60] =	vst v63;
	v63 =	vld [tilespmem:$0x1C10];
	_ =	sdelay $0x1  }
0x78: {  	v52 =	vld [tilespmem:$0x1AE0]  }
0x79: {  	v48 =	vld [tilespmem:$0x22E0]  }
0x7a: {  	v54 =	vld [tilespmem:$0x1AF0]  }
0x7b: {  	[tilespmem:$0x1FC70] =	vst v63;
	v63 =	vld [tilespmem:$0x2410]  }
0x7c: {  	v51 =	vld [tilespmem:$0x22F0]  }
0x7d: {  	v56 =	vld [tilespmem:$0x1B00]  }
0x7e: {  	v53 =	vld [tilespmem:$0x2300]  }
0x7f: {  	v57 =	vld [tilespmem:$0x1B10]  }
0x80: {  	[tilespmem:$0x1FC80] =	vst v63;
	v63 =	vld [tilespmem:$0x1C20]  }
0x81: {  	v61 =	vld [tilespmem:$0x1B30]  }
0x82: {  	v55 =	vld [tilespmem:$0x2310]  }
0x83: {  	v62 =	vld [tilespmem:$0x1B20]  }
0x84: {  	v60 =	vld [tilespmem:$0x2320]  }
0x85: {  	[tilespmem:$0x1FC90] =	vst v63;
	v63 =	vld [tilespmem:$0x2420]  }
0x86: {  	[tilespmem:$0x1FAC0] =	vst v61;
	v61 =	vld [tilespmem:$0x2330]  }
0x87: {  	v1 =	vadd.f32 v1, v4;
	v4 =	vld [tilespmem:$0x2570]  }
0x88: {  	v13 =	vadd.f32 v13, v16;
	v16 =	vld [tilespmem:$0x25A0]  }
0x89: {  	v15 =	vadd.f32 v15, v18;
	v18 =	vld [tilespmem:$0x1DB0]  }
0x8a: {  	[tilespmem:$0x1FCA0] =	vst v63;
	v63 =	vld [tilespmem:$0x1C30]  }
0x8b: {  	v17 =	vadd.f32 v17, v20;
	v20 =	vld [tilespmem:$0x25B0]  }
0x8c: {  	v19 =	vadd.f32 v19, v22;
	v22 =	vld [tilespmem:$0x1DC0]  }
0x8d: {  	v21 =	vadd.f32 v21, v24;
	v24 =	vld [tilespmem:$0x25C0]  }
0x8e: {  	v23 =	vadd.f32 v23, v26;
	v26 =	vld [tilespmem:$0x1DD0]  }
0x8f: {  	[tilespmem:$0x1FCB0] =	vst v63;
	v63 =	vld [tilespmem:$0x2430]  }
0x90: {  	v25 =	vadd.f32 v25, v28;
	v28 =	vadd.f32 v27, v58;
	v58 =	vld [tilespmem:$0x25D0]  }
0x91: {  	v29 =	vadd.f32 v29, v59;
	v59 =	vld [tilespmem:$0x1DE0]  }
0x92: {  	v30 =	vadd.f32 v30, v50;
	v50 =	vld [tilespmem:$0x25E0]  }
0x93: {  	v31 =	vadd.f32 v31, v47;
	v47 =	vld [tilespmem:$0x1DF0]  }
0x94: {  	[tilespmem:$0x1FCC0] =	vst v63;
	v63 =	vld [tilespmem:$0x1C40]  }
0x95: {  	v32 =	vadd.f32 v32, v38;
	v38 =	vld [tilespmem:$0x25F0]  }
0x96: {  	v33 =	vadd.f32 v33, v39;
	v39 =	vld [tilespmem:$0x1E00]  }
0x97: {  	v27 =	vld [tilespmem:$0x1E10]  }
0x98: {  	v7 =	vadd.f32 v7, v10;
	v10 =	vld [tilespmem:$0x2620]  }
0x99: {  	v0 =	vadd.f32 v0, v3;
	[tilespmem:$0x1FCD0] =	vst v63;
	v63 =	vld [tilespmem:$0x2440]  }
0x9a: {  	v5 =	vadd.f32 v5, v8;
	v3 =	vld [tilespmem:$0x1E50]  }
0x9b: {  	[tilespmem:$0x2940] =	vst v0;
	v0 =	vadd.f32 v2, v6;
	v6 =	vld [tilespmem:$0x1D80]  }
0x9c: {  	[tilespmem:$0x2970] =	vst v5;
	v5 =	vadd.f32 v9, v12;
	v12 =	vld [tilespmem:$0x2590]  }
0x9d: {  	[tilespmem:$0x2980] =	vst v7;
	v7 =	vadd.f32 v11, v14;
	v14 =	vld [tilespmem:$0x1DA0]  }
0x9e: {  	[tilespmem:$0x1FCE0] =	vst v63;
	v63 =	vld [tilespmem:$0x1C50]  }
0x9f: {  	[tilespmem:$0x2A40] =	vst v30;
	v30 =	vld [tilespmem:$0x2600]  }
0xa0: {  	[tilespmem:$0x29E0] =	vst v19;
	v19 =	vld [tilespmem:$0x1E20]  }
0xa1: {  	[tilespmem:$0x2950] =	vst v1;
	v1 =	vld [tilespmem:$0x1E40]  }
0xa2: {  	[tilespmem:$0x29F0] =	vst v21;
	v2 =	vld [tilespmem:$0x2640]  }
0xa3: {  	[tilespmem:$0x1FCF0] =	vst v63;
	v63 =	vld [tilespmem:$0x2450]  }
0xa4: {  	v21 =	vld [tilespmem:$0x1FAC0];
	[tilespmem:$0x2960] =	vst v0  }
0xa5: {  	[tilespmem:$0x29A0] =	vst v7;
	v0 =	vld [tilespmem:$0x2630]  }
0xa6: {  	[tilespmem:$0x1FF30] =	vst v4;
	v4 =	vld [tilespmem:$0x2580]  }
0xa7: {  	[tilespmem:$0x1FFA0] =	vst v18;
	v18 =	vld [tilespmem:$0x2610]  }
0xa8: {  	[tilespmem:$0x1FD00] =	vst v63;
	v63 =	vld [tilespmem:$0x1C60]  }
0xa9: {  	v7 =	vadd.f32 v41, v43;
	[tilespmem:$0x1FFC0] =	vst v22;
	v22 =	vld [tilespmem:$0x1FAD0]  }
0xaa: {  	[tilespmem:$0x2990] =	vst v5;
	v5 =	vadd.f32 v35, v40;
	v47 =	vadd.f32 v38, v47;
	v38 =	vld [tilespmem:$0x1FC0]  }
0xab: {  	[tilespmem:$0x2AB0] =	vst v7;
	v7 =	vld [tilespmem:$0x1E30]  }
0xac: {  	[tilespmem:$0x2A90] =	vst v5;
	v5 =	vld [tilespmem:$0x1E60]  }
0xad: {  	[tilespmem:$0x1FD10] =	vst v63;
	v63 =	vld [tilespmem:$0x2460]  }
0xae: {  	[tilespmem:$0x29B0] =	vst v13;
	v9 =	vld [tilespmem:$0x1FAE0]  }
0xaf: {  	[tilespmem:$0x1FF40] =	vst v6;
	v6 =	vld [tilespmem:$0x1D90];
	v8 =	vadd.f32 v61, v21  }
0xb0: {  	[tilespmem:$0x2A00] =	vst v23;
	v10 =	vadd.f32 v10, v19;
	v19 =	vld [tilespmem:$0x27D0]  }
0xb1: {  	[tilespmem:$0x2B30] =	vst v8;
	v8 =	vld [tilespmem:$0x1FAF0]  }
0xb2: {  	[tilespmem:$0x1FD20] =	vst v63;
	v63 =	vld [tilespmem:$0x1C70]  }
0xb3: {  	[tilespmem:$0x1FFD0] =	vst v24;
	v11 =	vld [tilespmem:$0x1FB00]  }
0xb4: {  	[tilespmem:$0x1FF70] =	vst v12;
	v1 =	vadd.f32 v2, v1;
	v2 =	vld [tilespmem:$0x27E0];
	v9 =	vadd.f32 v9, v22  }
0xb5: {  	[tilespmem:$0x2E20] =	vst v10;
	v10 =	vld [tilespmem:$0x2020]  }
0xb6: {  	v12 =	vadd.f32 v44, v46;
	[tilespmem:$0x2B40] =	vst v9;
	v9 =	vld [tilespmem:$0x1FB10]  }
0xb7: {  	[tilespmem:$0x1FD30] =	vst v63;
	v63 =	vld [tilespmem:$0x2470]  }
0xb8: {  	[tilespmem:$0x2AC0] =	vst v12;
	v11 =	vadd.f32 v11, v8;
	v23 =	vld [tilespmem:$0x1FB20]  }
0xb9: {  	[tilespmem:$0x1FF50] =	vst v4;
	v0 =	vadd.f32 v0, v7;
	v7 =	vld [tilespmem:$0x1FE0]  }
0xba: {  	[tilespmem:$0x2B50] =	vst v11;
	v11 =	vld [tilespmem:$0x1FB30]  }
0xbb: {  	v4 =	vadd.f32 v34, v36;
	[tilespmem:$0x1FF60] =	vst v6;
	v24 =	vld [tilespmem:$0x1FB40]  }
0xbc: {  	v6 =	vadd.f32 v37, v42;
	[tilespmem:$0x1FD40] =	vst v63;
	v63 =	vld [tilespmem:$0x1C80]  }
0xbd: {  	[tilespmem:$0x2A80] =	vst v4;
	v4 =	vld [tilespmem:$0x2650];
	v12 =	vadd.f32 v23, v9  }
0xbe: {  	v13 =	vadd.f32 v45, v49;
	[tilespmem:$0x2AA0] =	vst v6;
	v6 =	vld [tilespmem:$0x2660]  }
0xbf: {  	[tilespmem:$0x2B60] =	vst v12;
	v12 =	vld [tilespmem:$0x2680]  }
0xc0: {  	[tilespmem:$0x2AD0] =	vst v13;
	v13 =	vadd.f32 v24, v11;
	v11 =	vld [tilespmem:$0x1E80]  }
0xc1: {  	[tilespmem:$0x1FD50] =	vst v63;
	v63 =	vld [tilespmem:$0x2480]  }
0xc2: {  	[tilespmem:$0x2A10] =	vst v25;
	v25 =	vld [tilespmem:$0x1FB50]  }
0xc3: {  	[tilespmem:$0x1FFE0] =	vst v26;
	v26 =	vld [tilespmem:$0x1FB60]  }
0xc4: {  	v8 =	vld [tilespmem:$0x1E70]  }
0xc5: {  	[tilespmem:$0x1FF80] =	vst v14;
	v9 =	vld [tilespmem:$0x2670]  }
0xc6: {  	v14 =	vadd.f32 v48, v52;
	[tilespmem:$0x1FD60] =	vst v63;
	v63 =	vld [tilespmem:$0x1C90]  }
0xc7: {  	[tilespmem:$0x2B70] =	vst v13;
	v13 =	vld [tilespmem:$0x1E90];
	v12 =	vadd.f32 v12, v11  }
0xc8: {  	[tilespmem:$0x2AE0] =	vst v14;
	v11 =	vld [tilespmem:$0x2820];
	v14 =	vadd.f32 v26, v25  }
0xc9: {  	[tilespmem:$0x2E80] =	vst v12;
	v12 =	vld [tilespmem:$0x2030]  }
0xca: {  	[tilespmem:$0x2B80] =	vst v14;
	v14 =	vld [tilespmem:$0x2690]  }
0xcb: {  	[tilespmem:$0x1FD70] =	vst v63;
	v63 =	vld [tilespmem:$0x2490]  }
0xcc: {  	[tilespmem:$0x2A20] =	vst v28;
	v28 =	vld [tilespmem:$0x1FB70]  }
0xcd: {  	[tilespmem:$0x29C0] =	vst v15;
	v26 =	vld [tilespmem:$0x26D0]  }
0xce: {  	[tilespmem:$0x2A30] =	vst v29;
	v29 =	vld [tilespmem:$0x1FB80]  }
0xcf: {  	[tilespmem:$0x2A50] =	vst v31;
	v14 =	vadd.f32 v14, v13;
	v13 =	vld [tilespmem:$0x2830]  }
0xd0: {  	v15 =	vadd.f32 v51, v54;
	[tilespmem:$0x1FD80] =	vst v63;
	v63 =	vld [tilespmem:$0x1CA0]  }
0xd1: {  	[tilespmem:$0x2A60] =	vst v32;
	v31 =	vld [tilespmem:$0x1FB90]  }
0xd2: {  	[tilespmem:$0x2AF0] =	vst v15;
	v32 =	vld [tilespmem:$0x1FBA0]  }
0xd3: {  	[tilespmem:$0x2E90] =	vst v14;
	v14 =	vld [tilespmem:$0x2040]  }
0xd4: {  	[tilespmem:$0x1FF90] =	vst v16;
	v15 =	vadd.f32 v29, v28;
	v28 =	vld [tilespmem:$0x1EE0]  }
0xd5: {  	v16 =	vadd.f32 v53, v56;
	[tilespmem:$0x1FD90] =	vst v63;
	v63 =	vld [tilespmem:$0x24A0]  }
0xd6: {  	[tilespmem:$0x2B90] =	vst v15;
	v15 =	vld [tilespmem:$0x1EA0]  }
0xd7: {  	[tilespmem:$0x2B00] =	vst v16;
	v16 =	vadd.f32 v32, v31;
	v31 =	vld [tilespmem:$0x1EF0]  }
0xd8: {  	v32 =	vld [tilespmem:$0x26F0]  }
0xd9: {  	[tilespmem:$0x2BA0] =	vst v16;
	v16 =	vld [tilespmem:$0x26A0]  }
0xda: {  	[tilespmem:$0x1FDA0] =	vst v63;
	v63 =	vld [tilespmem:$0x1CB0]  }
0xdb: {  	v29 =	vld [tilespmem:$0x26E0]  }
0xdc: {  	[tilespmem:$0x2A70] =	vst v33;
	v18 =	vadd.f32 v18, v27;
	v33 =	vld [tilespmem:$0x1FBB0]  }
0xdd: {  	v34 =	vld [tilespmem:$0x1FBC0]  }
0xde: {  	[tilespmem:$0x2E10] =	vst v18;
	v18 =	vadd.f32 v16, v15;
	v15 =	vld [tilespmem:$0x2840]  }
0xdf: {  	v32 =	vadd.f32 v32, v31;
	[tilespmem:$0x1FDB0] =	vst v63;
	v63 =	vld [tilespmem:$0x24B0]  }
0xe0: {  	v16 =	vld [tilespmem:$0x2050]  }
0xe1: {  	[tilespmem:$0x2EF0] =	vst v32;
	v32 =	vld [tilespmem:$0x20C0]  }
0xe2: {  	[tilespmem:$0x29D0] =	vst v17;
	v35 =	vld [tilespmem:$0x1FBD0]  }
0xe3: {  	[tilespmem:$0x1FFB0] =	vst v20;
	v36 =	vld [tilespmem:$0x1FBE0]  }
0xe4: {  	v17 =	vadd.f32 v55, v57;
	[tilespmem:$0x1FDC0] =	vst v63;
	v63 =	vld [tilespmem:$0x1CC0]  }
0xe5: {  	v20 =	vadd.f32 v60, v62;
	[tilespmem:$0x2EA0] =	vst v18;
	v18 =	vld [tilespmem:$0x2060]  }
0xe6: {  	[tilespmem:$0x2B10] =	vst v17;
	v17 =	vadd.f32 v34, v33;
	v33 =	vld [tilespmem:$0x1F00]  }
0xe7: {  	[tilespmem:$0x2B20] =	vst v20;
	v34 =	vld [tilespmem:$0x2700]  }
0xe8: {  	[tilespmem:$0x2BB0] =	vst v17;
	v17 =	vld [tilespmem:$0x1EB0]  }
0xe9: {  	v20 =	vadd.f32 v36, v35;
	[tilespmem:$0x1FDD0] =	vst v63;
	v63 =	vld [tilespmem:$0x24C0]  }
0xea: {  	v37 =	vld [tilespmem:$0x1FBF0]  }
0xeb: {  	[tilespmem:$0x2BC0] =	vst v20;
	v20 =	vld [tilespmem:$0x26B0]  }
0xec: {  	v40 =	vld [tilespmem:$0x1FC00]  }
0xed: {  	v41 =	vld [tilespmem:$0x1FC10]  }
0xee: {  	v34 =	vadd.f32 v34, v33;
	[tilespmem:$0x1FDE0] =	vst v63;
	v63 =	vld [tilespmem:$0x1CD0]  }
0xef: {  	v42 =	vld [tilespmem:$0x1FC20]  }
0xf0: {  	[tilespmem:$0x2F00] =	vst v34;
	v34 =	vld [tilespmem:$0x28C0]  }
0xf1: {  	v35 =	vld [tilespmem:$0x1F10]  }
0xf2: {  	v20 =	vadd.f32 v20, v17;
	v17 =	vld [tilespmem:$0x2850];
	v21 =	vadd.f32 v40, v37  }
0xf3: {  	[tilespmem:$0x1FDF0] =	vst v63;
	v63 =	vld [tilespmem:$0x24D0]  }
0xf4: {  	[tilespmem:$0x2BD0] =	vst v21;
	v21 =	vld [tilespmem:$0x1EC0];
	v22 =	vadd.f32 v42, v41  }
0xf5: {  	v43 =	vld [tilespmem:$0x1FC30]  }
0xf6: {  	[tilespmem:$0x2BE0] =	vst v22;
	v22 =	vld [tilespmem:$0x26C0]  }
0xf7: {  	v44 =	vld [tilespmem:$0x1FC40]  }
0xf8: {  	[tilespmem:$0x1FE00] =	vst v63;
	v63 =	vld [tilespmem:$0x1CE0]  }
0xf9: {  	v45 =	vld [tilespmem:$0x1FC50]  }
0xfa: {  	v46 =	vld [tilespmem:$0x1FC60]  }
0xfb: {  	v48 =	vld [tilespmem:$0x1FC70]  }
0xfc: {  	v49 =	vld [tilespmem:$0x1FC80]  }
0xfd: {  	[tilespmem:$0x1FE10] =	vst v63;
	v63 =	vld [tilespmem:$0x24E0]  }
0xfe: {  	v51 =	vld [tilespmem:$0x1FC90]  }
0xff: {  	v52 =	vld [tilespmem:$0x1FCA0]  }
0x100: {  	v53 =	vld [tilespmem:$0x1FCB0]  }
0x101: {  	v54 =	vld [tilespmem:$0x1FCC0]  }
0x102: {  	[tilespmem:$0x1FE20] =	vst v63;
	v63 =	vld [tilespmem:$0x1CF0]  }
0x103: {  	v55 =	vld [tilespmem:$0x1FCD0]  }
0x104: {  	v56 =	vld [tilespmem:$0x1FCE0]  }
0x105: {  	v57 =	vld [tilespmem:$0x1FCF0]  }
0x106: {  	v60 =	vld [tilespmem:$0x1FD00]  }
0x107: {  	v23 =	vadd.f32 v44, v43;
	[tilespmem:$0x1FE30] =	vst v63;
	v63 =	vld [tilespmem:$0x24F0]  }
0x108: {  	v24 =	vadd.f32 v46, v45;
	v61 =	vld [tilespmem:$0x1FD10]  }
0x109: {  	[tilespmem:$0x2BF0] =	vst v23;
	v25 =	vadd.f32 v49, v48;
	v62 =	vld [tilespmem:$0x1FD20]  }
0x10a: {  	[tilespmem:$0x2C00] =	vst v24;
	v36 =	vld [tilespmem:$0x1FD30]  }
0x10b: {  	[tilespmem:$0x2C10] =	vst v25;
	v24 =	vadd.f32 v52, v51;
	v37 =	vld [tilespmem:$0x1FD40]  }
0x10c: {  	v25 =	vadd.f32 v54, v53;
	[tilespmem:$0x1FE40] =	vst v63;
	v63 =	vld [tilespmem:$0x1D00]  }
0x10d: {  	[tilespmem:$0x2C20] =	vst v24;
	v24 =	vadd.f32 v56, v55;
	v40 =	vld [tilespmem:$0x1FD50]  }
0x10e: {  	[tilespmem:$0x2C30] =	vst v25;
	v25 =	vadd.f32 v60, v57;
	v41 =	vld [tilespmem:$0x1FD60]  }
0x10f: {  	v23 =	vld [tilespmem:$0x1ED0];
	[tilespmem:$0x2C40] =	vst v24  }
0x110: {  	[tilespmem:$0x2C50] =	vst v25;
	v25 =	vadd.f32 v37, v36;
	v36 =	vld [tilespmem:$0x2710]  }
0x111: {  	v24 =	vadd.f32 v62, v61;
	[tilespmem:$0x1FE50] =	vst v63;
	v63 =	vld [tilespmem:$0x2500]  }
0x112: {  	v37 =	vld [tilespmem:$0x1F20]  }
0x113: {  	[tilespmem:$0x2C60] =	vst v24;
	v24 =	vadd.f32 v41, v40;
	v40 =	vld [tilespmem:$0x2720]  }
0x114: {  	v42 =	vld [tilespmem:$0x1FD70]  }
0x115: {  	v41 =	vld [tilespmem:$0x1F30]  }
0x116: {  	[tilespmem:$0x1FE60] =	vst v63;
	v63 =	vld [tilespmem:$0x1D10]  }
0x117: {  	v43 =	vld [tilespmem:$0x1FD80]  }
0x118: {  	v40 =	vadd.f32 v40, v37;
	v37 =	vadd.f32 v11, v10;
	v10 =	vld [tilespmem:$0x28F0]  }
0x119: {  	v11 =	vld [tilespmem:$0x2100]  }
0x11a: {  	v44 =	vld [tilespmem:$0x1FD90]  }
0x11b: {  	[tilespmem:$0x1FE70] =	vst v63;
	v63 =	vld [tilespmem:$0x2510]  }
0x11c: {  	v45 =	vld [tilespmem:$0x1FDA0]  }
0x11d: {  	[tilespmem:$0x2F20] =	vst v40;
	v40 =	vld [tilespmem:$0x20E0]  }
0x11e: {  	[tilespmem:$0x2C70] =	vst v25;
	v25 =	vadd.f32 v43, v42;
	v42 =	vld [tilespmem:$0x2730]  }
0x11f: {  	v43 =	vld [tilespmem:$0x1F40]  }
0x120: {  	[tilespmem:$0x1FE80] =	vst v63;
	v63 =	vld [tilespmem:$0x1D20]  }
0x121: {  	[tilespmem:$0x2C80] =	vst v24;
	v24 =	vadd.f32 v45, v44;
	v44 =	vld [tilespmem:$0x2740]  }
0x122: {  	v46 =	vld [tilespmem:$0x1FDB0]  }
0x123: {  	v48 =	vld [tilespmem:$0x1FDC0]  }
0x124: {  	v45 =	vld [tilespmem:$0x1F50]  }
0x125: {  	[tilespmem:$0x1FE90] =	vst v63;
	v63 =	vld [tilespmem:$0x2520]  }
0x126: {  	v43 =	vadd.f32 v44, v43;
	v44 =	vld [tilespmem:$0x2860]  }
0x127: {  	v49 =	vld [tilespmem:$0x1FDD0]  }
0x128: {  	[tilespmem:$0x2C90] =	vst v25;
	v25 =	vadd.f32 v48, v46;
	v46 =	vld [tilespmem:$0x2750]  }
0x129: {  	v51 =	vld [tilespmem:$0x1FDE0]  }
0x12a: {  	[tilespmem:$0x1FEA0] =	vst v63;
	v63 =	vld [tilespmem:$0x1D30]  }
0x12b: {  	v52 =	vld [tilespmem:$0x1FDF0]  }
0x12c: {  	v53 =	vld [tilespmem:$0x1FE00]  }
0x12d: {  	v54 =	vld [tilespmem:$0x1FE10]  }
0x12e: {  	v55 =	vld [tilespmem:$0x1FE20]  }
0x12f: {  	[tilespmem:$0x1FEB0] =	vst v63;
	v63 =	vld [tilespmem:$0x2530]  }
0x130: {  	v56 =	vld [tilespmem:$0x1FE30]  }
0x131: {  	v57 =	vld [tilespmem:$0x1FE40]  }
0x132: {  	v60 =	vld [tilespmem:$0x1FE50]  }
0x133: {  	v61 =	vld [tilespmem:$0x1FE60]  }
0x134: {  	[tilespmem:$0x1FEC0] =	vst v63;
	v63 =	vld [tilespmem:$0x1D40]  }
0x135: {  	[tilespmem:$0x2CA0] =	vst v24;
	v24 =	vadd.f32 v51, v49;
	v62 =	vld [tilespmem:$0x1FE70]  }
0x136: {  	[tilespmem:$0x2CB0] =	vst v25;
	v25 =	vadd.f32 v53, v52;
	v48 =	vld [tilespmem:$0x1FE80]  }
0x137: {  	[tilespmem:$0x2CC0] =	vst v24;
	v49 =	vld [tilespmem:$0x1FE90]  }
0x138: {  	[tilespmem:$0x2CD0] =	vst v25;
	v24 =	vadd.f32 v55, v54;
	v51 =	vld [tilespmem:$0x1FEA0]  }
0x139: {  	v25 =	vadd.f32 v57, v56;
	[tilespmem:$0x1FED0] =	vst v63;
	v63 =	vld [tilespmem:$0x2540]  }
0x13a: {  	v45 =	vadd.f32 v46, v45;
	v46 =	vld [tilespmem:$0x2070];
	[tilespmem:$0x2CE0] =	vst v24  }
0x13b: {  	[tilespmem:$0x2CF0] =	vst v25;
	v24 =	vadd.f32 v61, v60;
	v25 =	vadd.f32 v48, v62;
	v48 =	vld [tilespmem:$0x1F60]  }
0x13c: {  	v62 =	vld [tilespmem:$0x1FF30]  }
0x13d: {  	[tilespmem:$0x2D00] =	vst v24;
	v24 =	vadd.f32 v51, v49;
	v49 =	vld [tilespmem:$0x2760]  }
0x13e: {  	[tilespmem:$0x1FEE0] =	vst v63;
	v63 =	vld [tilespmem:$0x1D50]  }
0x13f: {  	v52 =	vld [tilespmem:$0x1FEB0]  }
0x140: {  	v53 =	vld [tilespmem:$0x1FEC0]  }
0x141: {  	v51 =	vld [tilespmem:$0x1F70]  }
0x142: {  	[tilespmem:$0x2DF0] =	vst v47;
	v47 =	vadd.f32 v49, v48;
	v48 =	vld [tilespmem:$0x2870]  }
0x143: {  	[tilespmem:$0x1FEF0] =	vst v63;
	v63 =	vld [tilespmem:$0x2550]  }
0x144: {  	v54 =	vld [tilespmem:$0x1FED0]  }
0x145: {  	[tilespmem:$0x2D10] =	vst v25;
	v25 =	vadd.f32 v53, v52;
	v52 =	vld [tilespmem:$0x2770]  }
0x146: {  	v53 =	vld [tilespmem:$0x1F80]  }
0x147: {  	[tilespmem:$0x2F40] =	vst v43;
	v43 =	vadd.f32 v44, v18;
	v44 =	vadd.f32 v48, v46;
	v46 =	vld [tilespmem:$0x2900]  }
0x148: {  	[tilespmem:$0x1FF00] =	vst v63;
	v63 =	vld [tilespmem:$0x1D60]  }
0x149: {  	[tilespmem:$0x2E40] =	vst v1;
	v29 =	vadd.f32 v29, v28;
	v55 =	vld [tilespmem:$0x1FEE0]  }
0x14a: {  	[tilespmem:$0x2E30] =	vst v0;
	v48 =	vld [tilespmem:$0x2110]  }
0x14b: {  	[tilespmem:$0x2EE0] =	vst v29;
	v49 =	vadd.f32 v52, v51;
	v51 =	vld [tilespmem:$0x2080]  }
0x14c: {  	[tilespmem:$0x2EB0] =	vst v20;
	v56 =	vld [tilespmem:$0x1FEF0]  }
0x14d: {  	v27 =	vadd.f32 v26, v23;
	[tilespmem:$0x1FF10] =	vst v63;
	v63 =	vld [tilespmem:$0x2560]  }
0x14e: {  	[tilespmem:$0x2D20] =	vst v24;
	v24 =	vadd.f32 v55, v54;
	v54 =	vld [tilespmem:$0x2780]  }
0x14f: {  	[tilespmem:$0x2ED0] =	vst v27;
	v42 =	vadd.f32 v42, v41;
	v55 =	vld [tilespmem:$0x1F90]  }
0x150: {  	[tilespmem:$0x3020] =	vst v37;
	v57 =	vld [tilespmem:$0x1FF00]  }
0x151: {  	v41 =	vadd.f32 v15, v14;
	[tilespmem:$0x2F30] =	vst v42;
	v60 =	vld [tilespmem:$0x1FF10]  }
0x152: {  	v42 =	vadd.f32 v17, v16;
	[tilespmem:$0x1FF20] =	vst v63;
	v63 =	vld [tilespmem:$0x1D70]  }
0x153: {  	[tilespmem:$0x3040] =	vst v41;
	v61 =	vld [tilespmem:$0x1FF20]  }
0x154: {  	[tilespmem:$0x3050] =	vst v42;
	v52 =	vadd.f32 v54, v53;
	v53 =	vld [tilespmem:$0x2880]  }
0x155: {  	[tilespmem:$0x2D30] =	vst v25;
	v25 =	vadd.f32 v57, v56;
	v57 =	vld [tilespmem:$0x1FF50]  }
0x156: {  	[tilespmem:$0x3060] =	vst v43;
	v56 =	vld [tilespmem:$0x2790]  }
0x157: {  	[tilespmem:$0x2D50] =	vst v25;
	v25 =	vadd.f32 v62, v63;
	v63 =	vld [tilespmem:$0x1FF40]  }
0x158: {  	[tilespmem:$0x2D40] =	vst v24;
	v24 =	vadd.f32 v61, v60;
	v60 =	vld [tilespmem:$0x1FF60]  }
0x159: {  	[tilespmem:$0x2F50] =	vst v45;
	v61 =	vld [tilespmem:$0x1FF70]  }
0x15a: {  	[tilespmem:$0x2F80] =	vst v52;
	v52 =	vld [tilespmem:$0x2120]  }
0x15b: {  	[tilespmem:$0x2F60] =	vst v47;
	v54 =	vadd.f32 v56, v55;
	v55 =	vld [tilespmem:$0x2090]  }
0x15c: {  	[tilespmem:$0x3070] =	vst v44;
	v62 =	vld [tilespmem:$0x1FF80]  }
0x15d: {  	[tilespmem:$0x2D60] =	vst v24;
	v24 =	vadd.f32 v57, v63;
	v63 =	vld [tilespmem:$0x1FF90]  }
0x15e: {  	[tilespmem:$0x2D70] =	vst v25;
	v25 =	vadd.f32 v61, v60;
	v60 =	vld [tilespmem:$0x1FFA0]  }
0x15f: {  	[tilespmem:$0x2F70] =	vst v49;
	v45 =	vadd.f32 v53, v51;
	v61 =	vld [tilespmem:$0x1FFB0]  }
0x160: {  	[tilespmem:$0x2F90] =	vst v54;
	v54 =	vld [tilespmem:$0x2920]  }
0x161: {  	v53 =	vadd.f32 v34, v32;
	[tilespmem:$0x3080] =	vst v45;
	v57 =	vld [tilespmem:$0x1FA0]  }
0x162: {  	[tilespmem:$0x2D80] =	vst v24;
	v24 =	vadd.f32 v63, v62;
	v62 =	vld [tilespmem:$0x1FFE0]  }
0x163: {  	[tilespmem:$0x30C0] =	vst v53;
	v63 =	vadd.f32 v50, v59;
	v50 =	vld [tilespmem:$0x27B0]  }
0x164: {  	[tilespmem:$0x2D90] =	vst v25;
	v25 =	vadd.f32 v61, v60;
	v60 =	vld [tilespmem:$0x1FFD0]  }
0x165: {  	v59 =	vadd.f32 v30, v39;
	v61 =	vadd.f32 v4, v3;
	v3 =	vld [tilespmem:$0x1FF0];
	[tilespmem:$0x2DA0] =	vst v24  }
0x166: {  	v39 =	vadd.f32 v36, v35;
	v4 =	vld [tilespmem:$0x27F0];
	[tilespmem:$0x2DE0] =	vst v63  }
0x167: {  	v24 =	vld [tilespmem:$0x1FFC0];
	[tilespmem:$0x2E00] =	vst v59  }
0x168: {  	v63 =	vadd.f32 v9, v8;
	v8 =	vld [tilespmem:$0x2010];
	[tilespmem:$0x2F10] =	vst v39  }
0x169: {  	v9 =	vld [tilespmem:$0x2810];
	[tilespmem:$0x2DB0] =	vst v25  }
0x16a: {  	v59 =	vld [tilespmem:$0x20A0];
	v39 =	vadd.f32 v13, v12;
	[tilespmem:$0x2E50] =	vst v61  }
0x16b: {  	v61 =	vld [tilespmem:$0x28A0];
	[tilespmem:$0x2E70] =	vst v63;
	v25 =	vadd.f32 v58, v62  }
0x16c: {  	[tilespmem:$0x3030] =	vst v39;
	v58 =	vld [tilespmem:$0x1FB0];
	v62 =	vadd.f32 v6, v5  }
0x16d: {  	v5 =	vld [tilespmem:$0x2000];
	v31 =	vadd.f32 v4, v3;
	[tilespmem:$0x2DD0] =	vst v25  }
0x16e: {  	v6 =	vld [tilespmem:$0x2800];
	v24 =	vadd.f32 v60, v24;
	[tilespmem:$0x2E60] =	vst v62  }
0x16f: {  	v60 =	vld [tilespmem:$0x27A0];
	v35 =	vadd.f32 v9, v8;
	[tilespmem:$0x2FF0] =	vst v31  }
0x170: {  	v30 =	vld [tilespmem:$0x27C0];
	v49 =	vadd.f32 v61, v59;
	[tilespmem:$0x2DC0] =	vst v24  }
0x171: {  	v25 =	vld [tilespmem:$0x1FD0];
	v24 =	vadd.f32 v22, v21;
	[tilespmem:$0x3010] =	vst v35  }
0x172: {  	v36 =	vld [tilespmem:$0x20D0];
	v58 =	vadd.f32 v50, v58;
	[tilespmem:$0x30A0] =	vst v49  }
0x173: {  	v9 =	vld [tilespmem:$0x20F0];
	v33 =	vadd.f32 v6, v5;
	[tilespmem:$0x2EC0] =	vst v24  }
0x174: {  	v63 =	vld [tilespmem:$0x20B0];
	v56 =	vadd.f32 v60, v57;
	[tilespmem:$0x2FB0] =	vst v58  }
0x175: {  	v8 =	vld [tilespmem:$0x28E0];
	v60 =	vadd.f32 v30, v38;
	[tilespmem:$0x3000] =	vst v33  }
0x176: {  	v50 =	vld [tilespmem:$0x2910];
	v62 =	vadd.f32 v19, v25;
	[tilespmem:$0x2FA0] =	vst v56  }
0x177: {  	v57 =	vld [tilespmem:$0x2890];
	v25 =	vadd.f32 v2, v7;
	[tilespmem:$0x2FC0] =	vst v60  }
0x178: {  	v30 =	vld [tilespmem:$0x28B0];
	v59 =	vadd.f32 v10, v9;
	[tilespmem:$0x2FD0] =	vst v62  }
0x179: {  	v38 =	vld [tilespmem:$0x28D0];
	[tilespmem:$0x2FE0] =	vst v25;
	v60 =	vadd.f32 v46, v11  }
0x17a: {  	v58 =	vld [tilespmem:$0x2930];
	[tilespmem:$0x30F0] =	vst v59;
	v62 =	vadd.f32 v54, v52  }
0x17b: {  	v56 =	vld [tilespmem:$0x2130];
	v61 =	vadd.f32 v50, v48;
	[tilespmem:$0x3100] =	vst v60  }
0x17c: {  	[tilespmem:$0x3120] =	vst v62;
	v47 =	vadd.f32 v57, v55  }
0x17d: {  	v51 =	vadd.f32 v30, v63;
	[tilespmem:$0x3110] =	vst v61  }
0x17e: {  	v55 =	vadd.f32 v38, v36;
	[tilespmem:$0x3090] =	vst v47  }
0x17f: {  	v57 =	vadd.f32 v8, v40;
	[tilespmem:$0x30B0] =	vst v51  }
0x180: {  	[tilespmem:$0x30D0] =	vst v55;
	v63 =	vadd.f32 v58, v56  }
0x181: {  	[tilespmem:$0x30E0] =	vst v57  }
0x182: {  	s25 =	simm.s32 $0x0;
	v10 =	vld [tilespmem:$0x1FFF0];
	[tilespmem:$0x3130] =	vst v63  }
.LBB2_2:
0x183: {  	s26 =	smul.u32 $0x320, s25  }
0x184: {  	s28 =	simm.s32 $0x0  }
0x185: {  	v0 =	vmov s28;
	s26 =	sshra.s32 s26, $0x2  }
0x186: {  	v0 =	vshll.u32 v0, $0x6;
	s26 =	sadd.s32 $0x40, s26  }
0x187: {  	v0 =	vor.u32 v10, v0;
	[tilespmem:s21], [sflag:$0x3] =	stream.indirect.gather [hbm4b:s5+s20], $0x40, s26, s20, $0xb8;
	[tilespmem:$0x6610] =	vst v63  }
0x188: {  	v1 =	vor.u32 $0x1, v0;
	_ =	swait.ge [sflag:s22], $0x3200  }
0x189: {  	s30 =	sshll.u32 s25, $0x6;
	[sflag:s22] =	ssyncset.done $0x0  }
0x18a: {  	s26 =	sand.u32 $0x3FFFFFC0, s30;
	v2 =	vor.u32 $0x2, v0;
	[sflag:s22] =	ssyncadd.s32 $0xFFFFCE00  }
0x18b: {  	v3 =	vld [tilespmem:s26+$0x2940]  }
0x18c: {  	v6 =	vor.u32 $0x3, v0;
	v7 =	vld.idx.msk [tilespmem:v0+s21+$0x0], $0xffff  }
0x18d: {  	v8 =	vor.u32 $0x4, v0;
	v1 =	vld.idx.msk [tilespmem:v1+s21+$0x0], $0xffff;
	_ =	sdelay $0x1  }
0x18e: {  	v2 =	vld.idx.msk [tilespmem:v2+s21+$0x0], $0xffff  }
0x18f: {  	v9 =	vor.u32 $0x5, v0;
	v4 =	vbroadcast v3, $0x0;
	v11 =	vbroadcast v3, $0x1  }
0x190: {  	v10 =	vor.u32 $0x6, v0;
	v6 =	vld.idx.msk [tilespmem:v6+s21+$0x0], $0xffff  }
0x191: {  	v8 =	vld.idx.msk [tilespmem:v8+s21+$0x0], $0xffff;
	v5 =	vbroadcast v3, $0x2;
	[tilespmem:$0x1F5F0] =	vst v4;
	v7 =	vsub.f32 v4, v7;
	v1 =	vsub.f32 v11, v1  }
0x192: {  	[tilespmem:$0x1F600] =	vst v11;
	v4 =	vbroadcast v3, $0x3;
	v11 =	vor.u32 $0x7, v0  }
0x193: {  	v2 =	vsub.f32 v5, v2;
	v7 =	vmul.f32 v7, v7;
	v1 =	vmul.f32 v1, v1  }
0x194: {  	v12 =	vor.u32 $0x8, v0;
	v9 =	vld.idx.msk [tilespmem:v9+s21+$0x0], $0xffff;
	[tilespmem:$0x1F610] =	vst v5;
	v5 =	vbroadcast v3, $0x4  }
0x195: {  	v10 =	vld.idx.msk [tilespmem:v10+s21+$0x0], $0xffff;
	v2 =	vmul.f32 v2, v2;
	v1 =	vadd.f32 v1, v7;
	v7 =	vsub.f32 v4, v6  }
0x196: {  	v13 =	vor.u32 $0x9, v0;
	v8 =	vsub.f32 v5, v8  }
0x197: {  	[tilespmem:$0x1F620] =	vst v4;
	v4 =	vbroadcast v3, $0x5;
	v1 =	vadd.f32 v2, v1;
	v2 =	vmul.f32 v7, v7  }
0x198: {  	v14 =	vor.u32 $0xA, v0;
	[tilespmem:$0x1F630] =	vst v5;
	v5 =	vbroadcast v3, $0x6;
	v11 =	vld.idx.msk [tilespmem:v11+s21+$0x0], $0xffff  }
0x199: {  	v12 =	vld.idx.msk [tilespmem:v12+s21+$0x0], $0xffff;
	v1 =	vadd.f32 v2, v1;
	v2 =	vmul.f32 v8, v8;
	v8 =	vsub.f32 v4, v9  }
0x19a: {  	v15 =	vor.u32 $0xB, v0;
	v10 =	vsub.f32 v5, v10  }
0x19b: {  	[tilespmem:$0x1F640] =	vst v4;
	v4 =	vbroadcast v3, $0x7;
	v1 =	vadd.f32 v2, v1;
	v2 =	vmul.f32 v8, v8  }
0x19c: {  	v16 =	vor.u32 $0xC, v0;
	v13 =	vld.idx.msk [tilespmem:v13+s21+$0x0], $0xffff;
	[tilespmem:$0x1F650] =	vst v5;
	v5 =	vbroadcast v3, $0x8  }
0x19d: {  	v14 =	vld.idx.msk [tilespmem:v14+s21+$0x0], $0xffff;
	v11 =	vsub.f32 v4, v11;
	v1 =	vadd.f32 v2, v1;
	v2 =	vmul.f32 v10, v10  }
0x19e: {  	v17 =	vor.u32 $0xD, v0;
	v12 =	vsub.f32 v5, v12  }
0x19f: {  	[tilespmem:$0x1F660] =	vst v4;
	v4 =	vbroadcast v3, $0x9;
	v1 =	vadd.f32 v2, v1;
	v2 =	vmul.f32 v11, v11  }
0x1a0: {  	v18 =	vor.u32 $0xE, v0;
	v15 =	vld.idx.msk [tilespmem:v15+s21+$0x0], $0xffff;
	[tilespmem:$0x1F670] =	vst v5;
	v5 =	vbroadcast v3, $0xA  }
0x1a1: {  	v16 =	vld.idx.msk [tilespmem:v16+s21+$0x0], $0xffff;
	v13 =	vsub.f32 v4, v13;
	v1 =	vadd.f32 v2, v1;
	v2 =	vmul.f32 v12, v12  }
0x1a2: {  	v19 =	vor.u32 $0xF, v0;
	v14 =	vsub.f32 v5, v14  }
0x1a3: {  	[tilespmem:$0x1F680] =	vst v4;
	v4 =	vbroadcast v3, $0xB;
	v1 =	vadd.f32 v2, v1;
	v2 =	vmul.f32 v13, v13  }
0x1a4: {  	v20 =	vor.u32 $0x10, v0;
	v17 =	vld.idx.msk [tilespmem:v17+s21+$0x0], $0xffff;
	[tilespmem:$0x1F690] =	vst v5;
	v5 =	vbroadcast v3, $0xC  }
0x1a5: {  	v18 =	vld.idx.msk [tilespmem:v18+s21+$0x0], $0xffff;
	v15 =	vsub.f32 v4, v15;
	v1 =	vadd.f32 v2, v1;
	v2 =	vmul.f32 v14, v14  }
0x1a6: {  	v21 =	vor.u32 $0x11, v0;
	v16 =	vsub.f32 v5, v16  }
0x1a7: {  	v32 =	vld [tilespmem:s26+$0x2950];
	[tilespmem:$0x1F6A0] =	vst v4;
	v4 =	vbroadcast v3, $0xD;
	v1 =	vadd.f32 v2, v1;
	v2 =	vmul.f32 v15, v15  }
0x1a8: {  	v22 =	vor.u32 $0x12, v0;
	v19 =	vld.idx.msk [tilespmem:v19+s21+$0x0], $0xffff;
	[tilespmem:$0x1F6B0] =	vst v5;
	v5 =	vbroadcast v3, $0xE  }
0x1a9: {  	v17 =	vsub.f32 v4, v17;
	v1 =	vadd.f32 v2, v1;
	v2 =	vmul.f32 v16, v16  }
0x1aa: {  	v18 =	vsub.f32 v5, v18;
	[tilespmem:$0x1F6C0] =	vst v4;
	v4 =	vbroadcast v3, $0xF;
	v3 =	vld.idx.msk [tilespmem:v20+s21+$0x0], $0xffff  }
0x1ab: {  	v20 =	vor.u32 $0x13, v0;
	v1 =	vadd.f32 v2, v1;
	v2 =	vmul.f32 v17, v17  }
0x1ac: {  	v23 =	vor.u32 $0x14, v0;
	v21 =	vld.idx.msk [tilespmem:v21+s21+$0x0], $0xffff;
	[tilespmem:$0x1F6D0] =	vst v5;
	v5 =	vbroadcast v32, $0x0  }
0x1ad: {  	v19 =	vsub.f32 v4, v19;
	v1 =	vadd.f32 v2, v1;
	v2 =	vmul.f32 v18, v18  }
0x1ae: {  	v24 =	vor.u32 $0x15, v0;
	v22 =	vld.idx.msk [tilespmem:v22+s21+$0x0], $0xffff;
	[tilespmem:$0x1F6E0] =	vst v4;
	v4 =	vbroadcast v32, $0x1  }
0x1af: {  	v3 =	vsub.f32 v5, v3;
	v1 =	vadd.f32 v2, v1;
	v2 =	vmul.f32 v19, v19  }
0x1b0: {  	v26 =	vor.u32 $0x16, v0;
	[tilespmem:$0x1F6F0] =	vst v5;
	v5 =	vbroadcast v32, $0x2;
	v25 =	vld.idx.msk [tilespmem:v20+s21+$0x0], $0xffff  }
0x1b1: {  	v1 =	vadd.f32 v2, v1;
	v2 =	vmul.f32 v3, v3;
	v3 =	vsub.f32 v4, v21  }
0x1b2: {  	v27 =	vor.u32 $0x17, v0;
	v23 =	vld.idx.msk [tilespmem:v23+s21+$0x0], $0xffff;
	[tilespmem:$0x1F700] =	vst v4;
	v4 =	vbroadcast v32, $0x3  }
0x1b3: {  	v1 =	vadd.f32 v2, v1;
	v2 =	vmul.f32 v3, v3;
	v3 =	vsub.f32 v5, v22  }
0x1b4: {  	v28 =	vor.u32 $0x18, v0;
	v24 =	vld.idx.msk [tilespmem:v24+s21+$0x0], $0xffff;
	[tilespmem:$0x1F710] =	vst v5;
	v5 =	vbroadcast v32, $0x4  }
0x1b5: {  	v1 =	vadd.f32 v2, v1;
	v2 =	vmul.f32 v3, v3;
	v3 =	vsub.f32 v4, v25  }
0x1b6: {  	[tilespmem:$0x1F720] =	vst v4;
	v4 =	vbroadcast v32, $0x5;
	v25 =	vld.idx.msk [tilespmem:v26+s21+$0x0], $0xffff;
	v26 =	vor.u32 $0x19, v0  }
0x1b7: {  	v1 =	vadd.f32 v2, v1;
	v2 =	vmul.f32 v3, v3;
	v3 =	vsub.f32 v5, v23  }
0x1b8: {  	v29 =	vor.u32 $0x1A, v0;
	v27 =	vld.idx.msk [tilespmem:v27+s21+$0x0], $0xffff;
	[tilespmem:$0x1F730] =	vst v5;
	v5 =	vbroadcast v32, $0x6  }
0x1b9: {  	v1 =	vadd.f32 v2, v1;
	v2 =	vmul.f32 v3, v3;
	v3 =	vsub.f32 v4, v24  }
0x1ba: {  	v30 =	vor.u32 $0x1B, v0;
	v28 =	vld.idx.msk [tilespmem:v28+s21+$0x0], $0xffff;
	[tilespmem:$0x1F740] =	vst v4;
	v4 =	vbroadcast v32, $0x7  }
0x1bb: {  	v1 =	vadd.f32 v2, v1;
	v2 =	vmul.f32 v3, v3;
	v3 =	vsub.f32 v5, v25  }
0x1bc: {  	v33 =	vor.u32 $0x1C, v0;
	[tilespmem:$0x1F750] =	vst v5;
	v31 =	vld.idx.msk [tilespmem:v26+s21+$0x0], $0xffff;
	v5 =	vbroadcast v32, $0x8  }
0x1bd: {  	v1 =	vadd.f32 v2, v1;
	v2 =	vmul.f32 v3, v3;
	v3 =	vsub.f32 v4, v27  }
0x1be: {  	v34 =	vor.u32 $0x1D, v0;
	v29 =	vld.idx.msk [tilespmem:v29+s21+$0x0], $0xffff;
	[tilespmem:$0x1F760] =	vst v4;
	v4 =	vbroadcast v32, $0x9  }
0x1bf: {  	v1 =	vadd.f32 v2, v1;
	v2 =	vmul.f32 v3, v3;
	v3 =	vsub.f32 v5, v28  }
0x1c0: {  	v35 =	vor.u32 $0x1E, v0;
	v30 =	vld.idx.msk [tilespmem:v30+s21+$0x0], $0xffff;
	[tilespmem:$0x1F770] =	vst v5;
	v5 =	vbroadcast v32, $0xA  }
0x1c1: {  	v1 =	vadd.f32 v2, v1;
	v2 =	vmul.f32 v3, v3;
	v3 =	vsub.f32 v4, v31  }
0x1c2: {  	v62 =	vor.u32 $0x1F, v0;
	[tilespmem:$0x1F780] =	vst v4;
	v4 =	vbroadcast v32, $0xB;
	v31 =	vld.idx.msk [tilespmem:v33+s21+$0x0], $0xffff  }
0x1c3: {  	v1 =	vadd.f32 v2, v1;
	v2 =	vmul.f32 v3, v3;
	v3 =	vsub.f32 v5, v29  }
0x1c4: {  	v36 =	vor.u32 $0x20, v0;
	v34 =	vld.idx.msk [tilespmem:v34+s21+$0x0], $0xffff;
	[tilespmem:$0x1F790] =	vst v5;
	v5 =	vbroadcast v32, $0xC  }
0x1c5: {  	v1 =	vadd.f32 v2, v1;
	v2 =	vmul.f32 v3, v3;
	v3 =	vsub.f32 v4, v30  }
0x1c6: {  	v37 =	vor.u32 $0x21, v0;
	v35 =	vld.idx.msk [tilespmem:v35+s21+$0x0], $0xffff;
	[tilespmem:$0x1F7A0] =	vst v4;
	v4 =	vbroadcast v32, $0xD  }
0x1c7: {  	v48 =	vld [tilespmem:s26+$0x2960];
	v1 =	vadd.f32 v2, v1;
	v2 =	vmul.f32 v3, v3;
	v3 =	vsub.f32 v5, v31  }
0x1c8: {  	v39 =	vor.u32 $0x22, v0;
	v38 =	vld.idx.msk [tilespmem:v62+s21+$0x0], $0xffff;
	[tilespmem:$0x1F7B0] =	vst v5;
	v5 =	vbroadcast v32, $0xE  }
0x1c9: {  	v1 =	vadd.f32 v2, v1;
	v2 =	vmul.f32 v3, v3;
	v3 =	vsub.f32 v4, v34  }
0x1ca: {  	v40 =	vor.u32 $0x23, v0;
	v36 =	vld.idx.msk [tilespmem:v36+s21+$0x0], $0xffff;
	[tilespmem:$0x1F7C0] =	vst v4;
	v4 =	vbroadcast v32, $0xF  }
0x1cb: {  	v1 =	vadd.f32 v2, v1;
	v2 =	vmul.f32 v3, v3;
	v3 =	vsub.f32 v5, v35  }
0x1cc: {  	v41 =	vor.u32 $0x24, v0;
	v37 =	vld.idx.msk [tilespmem:v37+s21+$0x0], $0xffff;
	[tilespmem:$0x1F7D0] =	vst v5;
	v5 =	vbroadcast v48, $0x0  }
0x1cd: {  	v1 =	vadd.f32 v2, v1;
	v2 =	vmul.f32 v3, v3;
	v3 =	vsub.f32 v4, v38  }
0x1ce: {  	v63 =	vld.idx.msk [tilespmem:v39+s21+$0x0], $0xffff;
	v32 =	vor.u32 $0x25, v0;
	[tilespmem:$0x1F7E0] =	vst v4;
	v4 =	vbroadcast v48, $0x1  }
0x1cf: {  	v1 =	vadd.f32 v2, v1;
	v2 =	vmul.f32 v3, v3;
	v3 =	vsub.f32 v5, v36  }
0x1d0: {  	v42 =	vor.u32 $0x26, v0;
	v40 =	vld.idx.msk [tilespmem:v40+s21+$0x0], $0xffff;
	[tilespmem:$0x1F7F0] =	vst v5;
	v5 =	vbroadcast v48, $0x2  }
0x1d1: {  	v1 =	vadd.f32 v2, v1;
	v2 =	vmul.f32 v3, v3;
	v3 =	vsub.f32 v4, v37  }
0x1d2: {  	v43 =	vor.u32 $0x27, v0;
	v41 =	vld.idx.msk [tilespmem:v41+s21+$0x0], $0xffff;
	[tilespmem:$0x1F800] =	vst v4;
	v4 =	vbroadcast v48, $0x3  }
0x1d3: {  	v1 =	vadd.f32 v2, v1;
	v2 =	vmul.f32 v3, v3;
	v3 =	vsub.f32 v5, v63  }
0x1d4: {  	v45 =	vor.u32 $0x28, v0;
	v44 =	vld.idx.msk [tilespmem:v32+s21+$0x0], $0xffff;
	[tilespmem:$0x1F810] =	vst v5;
	v5 =	vbroadcast v48, $0x4  }
0x1d5: {  	v1 =	vadd.f32 v2, v1;
	v2 =	vmul.f32 v3, v3;
	v3 =	vsub.f32 v4, v40  }
0x1d6: {  	v46 =	vor.u32 $0x29, v0;
	v42 =	vld.idx.msk [tilespmem:v42+s21+$0x0], $0xffff;
	[tilespmem:$0x1F820] =	vst v4;
	v4 =	vbroadcast v48, $0x5  }
0x1d7: {  	v1 =	vadd.f32 v2, v1;
	v2 =	vmul.f32 v3, v3;
	v3 =	vsub.f32 v5, v41  }
0x1d8: {  	v47 =	vor.u32 $0x2A, v0;
	v43 =	vld.idx.msk [tilespmem:v43+s21+$0x0], $0xffff;
	[tilespmem:$0x1F830] =	vst v5;
	v5 =	vbroadcast v48, $0x6  }
0x1d9: {  	v1 =	vadd.f32 v2, v1;
	v2 =	vmul.f32 v3, v3;
	v3 =	vsub.f32 v4, v44  }
0x1da: {  	v33 =	vld.idx.msk [tilespmem:v45+s21+$0x0], $0xffff;
	v34 =	vor.u32 $0x2B, v0;
	[tilespmem:$0x1F840] =	vst v4;
	v4 =	vbroadcast v48, $0x7  }
0x1db: {  	v1 =	vadd.f32 v2, v1;
	v2 =	vmul.f32 v3, v3;
	v3 =	vsub.f32 v5, v42  }
0x1dc: {  	v49 =	vor.u32 $0x2C, v0;
	v46 =	vld.idx.msk [tilespmem:v46+s21+$0x0], $0xffff;
	[tilespmem:$0x1F850] =	vst v5;
	v5 =	vbroadcast v48, $0x8  }
0x1dd: {  	v1 =	vadd.f32 v2, v1;
	v2 =	vmul.f32 v3, v3;
	v3 =	vsub.f32 v4, v43  }
0x1de: {  	v50 =	vor.u32 $0x2D, v0;
	v47 =	vld.idx.msk [tilespmem:v47+s21+$0x0], $0xffff;
	[tilespmem:$0x1F860] =	vst v4;
	v4 =	vbroadcast v48, $0x9  }
0x1df: {  	v1 =	vadd.f32 v2, v1;
	v2 =	vmul.f32 v3, v3;
	v3 =	vsub.f32 v5, v33  }
0x1e0: {  	v52 =	vor.u32 $0x2E, v0;
	v51 =	vld.idx.msk [tilespmem:v34+s21+$0x0], $0xffff;
	[tilespmem:$0x1F870] =	vst v5;
	v5 =	vbroadcast v48, $0xA  }
0x1e1: {  	v1 =	vadd.f32 v2, v1;
	v2 =	vmul.f32 v3, v3;
	v3 =	vsub.f32 v4, v46  }
0x1e2: {  	v53 =	vor.u32 $0x2F, v0;
	v49 =	vld.idx.msk [tilespmem:v49+s21+$0x0], $0xffff;
	[tilespmem:$0x1F880] =	vst v4;
	v4 =	vbroadcast v48, $0xB  }
0x1e3: {  	v1 =	vadd.f32 v2, v1;
	v2 =	vmul.f32 v3, v3;
	v3 =	vsub.f32 v5, v47  }
0x1e4: {  	v54 =	vor.u32 $0x30, v0;
	v50 =	vld.idx.msk [tilespmem:v50+s21+$0x0], $0xffff;
	[tilespmem:$0x1F890] =	vst v5;
	v5 =	vbroadcast v48, $0xC  }
0x1e5: {  	v1 =	vadd.f32 v2, v1;
	v2 =	vmul.f32 v3, v3;
	v3 =	vsub.f32 v4, v51  }
0x1e6: {  	v35 =	vld.idx.msk [tilespmem:v52+s21+$0x0], $0xffff;
	v36 =	vor.u32 $0x31, v0;
	[tilespmem:$0x1F8A0] =	vst v4;
	v4 =	vbroadcast v48, $0xD  }
0x1e7: {  	v63 =	vld [tilespmem:s26+$0x2970];
	v1 =	vadd.f32 v2, v1;
	v2 =	vmul.f32 v3, v3;
	v3 =	vsub.f32 v5, v49  }
0x1e8: {  	v55 =	vor.u32 $0x32, v0;
	v53 =	vld.idx.msk [tilespmem:v53+s21+$0x0], $0xffff;
	[tilespmem:$0x1F8B0] =	vst v5;
	v5 =	vbroadcast v48, $0xE  }
0x1e9: {  	v1 =	vadd.f32 v2, v1;
	v2 =	vmul.f32 v3, v3;
	v3 =	vsub.f32 v4, v50  }
0x1ea: {  	v56 =	vor.u32 $0x33, v0;
	v54 =	vld.idx.msk [tilespmem:v54+s21+$0x0], $0xffff;
	[tilespmem:$0x1F8C0] =	vst v4;
	v4 =	vbroadcast v48, $0xF  }
0x1eb: {  	v1 =	vadd.f32 v2, v1;
	v2 =	vmul.f32 v3, v3;
	v3 =	vsub.f32 v5, v35  }
0x1ec: {  	v57 =	vor.u32 $0x34, v0;
	v52 =	vld.idx.msk [tilespmem:v36+s21+$0x0], $0xffff;
	[tilespmem:$0x1F8D0] =	vst v5;
	v5 =	vbroadcast v63, $0x0  }
0x1ed: {  	v1 =	vadd.f32 v2, v1;
	v2 =	vmul.f32 v3, v3;
	v3 =	vsub.f32 v4, v53  }
0x1ee: {  	v38 =	vor.u32 $0x35, v0;
	v37 =	vld.idx.msk [tilespmem:v55+s21+$0x0], $0xffff;
	[tilespmem:$0x1F8E0] =	vst v4;
	v4 =	vbroadcast v63, $0x1  }
0x1ef: {  	v1 =	vadd.f32 v2, v1;
	v2 =	vmul.f32 v3, v3;
	v3 =	vsub.f32 v5, v54  }
0x1f0: {  	v39 =	vld.idx.msk [tilespmem:v56+s21+$0x0], $0xffff;
	[tilespmem:$0x1F8F0] =	vst v5;
	v5 =	vbroadcast v63, $0x2  }
0x1f1: {  	v1 =	vadd.f32 v2, v1;
	v2 =	vmul.f32 v3, v3;
	v3 =	vsub.f32 v4, v52  }
0x1f2: {  	v57 =	vld.idx.msk [tilespmem:v57+s21+$0x0], $0xffff;
	v40 =	vor.u32 $0x36, v0;
	[tilespmem:$0x1F920] =	vst v4;
	v4 =	vbroadcast v63, $0x3  }
0x1f3: {  	v1 =	vadd.f32 v2, v1;
	v2 =	vmul.f32 v3, v3;
	v3 =	vsub.f32 v5, v37  }
0x1f4: {  	v58 =	vor.u32 $0x37, v0;
	v55 =	vld.idx.msk [tilespmem:v38+s21+$0x0], $0xffff;
	v14 =	vbroadcast v63, $0x4  }
0x1f5: {  	v1 =	vadd.f32 v2, v1;
	v2 =	vmul.f32 v3, v3;
	v3 =	vsub.f32 v4, v39  }
0x1f6: {  	v59 =	vor.u32 $0x38, v0;
	v18 =	vbroadcast v63, $0x5  }
0x1f7: {  	v60 =	vld.idx.msk [tilespmem:v40+s21+$0x0], $0xffff;
	v1 =	vadd.f32 v2, v1;
	v2 =	vmul.f32 v3, v3;
	v3 =	vsub.f32 v14, v57  }
0x1f8: {  	v41 =	vor.u32 $0x39, v0  }
0x1f9: {  	v58 =	vld.idx.msk [tilespmem:v58+s21+$0x0], $0xffff;
	v1 =	vadd.f32 v2, v1;
	v2 =	vmul.f32 v3, v3;
	v3 =	vsub.f32 v18, v55  }
0x1fa: {  	v13 =	vbroadcast v63, $0x6;
	v43 =	vor.u32 $0x3A, v0  }
0x1fb: {  	v1 =	vadd.f32 v2, v1;
	v2 =	vmul.f32 v3, v3;
	v3 =	vld.idx.msk [tilespmem:v59+s21+$0x0], $0xffff  }
0x1fc: {  	v61 =	vor.u32 $0x3B, v0;
	v42 =	vsub.f32 v13, v60;
	[tilespmem:$0x1F960] =	vst v4;
	v4 =	vbroadcast v63, $0x7  }
0x1fd: {  	v1 =	vadd.f32 v2, v1;
	v2 =	vld.idx.msk [tilespmem:v41+s21+$0x0], $0xffff  }
0x1fe: {  	v22 =	vbroadcast v63, $0x8;
	v58 =	vsub.f32 v4, v58;
	v59 =	vmul.f32 v42, v42  }
0x1ff: {  	v62 =	vor.u32 $0x3C, v0;
	v60 =	vld.idx.msk [tilespmem:v43+s21+$0x0], $0xffff;
	[tilespmem:$0x1F940] =	vst v5;
	v5 =	vbroadcast v63, $0x9  }
0x200: {  	v44 =	vmul.f32 v58, v58;
	v1 =	vadd.f32 v59, v1;
	v3 =	vsub.f32 v22, v3  }
0x201: {  	v45 =	vor.u32 $0x3D, v0;
	v10 =	vbroadcast v63, $0xA;
	[tilespmem:$0x1FA30] =	vst v4;
	v4 =	vld.idx.msk [tilespmem:v61+s21+$0x0], $0xffff  }
0x202: {  	v1 =	vadd.f32 v44, v1;
	v3 =	vmul.f32 v3, v3;
	v2 =	vsub.f32 v5, v2  }
0x203: {  	v9 =	vbroadcast v63, $0xB;
	v46 =	vor.u32 $0x3E, v0  }
0x204: {  	v6 =	vld.idx.msk [tilespmem:v62+s21+$0x0], $0xffff;
	v3 =	vadd.f32 v3, v1;
	v2 =	vmul.f32 v2, v2;
	v1 =	vsub.f32 v10, v60  }
0x205: {  	v15 =	vor.u32 $0x3F, v0  }
0x206: {  	v11 =	vld.idx.msk [tilespmem:v45+s21+$0x0], $0xffff;
	v0 =	vsub.f32 v9, v4;
	v2 =	vadd.f32 v2, v3;
	v1 =	vmul.f32 v1, v1  }
0x207: {  	v8 =	vbroadcast v63, $0xC  }
0x208: {  	v12 =	vld.idx.msk [tilespmem:v46+s21+$0x0], $0xffff;
	v0 =	vmul.f32 v0, v0;
	v2 =	vadd.f32 v1, v2  }
0x209: {  	v7 =	vbroadcast v63, $0xD;
	v1 =	vsub.f32 v8, v6  }
0x20a: {  	v3 =	vadd.f32 v0, v2;
	v0 =	vld.idx.msk [tilespmem:v15+s21+$0x0], $0xffff  }
0x20b: {  	v6 =	vbroadcast v63, $0xE;
	v1 =	vmul.f32 v1, v1;
	v2 =	vsub.f32 v7, v11  }
0x20c: {  	v4 =	vbroadcast v63, $0xF  }
0x20d: {  	v1 =	vadd.f32 v1, v3;
	v2 =	vmul.f32 v2, v2;
	v3 =	vsub.f32 v6, v12;
	_ =	sdelay $0x1  }
0x20e: {  	v1 =	vadd.f32 v2, v1;
	v2 =	vmul.f32 v3, v3;
	v3 =	vsub.f32 v4, v0;
	_ =	sdelay $0x1  }
0x20f: {  	v1 =	vadd.f32 v2, v1;
	v2 =	vmul.f32 v3, v3;
	_ =	sdelay $0x1  }
0x210: {  	v1 =	vadd.f32 v2, v1;
	_ =	sdelay $0x1  }
0x211: {  	v0 =	vadd.f32 $9.999999960e-13, v1;
	_ =	sdelay $0x1  }
0x212: {  	v2 =	vshra.s32 v0, $0x1;
	v3 =	vmul.f32 $5.000000000e-01, v0  }
0x213: {  	v2 =	vsub.s32 $0x5F3759DF, v2  }
0x214: {  	v1 =	vmul.f32 v2, v3;
	_ =	sdelay $0x1  }
0x215: {  	v1 =	vmul.f32 v2, v1;
	_ =	sdelay $0x1  }
0x216: {  	v1 =	vsub.f32 $1.500000000e+00, v1;
	_ =	sdelay $0x1  }
0x217: {  	v1 =	vmul.f32 v2, v1;
	_ =	sdelay $0x1  }
0x218: {  	v2 =	vmul.f32 v1, v3;
	_ =	sdelay $0x1  }
0x219: {  	v2 =	vmul.f32 v2, v1;
	_ =	sdelay $0x1  }
0x21a: {  	v2 =	vsub.f32 $1.500000000e+00, v2;
	_ =	sdelay $0x1  }
0x21b: {  	v1 =	vmul.f32 v2, v1;
	_ =	sdelay $0x1  }
0x21c: {  	v2 =	vmul.f32 v1, v3;
	_ =	sdelay $0x1  }
0x21d: {  	v2 =	vmul.f32 v2, v1;
	_ =	sdelay $0x1  }
0x21e: {  	v2 =	vsub.f32 $1.500000000e+00, v2;
	_ =	sdelay $0x1  }
0x21f: {  	v1 =	vmul.f32 v2, v1;
	_ =	sdelay $0x1  }
0x220: {  	v3 =	vmul.f32 v1, v0;
	v0 =	vld [tilespmem:$0x1FFF0];
	_ =	sdelay $0x1  }
0x221: {  	s31 =	simm.s32 $0x10  }
0x222: {  	v2 =	vmov s31  }
0x223: {  	v2 =	vshll.u32 v2, $0x6  }
0x224: {  	v1 =	vor.u32 v0, v2  }
0x225: {  	v0 =	vor.u32 $0x1, v1  }
0x226: {  	v3 =	vsub.f32 $1.200000000e+01, v3  }
0x227: {  	s26 =	simm.s32 $0x6540  }
0x228: {  	[tilespmem:s26+$0x0] =	vst v3  }
0x229: {  	v19 =	vld.idx.msk [tilespmem:v1+s21+$0x0], $0xffff  }
0x22a: {  	v2 =	vor.u32 $0x2, v1;
	v16 =	vld.idx.msk [tilespmem:v0+s21+$0x0], $0xffff  }
0x22b: {  	v0 =	vld [tilespmem:$0x1F5F0];
	_ =	sdelay $0x3  }
0x22c: {  	v3 =	vor.u32 $0x3, v1;
	v17 =	vld.idx.msk [tilespmem:v2+s21+$0x0], $0xffff  }
0x22d: {  	v2 =	vsub.f32 v0, v19;
	v0 =	vld [tilespmem:$0x1F600];
	_ =	sdelay $0x3  }
0x22e: {  	v15 =	vor.u32 $0x4, v1;
	v12 =	vld.idx.msk [tilespmem:v3+s21+$0x0], $0xffff  }
0x22f: {  	v3 =	vsub.f32 v0, v16;
	v0 =	vld [tilespmem:$0x1F610];
	_ =	sdelay $0x3  }
0x230: {  	v11 =	vor.u32 $0x5, v1;
	v16 =	vld.idx.msk [tilespmem:v15+s21+$0x0], $0xffff  }
0x231: {  	v21 =	vmul.f32 v2, v2;
	v15 =	vmov v0;
	v2 =	vsub.f32 v0, v17;
	v0 =	vld [tilespmem:$0x1F620];
	_ =	sdelay $0x2  }
0x232: {  	v3 =	vmul.f32 v3, v3  }
0x233: {  	v17 =	vld.idx.msk [tilespmem:v11+s21+$0x0], $0xffff  }
0x234: {  	v21 =	vadd.f32 v3, v21;
	v11 =	vmov v0;
	v3 =	vsub.f32 v0, v12;
	v0 =	vld [tilespmem:$0x1F630];
	_ =	sdelay $0x2  }
0x235: {  	v2 =	vmul.f32 v2, v2;
	_ =	sdelay $0x1  }
0x236: {  	v21 =	vadd.f32 v2, v21;
	v12 =	vmov v0;
	v2 =	vsub.f32 v0, v16;
	v0 =	vld [tilespmem:$0x1F640]  }
0x237: {  	v19 =	vor.u32 $0x6, v1;
	_ =	sdelay $0x1  }
0x238: {  	v3 =	vmul.f32 v3, v3;
	_ =	sdelay $0x1  }
0x239: {  	v3 =	vadd.f32 v3, v21;
	v2 =	vmul.f32 v2, v2;
	v16 =	vmovc v0;
	v0 =	vsub.f32 v0, v17  }
0x23a: {  	v20 =	vor.u32 $0x7, v1;
	v19 =	vld.idx.msk [tilespmem:v19+s21+$0x0], $0xffff  }
0x23b: {  	v26 =	vadd.f32 v2, v3;
	v2 =	vmul.f32 v0, v0;
	v0 =	vld [tilespmem:$0x1F650];
	_ =	sdelay $0x3  }
0x23c: {  	v23 =	vor.u32 $0x8, v1;
	v20 =	vld.idx.msk [tilespmem:v20+s21+$0x0], $0xffff  }
0x23d: {  	v17 =	vmov v0;
	v3 =	vsub.f32 v0, v19;
	v0 =	vld [tilespmem:$0x1F660];
	_ =	sdelay $0x3  }
0x23e: {  	v25 =	vor.u32 $0x9, v1;
	v23 =	vld.idx.msk [tilespmem:v23+s21+$0x0], $0xffff  }
0x23f: {  	v27 =	vadd.f32 v2, v26;
	v19 =	vmov v0;
	v2 =	vsub.f32 v0, v20;
	v0 =	vld [tilespmem:$0x1F670];
	_ =	sdelay $0x2  }
0x240: {  	v3 =	vmul.f32 v3, v3  }
0x241: {  	v25 =	vld.idx.msk [tilespmem:v25+s21+$0x0], $0xffff;
	v21 =	vor.u32 $0xA, v1  }
0x242: {  	v20 =	vadd.f32 v3, v27;
	v3 =	vsub.f32 v0, v23;
	v0 =	vld [tilespmem:$0x1F680];
	_ =	sdelay $0x2  }
0x243: {  	v24 =	vor.u32 $0xB, v1;
	v2 =	vmul.f32 v2, v2  }
0x244: {  	v21 =	vld.idx.msk [tilespmem:v21+s21+$0x0], $0xffff;
	v26 =	vor.u32 $0xC, v1  }
0x245: {  	v29 =	vadd.f32 v2, v20;
	v20 =	vmov v0;
	v2 =	vsub.f32 v0, v25;
	v0 =	vld [tilespmem:$0x1F690];
	_ =	sdelay $0x2  }
0x246: {  	v23 =	vld.idx.msk [tilespmem:v24+s21+$0x0], $0xffff;
	v3 =	vmul.f32 v3, v3  }
0x247: {  	v24 =	vld.idx.msk [tilespmem:v26+s21+$0x0], $0xffff  }
0x248: {  	v26 =	vadd.f32 v3, v29;
	v3 =	vsub.f32 v0, v21;
	v0 =	vld [tilespmem:$0x1F6A0];
	_ =	sdelay $0x2  }
0x249: {  	v2 =	vmul.f32 v2, v2;
	_ =	sdelay $0x1  }
0x24a: {  	v21 =	vadd.f32 v2, v26;
	v2 =	vsub.f32 v0, v23;
	v0 =	vld [tilespmem:$0x1F6B0]  }
0x24b: {  	v27 =	vor.u32 $0xD, v1;
	_ =	sdelay $0x1  }
0x24c: {  	v3 =	vmul.f32 v3, v3;
	_ =	sdelay $0x1  }
0x24d: {  	v3 =	vadd.f32 v3, v21;
	v2 =	vmul.f32 v2, v2;
	v23 =	vmovc v0;
	v0 =	vsub.f32 v0, v24  }
0x24e: {  	v28 =	vor.u32 $0xE, v1;
	v25 =	vld.idx.msk [tilespmem:v27+s21+$0x0], $0xffff  }
0x24f: {  	v30 =	vadd.f32 v2, v3;
	v2 =	vmul.f32 v0, v0;
	v0 =	vld [tilespmem:$0x1F6C0];
	_ =	sdelay $0x3  }
0x250: {  	v27 =	vor.u32 $0xF, v1;
	v26 =	vld.idx.msk [tilespmem:v28+s21+$0x0], $0xffff  }
0x251: {  	v24 =	vmov v0;
	v3 =	vsub.f32 v0, v25;
	v0 =	vld [tilespmem:$0x1F6D0];
	_ =	sdelay $0x3  }
0x252: {  	v29 =	vor.u32 $0x10, v1;
	v27 =	vld.idx.msk [tilespmem:v27+s21+$0x0], $0xffff  }
0x253: {  	v30 =	vadd.f32 v2, v30;
	v25 =	vmov v0;
	v2 =	vsub.f32 v0, v26;
	v0 =	vld [tilespmem:$0x1F6E0];
	_ =	sdelay $0x2  }
0x254: {  	v3 =	vmul.f32 v3, v3  }
0x255: {  	v29 =	vld.idx.msk [tilespmem:v29+s21+$0x0], $0xffff;
	v21 =	vor.u32 $0x11, v1  }
0x256: {  	v30 =	vadd.f32 v3, v30;
	v26 =	vmov v0;
	v3 =	vsub.f32 v0, v27;
	v0 =	vld [tilespmem:$0x1F6F0];
	_ =	sdelay $0x2  }
0x257: {  	v2 =	vmul.f32 v2, v2  }
0x258: {  	v28 =	vor.u32 $0x12, v1;
	v21 =	vld.idx.msk [tilespmem:v21+s21+$0x0], $0xffff  }
0x259: {  	v48 =	vadd.f32 v2, v30;
	v27 =	vmov v0;
	v2 =	vsub.f32 v0, v29;
	v0 =	vld [tilespmem:$0x1F700];
	_ =	sdelay $0x2  }
0x25a: {  	v3 =	vmul.f32 v3, v3  }
0x25b: {  	v31 =	vor.u32 $0x13, v1;
	v30 =	vld.idx.msk [tilespmem:v28+s21+$0x0], $0xffff  }
0x25c: {  	v29 =	vadd.f32 v3, v48;
	v28 =	vmov v0;
	v3 =	vsub.f32 v0, v21;
	v0 =	vld [tilespmem:$0x1F710];
	_ =	sdelay $0x2  }
0x25d: {  	v2 =	vmul.f32 v2, v2  }
0x25e: {  	v31 =	vld.idx.msk [tilespmem:v31+s21+$0x0], $0xffff  }
0x25f: {  	v21 =	vadd.f32 v2, v29;
	v29 =	vmov v0;
	v2 =	vsub.f32 v0, v30;
	v0 =	vld [tilespmem:$0x1F720]  }
0x260: {  	v47 =	vor.u32 $0x14, v1;
	_ =	sdelay $0x1  }
0x261: {  	v3 =	vmul.f32 v3, v3;
	_ =	sdelay $0x1  }
0x262: {  	v3 =	vadd.f32 v3, v21;
	v2 =	vmul.f32 v2, v2;
	v30 =	vmovc v0;
	v0 =	vsub.f32 v0, v31  }
0x263: {  	v49 =	vor.u32 $0x15, v1;
	v32 =	vld.idx.msk [tilespmem:v47+s21+$0x0], $0xffff  }
0x264: {  	v52 =	vadd.f32 v2, v3;
	v2 =	vmul.f32 v0, v0;
	v0 =	vld [tilespmem:$0x1F730];
	_ =	sdelay $0x3  }
0x265: {  	v50 =	vor.u32 $0x16, v1;
	v33 =	vld.idx.msk [tilespmem:v49+s21+$0x0], $0xffff  }
0x266: {  	v31 =	vmov v0;
	v3 =	vsub.f32 v0, v32;
	v0 =	vld [tilespmem:$0x1F740];
	_ =	sdelay $0x3  }
0x267: {  	v51 =	vor.u32 $0x17, v1;
	v34 =	vld.idx.msk [tilespmem:v50+s21+$0x0], $0xffff  }
0x268: {  	v37 =	vadd.f32 v2, v52;
	v32 =	vmov v0;
	v2 =	vsub.f32 v0, v33;
	v0 =	vld [tilespmem:$0x1F750];
	_ =	sdelay $0x2  }
0x269: {  	v3 =	vmul.f32 v3, v3  }
0x26a: {  	v36 =	vld.idx.msk [tilespmem:v51+s21+$0x0], $0xffff;
	v21 =	vor.u32 $0x18, v1  }
0x26b: {  	v37 =	vadd.f32 v3, v37;
	v33 =	vmov v0;
	v3 =	vsub.f32 v0, v34;
	v0 =	vld [tilespmem:$0x1F760];
	_ =	sdelay $0x2  }
0x26c: {  	v2 =	vmul.f32 v2, v2  }
0x26d: {  	v53 =	vor.u32 $0x19, v1;
	v21 =	vld.idx.msk [tilespmem:v21+s21+$0x0], $0xffff  }
0x26e: {  	v56 =	vadd.f32 v2, v37;
	v34 =	vmov v0;
	v2 =	vsub.f32 v0, v36;
	v0 =	vld [tilespmem:$0x1F770];
	_ =	sdelay $0x2  }
0x26f: {  	v3 =	vmul.f32 v3, v3  }
0x270: {  	v54 =	vor.u32 $0x1A, v1;
	v57 =	vld.idx.msk [tilespmem:v53+s21+$0x0], $0xffff  }
0x271: {  	v59 =	vadd.f32 v3, v56;
	v35 =	vmov v0;
	v3 =	vsub.f32 v0, v21;
	v0 =	vld [tilespmem:$0x1F780];
	_ =	sdelay $0x2  }
0x272: {  	v2 =	vmul.f32 v2, v2  }
0x273: {  	v38 =	vld.idx.msk [tilespmem:v54+s21+$0x0], $0xffff  }
0x274: {  	v21 =	vadd.f32 v2, v59;
	v36 =	vmov v0;
	v2 =	vsub.f32 v0, v57;
	v0 =	vld [tilespmem:$0x1F790]  }
0x275: {  	v55 =	vor.u32 $0x1B, v1;
	_ =	sdelay $0x1  }
0x276: {  	v3 =	vmul.f32 v3, v3;
	_ =	sdelay $0x1  }
0x277: {  	v3 =	vadd.f32 v3, v21;
	v2 =	vmul.f32 v2, v2;
	v37 =	vmovc v0;
	v0 =	vsub.f32 v0, v38  }
0x278: {  	v58 =	vor.u32 $0x1C, v1;
	v39 =	vld.idx.msk [tilespmem:v55+s21+$0x0], $0xffff  }
0x279: {  	v62 =	vadd.f32 v2, v3;
	v2 =	vmul.f32 v0, v0;
	v0 =	vld [tilespmem:$0x1F7A0];
	_ =	sdelay $0x3  }
0x27a: {  	v60 =	vor.u32 $0x1D, v1;
	v40 =	vld.idx.msk [tilespmem:v58+s21+$0x0], $0xffff  }
0x27b: {  	v38 =	vmov v0;
	v3 =	vsub.f32 v0, v39;
	v0 =	vld [tilespmem:$0x1F7B0];
	_ =	sdelay $0x3  }
0x27c: {  	v61 =	vor.u32 $0x1E, v1;
	v41 =	vld.idx.msk [tilespmem:v60+s21+$0x0], $0xffff  }
0x27d: {  	v44 =	vadd.f32 v2, v62;
	v39 =	vmov v0;
	v2 =	vsub.f32 v0, v40;
	v0 =	vld [tilespmem:$0x1F7C0];
	_ =	sdelay $0x2  }
0x27e: {  	v3 =	vmul.f32 v3, v3  }
0x27f: {  	v43 =	vld.idx.msk [tilespmem:v61+s21+$0x0], $0xffff;
	v21 =	vor.u32 $0x1F, v1  }
0x280: {  	v44 =	vadd.f32 v3, v44;
	v40 =	vmov v0;
	v3 =	vsub.f32 v0, v41;
	v0 =	vld [tilespmem:$0x1F7D0];
	_ =	sdelay $0x2  }
0x281: {  	v2 =	vmul.f32 v2, v2  }
0x282: {  	v63 =	vor.u32 $0x20, v1;
	v21 =	vld.idx.msk [tilespmem:v21+s21+$0x0], $0xffff  }
0x283: {  	v54 =	vadd.f32 v2, v44;
	v41 =	vmov v0;
	v2 =	vsub.f32 v0, v43;
	v0 =	vld [tilespmem:$0x1F7E0];
	_ =	sdelay $0x2  }
0x284: {  	v3 =	vmul.f32 v3, v3  }
0x285: {  	v55 =	vld.idx.msk [tilespmem:v63+s21+$0x0], $0xffff;
	v52 =	vor.u32 $0x21, v1  }
0x286: {  	v57 =	vadd.f32 v3, v54;
	v42 =	vmov v0;
	v3 =	vsub.f32 v0, v21;
	v0 =	vld [tilespmem:$0x1F7F0];
	_ =	sdelay $0x2  }
0x287: {  	v2 =	vmul.f32 v2, v2  }
0x288: {  	v45 =	vld.idx.msk [tilespmem:v52+s21+$0x0], $0xffff  }
0x289: {  	v21 =	vadd.f32 v2, v57;
	v43 =	vmov v0;
	v2 =	vsub.f32 v0, v55;
	v0 =	vld [tilespmem:$0x1F800]  }
0x28a: {  	v53 =	vor.u32 $0x22, v1;
	_ =	sdelay $0x1  }
0x28b: {  	v3 =	vmul.f32 v3, v3;
	_ =	sdelay $0x1  }
0x28c: {  	v3 =	vadd.f32 v3, v21;
	v2 =	vmul.f32 v2, v2;
	v44 =	vmovc v0;
	v0 =	vsub.f32 v0, v45  }
0x28d: {  	v46 =	vld.idx.msk [tilespmem:v53+s21+$0x0], $0xffff;
	v56 =	vor.u32 $0x23, v1  }
0x28e: {  	v60 =	vadd.f32 v2, v3;
	v2 =	vmul.f32 v0, v0;
	v0 =	vld [tilespmem:$0x1F810];
	_ =	sdelay $0x3  }
0x28f: {  	v58 =	vor.u32 $0x24, v1;
	v47 =	vld.idx.msk [tilespmem:v56+s21+$0x0], $0xffff  }
0x290: {  	v45 =	vmov v0;
	v3 =	vsub.f32 v0, v46;
	v0 =	vld [tilespmem:$0x1F820];
	_ =	sdelay $0x3  }
0x291: {  	v48 =	vld.idx.msk [tilespmem:v58+s21+$0x0], $0xffff;
	v59 =	vor.u32 $0x25, v1  }
0x292: {  	v51 =	vadd.f32 v2, v60;
	v46 =	vmov v0;
	v2 =	vsub.f32 v0, v47;
	v0 =	vld [tilespmem:$0x1F830];
	_ =	sdelay $0x2  }
0x293: {  	v3 =	vmul.f32 v3, v3  }
0x294: {  	v50 =	vld.idx.msk [tilespmem:v59+s21+$0x0], $0xffff;
	v21 =	vor.u32 $0x26, v1  }
0x295: {  	v51 =	vadd.f32 v3, v51;
	v47 =	vmov v0;
	v3 =	vsub.f32 v0, v48;
	v0 =	vld [tilespmem:$0x1F840];
	_ =	sdelay $0x2  }
0x296: {  	v2 =	vmul.f32 v2, v2  }
0x297: {  	v61 =	vor.u32 $0x27, v1;
	v21 =	vld.idx.msk [tilespmem:v21+s21+$0x0], $0xffff  }
0x298: {  	v57 =	vadd.f32 v2, v51;
	v48 =	vmov v0;
	v2 =	vsub.f32 v0, v50;
	v0 =	vld [tilespmem:$0x1F850];
	_ =	sdelay $0x2  }
0x299: {  	v3 =	vmul.f32 v3, v3  }
0x29a: {  	v58 =	vld.idx.msk [tilespmem:v61+s21+$0x0], $0xffff;
	v62 =	vor.u32 $0x28, v1  }
0x29b: {  	v60 =	vadd.f32 v3, v57;
	v49 =	vmov v0;
	v3 =	vsub.f32 v0, v21;
	v0 =	vld [tilespmem:$0x1F860];
	_ =	sdelay $0x2  }
0x29c: {  	v2 =	vmul.f32 v2, v2  }
0x29d: {  	v52 =	vld.idx.msk [tilespmem:v62+s21+$0x0], $0xffff  }
0x29e: {  	v21 =	vadd.f32 v2, v60;
	v50 =	vmov v0;
	v2 =	vsub.f32 v0, v58;
	v0 =	vld [tilespmem:$0x1F870]  }
0x29f: {  	v63 =	vor.u32 $0x29, v1;
	_ =	sdelay $0x1  }
0x2a0: {  	v3 =	vmul.f32 v3, v3;
	_ =	sdelay $0x1  }
0x2a1: {  	v3 =	vadd.f32 v3, v21;
	v2 =	vmul.f32 v2, v2;
	v51 =	vmovc v0;
	v0 =	vsub.f32 v0, v52  }
0x2a2: {  	v53 =	vld.idx.msk [tilespmem:v63+s21+$0x0], $0xffff;
	v59 =	vor.u32 $0x2A, v1  }
0x2a3: {  	v63 =	vadd.f32 v2, v3;
	v2 =	vmul.f32 v0, v0;
	v0 =	vld [tilespmem:$0x1F880];
	_ =	sdelay $0x3  }
0x2a4: {  	v61 =	vor.u32 $0x2B, v1;
	v54 =	vld.idx.msk [tilespmem:v59+s21+$0x0], $0xffff  }
0x2a5: {  	v52 =	vmov v0;
	v3 =	vsub.f32 v0, v53;
	v0 =	vld [tilespmem:$0x1F890];
	_ =	sdelay $0x3  }
0x2a6: {  	v62 =	vor.u32 $0x2C, v1;
	v55 =	vld.idx.msk [tilespmem:v61+s21+$0x0], $0xffff  }
0x2a7: {  	v58 =	vadd.f32 v2, v63;
	v53 =	vmov v0;
	v2 =	vsub.f32 v0, v54;
	v0 =	vld [tilespmem:$0x1F8A0];
	_ =	sdelay $0x2  }
0x2a8: {  	v3 =	vmul.f32 v3, v3  }
0x2a9: {  	v57 =	vld.idx.msk [tilespmem:v62+s21+$0x0], $0xffff;
	v21 =	vor.u32 $0x2D, v1  }
0x2aa: {  	v58 =	vadd.f32 v3, v58;
	v54 =	vmov v0;
	v3 =	vsub.f32 v0, v55;
	v0 =	vld [tilespmem:$0x1F8B0];
	_ =	sdelay $0x2  }
0x2ab: {  	v2 =	vmul.f32 v2, v2  }
0x2ac: {  	v56 =	vor.u32 $0x2E, v1;
	v21 =	vld.idx.msk [tilespmem:v21+s21+$0x0], $0xffff  }
0x2ad: {  	v62 =	vadd.f32 v2, v58;
	v55 =	vmov v0;
	v2 =	vsub.f32 v0, v57;
	v0 =	vld [tilespmem:$0x1F8C0];
	_ =	sdelay $0x2  }
0x2ae: {  	v3 =	vmul.f32 v3, v3  }
0x2af: {  	v58 =	vld.idx.msk [tilespmem:v56+s21+$0x0], $0xffff  }
0x2b0: {  	v59 =	vor.u32 $0x2F, v1;
	v57 =	vadd.f32 v3, v62;
	v56 =	vmovc v0;
	v3 =	vsub.f32 v0, v21;
	v0 =	vld [tilespmem:$0x1F8D0];
	_ =	sdelay $0x2  }
0x2b1: {  	v2 =	vmul.f32 v2, v2;
	_ =	sdelay $0x1  }
0x2b2: {  	v59 =	vld.idx.msk [tilespmem:v59+s21+$0x0], $0xffff;
	v21 =	vadd.f32 v2, v57;
	v57 =	vmovc v0;
	v2 =	vsub.f32 v0, v58;
	v0 =	vor.u32 $0x33, v1  }
0x2b3: {  	[tilespmem:$0x1F910] =	vst v0;
	v0 =	vld [tilespmem:$0x1F8E0]  }
0x2b4: {  	v60 =	vor.u32 $0x30, v1;
	v3 =	vmul.f32 v3, v3;
	_ =	sdelay $0x1  }
0x2b5: {  	v3 =	vadd.f32 v3, v21;
	v2 =	vmul.f32 v2, v2;
	_ =	sdelay $0x1  }
0x2b6: {  	v58 =	vmov v0;
	v59 =	vsub.f32 v0, v59;
	v0 =	vadd.f32 v2, v3  }
0x2b7: {  	v60 =	vld.idx.msk [tilespmem:v60+s21+$0x0], $0xffff  }
0x2b8: {  	[tilespmem:$0x1F900] =	vst v0;
	v0 =	vld [tilespmem:$0x1F8F0];
	_ =	sdelay $0x4  }
0x2b9: {  	v2 =	vmul.f32 v59, v59;
	v59 =	vmov v0;
	v3 =	vsub.f32 v0, v60;
	v0 =	vld [tilespmem:$0x1F900];
	_ =	sdelay $0x4  }
0x2ba: {  	v0 =	vadd.f32 v2, v0;
	_ =	sdelay $0x1  }
0x2bb: {  	[tilespmem:$0x1F930] =	vst v0;
	v0 =	vld [tilespmem:$0x1F910];
	_ =	sdelay $0x6  }
0x2bc: {  	v61 =	vor.u32 $0x31, v1  }
0x2bd: {  	v0 =	vld.idx.msk [tilespmem:v0+s21+$0x0], $0xffff;
	_ =	sdelay $0x3  }
0x2be: {  	v61 =	vld.idx.msk [tilespmem:v61+s21+$0x0], $0xffff  }
0x2bf: {  	[tilespmem:$0x1F970] =	vst v0;
	v0 =	vld [tilespmem:$0x1F920];
	_ =	sdelay $0x4  }
0x2c0: {  	v60 =	vmov v0;
	v2 =	vsub.f32 v0, v61;
	v0 =	vor.u32 $0x36, v1  }
0x2c1: {  	[tilespmem:$0x1F980] =	vst v0;
	v0 =	vld [tilespmem:$0x1F930]  }
0x2c2: {  	v62 =	vor.u32 $0x32, v1;
	_ =	sdelay $0x1  }
0x2c3: {  	v3 =	vmul.f32 v3, v3;
	_ =	sdelay $0x1  }
0x2c4: {  	v0 =	vadd.f32 v3, v0  }
0x2c5: {  	v62 =	vld.idx.msk [tilespmem:v62+s21+$0x0], $0xffff  }
0x2c6: {  	[tilespmem:$0x1F950] =	vst v0;
	v0 =	vld [tilespmem:$0x1F940];
	_ =	sdelay $0x4  }
0x2c7: {  	v61 =	vmov v0;
	v3 =	vsub.f32 v0, v62;
	v0 =	vor.u32 $0x37, v1  }
0x2c8: {  	[tilespmem:$0x1F9A0] =	vst v0;
	v0 =	vld [tilespmem:$0x1F950];
	_ =	sdelay $0x1  }
0x2c9: {  	v63 =	vor.u32 $0x35, v1  }
0x2ca: {  	v2 =	vmul.f32 v2, v2;
	_ =	sdelay $0x1  }
0x2cb: {  	v0 =	vadd.f32 v2, v0;
	_ =	sdelay $0x1  }
0x2cc: {  	[tilespmem:$0x1F990] =	vst v0;
	v0 =	vld.idx.msk [tilespmem:v63+s21+$0x0], $0xffff;
	_ =	sdelay $0x3  }
0x2cd: {  	v2 =	vld [tilespmem:$0x1F970]  }
0x2ce: {  	[tilespmem:$0x1F9C0] =	vst v0;
	v0 =	vld [tilespmem:$0x1F960];
	_ =	sdelay $0x4  }
0x2cf: {  	v62 =	vmov v0;
	v2 =	vsub.f32 v0, v2;
	v0 =	vor.u32 $0x38, v1  }
0x2d0: {  	[tilespmem:$0x1F9D0] =	vst v0;
	v0 =	vld [tilespmem:$0x1F980];
	_ =	sdelay $0x7  }
0x2d1: {  	v0 =	vld.idx.msk [tilespmem:v0+s21+$0x0], $0xffff;
	_ =	sdelay $0x4  }
0x2d2: {  	[tilespmem:$0x1FA00] =	vst v0;
	v0 =	vld [tilespmem:$0x1F990];
	_ =	sdelay $0x2  }
0x2d3: {  	v3 =	vmul.f32 v3, v3;
	_ =	sdelay $0x1  }
0x2d4: {  	v21 =	vor.u32 $0x34, v1;
	v0 =	vadd.f32 v3, v0;
	_ =	sdelay $0x1  }
0x2d5: {  	[tilespmem:$0x1F9B0] =	vst v0;
	v0 =	vld [tilespmem:$0x1F9A0];
	_ =	sdelay $0x2  }
0x2d6: {  	v21 =	vld.idx.msk [tilespmem:v21+s21+$0x0], $0xffff;
	_ =	sdelay $0x4  }
0x2d7: {  	v63 =	vmov v14;
	v3 =	vsub.f32 v14, v21;
	v14 =	vld.idx.msk [tilespmem:v0+s21+$0x0], $0xffff;
	v0 =	vor.u32 $0x39, v1  }
0x2d8: {  	[tilespmem:$0x1FA10] =	vst v0;
	v0 =	vld [tilespmem:$0x1F9B0];
	_ =	sdelay $0x2  }
0x2d9: {  	v2 =	vmul.f32 v2, v2;
	_ =	sdelay $0x1  }
0x2da: {  	v0 =	vadd.f32 v2, v0  }
0x2db: {  	v2 =	vld [tilespmem:$0x1F9C0]  }
0x2dc: {  	v21 =	vor.u32 $0x3A, v1;
	[tilespmem:$0x1F9E0] =	vst v0  }
0x2dd: {  	[tilespmem:$0x1FA50] =	vst v21;
	v21 =	vld [tilespmem:$0x1F9E0];
	_ =	sdelay $0x2  }
0x2de: {  	v3 =	vmul.f32 v3, v3;
	v2 =	vsub.f32 v18, v2;
	_ =	sdelay $0x1  }
0x2df: {  	v2 =	vmul.f32 v2, v2;
	v3 =	vadd.f32 v3, v21;
	_ =	sdelay $0x1  }
0x2e0: {  	v2 =	vadd.f32 v2, v3;
	_ =	sdelay $0x1  }
0x2e1: {  	[tilespmem:$0x1FA40] =	vst v2;
	v2 =	vld [tilespmem:$0x1FA10]  }
0x2e2: {  	v21 =	vld [tilespmem:$0x1FA00];
	_ =	sdelay $0x3  }
0x2e3: {  	v3 =	vld [tilespmem:$0x1FA30]  }
0x2e4: {  	[tilespmem:$0x1F9F0] =	vst v13;
	v13 =	vsub.f32 v13, v21;
	_ =	sdelay $0x1  }
0x2e5: {  	[tilespmem:$0x1FA20] =	vst v13;
	v21 =	vld.idx.msk [tilespmem:v2+s21+$0x0], $0xffff  }
0x2e6: {  	v2 =	vld [tilespmem:$0x1FA20]  }
0x2e7: {  	v3 =	vsub.f32 v3, v14;
	v14 =	vor.u32 $0x3C, v1  }
0x2e8: {  	[tilespmem:$0x1FA90] =	vst v14;
	v14 =	vld [tilespmem:$0x1FA40];
	_ =	sdelay $0x2  }
0x2e9: {  	v0 =	vmov v18;
	v18 =	vld [tilespmem:$0x1F9D0];
	v2 =	vmul.f32 v2, v2;
	_ =	sdelay $0x1  }
0x2ea: {  	v2 =	vadd.f32 v2, v14;
	_ =	sdelay $0x1  }
0x2eb: {  	[tilespmem:$0x1FA70] =	vst v2;
	v2 =	vld [tilespmem:$0x1FA50];
	_ =	sdelay $0x3  }
0x2ec: {  	v18 =	vld.idx.msk [tilespmem:v18+s21+$0x0], $0xffff;
	_ =	sdelay $0x3  }
0x2ed: {  	v14 =	vld.idx.msk [tilespmem:v2+s21+$0x0], $0xffff  }
0x2ee: {  	v2 =	vsub.f32 v22, v18;
	v18 =	vld [tilespmem:$0x1FA70];
	_ =	sdelay $0x2  }
0x2ef: {  	v3 =	vmul.f32 v3, v3;
	_ =	sdelay $0x1  }
0x2f0: {  	v2 =	vmul.f32 v2, v2;
	v3 =	vadd.f32 v3, v18  }
0x2f1: {  	v13 =	vor.u32 $0x3B, v1  }
0x2f2: {  	v3 =	vadd.f32 v2, v3;
	v2 =	vld [tilespmem:$0x1FA90];
	_ =	sdelay $0x3  }
0x2f3: {  	v18 =	vld.idx.msk [tilespmem:v13+s21+$0x0], $0xffff;
	v13 =	vsub.f32 v5, v21  }
0x2f4: {  	[tilespmem:$0x1FA60] =	vst v22;
	v22 =	vor.u32 $0x3D, v1  }
0x2f5: {  	[tilespmem:$0x1FA80] =	vst v5;
	v5 =	vor.u32 $0x3E, v1;
	v21 =	vor.u32 $0x3F, v1;
	v1 =	vmul.f32 v13, v13;
	_ =	sdelay $0x1  }
0x2f6: {  	[tilespmem:$0x1FAA0] =	vst v5;
	v1 =	vadd.f32 v1, v3;
	v5 =	vld.idx.msk [tilespmem:v2+s21+$0x0], $0xffff  }
0x2f7: {  	v3 =	vsub.f32 v9, v18;
	v2 =	vsub.f32 v10, v14;
	v14 =	vmov v9;
	v9 =	vld [tilespmem:$0x1FAA0];
	_ =	sdelay $0x5  }
0x2f8: {  	v13 =	vmov v10;
	v10 =	vld.idx.msk [tilespmem:v22+s21+$0x0], $0xffff  }
0x2f9: {  	v2 =	vmul.f32 v2, v2  }
0x2fa: {  	v9 =	vld.idx.msk [tilespmem:v9+s21+$0x0], $0xffff  }
0x2fb: {  	v1 =	vadd.f32 v2, v1;
	v2 =	vmul.f32 v3, v3;
	v3 =	vsub.f32 v8, v5  }
0x2fc: {  	v5 =	vld.idx.msk [tilespmem:v21+s21+$0x0], $0xffff  }
0x2fd: {  	v1 =	vadd.f32 v2, v1;
	v2 =	vmul.f32 v3, v3;
	v3 =	vsub.f32 v7, v10;
	_ =	sdelay $0x1  }
0x2fe: {  	v1 =	vadd.f32 v2, v1;
	v2 =	vmul.f32 v3, v3;
	v3 =	vsub.f32 v6, v9;
	_ =	sdelay $0x1  }
0x2ff: {  	v1 =	vadd.f32 v2, v1;
	v2 =	vmul.f32 v3, v3;
	v3 =	vsub.f32 v4, v5;
	_ =	sdelay $0x1  }
0x300: {  	v1 =	vadd.f32 v2, v1;
	v2 =	vmul.f32 v3, v3;
	_ =	sdelay $0x1  }
0x301: {  	v1 =	vadd.f32 v2, v1;
	_ =	sdelay $0x1  }
0x302: {  	v2 =	vadd.f32 $9.999999960e-13, v1;
	_ =	sdelay $0x1  }
0x303: {  	[tilespmem:$0x1FAB0] =	vst v4;
	v1 =	vshra.s32 v2, $0x1;
	v4 =	vmul.f32 $5.000000000e-01, v2  }
0x304: {  	v1 =	vsub.s32 $0x5F3759DF, v1  }
0x305: {  	v3 =	vmul.f32 v1, v4;
	_ =	sdelay $0x1  }
0x306: {  	v3 =	vmul.f32 v1, v3;
	_ =	sdelay $0x1  }
0x307: {  	v3 =	vsub.f32 $1.500000000e+00, v3;
	_ =	sdelay $0x1  }
0x308: {  	v1 =	vmul.f32 v1, v3;
	_ =	sdelay $0x1  }
0x309: {  	v3 =	vmul.f32 v1, v4;
	_ =	sdelay $0x1  }
0x30a: {  	v3 =	vmul.f32 v3, v1;
	_ =	sdelay $0x1  }
0x30b: {  	v3 =	vsub.f32 $1.500000000e+00, v3;
	_ =	sdelay $0x1  }
0x30c: {  	v1 =	vmul.f32 v3, v1;
	_ =	sdelay $0x1  }
0x30d: {  	v3 =	vmul.f32 v1, v4;
	_ =	sdelay $0x1  }
0x30e: {  	v3 =	vmul.f32 v3, v1;
	_ =	sdelay $0x1  }
0x30f: {  	s28 =	simm.s32 $0x20;
	v3 =	vsub.f32 $1.500000000e+00, v3  }
0x310: {  	v4 =	vmov s28  }
0x311: {  	v18 =	vmovc v8;
	v22 =	vmovc v6;
	v21 =	vmov v7;
	s28 =	simm.s32 $0x30;
	v3 =	vmul.f32 v3, v1;
	v1 =	vshll.u32 v4, $0x6;
	v4 =	vld [tilespmem:$0x1FFF0]  }
.LBB2_3:
0x312: {  	_ =	sdelay $0x3  }
0x313: {  	v2 =	vmul.f32 v3, v2;
	v1 =	vor.u32 v4, v1;
	_ =	sdelay $0x1  }
0x314: {  	v2 =	vsub.f32 $1.200000000e+01, v2  }
0x315: {  	s26 =	sadd.s32 $0x10, s26  }
0x316: {  	v9 =	vld [tilespmem:$0x1F5F0];
	v4 =	vor.u32 $0x1, v1;
	[tilespmem:s26+$0x0] =	vst v2  }
0x317: {  	v5 =	vld.idx.msk [tilespmem:v1+s21+$0x0], $0xffff  }
0x318: {  	v3 =	vor.u32 $0x2, v1;
	_ =	sdelay $0x2  }
0x319: {  	v2 =	vld.idx.msk [tilespmem:v4+s21+$0x0], $0xffff;
	v4 =	vor.u32 $0x3, v1  }
0x31a: {  	v5 =	vsub.f32 v9, v5;
	v9 =	vld [tilespmem:$0x1F600]  }
0x31b: {  	v6 =	vor.u32 $0x4, v1;
	v3 =	vld.idx.msk [tilespmem:v3+s21+$0x0], $0xffff;
	_ =	sdelay $0x1  }
0x31c: {  	v7 =	vor.u32 $0x5, v1  }
0x31d: {  	v4 =	vld.idx.msk [tilespmem:v4+s21+$0x0], $0xffff  }
0x31e: {  	v8 =	vor.u32 $0x6, v1;
	v2 =	vsub.f32 v9, v2  }
0x31f: {  	v6 =	vld.idx.msk [tilespmem:v6+s21+$0x0], $0xffff;
	v3 =	vsub.f32 v15, v3  }
0x320: {  	v5 =	vmul.f32 v5, v5;
	v9 =	vor.u32 $0x7, v1;
	v2 =	vmul.f32 v2, v2  }
0x321: {  	v7 =	vld.idx.msk [tilespmem:v7+s21+$0x0], $0xffff  }
0x322: {  	v3 =	vmul.f32 v3, v3;
	v4 =	vsub.f32 v11, v4;
	v2 =	vadd.f32 v2, v5  }
0x323: {  	v5 =	vld.idx.msk [tilespmem:v8+s21+$0x0], $0xffff  }
0x324: {  	v2 =	vadd.f32 v3, v2;
	v3 =	vmul.f32 v4, v4;
	v4 =	vsub.f32 v12, v6  }
0x325: {  	v10 =	vor.u32 $0x8, v1;
	v6 =	vld.idx.msk [tilespmem:v9+s21+$0x0], $0xffff  }
0x326: {  	v2 =	vadd.f32 v3, v2;
	v3 =	vmul.f32 v4, v4;
	v4 =	vsub.f32 v16, v7;
	_ =	sdelay $0x1  }
0x327: {  	v2 =	vadd.f32 v3, v2;
	v3 =	vmul.f32 v4, v4;
	v4 =	vsub.f32 v17, v5  }
0x328: {  	v8 =	vor.u32 $0x9, v1  }
0x329: {  	v2 =	vadd.f32 v3, v2;
	v3 =	vmul.f32 v4, v4;
	v4 =	vsub.f32 v19, v6  }
0x32a: {  	v7 =	vld.idx.msk [tilespmem:v10+s21+$0x0], $0xffff  }
0x32b: {  	v2 =	vadd.f32 v3, v2;
	v3 =	vmul.f32 v4, v4;
	v4 =	vld [tilespmem:$0x1F670];
	_ =	sdelay $0x1  }
0x32c: {  	v5 =	vld.idx.msk [tilespmem:v8+s21+$0x0], $0xffff  }
0x32d: {  	v9 =	vor.u32 $0xA, v1;
	_ =	sdelay $0x1  }
0x32e: {  	v4 =	vsub.f32 v4, v7;
	_ =	sdelay $0x1  }
0x32f: {  	v2 =	vadd.f32 v3, v2;
	v3 =	vmul.f32 v4, v4;
	v4 =	vsub.f32 v20, v5  }
0x330: {  	v6 =	vld.idx.msk [tilespmem:v9+s21+$0x0], $0xffff  }
0x331: {  	v2 =	vadd.f32 v3, v2;
	v3 =	vmul.f32 v4, v4;
	v4 =	vld [tilespmem:$0x1F690]  }
0x332: {  	v10 =	vor.u32 $0xB, v1;
	_ =	sdelay $0x2  }
0x333: {  	v8 =	vor.u32 $0xC, v1  }
0x334: {  	v4 =	vsub.f32 v4, v6  }
0x335: {  	v9 =	vor.u32 $0xD, v1;
	v7 =	vld.idx.msk [tilespmem:v10+s21+$0x0], $0xffff  }
0x336: {  	v2 =	vadd.f32 v3, v2;
	v3 =	vmul.f32 v4, v4;
	v4 =	vld [tilespmem:$0x1F6A0]  }
0x337: {  	v10 =	vor.u32 $0xE, v1  }
0x338: {  	v5 =	vld.idx.msk [tilespmem:v8+s21+$0x0], $0xffff  }
0x339: {  	v8 =	vor.u32 $0xF, v1  }
0x33a: {  	v6 =	vld.idx.msk [tilespmem:v9+s21+$0x0], $0xffff  }
0x33b: {  	v9 =	vor.u32 $0x10, v1;
	v4 =	vsub.f32 v4, v7  }
0x33c: {  	v2 =	vadd.f32 v3, v2;
	v7 =	vld.idx.msk [tilespmem:v10+s21+$0x0], $0xffff  }
0x33d: {  	v10 =	vor.u32 $0x11, v1;
	v3 =	vmul.f32 v4, v4;
	v4 =	vsub.f32 v23, v5  }
0x33e: {  	v5 =	vld.idx.msk [tilespmem:v8+s21+$0x0], $0xffff;
	v8 =	vor.u32 $0x12, v1  }
0x33f: {  	v2 =	vadd.f32 v3, v2;
	v3 =	vmul.f32 v4, v4;
	v4 =	vsub.f32 v24, v6  }
0x340: {  	v6 =	vld.idx.msk [tilespmem:v9+s21+$0x0], $0xffff;
	v9 =	vor.u32 $0x13, v1  }
0x341: {  	v2 =	vadd.f32 v3, v2;
	v3 =	vmul.f32 v4, v4;
	v4 =	vsub.f32 v25, v7  }
0x342: {  	v7 =	vld.idx.msk [tilespmem:v10+s21+$0x0], $0xffff;
	v10 =	vor.u32 $0x14, v1  }
0x343: {  	v2 =	vadd.f32 v3, v2;
	v3 =	vmul.f32 v4, v4;
	v4 =	vsub.f32 v26, v5  }
0x344: {  	v5 =	vld.idx.msk [tilespmem:v8+s21+$0x0], $0xffff;
	v8 =	vor.u32 $0x15, v1  }
0x345: {  	v2 =	vadd.f32 v3, v2;
	v3 =	vmul.f32 v4, v4;
	v4 =	vsub.f32 v27, v6  }
0x346: {  	v6 =	vld.idx.msk [tilespmem:v9+s21+$0x0], $0xffff;
	v9 =	vor.u32 $0x16, v1  }
0x347: {  	v2 =	vadd.f32 v3, v2;
	v3 =	vmul.f32 v4, v4;
	v4 =	vsub.f32 v28, v7  }
0x348: {  	v7 =	vld.idx.msk [tilespmem:v10+s21+$0x0], $0xffff;
	v10 =	vor.u32 $0x17, v1  }
0x349: {  	v2 =	vadd.f32 v3, v2;
	v3 =	vmul.f32 v4, v4;
	v4 =	vsub.f32 v29, v5  }
0x34a: {  	v5 =	vld.idx.msk [tilespmem:v8+s21+$0x0], $0xffff;
	v8 =	vor.u32 $0x18, v1  }
0x34b: {  	v2 =	vadd.f32 v3, v2;
	v3 =	vmul.f32 v4, v4;
	v4 =	vsub.f32 v30, v6  }
0x34c: {  	v6 =	vld.idx.msk [tilespmem:v9+s21+$0x0], $0xffff;
	v9 =	vor.u32 $0x19, v1  }
0x34d: {  	v2 =	vadd.f32 v3, v2;
	v3 =	vmul.f32 v4, v4;
	v4 =	vsub.f32 v31, v7  }
0x34e: {  	v7 =	vld.idx.msk [tilespmem:v10+s21+$0x0], $0xffff;
	v10 =	vor.u32 $0x1A, v1  }
0x34f: {  	v2 =	vadd.f32 v3, v2;
	v3 =	vmul.f32 v4, v4;
	v4 =	vsub.f32 v32, v5  }
0x350: {  	v5 =	vld.idx.msk [tilespmem:v8+s21+$0x0], $0xffff;
	v8 =	vor.u32 $0x1B, v1  }
0x351: {  	v2 =	vadd.f32 v3, v2;
	v3 =	vmul.f32 v4, v4;
	v4 =	vsub.f32 v33, v6  }
0x352: {  	v6 =	vld.idx.msk [tilespmem:v9+s21+$0x0], $0xffff;
	v9 =	vor.u32 $0x1C, v1  }
0x353: {  	v2 =	vadd.f32 v3, v2;
	v3 =	vmul.f32 v4, v4;
	v4 =	vsub.f32 v34, v7  }
0x354: {  	v7 =	vld.idx.msk [tilespmem:v10+s21+$0x0], $0xffff;
	v10 =	vor.u32 $0x1D, v1  }
0x355: {  	v2 =	vadd.f32 v3, v2;
	v3 =	vmul.f32 v4, v4;
	v4 =	vsub.f32 v35, v5  }
0x356: {  	v5 =	vld.idx.msk [tilespmem:v8+s21+$0x0], $0xffff;
	v8 =	vor.u32 $0x1E, v1  }
0x357: {  	v2 =	vadd.f32 v3, v2;
	v3 =	vmul.f32 v4, v4;
	v4 =	vsub.f32 v36, v6  }
0x358: {  	v6 =	vld.idx.msk [tilespmem:v9+s21+$0x0], $0xffff;
	v9 =	vor.u32 $0x1F, v1  }
0x359: {  	v2 =	vadd.f32 v3, v2;
	v3 =	vmul.f32 v4, v4;
	v4 =	vsub.f32 v37, v7  }
0x35a: {  	v7 =	vld.idx.msk [tilespmem:v10+s21+$0x0], $0xffff;
	v10 =	vor.u32 $0x20, v1  }
0x35b: {  	v2 =	vadd.f32 v3, v2;
	v3 =	vmul.f32 v4, v4;
	v4 =	vsub.f32 v38, v5  }
0x35c: {  	v5 =	vld.idx.msk [tilespmem:v8+s21+$0x0], $0xffff;
	v8 =	vor.u32 $0x21, v1  }
0x35d: {  	v2 =	vadd.f32 v3, v2;
	v3 =	vmul.f32 v4, v4;
	v4 =	vsub.f32 v39, v6  }
0x35e: {  	v6 =	vld.idx.msk [tilespmem:v9+s21+$0x0], $0xffff;
	v9 =	vor.u32 $0x22, v1  }
0x35f: {  	v2 =	vadd.f32 v3, v2;
	v3 =	vmul.f32 v4, v4;
	v4 =	vsub.f32 v40, v7  }
0x360: {  	v7 =	vld.idx.msk [tilespmem:v10+s21+$0x0], $0xffff;
	v10 =	vor.u32 $0x23, v1  }
0x361: {  	v2 =	vadd.f32 v3, v2;
	v3 =	vmul.f32 v4, v4;
	v4 =	vsub.f32 v41, v5  }
0x362: {  	v5 =	vld.idx.msk [tilespmem:v8+s21+$0x0], $0xffff;
	v8 =	vor.u32 $0x24, v1  }
0x363: {  	v2 =	vadd.f32 v3, v2;
	v3 =	vmul.f32 v4, v4;
	v4 =	vsub.f32 v42, v6  }
0x364: {  	v6 =	vld.idx.msk [tilespmem:v9+s21+$0x0], $0xffff;
	v9 =	vor.u32 $0x25, v1  }
0x365: {  	v2 =	vadd.f32 v3, v2;
	v3 =	vmul.f32 v4, v4;
	v4 =	vsub.f32 v43, v7  }
0x366: {  	v7 =	vld.idx.msk [tilespmem:v10+s21+$0x0], $0xffff;
	v10 =	vor.u32 $0x26, v1  }
0x367: {  	v2 =	vadd.f32 v3, v2;
	v3 =	vmul.f32 v4, v4;
	v4 =	vsub.f32 v44, v5  }
0x368: {  	v5 =	vld.idx.msk [tilespmem:v8+s21+$0x0], $0xffff;
	v8 =	vor.u32 $0x27, v1  }
0x369: {  	v2 =	vadd.f32 v3, v2;
	v3 =	vmul.f32 v4, v4;
	v4 =	vsub.f32 v45, v6  }
0x36a: {  	v6 =	vld.idx.msk [tilespmem:v9+s21+$0x0], $0xffff;
	v9 =	vor.u32 $0x28, v1  }
0x36b: {  	v2 =	vadd.f32 v3, v2;
	v3 =	vmul.f32 v4, v4;
	v4 =	vsub.f32 v46, v7  }
0x36c: {  	v7 =	vld.idx.msk [tilespmem:v10+s21+$0x0], $0xffff;
	v10 =	vor.u32 $0x29, v1  }
0x36d: {  	v2 =	vadd.f32 v3, v2;
	v3 =	vmul.f32 v4, v4;
	v4 =	vsub.f32 v47, v5  }
0x36e: {  	v5 =	vld.idx.msk [tilespmem:v8+s21+$0x0], $0xffff;
	v8 =	vor.u32 $0x2A, v1  }
0x36f: {  	v2 =	vadd.f32 v3, v2;
	v3 =	vmul.f32 v4, v4;
	v4 =	vsub.f32 v48, v6  }
0x370: {  	v6 =	vld.idx.msk [tilespmem:v9+s21+$0x0], $0xffff;
	v9 =	vor.u32 $0x2B, v1  }
0x371: {  	v2 =	vadd.f32 v3, v2;
	v3 =	vmul.f32 v4, v4;
	v4 =	vsub.f32 v49, v7  }
0x372: {  	v7 =	vld.idx.msk [tilespmem:v10+s21+$0x0], $0xffff;
	v10 =	vor.u32 $0x2C, v1  }
0x373: {  	v2 =	vadd.f32 v3, v2;
	v3 =	vmul.f32 v4, v4;
	v4 =	vsub.f32 v50, v5  }
0x374: {  	v5 =	vld.idx.msk [tilespmem:v8+s21+$0x0], $0xffff;
	v8 =	vor.u32 $0x2D, v1  }
0x375: {  	v2 =	vadd.f32 v3, v2;
	v3 =	vmul.f32 v4, v4;
	v4 =	vsub.f32 v51, v6  }
0x376: {  	v6 =	vld.idx.msk [tilespmem:v9+s21+$0x0], $0xffff;
	v9 =	vor.u32 $0x2E, v1  }
0x377: {  	v2 =	vadd.f32 v3, v2;
	v3 =	vmul.f32 v4, v4;
	v4 =	vsub.f32 v52, v7  }
0x378: {  	v7 =	vld.idx.msk [tilespmem:v10+s21+$0x0], $0xffff;
	v10 =	vor.u32 $0x2F, v1  }
0x379: {  	v2 =	vadd.f32 v3, v2;
	v3 =	vmul.f32 v4, v4;
	v4 =	vsub.f32 v53, v5  }
0x37a: {  	v5 =	vld.idx.msk [tilespmem:v8+s21+$0x0], $0xffff;
	v8 =	vor.u32 $0x30, v1  }
0x37b: {  	v2 =	vadd.f32 v3, v2;
	v3 =	vmul.f32 v4, v4;
	v4 =	vsub.f32 v54, v6  }
0x37c: {  	v6 =	vld.idx.msk [tilespmem:v9+s21+$0x0], $0xffff;
	v9 =	vor.u32 $0x31, v1  }
0x37d: {  	v2 =	vadd.f32 v3, v2;
	v3 =	vmul.f32 v4, v4;
	v4 =	vsub.f32 v55, v7  }
0x37e: {  	v7 =	vld.idx.msk [tilespmem:v10+s21+$0x0], $0xffff;
	v10 =	vor.u32 $0x32, v1  }
0x37f: {  	v2 =	vadd.f32 v3, v2;
	v3 =	vmul.f32 v4, v4;
	v4 =	vsub.f32 v56, v5  }
0x380: {  	v5 =	vld.idx.msk [tilespmem:v8+s21+$0x0], $0xffff;
	v8 =	vor.u32 $0x33, v1  }
0x381: {  	v2 =	vadd.f32 v3, v2;
	v3 =	vmul.f32 v4, v4;
	v4 =	vsub.f32 v57, v6  }
0x382: {  	v6 =	vld.idx.msk [tilespmem:v9+s21+$0x0], $0xffff;
	v9 =	vor.u32 $0x34, v1  }
0x383: {  	v2 =	vadd.f32 v3, v2;
	v3 =	vmul.f32 v4, v4;
	v4 =	vsub.f32 v58, v7  }
0x384: {  	v7 =	vld.idx.msk [tilespmem:v10+s21+$0x0], $0xffff;
	v10 =	vor.u32 $0x35, v1  }
0x385: {  	v2 =	vadd.f32 v3, v2;
	v3 =	vmul.f32 v4, v4;
	v4 =	vsub.f32 v59, v5  }
0x386: {  	v5 =	vld.idx.msk [tilespmem:v8+s21+$0x0], $0xffff  }
0x387: {  	v2 =	vadd.f32 v3, v2;
	v3 =	vmul.f32 v4, v4;
	v4 =	vsub.f32 v60, v6  }
0x388: {  	v6 =	vld.idx.msk [tilespmem:v9+s21+$0x0], $0xffff  }
0x389: {  	v2 =	vadd.f32 v3, v2;
	v3 =	vmul.f32 v4, v4;
	v4 =	vsub.f32 v61, v7  }
0x38a: {  	v8 =	vor.u32 $0x36, v1;
	v7 =	vld.idx.msk [tilespmem:v10+s21+$0x0], $0xffff  }
0x38b: {  	v2 =	vadd.f32 v3, v2;
	v3 =	vmul.f32 v4, v4;
	v4 =	vsub.f32 v62, v5;
	_ =	sdelay $0x1  }
0x38c: {  	v2 =	vadd.f32 v3, v2;
	v3 =	vmul.f32 v4, v4;
	v4 =	vsub.f32 v63, v6;
	_ =	sdelay $0x1  }
0x38d: {  	v2 =	vadd.f32 v3, v2;
	v3 =	vmul.f32 v4, v4;
	v4 =	vsub.f32 v0, v7  }
0x38e: {  	v5 =	vld.idx.msk [tilespmem:v8+s21+$0x0], $0xffff  }
0x38f: {  	v2 =	vadd.f32 v3, v2;
	v3 =	vmul.f32 v4, v4;
	v4 =	vld [tilespmem:$0x1F9F0]  }
0x390: {  	v9 =	vor.u32 $0x37, v1;
	_ =	sdelay $0x3  }
0x391: {  	v4 =	vsub.f32 v4, v5  }
0x392: {  	v6 =	vld.idx.msk [tilespmem:v9+s21+$0x0], $0xffff  }
0x393: {  	v2 =	vadd.f32 v3, v2;
	v3 =	vmul.f32 v4, v4;
	v4 =	vld [tilespmem:$0x1FA30]  }
0x394: {  	v10 =	vor.u32 $0x38, v1;
	_ =	sdelay $0x3  }
0x395: {  	v4 =	vsub.f32 v4, v6  }
0x396: {  	v7 =	vld.idx.msk [tilespmem:v10+s21+$0x0], $0xffff  }
0x397: {  	v2 =	vadd.f32 v3, v2;
	v3 =	vmul.f32 v4, v4;
	v4 =	vld [tilespmem:$0x1FA60]  }
0x398: {  	v8 =	vor.u32 $0x39, v1;
	_ =	sdelay $0x2  }
0x399: {  	v9 =	vor.u32 $0x3A, v1  }
0x39a: {  	v4 =	vsub.f32 v4, v7  }
0x39b: {  	v10 =	vor.u32 $0x3B, v1;
	v5 =	vld.idx.msk [tilespmem:v8+s21+$0x0], $0xffff  }
0x39c: {  	v2 =	vadd.f32 v3, v2;
	v3 =	vmul.f32 v4, v4;
	v4 =	vld [tilespmem:$0x1FA80]  }
0x39d: {  	v8 =	vor.u32 $0x3C, v1  }
0x39e: {  	v6 =	vld.idx.msk [tilespmem:v9+s21+$0x0], $0xffff  }
0x39f: {  	v9 =	vor.u32 $0x3D, v1  }
0x3a0: {  	v7 =	vld.idx.msk [tilespmem:v10+s21+$0x0], $0xffff  }
0x3a1: {  	v10 =	vor.u32 $0x3E, v1;
	v4 =	vsub.f32 v4, v5  }
0x3a2: {  	v5 =	vld.idx.msk [tilespmem:v8+s21+$0x0], $0xffff  }
0x3a3: {  	v2 =	vadd.f32 v3, v2;
	v3 =	vmul.f32 v4, v4;
	v4 =	vsub.f32 v13, v6  }
0x3a4: {  	v6 =	vld.idx.msk [tilespmem:v9+s21+$0x0], $0xffff  }
0x3a5: {  	v2 =	vadd.f32 v3, v2;
	v3 =	vmul.f32 v4, v4;
	v4 =	vsub.f32 v14, v7  }
0x3a6: {  	v1 =	vor.u32 $0x3F, v1;
	v7 =	vld.idx.msk [tilespmem:v10+s21+$0x0], $0xffff  }
0x3a7: {  	v2 =	vadd.f32 v3, v2;
	v3 =	vmul.f32 v4, v4;
	v4 =	vsub.f32 v18, v5;
	_ =	sdelay $0x1  }
0x3a8: {  	v2 =	vadd.f32 v3, v2;
	v3 =	vmul.f32 v4, v4;
	v4 =	vsub.f32 v21, v6;
	_ =	sdelay $0x1  }
0x3a9: {  	v2 =	vadd.f32 v3, v2;
	v3 =	vmul.f32 v4, v4;
	v4 =	vsub.f32 v22, v7  }
0x3aa: {  	v1 =	vld.idx.msk [tilespmem:v1+s21+$0x0], $0xffff  }
0x3ab: {  	v2 =	vadd.f32 v3, v2;
	v3 =	vmul.f32 v4, v4;
	v4 =	vld [tilespmem:$0x1FAB0];
	_ =	sdelay $0x4  }
0x3ac: {  	v1 =	vsub.f32 v4, v1;
	_ =	sdelay $0x1  }
0x3ad: {  	v2 =	vadd.f32 v3, v2;
	v1 =	vmul.f32 v1, v1;
	_ =	sdelay $0x1  }
0x3ae: {  	v1 =	vadd.f32 v1, v2;
	_ =	sdelay $0x1  }
0x3af: {  	v2 =	vadd.f32 $9.999999960e-13, v1;
	_ =	sdelay $0x1  }
0x3b0: {  	v1 =	vshra.s32 v2, $0x1;
	v3 =	vmul.f32 $5.000000000e-01, v2  }
0x3b1: {  	v1 =	vsub.s32 $0x5F3759DF, v1  }
0x3b2: {  	v4 =	vmul.f32 v1, v3;
	_ =	sdelay $0x1  }
0x3b3: {  	v4 =	vmul.f32 v1, v4;
	_ =	sdelay $0x1  }
0x3b4: {  	v4 =	vsub.f32 $1.500000000e+00, v4;
	_ =	sdelay $0x1  }
0x3b5: {  	v1 =	vmul.f32 v1, v4;
	_ =	sdelay $0x1  }
0x3b6: {  	v4 =	vmul.f32 v1, v3;
	_ =	sdelay $0x1  }
0x3b7: {  	v4 =	vmul.f32 v4, v1;
	_ =	sdelay $0x1  }
0x3b8: {  	v4 =	vsub.f32 $1.500000000e+00, v4;
	_ =	sdelay $0x1  }
0x3b9: {  	v4 =	vmul.f32 v4, v1;
	_ =	sdelay $0x1  }
0x3ba: {  	v1 =	vmul.f32 v4, v3  }
0x3bb: {  	p0 =	sne.s32 s28, $0xC0  }
.Ltmp0:
0x3bc: {  	v1 =	vmul.f32 v1, v4;
	(pc) =	sbr.rel @p0 .LBB2_3-.Ltmp0, $4  }
0x3bd: {  	_ = 	snop  }
0x3be: {  	v3 =	vsub.f32 $1.500000000e+00, v1  }
0x3bf: {  	v1 =	vmov s28  }
0x3c0: {  	s28 =	sadd.s32 $0x10, s28;
	v1 =	vshll.u32 v1, $0x6;
	v3 =	vmul.f32 v3, v4;
	v4 =	vld [tilespmem:$0x1FFF0]  }
0x3c1: {  	_ =	sdelay $0x3  }
0x3c2: {  	v2 =	vmul.f32 v3, v2;
	v1 =	vor.u32 v4, v1;
	_ =	sdelay $0x1  }
0x3c3: {  	v2 =	vsub.f32 $1.200000000e+01, v2  }
0x3c4: {  	s26 =	sadd.s32 $0x10, s26  }
0x3c5: {  	v8 =	vld [tilespmem:$0x1F5F0];
	v3 =	vor.u32 $0x1, v1;
	[tilespmem:s26+$0x0] =	vst v2  }
0x3c6: {  	v5 =	vld.idx.msk [tilespmem:v1+s21+$0x0], $0xffff;
	_ =	sdelay $0x2  }
0x3c7: {  	v10 =	vmov v4;
	v4 =	vor.u32 $0x2, v1  }
0x3c8: {  	v2 =	vld.idx.msk [tilespmem:v3+s21+$0x0], $0xffff  }
0x3c9: {  	v3 =	vor.u32 $0x3, v1;
	v5 =	vsub.f32 v8, v5;
	v8 =	vld [tilespmem:$0x1F600]  }
0x3ca: {  	v6 =	vor.u32 $0x4, v1  }
0x3cb: {  	v7 =	vor.u32 $0x5, v1  }
0x3cc: {  	v4 =	vld.idx.msk [tilespmem:v4+s21+$0x0], $0xffff  }
0x3cd: {  	v9 =	vor.u32 $0x7, v1  }
0x3ce: {  	v3 =	vld.idx.msk [tilespmem:v3+s21+$0x0], $0xffff;
	v2 =	vsub.f32 v8, v2;
	v8 =	vor.u32 $0x6, v1  }
0x3cf: {  	v6 =	vld.idx.msk [tilespmem:v6+s21+$0x0], $0xffff  }
0x3d0: {  	v7 =	vld.idx.msk [tilespmem:v7+s21+$0x0], $0xffff  }
0x3d1: {  	v4 =	vsub.f32 v15, v4;
	v5 =	vmul.f32 v5, v5;
	v2 =	vmul.f32 v2, v2  }
0x3d2: {  	v15 =	vld.idx.msk [tilespmem:v9+s21+$0x0], $0xffff;
	v9 =	vor.u32 $0x9, v1  }
0x3d3: {  	v4 =	vmul.f32 v4, v4;
	v3 =	vsub.f32 v11, v3;
	v2 =	vadd.f32 v2, v5;
	v5 =	vld.idx.msk [tilespmem:v8+s21+$0x0], $0xffff  }
0x3d4: {  	v12 =	vsub.f32 v12, v6;
	v8 =	vor.u32 $0x8, v1  }
0x3d5: {  	v16 =	vsub.f32 v16, v7;
	v3 =	vmul.f32 v3, v3;
	v2 =	vadd.f32 v4, v2;
	_ =	sdelay $0x1  }
0x3d6: {  	v4 =	vmul.f32 v12, v12;
	v2 =	vadd.f32 v3, v2;
	v3 =	vmul.f32 v16, v16;
	v16 =	vld.idx.msk [tilespmem:v9+s21+$0x0], $0xffff  }
0x3d7: {  	v7 =	vor.u32 $0xA, v1;
	v17 =	vsub.f32 v17, v5  }
0x3d8: {  	v15 =	vsub.f32 v19, v15;
	v19 =	vor.u32 $0xD, v1;
	v2 =	vadd.f32 v4, v2;
	v12 =	vld.idx.msk [tilespmem:v8+s21+$0x0], $0xffff  }
0x3d9: {  	v4 =	vmul.f32 v17, v17;
	v17 =	vld [tilespmem:$0x1F670]  }
0x3da: {  	v8 =	vor.u32 $0xB, v1;
	v2 =	vadd.f32 v3, v2  }
0x3db: {  	v9 =	vor.u32 $0xC, v1;
	v6 =	vsub.f32 v20, v16;
	v16 =	vld [tilespmem:$0x1F690]  }
0x3dc: {  	v2 =	vadd.f32 v4, v2;
	v4 =	vld.idx.msk [tilespmem:v7+s21+$0x0], $0xffff  }
0x3dd: {  	v7 =	vld.idx.msk [tilespmem:v19+s21+$0x0], $0xffff  }
0x3de: {  	v3 =	vmul.f32 v15, v15;
	v19 =	vld [tilespmem:$0x1F6A0];
	v5 =	vsub.f32 v17, v12  }
0x3df: {  	v12 =	vld.idx.msk [tilespmem:v8+s21+$0x0], $0xffff  }
0x3e0: {  	v9 =	vld.idx.msk [tilespmem:v9+s21+$0x0], $0xffff;
	v2 =	vadd.f32 v3, v2;
	v8 =	vor.u32 $0xE, v1;
	v5 =	vmul.f32 v5, v5  }
0x3e1: {  	v15 =	vmul.f32 v6, v6  }
0x3e2: {  	v17 =	vor.u32 $0xF, v1;
	v4 =	vsub.f32 v16, v4;
	v2 =	vadd.f32 v5, v2  }
0x3e3: {  	v20 =	vor.u32 $0x10, v1  }
0x3e4: {  	v4 =	vmul.f32 v4, v4;
	v3 =	vsub.f32 v19, v12;
	v2 =	vadd.f32 v15, v2  }
0x3e5: {  	v8 =	vld.idx.msk [tilespmem:v8+s21+$0x0], $0xffff;
	v12 =	vsub.f32 v23, v9  }
0x3e6: {  	v9 =	vor.u32 $0x11, v1;
	v3 =	vmul.f32 v3, v3;
	v2 =	vadd.f32 v4, v2  }
0x3e7: {  	v16 =	vsub.f32 v24, v7;
	v15 =	vld.idx.msk [tilespmem:v17+s21+$0x0], $0xffff;
	v17 =	vor.u32 $0x12, v1  }
0x3e8: {  	v4 =	vmul.f32 v12, v12;
	v2 =	vadd.f32 v3, v2  }
0x3e9: {  	v19 =	vld.idx.msk [tilespmem:v20+s21+$0x0], $0xffff;
	v20 =	vmul.f32 v16, v16  }
0x3ea: {  	v23 =	vsub.f32 v25, v8;
	v8 =	vor.u32 $0x13, v1;
	v2 =	vadd.f32 v4, v2  }
0x3eb: {  	v24 =	vld.idx.msk [tilespmem:v9+s21+$0x0], $0xffff;
	v9 =	vor.u32 $0x14, v1  }
0x3ec: {  	v3 =	vsub.f32 v26, v15;
	v25 =	vld.idx.msk [tilespmem:v17+s21+$0x0], $0xffff;
	v6 =	vmul.f32 v23, v23;
	v2 =	vadd.f32 v20, v2  }
0x3ed: {  	v26 =	vor.u32 $0x15, v1  }
0x3ee: {  	v4 =	vsub.f32 v27, v19;
	v3 =	vmul.f32 v3, v3;
	v2 =	vadd.f32 v6, v2  }
0x3ef: {  	v12 =	vor.u32 $0x16, v1;
	v8 =	vld.idx.msk [tilespmem:v8+s21+$0x0], $0xffff  }
0x3f0: {  	v27 =	vmul.f32 v4, v4;
	v28 =	vsub.f32 v28, v24;
	v9 =	vld.idx.msk [tilespmem:v9+s21+$0x0], $0xffff;
	v2 =	vadd.f32 v3, v2  }
0x3f1: {  	v16 =	vsub.f32 v29, v25  }
0x3f2: {  	v17 =	vor.u32 $0x17, v1;
	v15 =	vmul.f32 v28, v28;
	v2 =	vadd.f32 v27, v2  }
0x3f3: {  	v7 =	vld.idx.msk [tilespmem:v26+s21+$0x0], $0xffff;
	v19 =	vmul.f32 v16, v16  }
0x3f4: {  	v23 =	vld.idx.msk [tilespmem:v12+s21+$0x0], $0xffff;
	v20 =	vsub.f32 v30, v8;
	v8 =	vor.u32 $0x18, v1;
	v2 =	vadd.f32 v15, v2  }
0x3f5: {  	v24 =	vsub.f32 v31, v9;
	v9 =	vor.u32 $0x19, v1  }
0x3f6: {  	v4 =	vmul.f32 v20, v20;
	v2 =	vadd.f32 v19, v2  }
0x3f7: {  	v25 =	vld.idx.msk [tilespmem:v17+s21+$0x0], $0xffff;
	v27 =	vor.u32 $0x1A, v1  }
0x3f8: {  	v26 =	vsub.f32 v32, v7;
	v5 =	vmul.f32 v24, v24;
	v2 =	vadd.f32 v4, v2  }
0x3f9: {  	v3 =	vsub.f32 v33, v23;
	v28 =	vld.idx.msk [tilespmem:v8+s21+$0x0], $0xffff  }
0x3fa: {  	v6 =	vmul.f32 v26, v26;
	v8 =	vor.u32 $0x1B, v1;
	v29 =	vld.idx.msk [tilespmem:v9+s21+$0x0], $0xffff;
	v2 =	vadd.f32 v5, v2  }
0x3fb: {  	v9 =	vor.u32 $0x1C, v1  }
0x3fc: {  	v3 =	vmul.f32 v3, v3;
	v7 =	vld.idx.msk [tilespmem:v27+s21+$0x0], $0xffff;
	v4 =	vsub.f32 v34, v25;
	v2 =	vadd.f32 v6, v2  }
0x3fd: {  	v32 =	vor.u32 $0x1D, v1  }
0x3fe: {  	v30 =	vmul.f32 v4, v4;
	v31 =	vsub.f32 v35, v28;
	v2 =	vadd.f32 v3, v2  }
0x3ff: {  	v8 =	vld.idx.msk [tilespmem:v8+s21+$0x0], $0xffff;
	v34 =	vsub.f32 v36, v29  }
0x400: {  	v35 =	vor.u32 $0x1E, v1;
	v9 =	vld.idx.msk [tilespmem:v9+s21+$0x0], $0xffff;
	v33 =	vmul.f32 v31, v31;
	v2 =	vadd.f32 v30, v2  }
0x401: {  	v12 =	vor.u32 $0x1F, v1;
	v37 =	vsub.f32 v37, v7  }
0x402: {  	v15 =	vld.idx.msk [tilespmem:v32+s21+$0x0], $0xffff;
	v36 =	vmul.f32 v34, v34;
	v2 =	vadd.f32 v33, v2  }
0x403: {  	v4 =	vmul.f32 v37, v37  }
0x404: {  	v16 =	vsub.f32 v38, v8;
	v8 =	vor.u32 $0x20, v1;
	v2 =	vadd.f32 v36, v2  }
0x405: {  	v17 =	vld.idx.msk [tilespmem:v35+s21+$0x0], $0xffff;
	v19 =	vsub.f32 v39, v9;
	v9 =	vor.u32 $0x21, v1  }
0x406: {  	v20 =	vld.idx.msk [tilespmem:v12+s21+$0x0], $0xffff;
	v5 =	vmul.f32 v16, v16;
	v2 =	vadd.f32 v4, v2  }
0x407: {  	v23 =	vor.u32 $0x22, v1;
	v3 =	vsub.f32 v40, v15  }
0x408: {  	v6 =	vmul.f32 v19, v19;
	v2 =	vadd.f32 v5, v2  }
0x409: {  	v3 =	vmul.f32 v3, v3;
	v24 =	vld.idx.msk [tilespmem:v8+s21+$0x0], $0xffff  }
0x40a: {  	v4 =	vsub.f32 v41, v17;
	v8 =	vor.u32 $0x23, v1;
	v9 =	vld.idx.msk [tilespmem:v9+s21+$0x0], $0xffff;
	v2 =	vadd.f32 v6, v2  }
0x40b: {  	v26 =	vsub.f32 v42, v20  }
0x40c: {  	v27 =	vor.u32 $0x24, v1;
	v7 =	vld.idx.msk [tilespmem:v23+s21+$0x0], $0xffff;
	v25 =	vmul.f32 v4, v4;
	v2 =	vadd.f32 v3, v2  }
0x40d: {  	v28 =	vmul.f32 v26, v26  }
0x40e: {  	v30 =	vor.u32 $0x25, v1;
	v29 =	vsub.f32 v43, v24;
	v2 =	vadd.f32 v25, v2  }
0x40f: {  	v8 =	vld.idx.msk [tilespmem:v8+s21+$0x0], $0xffff;
	v32 =	vsub.f32 v44, v9  }
0x410: {  	v9 =	vor.u32 $0x26, v1;
	v31 =	vmul.f32 v29, v29;
	v2 =	vadd.f32 v28, v2  }
0x411: {  	v34 =	vsub.f32 v45, v7;
	v35 =	vor.u32 $0x27, v1;
	v33 =	vld.idx.msk [tilespmem:v27+s21+$0x0], $0xffff  }
0x412: {  	v4 =	vmul.f32 v32, v32;
	v2 =	vadd.f32 v31, v2  }
0x413: {  	v36 =	vld.idx.msk [tilespmem:v30+s21+$0x0], $0xffff;
	v5 =	vmul.f32 v34, v34  }
0x414: {  	v37 =	vsub.f32 v46, v8;
	v8 =	vor.u32 $0x28, v1;
	v2 =	vadd.f32 v4, v2  }
0x415: {  	v38 =	vld.idx.msk [tilespmem:v9+s21+$0x0], $0xffff;
	v9 =	vor.u32 $0x29, v1  }
0x416: {  	v39 =	vld.idx.msk [tilespmem:v35+s21+$0x0], $0xffff;
	v3 =	vsub.f32 v47, v33;
	v6 =	vmul.f32 v37, v37;
	v2 =	vadd.f32 v5, v2  }
0x417: {  	v40 =	vor.u32 $0x2A, v1  }
0x418: {  	v3 =	vmul.f32 v3, v3;
	v4 =	vsub.f32 v48, v36;
	v2 =	vadd.f32 v6, v2  }
0x419: {  	v43 =	vor.u32 $0x2B, v1;
	v8 =	vld.idx.msk [tilespmem:v8+s21+$0x0], $0xffff  }
0x41a: {  	v42 =	vsub.f32 v49, v38;
	v9 =	vld.idx.msk [tilespmem:v9+s21+$0x0], $0xffff;
	v41 =	vmul.f32 v4, v4;
	v2 =	vadd.f32 v3, v2  }
0x41b: {  	v45 =	vsub.f32 v50, v39  }
0x41c: {  	v7 =	vld.idx.msk [tilespmem:v40+s21+$0x0], $0xffff;
	v46 =	vor.u32 $0x2C, v1;
	v44 =	vmul.f32 v42, v42;
	v2 =	vadd.f32 v41, v2  }
0x41d: {  	v47 =	vmul.f32 v45, v45  }
0x41e: {  	v49 =	vld.idx.msk [tilespmem:v43+s21+$0x0], $0xffff;
	v48 =	vsub.f32 v51, v8;
	v8 =	vor.u32 $0x2D, v1;
	v2 =	vadd.f32 v44, v2  }
0x41f: {  	v50 =	vsub.f32 v52, v9  }
0x420: {  	v9 =	vor.u32 $0x2E, v1;
	v4 =	vmul.f32 v48, v48;
	v2 =	vadd.f32 v47, v2  }
0x421: {  	v51 =	vld.idx.msk [tilespmem:v46+s21+$0x0], $0xffff;
	v52 =	vsub.f32 v53, v7;
	v53 =	vor.u32 $0x2F, v1  }
0x422: {  	v5 =	vmul.f32 v50, v50;
	v2 =	vadd.f32 v4, v2  }
0x423: {  	v3 =	vsub.f32 v54, v49;
	v12 =	vld.idx.msk [tilespmem:v8+s21+$0x0], $0xffff  }
0x424: {  	v6 =	vmul.f32 v52, v52;
	v8 =	vor.u32 $0x30, v1;
	v2 =	vadd.f32 v5, v2  }
0x425: {  	v15 =	vld.idx.msk [tilespmem:v9+s21+$0x0], $0xffff;
	v9 =	vor.u32 $0x31, v1  }
0x426: {  	v3 =	vmul.f32 v3, v3;
	v7 =	vld.idx.msk [tilespmem:v53+s21+$0x0], $0xffff;
	v4 =	vsub.f32 v55, v51;
	v2 =	vadd.f32 v6, v2  }
0x427: {  	v19 =	vor.u32 $0x32, v1  }
0x428: {  	v16 =	vmul.f32 v4, v4;
	v17 =	vsub.f32 v56, v12;
	v2 =	vadd.f32 v3, v2  }
0x429: {  	v24 =	vor.u32 $0x33, v1;
	v8 =	vld.idx.msk [tilespmem:v8+s21+$0x0], $0xffff  }
0x42a: {  	v23 =	vsub.f32 v57, v15;
	v9 =	vld.idx.msk [tilespmem:v9+s21+$0x0], $0xffff;
	v20 =	vmul.f32 v17, v17;
	v2 =	vadd.f32 v16, v2  }
0x42b: {  	v26 =	vsub.f32 v58, v7  }
0x42c: {  	v27 =	vor.u32 $0x34, v1;
	v28 =	vld.idx.msk [tilespmem:v19+s21+$0x0], $0xffff;
	v25 =	vmul.f32 v23, v23;
	v2 =	vadd.f32 v20, v2  }
0x42d: {  	v4 =	vmul.f32 v26, v26  }
0x42e: {  	v29 =	vsub.f32 v59, v8;
	v8 =	vor.u32 $0x35, v1;
	v2 =	vadd.f32 v25, v2  }
0x42f: {  	v30 =	vld.idx.msk [tilespmem:v24+s21+$0x0], $0xffff;
	v31 =	vsub.f32 v60, v9;
	v9 =	vor.u32 $0x36, v1  }
0x430: {  	v5 =	vmul.f32 v29, v29;
	v2 =	vadd.f32 v4, v2  }
0x431: {  	v33 =	vor.u32 $0x37, v1;
	v32 =	vld.idx.msk [tilespmem:v27+s21+$0x0], $0xffff;
	v3 =	vsub.f32 v61, v28  }
0x432: {  	v42 =	vld [tilespmem:$0x1F9F0];
	v6 =	vmul.f32 v31, v31;
	v2 =	vadd.f32 v5, v2  }
0x433: {  	v3 =	vmul.f32 v3, v3;
	v34 =	vld.idx.msk [tilespmem:v8+s21+$0x0], $0xffff  }
0x434: {  	v8 =	vor.u32 $0x38, v1;
	v9 =	vld.idx.msk [tilespmem:v9+s21+$0x0], $0xffff;
	v4 =	vsub.f32 v62, v30;
	v2 =	vadd.f32 v6, v2  }
0x435: {  	v45 =	vld [tilespmem:$0x1FA30];
	v37 =	vor.u32 $0x39, v1  }
0x436: {  	v36 =	vsub.f32 v63, v32;
	v7 =	vld.idx.msk [tilespmem:v33+s21+$0x0], $0xffff;
	v35 =	vmul.f32 v4, v4;
	v2 =	vadd.f32 v3, v2  }
0x437: {  	v40 =	vor.u32 $0x3A, v1;
	v49 =	vld [tilespmem:$0x1FA60]  }
0x438: {  	v38 =	vmul.f32 v36, v36;
	v52 =	vld [tilespmem:$0x1FA80];
	v39 =	vsub.f32 v0, v34;
	v2 =	vadd.f32 v35, v2  }
0x439: {  	v8 =	vld.idx.msk [tilespmem:v8+s21+$0x0], $0xffff;
	v43 =	vsub.f32 v42, v9  }
0x43a: {  	v44 =	vld.idx.msk [tilespmem:v37+s21+$0x0], $0xffff;
	v9 =	vor.u32 $0x3B, v1;
	v41 =	vmul.f32 v39, v39;
	v2 =	vadd.f32 v38, v2  }
0x43b: {  	v46 =	vsub.f32 v45, v7  }
0x43c: {  	v47 =	vor.u32 $0x3C, v1;
	v4 =	vmul.f32 v43, v43;
	v2 =	vadd.f32 v41, v2  }
0x43d: {  	v48 =	vld.idx.msk [tilespmem:v40+s21+$0x0], $0xffff;
	v5 =	vmul.f32 v46, v46  }
0x43e: {  	v50 =	vsub.f32 v49, v8;
	v8 =	vor.u32 $0x3D, v1;
	v2 =	vadd.f32 v4, v2  }
0x43f: {  	v3 =	vsub.f32 v52, v44;
	v51 =	vld.idx.msk [tilespmem:v9+s21+$0x0], $0xffff  }
0x440: {  	v9 =	vor.u32 $0x3E, v1;
	v6 =	vmul.f32 v50, v50;
	v2 =	vadd.f32 v5, v2  }
0x441: {  	v53 =	vld.idx.msk [tilespmem:v47+s21+$0x0], $0xffff;
	v1 =	vor.u32 $0x3F, v1  }
0x442: {  	v3 =	vmul.f32 v3, v3;
	v4 =	vsub.f32 v13, v48;
	v2 =	vadd.f32 v6, v2  }
0x443: {  	v54 =	vld.idx.msk [tilespmem:v8+s21+$0x0], $0xffff  }
0x444: {  	v55 =	vsub.f32 v14, v51;
	v4 =	vmul.f32 v4, v4;
	v2 =	vadd.f32 v3, v2  }
0x445: {  	v56 =	vld.idx.msk [tilespmem:v9+s21+$0x0], $0xffff  }
0x446: {  	v60 =	vld [tilespmem:$0x1FAB0];
	v57 =	vsub.f32 v18, v53;
	v3 =	vmul.f32 v55, v55;
	v2 =	vadd.f32 v4, v2  }
0x447: {  	v1 =	vld.idx.msk [tilespmem:v1+s21+$0x0], $0xffff  }
0x448: {  	v58 =	vsub.f32 v21, v54;
	v4 =	vmul.f32 v57, v57;
	v2 =	vadd.f32 v3, v2;
	_ =	sdelay $0x1  }
0x449: {  	v59 =	vsub.f32 v22, v56;
	v3 =	vmul.f32 v58, v58;
	v2 =	vadd.f32 v4, v2;
	_ =	sdelay $0x1  }
0x44a: {  	v1 =	vsub.f32 v60, v1;
	v0 =	vmul.f32 v59, v59;
	v2 =	vadd.f32 v3, v2;
	_ =	sdelay $0x1  }
0x44b: {  	v1 =	vmul.f32 v1, v1;
	v0 =	vadd.f32 v0, v2;
	_ =	sdelay $0x1  }
0x44c: {  	v0 =	vadd.f32 v1, v0;
	_ =	sdelay $0x1  }
0x44d: {  	v0 =	vadd.f32 $9.999999960e-13, v0;
	_ =	sdelay $0x1  }
0x44e: {  	v61 =	vshra.s32 v0, $0x1;
	v62 =	vmul.f32 $5.000000000e-01, v0  }
0x44f: {  	v1 =	vsub.s32 $0x5F3759DF, v61  }
0x450: {  	v63 =	vmul.f32 v1, v62;
	_ =	sdelay $0x1  }
0x451: {  	v3 =	vmul.f32 v1, v63;
	_ =	sdelay $0x1  }
0x452: {  	v3 =	vsub.f32 $1.500000000e+00, v3;
	_ =	sdelay $0x1  }
0x453: {  	v1 =	vmul.f32 v1, v3;
	_ =	sdelay $0x1  }
0x454: {  	v3 =	vmul.f32 v1, v62;
	_ =	sdelay $0x1  }
0x455: {  	v3 =	vmul.f32 v3, v1;
	_ =	sdelay $0x1  }
0x456: {  	v3 =	vsub.f32 $1.500000000e+00, v3;
	_ =	sdelay $0x1  }
0x457: {  	v1 =	vmul.f32 v3, v1;
	_ =	sdelay $0x1  }
0x458: {  	v2 =	vmul.f32 v1, v62;
	_ =	sdelay $0x1  }
0x459: {  	v2 =	vmul.f32 v2, v1;
	_ =	sdelay $0x1  }
0x45a: {  	v2 =	vsub.f32 $1.500000000e+00, v2;
	_ =	sdelay $0x1  }
0x45b: {  	v1 =	vmul.f32 v2, v1;
	_ =	sdelay $0x1  }
0x45c: {  	v0 =	vmul.f32 v1, v0  }
0x45d: {  	s28 =	sor.u32 s4, s25  }
0x45e: {  	s29 =	smul.u32 $0x19, s28;
	v0 =	vsub.f32 $1.200000000e+01, v0  }
0x45f: {  	s26 =	sadd.s32 $0x10, s26  }
0x460: {  	s30 =	sadd.s32 s7, s29;
	[tilespmem:s26+$0x0] =	vst v0  }
0x461: {  	[hbm4b:s30+s3] =	stream.linear.scatter [tilespmem:s23], [sflag:$0x4], $0xC8, $0x38;
	[tilespmem:$0x6610] =	vst v63  }
0x462: {  	s25 =	sadd.s32 $0x1, s25;
	s31 =	smul.u32 $0x640, s28;
	_ =	swait.ge [sflag:s13], $0xC8  }
0x463: {  	p0 =	sne.s32 s25, $0x20;
	[sflag:s13] =	ssyncset.done $0x0  }
.Ltmp1:
0x464: {  	s26 =	sadd.s32 s2, s31;
	[sflag:s13] =	ssyncadd.s32 $0xFFFFFF38;
	(pc) =	sbr.rel @p0 .LBB2_2-.Ltmp1, $4  }
0x465: {  	[hbm4b:s26+s3] =	stream.linear.scatter [tilespmem:s21], [sflag:$0x4], $0x3200, $0x38;
	[tilespmem:$0x6610] =	vst v63  }
0x466: {  	_ =	swait.ge [sflag:s13], $0x3200  }
0x467: {  	[sflag:s13] =	ssyncset.done $0x0  }
0x468: {  	[sflag:s13] =	ssyncadd.s32 $0xFFFFCE00  }
0x469: {  	s24 =	sadd.s32 $0x1, s24  }
0x46a: {  	p0 =	sne.s32 s24, s12  }
.Ltmp2:
0x46b: {  	_ = 	snop;
	(pc) =	sbr.rel @p0 .LBB2_1-.Ltmp2, $1  }
0x46c: {  	_ =	sdelay $0x3  }
0x46d: {  	_ =	sfence.sel $0x180000  }
0x46e: {  	[bflag:$0x0] =	sbarrier.arrive $0xFFFF  }
0x46f: {  	p0 =	sne.s32 s0, $0x0;
	_ =	strace $0x90000047  }
0x470: {  	s0 =	sadd.s32 @!p0 $0x100000, s1;
	[bflag:$0x2] =	sbarrier.arrive $0xFFFF  }
0x471: {  	[sflag:s0] =	ssyncadd.tile.s32 @!p0 $0x1;
	_ =	shalt  }
.Lfunc_end2:
_tile_overlayer_lowered:
.L_overlay_start_2:
0x472: {  	(tag) =	ssettag $0x2  }
0x473: {  	s0 =	rddreg [dreg:$0x0];
	s2 =	stileid.u32  }
0x474: {  	s1 =	rddreg [dreg:$0x1];
	p0 =	sne.s32 s2, $0x0  }
0x475: {  	s3 =	rddreg [dreg:$0x2];
	[bflag:$0x3] =	sbarrier.arrive $0xFFFF;
	s2 =	simm.s32 @!p0 $0x1C04  }
0x476: {  	[timem:s3], [sflag:s2] =	dma.local @!p0 [hbm:s0], s1  }
0x477: {  	s0 =	simm.s32 @!p0 $0x4  }
0x478: {  	_ =	swait.ge @!p0 [sflag:s0], s1  }
0x479: {  	s1 =	ssub.s32 @!p0 $0x0, s1;
	[sflag:s0] =	ssyncset.done @!p0 $0x0  }
0x47a: {  	[sflag:s0] =	ssyncadd.s32 @!p0 s1  }
0x47b: {  	[bflag:$0x3] =	sbarrier.arrive $0xFFFF  }
0x47c: {  	_ =	shalt  }

// kernel: sparse-core-data-format-call.cloned.1.call-start
scs
called_computation_lowered:
.L_overlay_start_0:
0x0: {  	s2 =	sld [smem:$0x3FD9]  }
0x1: {  	s3 =	sld [smem:$0x3FFE];
	_ =	sdelay $0x1  }
0x2: {  	s1 =	srdreg.scid  }
0x3: {  	s0 =	sand.u32 $0x1, s1  }
0x4: {  	s15 =	sshll.u32 s0, $0xA;
	s2 =	sadd.s32 s3, s2  }
0x5: {  	s2 =	sadd.s32 s2, s15  }
0x6: {  	[smem:$0x3FC4] =	sst s2  }
0x7: {  	_ = 	snop  }
0x8: {  	s2 =	sld [smem:$0x3FD0];
	_ =	sdelay $0x2  }
0x9: {  	s16 =	simm.s32 $0xA;
	s4 =	simm.s32 $0x10  }
0xa: {  	[smem:s4], [sflag:s16] =	dma.local [hbm:s2], $0x1  }
0xb: {  	_ =	swait.eq [sflag:s16], $0x1  }
0xc: {  	[sflag:s16] =	ssyncset.done $0x0  }
0xd: {  	[sflag:s16] =	ssyncadd.s32 $0xFFFFFFFF  }
0xe: {  	s17 =	sld [smem:$0x12];
	(tm) =	ssettm $0x1  }
0xf: {  	s18 =	sld [smem:$0x3FFB];
	_ =	sdelay $0x3  }
0x10: {  	_ =	strace s18  }
0x11: {  	s3 =	sld [smem:$0x3FFC];
	_ =	sdelay $0x3  }
0x12: {  	_ =	strace s3  }
0x13: {  	s3 =	sld [smem:$0x3FFD];
	_ =	sdelay $0x3  }
0x14: {  	_ =	strace s3  }
0x15: {  	_ =	strace $0x8FFFFFFF  }
0x16: {  	s19 =	sld [smem:$0x3FDB];
	_ =	sdelay $0x1  }
0x17: {  	s20 =	simm.s32 $_scs_section_size  }
0x18: {  	s5 =	simm.s32 $_size__tile_overlayer_lowered;
	s6 =	simm.s32 $_tile_overlayer_lowered  }
0x19: {  	s23 =	simm.s32 $0x1BFF;
	s22 =	sshll.u32 s6, $0x1;
	s3 =	sadd.s32 s20, s19  }
0x1a: {  	s7 =	simm.s32 $0x0;
	s21 =	sshll.u32 s5, $0x1;
	s5 =	sadd.s32 s22, s3  }
0x1b: {  	[timem:s7], [sflag:s23] =	dma.local [hbm:s5], s21  }
0x1c: {  	_ =	swait.ge [sflag:s23], s21  }
0x1d: {  	s4 =	ssub.s32 $0x0, s21;
	[sflag:s23] =	ssyncset.done $0x0  }
0x1e: {  	[sflag:s23] =	ssyncadd.s32 s4;
	_ =	sdelay $0x1  }
0x1f: {  	s24 =	simm.s32 $0x1B8B  }
0x20: {  	_ =	swait.ge [sflag:s24], $0x1  }
0x21: {  	[sflag:s24] =	ssyncset.done $0x0  }
0x22: {  	s26 =	simm.s32 $0x1B8E;
	s25 =	sld [smem:$0x3FFE];
	[sflag:s24] =	ssyncadd.s32 $0xFFFFFFFF  }
0x23: {  	s27 =	simm.s32 $execute0_lowered;
	[smem:$0x3FD2] =	sst s26  }
0x24: {  	s5 =	sshll.u32 s27, $0x1;
	_ =	strace $0x80000049;
	[dreg:$0x1] =	wrdreg $0xFFFFFFFF  }
0x25: {  	s28 =	simm.s32 $_size_execute0_lowered;
	s3 =	sadd.s32 s3, s5;
	[dreg:$0x0] =	wrdreg $0x0  }
0x26: {  	s5 =	sshll.u32 s28, $0x1;
	[dreg:$0x2] =	wrdreg s3  }
0x27: {  	[dreg:$0x3] =	wrdreg s5  }
0x28: {  	[dreg:$0x4] =	wrdreg $0xC0  }
0x29: {  	_ =	task [dreg:s7], $0x5FFFF  }
0x2a: {  	[dreg:$0x1] =	wrdreg $0xFFFFFFFF  }
0x2b: {  	[dreg:$0x0] =	wrdreg $0x60  }
0x2c: {  	[dreg:$0x2] =	wrdreg s25  }
0x2d: {  	[dreg:$0x3] =	wrdreg s17  }
0x2e: {  	[dreg:$0x4] =	wrdreg $0x9  }
0x2f: {  	_ =	task.clear_ibuf [dreg:s7], $0x5FFFF;
	_ =	strace $0x90000049  }
0x30: {  	s29 =	simm.s32 $0x9;
	_ =	strace $0x8000004B  }
0x31: {  	_ =	swait.ge [sflag:s29], $0x1  }
0x32: {  	[sflag:s29] =	ssyncadd.s32 $0xFFFFFFFF  }
0x33: {  	_ =	strace $0x9000004B  }
0x34: {  	_ =	sfence  }
0x35: {  	s30 =	sld [smem:$0x0];
	_ =	sdelay $0x2  }
0x36: {  	s31 =	sshll.u32 s1, $0xD;
	s1 =	sshrl.u32 s1, $0x2  }
0x37: {  	s3 =	sand.u32 $0x4000, s31;
	s1 =	sadd.s32 s1, s30  }
0x38: {  	s0 =	sor.u32 s3, s0;
	s1 =	sshll.u32 s1, $0x11  }
0x39: {  	s0 =	sor.u32 s1, s0  }
0x3a: {  	s0 =	sadd.s32 $0x8F2B, s0  }
0x3b: {  	[sflag:s0] =	ssyncadd.remote.s32 $0x1  }
0x3c: {  	_ =	sfence.sel $0xFFFF  }
0x3d: {  	[dreg:$0x0] =	wrdreg $0xFFFFFFFF;
	(pc) =	sbr.abs _section_cstart, $3  }
0x3e: {  	[dreg:$0x1] =	wrdreg $0xFFFFFFFF  }
0x3f: {  	_ =	task.clear_ibuf [dreg:s7], $0x2FFFF;
	_ =	strace $0x9FFFFFFF  }
0x40: {  	(tm) =	ssettm $0x7FFFFFFF  }
0x41: {  	_ =	shalt  }
tec
execute0_lowered:
.L_overlay_start_1:
0x0: {  	(tag) =	ssettag $0x1  }
0x1: {  	s0 =	stileid.u32;
	s6 =	rddreg [dreg:$0x0]  }
0x2: {  	s2 =	rddreg [dreg:$0x1];
	s5 =	srdreg.scid  }
0x3: {  	s31 =	simm.s32 $0x2;
	s13 =	simm.s32 $0x0;
	s1 =	sshll.u32 s0, $0x7  }
0x4: {  	s14 =	simm.s32 $0x0;
	s12 =	simm.s32 $0x0;
	s3 =	sand.u32 $0x380, s1  }
0x5: {  	s5 =	sshll.u32 s5, $0x4;
	s6 =	sadd.s32 $0x9E00, s6;
	s4 =	ssub.s32 $0x400, s3  }
0x6: {  	s1 =	rddreg [dreg:$0x2];
	_ =	strace $0x8000004A;
	s7 =	sand.u32 $0x380, s4  }
0x7: {  	s5 =	sand.u32 $0x10, s5;
	p0 =	sne.s32 s7, $0x0;
	s7 =	simm.s32 $0x1  }
.Ltmp0:
0x8: {  	s8 =	sshrl.u32 s4, $0xA;
	s7 =	simm.s32 @!p0 $0x0;
	(pc) =	sbr.rel .LBB1_1-.Ltmp0, $4  }
0x9: {  	s9 =	sor.u32 s0, s5;
	s4 =	simm.s32 $0x1;
	s30 =	sadd.s32 s7, s8  }
0xa: {  	s11 =	smov.u32 s3;
	[sflag:s4] =	ssyncpa.u1 $0x0;
	s5 =	smul.u32 $0x32, s30  }
0xb: {  	[sflag:s31] =	ssyncpa.u1 $0x0;
	p0 =	por $0x0, $0x0;
	s7 =	sshrl.u32 s9, $0x3  }
0xc: {  	s9 =	simm.s32 $0x2000;
	s10 =	smov.u32 s7;
	s8 =	sor.u32 $0x1, s5  }
.LBB1_4:
0xd: {  	s17 =	sand.u32 $0x1F80, s14;
	s13 =	sshll.u32 s13, $0xD  }
0xe: {  	[tilespmem:s16+$0x810 ss:$0x81] =	vst.msk $0xffff, v2;
	s18 =	sshrl.u32 s14, $0x3;
	s31 =	sand.u32 $0x7, s14;
	s17 =	sadd.s32 s2, s17  }
0xf: {  	[tilespmem:s16+$0x1020 ss:$0x81] =	vst.msk $0xffff, v0;
	s18 =	sand.u32 $0xF, s18;
	s14 =	sshll.u32 s31, $0x12;
	s13 =	sadd.s32 s13, s17  }
0x10: {  	[tilespmem:s16+$0x0 ss:$0x81] =	vst.msk $0xffff, v1;
	s14 =	sor.u32 $0x400, s14;
	s13 =	sadd.s32 s18, s13  }
0x11: {  	[hbm4b:s13+s14] =	stream.strided.scatter [tilespmem:s15], [sflag:$0x2], $0x2000, s9, s14, $0x20;
	[tilespmem:$0x8080] =	vst v63  }
.LBB1_5:
0x12: {  	s15 =	sadd.s32 $0x4, s10  }
0x13: {  	s13 =	sadd.s32 $0x400, s11;
	s17 =	smov.u32 s11;
	p2 =	sgt.s32 s15, $0xC7  }
0x14: {  	s17 =	smov.u32 @p2 s13  }
0x15: {  	s15 =	smov.u32 @p2 s7;
	p2 =	sgt.s32 s17, $0x3FF  }
0x16: {  	s17 =	smov.u32 @p2 s3;
	p2 =	sne.s32 s12, s8  }
.Ltmp1:
0x17: {  	p1 =	slt.u32 s12, $0x2;
	(pc) =	sbr.rel @!p2 .LBB1_6-.Ltmp1, $4  }
0x18: {  	s16 =	simm.s32 @!p1 $0x2  }
0x19: {  	s14 =	smov.u32 s11;
	p0 =	por !p0, !p0;
	_ =	swait.ge @!p1 [sflag:s16], $0x2000  }
0x1a: {  	s13 =	smov.u32 s10;
	[sflag:s16] =	ssyncset.done @!p1 $0x0;
	s10 =	smov.u32 s15  }
0x1b: {  	s12 =	sadd.s32 $0x1, s12;
	[sflag:s16] =	ssyncadd.s32 @!p1 $0xFFFFE000;
	s11 =	smov.u32 s17  }
.LBB1_1:
0x1c: {  	p1 =	sge.u32 s12, s5  }
0x1d: {  	s15 =	sand.u32 @!p1 $0x1FFFFFF, s10  }
0x1e: {  	s16 =	smulhi.u32 @!p1 $0x147AE15, s15;
	_ =	sdelay $0x1  }
0x1f: {  	s16 =	smul.u32 @!p1 $0xC8, s16  }
0x20: {  	s17 =	sxor.u32 @!p1 $0xFFFFFFFF, s12;
	s18 =	smul.u32 @!p1 $0xC80, s11  }
0x21: {  	s31 =	sadd.s32 $0xFFFFFFFF, s12;
	s17 =	sshll.u32 @!p1 s17, $0xD;
	s15 =	ssub.s32 @!p1 s15, s16  }
0x22: {  	s16 =	sand.u32 @!p1 $0x2000, s17;
	s17 =	sadd.s32 @!p1 s6, s18;
	s15 =	sshll.u32 @!p1 s15, $0x4  }
0x23: {  	s18 =	simm.s32 @!p1 $0x6400;
	s15 =	sadd.s32 @!p1 s15, s17;
	s17 =	simm.s32 @!p1 $0x40  }
0x24: {  	[tilespmem:s16], [sflag:$0x1] =	stream.strided.gather @!p1 [hbm4b:s15+s17], $0x2000, s18, s17, $0x38;
	[tilespmem:$0x8080] =	vst v63  }
0x25: {  	p1 =	sge.u32 s31, s5  }
.Ltmp2:
0x26: {  	_ = 	snop;
	(pc) =	sbr.rel @p1 .LBB1_5-.Ltmp2, $1  }
0x27: {  	_ =	sdelay $0x3  }
0x28: {  	s15 =	simm.s32 $0x1  }
0x29: {  	_ =	swait.ge [sflag:s4], $0x2000;
	s15 =	simm.s32 @!p0 $0x0  }
0x2a: {  	[sflag:s4] =	ssyncset.done $0x0;
	s16 =	sshll.u32 s15, $0xD  }
0x2b: {  	[sflag:s4] =	ssyncadd.s32 $0xFFFFE000;
	s19 =	sor.u32 $0x20, s16  }
0x2c: {  	s15 =	smul.u32 $0x8100, s15;
	v3 =	vld [tilespmem:s19+$0x10]  }
0x2d: {  	s30 =	sand.u32 $0x1, s12;
	v2 =	vld [tilespmem:s19+$0xFFFFFFF0]  }
0x2e: {  	s16 =	smul.u32 $0x8100, s30;
	s15 =	sshrl.u32 s15, $0x2;
	v0 =	vld [tilespmem:s19+$0x0]  }
0x2f: {  	v1 =	vld [tilespmem:s19+$0xFFFFFFE0];
	s17 =	sor.u32 $0x4000, s15  }
0x30: {  	s31 =	sshrl.u32 s16, $0x2;
	s16 =	sadd.s32 $0x0, s17  }
0x31: {  	s18 =	simm.s32 $0x4;
	s19 =	sadd.s32 $0x40, s19;
	s15 =	sor.u32 $0x4000, s31;
	[tilespmem:s16+$0x1830 ss:$0x81] =	vst.msk $0xffff, v3  }
.LBB1_3:
0x32: {  	v3 =	vld [tilespmem:s19+$0x10];
	p1 =	sne.s32 s18, $0x1FC;
	[tilespmem:s16+$0x810 ss:$0x81] =	vst.msk $0xffff, v2;
	s20 =	smov.u32 s18;
	s18 =	sadd.s32 $0x4, s18  }
.Ltmp3:
0x33: {  	v2 =	vld [tilespmem:s19+$0xFFFFFFF0];
	[tilespmem:s16+$0x1020 ss:$0x81] =	vst.msk $0xffff, v0;
	(pc) =	sbr.rel @p1 .LBB1_3-.Ltmp3, $4  }
0x34: {  	v0 =	vld [tilespmem:s19+$0x0];
	[tilespmem:s16+$0x0 ss:$0x81] =	vst.msk $0xffff, v1  }
0x35: {  	s16 =	sshra.s32 s20, $0x2;
	v1 =	vld [tilespmem:s19+$0xFFFFFFE0]  }
0x36: {  	s16 =	sadd.s32 s16, s17  }
0x37: {  	s19 =	sadd.s32 $0x40, s19;
	[tilespmem:s16+$0x1830 ss:$0x81] =	vst.msk $0xffff, v3  }
.Ltmp4:
0x38: {  	_ = 	snop;
	(pc) =	sbr.rel .LBB1_4-.Ltmp4, $1  }
0x39: {  	_ =	sdelay $0x3  }
.LBB1_6:
0x3a: {  	_ =	sfence.sel $0x180000  }
0x3b: {  	s2 =	simm.s32 $0x1;
	[bflag:$0x0] =	sbarrier.arrive $0xFFFF  }
0x3c: {  	s31 =	simm.s32 $0x2;
	[sflag:s2] =	ssyncpa.u1 $0x1  }
0x3d: {  	[sflag:s31] =	ssyncpa.u1 $0x1  }
0x3e: {  	p0 =	sne.s32 s0, $0x0;
	_ =	strace $0x9000004A  }
0x3f: {  	s0 =	sadd.s32 @!p0 $0x100000, s1;
	[bflag:$0x2] =	sbarrier.arrive $0xFFFF  }
0x40: {  	[sflag:s0] =	ssyncadd.tile.s32 @!p0 $0x1;
	_ =	shalt  }
.Lfunc_end1:
_tile_overlayer_lowered:
.L_overlay_start_2:
0x41: {  	(tag) =	ssettag $0x2  }
0x42: {  	s0 =	rddreg [dreg:$0x0];
	s2 =	stileid.u32  }
0x43: {  	s1 =	rddreg [dreg:$0x1];
	p0 =	sne.s32 s2, $0x0  }
0x44: {  	s3 =	rddreg [dreg:$0x2];
	[bflag:$0x3] =	sbarrier.arrive $0xFFFF;
	s2 =	simm.s32 @!p0 $0x1C01  }
0x45: {  	[timem:s3], [sflag:s2] =	dma.local @!p0 [hbm:s0], s1  }
0x46: {  	s0 =	simm.s32 @!p0 $0x1  }
0x47: {  	_ =	swait.ge @!p0 [sflag:s0], s1  }
0x48: {  	s1 =	ssub.s32 @!p0 $0x0, s1;
	[sflag:s0] =	ssyncset.done @!p0 $0x0  }
0x49: {  	[sflag:s0] =	ssyncadd.s32 @!p0 s1  }
0x4a: {  	[bflag:$0x3] =	sbarrier.arrive $0xFFFF  }
0x4b: {  	_ =	shalt  }

</sc_bundles>
